<compile_context>
chip_gen: v7x
topology: tpu7x:2x2x1
jax: 0.10.2.dev20260603
libtpu: 0.0.44.dev20260713+nightly
codegen_flags: <defaults>
</compile_context>

<pallas_src>
import functools

import jax
import jax.numpy as jnp
from jax import lax
from jax.experimental import pallas as pl
from jax.experimental.pallas import tpu as pltpu
from jax.experimental.pallas import tpu_sc as plsc

_NUM_CORES = 2
_NUM_SUBCORES = 16
_LANES = 16


_HB = 16384
_HB_LOG = _HB.bit_length() - 1


def _tc_pack(emb, v_pad):
    V, D = emb.shape
    embT = emb.T

    def body(x_ref, o_ref):
        z = jnp.concatenate([x_ref[:, 0:_HB], x_ref[:, _HB : 2 * _HB]], axis=0)
        o_ref[...] = jnp.transpose(z)

    return pl.pallas_call(
        body,
        out_shape=jax.ShapeDtypeStruct((v_pad // 2, 2 * D), jnp.float32),
        grid=(pl.cdiv(V, 2 * _HB),),
        in_specs=[pl.BlockSpec((D, 2 * _HB), lambda i: (0, i))],
        out_specs=pl.BlockSpec((_HB, 2 * D), lambda i: (i, 0)),
        compiler_params=pltpu.CompilerParams(dimension_semantics=("parallel",)),
    )(embT)


def _sc_gather_minmax(input_bags, emb_rm):
    B, L = input_bags.shape
    V, D = emb_rm.shape
    NW = _NUM_CORES * _NUM_SUBCORES
    assert B % NW == 0
    b_per_w = B // NW
    assert b_per_w % 2 == 0
    nchunk = D // _LANES
    if L > 128:
        l0, l1 = 128, L - 128
    else:
        l0, l1 = L, 0

    mesh = plsc.VectorSubcoreMesh(core_axis_name="c", subcore_axis_name="s")

    @functools.partial(
        pl.kernel,
        out_type=jax.ShapeDtypeStruct((B, 2 * D), jnp.float32),
        mesh=mesh,
        compiler_params=pltpu.CompilerParams(use_tc_tiling_on_sc=False),
        scratch_types=[
            pltpu.VMEM((b_per_w, ((L + _LANES - 1) // _LANES) * _LANES), jnp.int32),
            pltpu.VMEM((L, D), jnp.float32),
            pltpu.VMEM((L, D), jnp.float32),
            pltpu.VMEM((L, D), jnp.float32),
            pltpu.VMEM((L, D), jnp.float32),
            pltpu.VMEM((L, D), jnp.float32),
            pltpu.VMEM((L, D), jnp.float32),
            pltpu.VMEM((b_per_w, 2 * D), jnp.float32),
            pltpu.SemaphoreType.DMA,
            pltpu.SemaphoreType.DMA,
            pltpu.SemaphoreType.DMA,
            pltpu.SemaphoreType.DMA,
            pltpu.SemaphoreType.DMA,
            pltpu.SemaphoreType.DMA,
        ],
    )
    def k(
        bags_hbm, emb_hbm, out_hbm, idx_v,
        r0, r1, r2, r3, r4, r5, hid_v, s0, s1, s2, s3, s4, s5,
    ):
        wid = lax.axis_index("s") * _NUM_CORES + lax.axis_index("c")
        base = wid * b_per_w
        lp = idx_v.shape[1]
        pltpu.sync_copy(bags_hbm.at[pl.ds(base, b_per_w)], idx_v.at[:, pl.ds(0, L)])

        hi_mask = jnp.int32(~(2 * _HB - 1))
        lo_mask = jnp.int32(_HB - 1)

        @pl.loop(0, b_per_w)
        def _(r):
            @pl.loop(0, lp, step=_LANES)
            def _(c0):
                v = idx_v[r, pl.ds(c0, _LANES)]
                l = (
                    (v & hi_mask)
                    | ((v & lo_mask) << 1)
                    | ((v >> jnp.int32(_HB_LOG)) & jnp.int32(1))
                )
                idx_v[r, pl.ds(c0, _LANES)] = l

        def start_gather(i, rows, sem):
            pltpu.make_async_copy(
                emb_hbm.at[idx_v.at[i, pl.ds(0, l0)]], rows.at[pl.ds(0, l0)], sem
            ).start()
            if l1:
                pltpu.make_async_copy(
                    emb_hbm.at[idx_v.at[i, pl.ds(l0, l1)]],
                    rows.at[pl.ds(l0, l1)],
                    sem,
                ).start()

        def wait_gather(rows, sem):
            pltpu.make_async_copy(
                emb_hbm.at[idx_v.at[0, pl.ds(0, l0)]], rows.at[pl.ds(0, l0)], sem
            ).wait()
            if l1:
                pltpu.make_async_copy(
                    emb_hbm.at[idx_v.at[0, pl.ds(l0, l1)]],
                    rows.at[pl.ds(l0, l1)],
                    sem,
                ).wait()

        def reduce_bag(rows, i):
            def body(j, carry):
                out_mn = []
                out_mx = []
                for c in range(nchunk):
                    r = rows[j, pl.ds(c * _LANES, _LANES)]
                    out_mn.append(jnp.minimum(carry[c], r))
                    out_mx.append(jnp.maximum(carry[nchunk + c], r))
                return tuple(out_mn) + tuple(out_mx)

            init = tuple(rows[0, pl.ds(c * _LANES, _LANES)] for c in range(nchunk))
            carry = lax.fori_loop(1, L, body, init + init, unroll=8)
            for c in range(nchunk):
                hid_v[i, pl.ds(c * _LANES, _LANES)] = carry[c]
                hid_v[i, pl.ds(D + c * _LANES, _LANES)] = carry[nchunk + c]

        bufs = (r0, r1, r2, r3, r4, r5)
        sems = (s0, s1, s2, s3, s4, s5)
        nbuf = 6
        depth = nbuf - 1
        main = (b_per_w // nbuf) * nbuf
        for kk in range(depth):
            start_gather(kk, bufs[kk], sems[kk])

        @pl.loop(0, main, step=nbuf)
        def _(i):
            for kk in range(nbuf):
                wait_gather(bufs[kk], sems[kk])
                nxt = i + kk + depth

                @pl.when(nxt < b_per_w)
                def _(kk=kk, nxt=nxt):
                    start_gather(nxt, bufs[(kk + depth) % nbuf], sems[(kk + depth) % nbuf])

                reduce_bag(bufs[kk], i + kk)

        for bag in range(main, b_per_w):
            wait_gather(bufs[bag % nbuf], sems[bag % nbuf])
            reduce_bag(bufs[bag % nbuf], bag)

        pltpu.sync_copy(hid_v, out_hbm.at[pl.ds(base, b_per_w)])

    return k(input_bags, emb_rm)


def _tc_head(hidden, W, b):
    B, H = hidden.shape
    C = W.shape[0]

    def body(h_ref, w_ref, b_ref, o_ref):
        h = h_ref[...]
        w = w_ref[...]
        logits = lax.dot_general(
            h, w, (((1,), (1,)), ((), ())), preferred_element_type=jnp.float32
        )
        logits = logits + b_ref[...]
        m = jnp.max(logits, axis=1, keepdims=True)
        x = logits - m
        lse = jnp.log(jnp.sum(jnp.exp(x), axis=1, keepdims=True))
        o_ref[...] = x - lse

    return pl.pallas_call(
        body,
        out_shape=jax.ShapeDtypeStruct((B, C), jnp.float32),
    )(hidden, W, b.reshape(1, C))


def kernel(input_bags, emb, W, b):
    V, D = emb.shape
    v_pad = 1 << 20
    packed = _tc_pack(emb, v_pad)
    emb_rm = jnp.reshape(packed, (v_pad, D))
    hidden = _sc_gather_minmax(input_bags.astype(jnp.int32), emb_rm)
    return _tc_head(hidden, W, b)

# --- scband reference (transcript-rebuilt; emitter-appended) ---
"""Pipeline reference for scband-supervised-fast-text-34411277976326 (READ-ONLY COPY).

The authoritative reference and input builder live on the scoring server;
editing this copy changes nothing except your own understanding.
"""

import jax, jax.numpy as jnp
import numpy as np

V = 1000000
D = 64
C = 100
B = 4096
L = 200


def setup_inputs(seed: int = 0) -> dict:
    key = jax.random.key(seed)
    k1, k2, k3 = jax.random.split(key, 3)
    input_bags = jax.random.randint(k1, (B, L), 0, V)
    # nn.Embedding weight init: uniform(-1/embedding_dim, 1/embedding_dim)
    emb = jax.random.uniform(k2, (V, D), minval=-1.0 / D, maxval=1.0 / D, dtype=jnp.float32)
    # hidden2out: Linear(2*D -> C); module zero-inits weight, but we use small random
    # values plus bias so gradients are well-defined and math paths exercised.
    W = jax.random.normal(k3, (C, 2 * D), dtype=jnp.float32) * 0.02
    b = jnp.zeros((C,), dtype=jnp.float32)
    return {"input_bags": input_bags, "emb": emb, "W": W, "b": b}


def reference(input_bags, emb, W, b):
    # embedding lookup: (B, L, D)
    e = jnp.take(emb, input_bags, axis=0)
    # min-pool and max-pool over the bag dimension, then concat: (B, 2*D)
    hidden = jnp.concatenate([jnp.min(e, axis=1), jnp.max(e, axis=1)], axis=1)
    # linear layer
    logits = hidden @ W.T + b
    # log softmax over classes
    return jax.nn.log_softmax(logits, axis=1)

if __name__ == "__main__":
    import jax
    _d = setup_inputs()
    print(jax.jit(kernel)(*tuple(_d.values())))

</pallas_src>

<mosaic_0001>
#map = affine_map<(d0, d1) -> (0, 0)>
module attributes {stable_mosaic.version = 14 : i64} {
  func.func @k(%arg0: i32, %arg1: i32, %arg2: memref<4096x200xi32, #tpu.memory_space<hbm>>, %arg3: memref<1048576x64xf32, #tpu.memory_space<hbm>>, %arg4: memref<4096x128xf32, #tpu.memory_space<hbm>>, %arg5: memref<128x208xi32, #tpu.memory_space<vmem>>, %arg6: memref<200x64xf32, #tpu.memory_space<vmem>>, %arg7: memref<200x64xf32, #tpu.memory_space<vmem>>, %arg8: memref<200x64xf32, #tpu.memory_space<vmem>>, %arg9: memref<200x64xf32, #tpu.memory_space<vmem>>, %arg10: memref<200x64xf32, #tpu.memory_space<vmem>>, %arg11: memref<200x64xf32, #tpu.memory_space<vmem>>, %arg12: memref<128x128xf32, #tpu.memory_space<vmem>>, %arg13: memref<!tpu.dma_semaphore, #tpu.memory_space<semaphore_mem>>, %arg14: memref<!tpu.dma_semaphore, #tpu.memory_space<semaphore_mem>>, %arg15: memref<!tpu.dma_semaphore, #tpu.memory_space<semaphore_mem>>, %arg16: memref<!tpu.dma_semaphore, #tpu.memory_space<semaphore_mem>>, %arg17: memref<!tpu.dma_semaphore, #tpu.memory_space<semaphore_mem>>, %arg18: memref<!tpu.dma_semaphore, #tpu.memory_space<semaphore_mem>>) attributes {dimension_semantics = [#tpu.dimension_semantics<core_parallel>, #tpu.dimension_semantics<subcore_parallel>], iteration_bounds = array<i64: 2, 16>, scalar_prefetch = 0 : i64, scratch_operands = 14 : i64, tpu.core_type = #tpu.core_type<sc_vector_subcore>, window_params = [{transform_indices = #map}, {transform_indices = #map}, {transform_indices = #map}]} {
    %mul3A = arith.constant 2 : i32
    %mul3A_0 = arith.muli %arg1, %mul3A : i32
    %add3A = arith.addi %mul3A_0, %arg0 : i32
    %mul3A_1 = arith.constant 128 : i32
    %mul3A_2 = arith.muli %add3A, %mul3A_1 : i32
    "tpu.region"() ({
      %run_scoped3A = tpu.sem_alloc : memref<!tpu.dma_semaphore, #tpu.memory_space<semaphore_mem>>
      %dma_start3A_660 = arith.constant 0 : i32
      %dma_start3A_661 = arith.constant 0 : i32
      %dma_start3A_662 = tpu.memref_slice %arg5[%dma_start3A_660, %dma_start3A_661] : memref<128x208xi32, #tpu.memory_space<vmem>> -> memref<128x200xi32, #tpu.memory_space<vmem>>
      %dma_start3A_663 = arith.constant 0 : i32
      %dma_start3A_664 = tpu.memref_slice %arg2[%mul3A_2, %dma_start3A_663] : memref<4096x200xi32, #tpu.memory_space<hbm>> -> memref<128x200xi32, #tpu.memory_space<hbm>>
      %dma_start3A_665 = arith.constant 0 : i32
      %dma_start3A_666 = arith.constant 0 : i32
      %dma_start3A_667 = tpu.memref_slice %arg5[%dma_start3A_665, %dma_start3A_666] : memref<128x208xi32, #tpu.memory_space<vmem>> -> memref<128x200xi32, #tpu.memory_space<vmem>>
      %dma_start3A_668 = arith.constant 0 : i32
      %dma_start3A_669 = tpu.memref_slice %arg2[%mul3A_2, %dma_start3A_668] : memref<4096x200xi32, #tpu.memory_space<hbm>> -> memref<128x200xi32, #tpu.memory_space<hbm>>
      tpu.enqueue_dma source(%dma_start3A_669 : memref<128x200xi32, #tpu.memory_space<hbm>>) target(%dma_start3A_667 : memref<128x200xi32, #tpu.memory_space<vmem>>) target_semaphore(%run_scoped3A : memref<!tpu.dma_semaphore, #tpu.memory_space<semaphore_mem>>)
      %dma_wait3A_670 = arith.constant 0 : i32
      %dma_wait3A_671 = arith.constant 0 : i32
      %dma_wait3A_672 = tpu.memref_slice %arg5[%dma_wait3A_670, %dma_wait3A_671] : memref<128x208xi32, #tpu.memory_space<vmem>> -> memref<128x200xi32, #tpu.memory_space<vmem>>
      %dma_wait3A_673 = arith.constant 0 : i32
      %dma_wait3A_674 = tpu.memref_slice %arg2[%mul3A_2, %dma_wait3A_673] : memref<4096x200xi32, #tpu.memory_space<hbm>> -> memref<128x200xi32, #tpu.memory_space<hbm>>
      %dma_wait3A_675 = arith.constant 0 : i32
      %dma_wait3A_676 = arith.constant 0 : i32
      %dma_wait3A_677 = tpu.memref_slice %arg5[%dma_wait3A_675, %dma_wait3A_676] : memref<128x208xi32, #tpu.memory_space<vmem>> -> memref<128x200xi32, #tpu.memory_space<vmem>>
      %dma_wait3A_678 = arith.constant 0 : i32
      %dma_wait3A_679 = tpu.memref_slice %arg2[%mul3A_2, %dma_wait3A_678] : memref<4096x200xi32, #tpu.memory_space<hbm>> -> memref<128x200xi32, #tpu.memory_space<hbm>>
      tpu.wait_dma2 semaphore(%run_scoped3A : memref<!tpu.dma_semaphore, #tpu.memory_space<semaphore_mem>>) src(%dma_wait3A_679 : memref<128x200xi32, #tpu.memory_space<hbm>>) dst(%dma_wait3A_677 : memref<128x200xi32, #tpu.memory_space<vmem>>)
      tpu.yield
    }) : () -> ()
    %scan3A = arith.constant -32768 : i32
    %scan3A_3 = arith.constant 16383 : i32
    %scan3A_4 = arith.constant 0 : i32
    %scan3A_5 = arith.constant 128 : i32
    %scan3A_6 = arith.addi %scan3A_4, %scan3A_5 : i32
    %scan3A_7 = arith.constant 1 : i32
    scf.for %scan3A_660 = %scan3A_4 to %scan3A_6 step %scan3A_7  : i32 {
      %mul3A_661 = arith.constant 1 : i32
      %mul3A_662 = arith.muli %scan3A_660, %mul3A_661 : i32
      %add3A_663 = arith.constant 0 : i32
      %add3A_664 = arith.addi %add3A_663, %mul3A_662 : i32
      %scan3A_665 = arith.constant 0 : i32
      %scan3A_666 = arith.constant 13 : i32
      %scan3A_667 = arith.addi %scan3A_665, %scan3A_666 : i32
      %scan3A_668 = arith.constant 1 : i32
      scf.for %scan3A_670 = %scan3A_665 to %scan3A_667 step %scan3A_668  : i32 {
        %mul3A_671 = arith.constant 16 : i32
        %mul3A_672 = arith.muli %scan3A_670, %mul3A_671 : i32
        %add3A_673 = arith.constant 0 : i32
        %add3A_674 = arith.addi %add3A_673, %mul3A_672 : i32
        %get3A_675 = arith.index_cast %add3A_664 : i32 to index
        %get3A_676 = arith.index_cast %add3A_674 : i32 to index
        %get3A_677 = tpu.vector_load %arg5[%get3A_675, %get3A_676] {strides = array<i32>} : memref<128x208xi32, #tpu.memory_space<vmem>>, vector<1x16xi32>,
        %get3A_678 = vector.shape_cast %get3A_677 : vector<1x16xi32> to vector<16xi32>
        %and3A = vector.broadcast %scan3A : i32 to vector<16xi32>
        %and3A_679 = arith.andi %get3A_678, %and3A : vector<16xi32>
        %and3A_680 = vector.broadcast %scan3A_3 : i32 to vector<16xi32>
        %and3A_681 = arith.andi %get3A_678, %and3A_680 : vector<16xi32>
        %shift_left3A = arith.constant 1 : i32
        %shift_left3A_682 = vector.broadcast %shift_left3A : i32 to vector<16xi32>
        %shift_left3A_683 = arith.shli %and3A_681, %shift_left3A_682 : vector<16xi32>
        %or3A = arith.ori %and3A_679, %shift_left3A_683 : vector<16xi32>
        %shift_right_arithmetic3A = arith.constant 14 : i32
        %shift_right_arithmetic3A_684 = vector.broadcast %shift_right_arithmetic3A : i32 to vector<16xi32>
        %shift_right_arithmetic3A_685 = arith.shrsi %get3A_678, %shift_right_arithmetic3A_684 : vector<16xi32>
        %and3A_686 = arith.constant 1 : i32
        %and3A_687 = vector.broadcast %and3A_686 : i32 to vector<16xi32>
        %and3A_688 = arith.andi %shift_right_arithmetic3A_685, %and3A_687 : vector<16xi32>
        %or3A_689 = arith.ori %or3A, %and3A_688 : vector<16xi32>
        %swap3A_690 = arith.index_cast %add3A_664 : i32 to index
        %swap3A_691 = arith.index_cast %add3A_674 : i32 to index
        %swap3A_692 = tpu.vector_load %arg5[%swap3A_690, %swap3A_691] {strides = array<i32>} : memref<128x208xi32, #tpu.memory_space<vmem>>, vector<1x16xi32>,
        %swap3A_693 = vector.shape_cast %swap3A_692 : vector<1x16xi32> to vector<16xi32>
        %swap3A_694 = vector.shape_cast %or3A_689 : vector<16xi32> to vector<1x16xi32>
        tpu.vector_store %arg5[%swap3A_690, %swap3A_691], %swap3A_694 {strides = array<i32>} : memref<128x208xi32, #tpu.memory_space<vmem>>, vector<1x16xi32>,
      }
      %scan3A_669 = arith.constant 13 : i32
    }
    %scan3A_8 = arith.constant 128 : i32
    %dma_start3A = arith.constant 0 : i32
    %dma_start3A_9 = arith.constant 0 : i32
    %dma_start3A_10 = arith.constant 0 : i32
    %dma_start3A_11 = tpu.memref_slice %arg6[%dma_start3A_9, %dma_start3A_10] : memref<200x64xf32, #tpu.memory_space<vmem>> -> memref<128x64xf32, #tpu.memory_space<vmem>>
    %dma_start3A_12 = arith.constant 0 : i32
    %dma_start3A_13 = tpu.memref_slice %arg5[%dma_start3A, %dma_start3A_12] : memref<128x208xi32, #tpu.memory_space<vmem>> -> memref<1x128xi32, #tpu.memory_space<vmem>>
    %dma_start3A_14 = tpu.memref_squeeze %dma_start3A_13 : memref<1x128xi32, #tpu.memory_space<vmem>> -> memref<128xi32, #tpu.memory_space<vmem>>
    %dma_start3A_15 = arith.constant 0 : i32
    %dma_start3A_16 = arith.constant 0 : i32
    %dma_start3A_17 = tpu.memref_slice %arg3[%dma_start3A_15, %dma_start3A_16] : memref<1048576x64xf32, #tpu.memory_space<hbm>> -> memref<1048576x64xf32, #tpu.memory_space<hbm>>
    tpu.enqueue_indirect_dma source(%dma_start3A_17 : memref<1048576x64xf32, #tpu.memory_space<hbm>>) target(%dma_start3A_11 : memref<128x64xf32, #tpu.memory_space<vmem>>) offsets(%dma_start3A_14 : memref<128xi32, #tpu.memory_space<vmem>>) semaphore(%arg13 : memref<!tpu.dma_semaphore, #tpu.memory_space<semaphore_mem>>)
    %dma_start3A_18 = arith.constant 0 : i32
    %dma_start3A_19 = arith.constant 128 : i32
    %dma_start3A_20 = arith.constant 0 : i32
    %dma_start3A_21 = tpu.memref_slice %arg6[%dma_start3A_19, %dma_start3A_20] : memref<200x64xf32, #tpu.memory_space<vmem>> -> memref<72x64xf32, #tpu.memory_space<vmem>>
    %dma_start3A_22 = arith.constant 128 : i32
    %dma_start3A_23 = tpu.memref_slice %arg5[%dma_start3A_18, %dma_start3A_22] : memref<128x208xi32, #tpu.memory_space<vmem>> -> memref<1x72xi32, #tpu.memory_space<vmem>>
    %dma_start3A_24 = tpu.memref_squeeze %dma_start3A_23 : memref<1x72xi32, #tpu.memory_space<vmem>> -> memref<72xi32, #tpu.memory_space<vmem>>
    %dma_start3A_25 = arith.constant 0 : i32
    %dma_start3A_26 = arith.constant 0 : i32
    %dma_start3A_27 = tpu.memref_slice %arg3[%dma_start3A_25, %dma_start3A_26] : memref<1048576x64xf32, #tpu.memory_space<hbm>> -> memref<1048576x64xf32, #tpu.memory_space<hbm>>
    tpu.enqueue_indirect_dma source(%dma_start3A_27 : memref<1048576x64xf32, #tpu.memory_space<hbm>>) target(%dma_start3A_21 : memref<72x64xf32, #tpu.memory_space<vmem>>) offsets(%dma_start3A_24 : memref<72xi32, #tpu.memory_space<vmem>>) semaphore(%arg13 : memref<!tpu.dma_semaphore, #tpu.memory_space<semaphore_mem>>)
    %dma_start3A_28 = arith.constant 1 : i32
    %dma_start3A_29 = arith.constant 0 : i32
    %dma_start3A_30 = arith.constant 0 : i32
    %dma_start3A_31 = tpu.memref_slice %arg7[%dma_start3A_29, %dma_start3A_30] : memref<200x64xf32, #tpu.memory_space<vmem>> -> memref<128x64xf32, #tpu.memory_space<vmem>>
    %dma_start3A_32 = arith.constant 0 : i32
    %dma_start3A_33 = tpu.memref_slice %arg5[%dma_start3A_28, %dma_start3A_32] : memref<128x208xi32, #tpu.memory_space<vmem>> -> memref<1x128xi32, #tpu.memory_space<vmem>>
    %dma_start3A_34 = tpu.memref_squeeze %dma_start3A_33 : memref<1x128xi32, #tpu.memory_space<vmem>> -> memref<128xi32, #tpu.memory_space<vmem>>
    %dma_start3A_35 = arith.constant 0 : i32
    %dma_start3A_36 = arith.constant 0 : i32
    %dma_start3A_37 = tpu.memref_slice %arg3[%dma_start3A_35, %dma_start3A_36] : memref<1048576x64xf32, #tpu.memory_space<hbm>> -> memref<1048576x64xf32, #tpu.memory_space<hbm>>
    tpu.enqueue_indirect_dma source(%dma_start3A_37 : memref<1048576x64xf32, #tpu.memory_space<hbm>>) target(%dma_start3A_31 : memref<128x64xf32, #tpu.memory_space<vmem>>) offsets(%dma_start3A_34 : memref<128xi32, #tpu.memory_space<vmem>>) semaphore(%arg14 : memref<!tpu.dma_semaphore, #tpu.memory_space<semaphore_mem>>)
    %dma_start3A_38 = arith.constant 1 : i32
    %dma_start3A_39 = arith.constant 128 : i32
    %dma_start3A_40 = arith.constant 0 : i32
    %dma_start3A_41 = tpu.memref_slice %arg7[%dma_start3A_39, %dma_start3A_40] : memref<200x64xf32, #tpu.memory_space<vmem>> -> memref<72x64xf32, #tpu.memory_space<vmem>>
    %dma_start3A_42 = arith.constant 128 : i32
    %dma_start3A_43 = tpu.memref_slice %arg5[%dma_start3A_38, %dma_start3A_42] : memref<128x208xi32, #tpu.memory_space<vmem>> -> memref<1x72xi32, #tpu.memory_space<vmem>>
    %dma_start3A_44 = tpu.memref_squeeze %dma_start3A_43 : memref<1x72xi32, #tpu.memory_space<vmem>> -> memref<72xi32, #tpu.memory_space<vmem>>
    %dma_start3A_45 = arith.constant 0 : i32
    %dma_start3A_46 = arith.constant 0 : i32
    %dma_start3A_47 = tpu.memref_slice %arg3[%dma_start3A_45, %dma_start3A_46] : memref<1048576x64xf32, #tpu.memory_space<hbm>> -> memref<1048576x64xf32, #tpu.memory_space<hbm>>
    tpu.enqueue_indirect_dma source(%dma_start3A_47 : memref<1048576x64xf32, #tpu.memory_space<hbm>>) target(%dma_start3A_41 : memref<72x64xf32, #tpu.memory_space<vmem>>) offsets(%dma_start3A_44 : memref<72xi32, #tpu.memory_space<vmem>>) semaphore(%arg14 : memref<!tpu.dma_semaphore, #tpu.memory_space<semaphore_mem>>)
    %dma_start3A_48 = arith.constant 2 : i32
    %dma_start3A_49 = arith.constant 0 : i32
    %dma_start3A_50 = arith.constant 0 : i32
    %dma_start3A_51 = tpu.memref_slice %arg8[%dma_start3A_49, %dma_start3A_50] : memref<200x64xf32, #tpu.memory_space<vmem>> -> memref<128x64xf32, #tpu.memory_space<vmem>>
    %dma_start3A_52 = arith.constant 0 : i32
    %dma_start3A_53 = tpu.memref_slice %arg5[%dma_start3A_48, %dma_start3A_52] : memref<128x208xi32, #tpu.memory_space<vmem>> -> memref<1x128xi32, #tpu.memory_space<vmem>>
    %dma_start3A_54 = tpu.memref_squeeze %dma_start3A_53 : memref<1x128xi32, #tpu.memory_space<vmem>> -> memref<128xi32, #tpu.memory_space<vmem>>
    %dma_start3A_55 = arith.constant 0 : i32
    %dma_start3A_56 = arith.constant 0 : i32
    %dma_start3A_57 = tpu.memref_slice %arg3[%dma_start3A_55, %dma_start3A_56] : memref<1048576x64xf32, #tpu.memory_space<hbm>> -> memref<1048576x64xf32, #tpu.memory_space<hbm>>
    tpu.enqueue_indirect_dma source(%dma_start3A_57 : memref<1048576x64xf32, #tpu.memory_space<hbm>>) target(%dma_start3A_51 : memref<128x64xf32, #tpu.memory_space<vmem>>) offsets(%dma_start3A_54 : memref<128xi32, #tpu.memory_space<vmem>>) semaphore(%arg15 : memref<!tpu.dma_semaphore, #tpu.memory_space<semaphore_mem>>)
    %dma_start3A_58 = arith.constant 2 : i32
    %dma_start3A_59 = arith.constant 128 : i32
    %dma_start3A_60 = arith.constant 0 : i32
    %dma_start3A_61 = tpu.memref_slice %arg8[%dma_start3A_59, %dma_start3A_60] : memref<200x64xf32, #tpu.memory_space<vmem>> -> memref<72x64xf32, #tpu.memory_space<vmem>>
    %dma_start3A_62 = arith.constant 128 : i32
    %dma_start3A_63 = tpu.memref_slice %arg5[%dma_start3A_58, %dma_start3A_62] : memref<128x208xi32, #tpu.memory_space<vmem>> -> memref<1x72xi32, #tpu.memory_space<vmem>>
    %dma_start3A_64 = tpu.memref_squeeze %dma_start3A_63 : memref<1x72xi32, #tpu.memory_space<vmem>> -> memref<72xi32, #tpu.memory_space<vmem>>
    %dma_start3A_65 = arith.constant 0 : i32
    %dma_start3A_66 = arith.constant 0 : i32
    %dma_start3A_67 = tpu.memref_slice %arg3[%dma_start3A_65, %dma_start3A_66] : memref<1048576x64xf32, #tpu.memory_space<hbm>> -> memref<1048576x64xf32, #tpu.memory_space<hbm>>
    tpu.enqueue_indirect_dma source(%dma_start3A_67 : memref<1048576x64xf32, #tpu.memory_space<hbm>>) target(%dma_start3A_61 : memref<72x64xf32, #tpu.memory_space<vmem>>) offsets(%dma_start3A_64 : memref<72xi32, #tpu.memory_space<vmem>>) semaphore(%arg15 : memref<!tpu.dma_semaphore, #tpu.memory_space<semaphore_mem>>)
    %dma_start3A_68 = arith.constant 3 : i32
    %dma_start3A_69 = arith.constant 0 : i32
    %dma_start3A_70 = arith.constant 0 : i32
    %dma_start3A_71 = tpu.memref_slice %arg9[%dma_start3A_69, %dma_start3A_70] : memref<200x64xf32, #tpu.memory_space<vmem>> -> memref<128x64xf32, #tpu.memory_space<vmem>>
    %dma_start3A_72 = arith.constant 0 : i32
    %dma_start3A_73 = tpu.memref_slice %arg5[%dma_start3A_68, %dma_start3A_72] : memref<128x208xi32, #tpu.memory_space<vmem>> -> memref<1x128xi32, #tpu.memory_space<vmem>>
    %dma_start3A_74 = tpu.memref_squeeze %dma_start3A_73 : memref<1x128xi32, #tpu.memory_space<vmem>> -> memref<128xi32, #tpu.memory_space<vmem>>
    %dma_start3A_75 = arith.constant 0 : i32
    %dma_start3A_76 = arith.constant 0 : i32
    %dma_start3A_77 = tpu.memref_slice %arg3[%dma_start3A_75, %dma_start3A_76] : memref<1048576x64xf32, #tpu.memory_space<hbm>> -> memref<1048576x64xf32, #tpu.memory_space<hbm>>
    tpu.enqueue_indirect_dma source(%dma_start3A_77 : memref<1048576x64xf32, #tpu.memory_space<hbm>>) target(%dma_start3A_71 : memref<128x64xf32, #tpu.memory_space<vmem>>) offsets(%dma_start3A_74 : memref<128xi32, #tpu.memory_space<vmem>>) semaphore(%arg16 : memref<!tpu.dma_semaphore, #tpu.memory_space<semaphore_mem>>)
    %dma_start3A_78 = arith.constant 3 : i32
    %dma_start3A_79 = arith.constant 128 : i32
    %dma_start3A_80 = arith.constant 0 : i32
    %dma_start3A_81 = tpu.memref_slice %arg9[%dma_start3A_79, %dma_start3A_80] : memref<200x64xf32, #tpu.memory_space<vmem>> -> memref<72x64xf32, #tpu.memory_space<vmem>>
    %dma_start3A_82 = arith.constant 128 : i32
    %dma_start3A_83 = tpu.memref_slice %arg5[%dma_start3A_78, %dma_start3A_82] : memref<128x208xi32, #tpu.memory_space<vmem>> -> memref<1x72xi32, #tpu.memory_space<vmem>>
    %dma_start3A_84 = tpu.memref_squeeze %dma_start3A_83 : memref<1x72xi32, #tpu.memory_space<vmem>> -> memref<72xi32, #tpu.memory_space<vmem>>
    %dma_start3A_85 = arith.constant 0 : i32
    %dma_start3A_86 = arith.constant 0 : i32
    %dma_start3A_87 = tpu.memref_slice %arg3[%dma_start3A_85, %dma_start3A_86] : memref<1048576x64xf32, #tpu.memory_space<hbm>> -> memref<1048576x64xf32, #tpu.memory_space<hbm>>
    tpu.enqueue_indirect_dma source(%dma_start3A_87 : memref<1048576x64xf32, #tpu.memory_space<hbm>>) target(%dma_start3A_81 : memref<72x64xf32, #tpu.memory_space<vmem>>) offsets(%dma_start3A_84 : memref<72xi32, #tpu.memory_space<vmem>>) semaphore(%arg16 : memref<!tpu.dma_semaphore, #tpu.memory_space<semaphore_mem>>)
    %dma_start3A_88 = arith.constant 4 : i32
    %dma_start3A_89 = arith.constant 0 : i32
    %dma_start3A_90 = arith.constant 0 : i32
    %dma_start3A_91 = tpu.memref_slice %arg10[%dma_start3A_89, %dma_start3A_90] : memref<200x64xf32, #tpu.memory_space<vmem>> -> memref<128x64xf32, #tpu.memory_space<vmem>>
    %dma_start3A_92 = arith.constant 0 : i32
    %dma_start3A_93 = tpu.memref_slice %arg5[%dma_start3A_88, %dma_start3A_92] : memref<128x208xi32, #tpu.memory_space<vmem>> -> memref<1x128xi32, #tpu.memory_space<vmem>>
    %dma_start3A_94 = tpu.memref_squeeze %dma_start3A_93 : memref<1x128xi32, #tpu.memory_space<vmem>> -> memref<128xi32, #tpu.memory_space<vmem>>
    %dma_start3A_95 = arith.constant 0 : i32
    %dma_start3A_96 = arith.constant 0 : i32
    %dma_start3A_97 = tpu.memref_slice %arg3[%dma_start3A_95, %dma_start3A_96] : memref<1048576x64xf32, #tpu.memory_space<hbm>> -> memref<1048576x64xf32, #tpu.memory_space<hbm>>
    tpu.enqueue_indirect_dma source(%dma_start3A_97 : memref<1048576x64xf32, #tpu.memory_space<hbm>>) target(%dma_start3A_91 : memref<128x64xf32, #tpu.memory_space<vmem>>) offsets(%dma_start3A_94 : memref<128xi32, #tpu.memory_space<vmem>>) semaphore(%arg17 : memref<!tpu.dma_semaphore, #tpu.memory_space<semaphore_mem>>)
    %dma_start3A_98 = arith.constant 4 : i32
    %dma_start3A_99 = arith.constant 128 : i32
    %dma_start3A_100 = arith.constant 0 : i32
    %dma_start3A_101 = tpu.memref_slice %arg10[%dma_start3A_99, %dma_start3A_100] : memref<200x64xf32, #tpu.memory_space<vmem>> -> memref<72x64xf32, #tpu.memory_space<vmem>>
    %dma_start3A_102 = arith.constant 128 : i32
    %dma_start3A_103 = tpu.memref_slice %arg5[%dma_start3A_98, %dma_start3A_102] : memref<128x208xi32, #tpu.memory_space<vmem>> -> memref<1x72xi32, #tpu.memory_space<vmem>>
    %dma_start3A_104 = tpu.memref_squeeze %dma_start3A_103 : memref<1x72xi32, #tpu.memory_space<vmem>> -> memref<72xi32, #tpu.memory_space<vmem>>
    %dma_start3A_105 = arith.constant 0 : i32
    %dma_start3A_106 = arith.constant 0 : i32
    %dma_start3A_107 = tpu.memref_slice %arg3[%dma_start3A_105, %dma_start3A_106] : memref<1048576x64xf32, #tpu.memory_space<hbm>> -> memref<1048576x64xf32, #tpu.memory_space<hbm>>
    tpu.enqueue_indirect_dma source(%dma_start3A_107 : memref<1048576x64xf32, #tpu.memory_space<hbm>>) target(%dma_start3A_101 : memref<72x64xf32, #tpu.memory_space<vmem>>) offsets(%dma_start3A_104 : memref<72xi32, #tpu.memory_space<vmem>>) semaphore(%arg17 : memref<!tpu.dma_semaphore, #tpu.memory_space<semaphore_mem>>)
    %scan3A_108 = arith.constant 0 : i32
    %scan3A_109 = arith.constant 21 : i32
    %scan3A_110 = arith.addi %scan3A_108, %scan3A_109 : i32
    %scan3A_111 = arith.constant 1 : i32
    scf.for %scan3A_660 = %scan3A_108 to %scan3A_110 step %scan3A_111  : i32 {
      %mul3A_661 = arith.constant 6 : i32
      %mul3A_662 = arith.muli %scan3A_660, %mul3A_661 : i32
      %add3A_663 = arith.constant 0 : i32
      %add3A_664 = arith.addi %add3A_663, %mul3A_662 : i32
      %dma_wait3A_665 = arith.constant 0 : i32
      %dma_wait3A_666 = arith.constant 0 : i32
      %dma_wait3A_667 = arith.constant 0 : i32
      %dma_wait3A_668 = tpu.memref_slice %arg6[%dma_wait3A_666, %dma_wait3A_667] : memref<200x64xf32, #tpu.memory_space<vmem>> -> memref<128x64xf32, #tpu.memory_space<vmem>>
      %dma_wait3A_669 = arith.constant 0 : i32
      %dma_wait3A_670 = tpu.memref_slice %arg5[%dma_wait3A_665, %dma_wait3A_669] : memref<128x208xi32, #tpu.memory_space<vmem>> -> memref<1x128xi32, #tpu.memory_space<vmem>>
      %dma_wait3A_671 = tpu.memref_squeeze %dma_wait3A_670 : memref<1x128xi32, #tpu.memory_space<vmem>> -> memref<128xi32, #tpu.memory_space<vmem>>
      %dma_wait3A_672 = arith.constant 0 : i32
      %dma_wait3A_673 = arith.constant 0 : i32
      %dma_wait3A_674 = tpu.memref_slice %arg3[%dma_wait3A_672, %dma_wait3A_673] : memref<1048576x64xf32, #tpu.memory_space<hbm>> -> memref<1048576x64xf32, #tpu.memory_space<hbm>>
      tpu.wait_indirect_dma semaphore(%arg13 : memref<!tpu.dma_semaphore, #tpu.memory_space<semaphore_mem>>) src(%dma_wait3A_674 : memref<1048576x64xf32, #tpu.memory_space<hbm>>) dst(%dma_wait3A_668 : memref<128x64xf32, #tpu.memory_space<vmem>>)
      %dma_wait3A_675 = arith.constant 0 : i32
      %dma_wait3A_676 = arith.constant 128 : i32
      %dma_wait3A_677 = arith.constant 0 : i32
      %dma_wait3A_678 = tpu.memref_slice %arg6[%dma_wait3A_676, %dma_wait3A_677] : memref<200x64xf32, #tpu.memory_space<vmem>> -> memref<72x64xf32, #tpu.memory_space<vmem>>
      %dma_wait3A_679 = arith.constant 128 : i32
      %dma_wait3A_680 = tpu.memref_slice %arg5[%dma_wait3A_675, %dma_wait3A_679] : memref<128x208xi32, #tpu.memory_space<vmem>> -> memref<1x72xi32, #tpu.memory_space<vmem>>
      %dma_wait3A_681 = tpu.memref_squeeze %dma_wait3A_680 : memref<1x72xi32, #tpu.memory_space<vmem>> -> memref<72xi32, #tpu.memory_space<vmem>>
      %dma_wait3A_682 = arith.constant 0 : i32
      %dma_wait3A_683 = arith.constant 0 : i32
      %dma_wait3A_684 = tpu.memref_slice %arg3[%dma_wait3A_682, %dma_wait3A_683] : memref<1048576x64xf32, #tpu.memory_space<hbm>> -> memref<1048576x64xf32, #tpu.memory_space<hbm>>
      tpu.wait_indirect_dma semaphore(%arg13 : memref<!tpu.dma_semaphore, #tpu.memory_space<semaphore_mem>>) src(%dma_wait3A_684 : memref<1048576x64xf32, #tpu.memory_space<hbm>>) dst(%dma_wait3A_678 : memref<72x64xf32, #tpu.memory_space<vmem>>)
      %add3A_685 = arith.constant 0 : i32
      %add3A_686 = arith.addi %add3A_664, %add3A_685 : i32
      %add3A_687 = arith.constant 5 : i32
      %add3A_688 = arith.addi %add3A_686, %add3A_687 : i32
      %lt3A = arith.constant 128 : i32
      %lt3A_689 = arith.cmpi slt, %add3A_688, %lt3A : i32
      %convert_element_type3A = arith.extui %lt3A_689 : i1 to i32
      %cond3A = arith.constant 0 : i32
      %cond3A_690 = arith.cmpi ne, %convert_element_type3A, %cond3A : i32
      scf.if %cond3A_690 {
        %dma_start3A_2336 = arith.constant 0 : i32
        %dma_start3A_2337 = arith.constant 0 : i32
        %dma_start3A_2338 = tpu.memref_slice %arg11[%dma_start3A_2336, %dma_start3A_2337] : memref<200x64xf32, #tpu.memory_space<vmem>> -> memref<128x64xf32, #tpu.memory_space<vmem>>
        %dma_start3A_2339 = arith.constant 0 : i32
        %dma_start3A_2340 = tpu.memref_slice %arg5[%add3A_688, %dma_start3A_2339] : memref<128x208xi32, #tpu.memory_space<vmem>> -> memref<1x128xi32, #tpu.memory_space<vmem>>
        %dma_start3A_2341 = tpu.memref_squeeze %dma_start3A_2340 : memref<1x128xi32, #tpu.memory_space<vmem>> -> memref<128xi32, #tpu.memory_space<vmem>>
        %dma_start3A_2342 = arith.constant 0 : i32
        %dma_start3A_2343 = arith.constant 0 : i32
        %dma_start3A_2344 = tpu.memref_slice %arg3[%dma_start3A_2342, %dma_start3A_2343] : memref<1048576x64xf32, #tpu.memory_space<hbm>> -> memref<1048576x64xf32, #tpu.memory_space<hbm>>
        tpu.enqueue_indirect_dma source(%dma_start3A_2344 : memref<1048576x64xf32, #tpu.memory_space<hbm>>) target(%dma_start3A_2338 : memref<128x64xf32, #tpu.memory_space<vmem>>) offsets(%dma_start3A_2341 : memref<128xi32, #tpu.memory_space<vmem>>) semaphore(%arg18 : memref<!tpu.dma_semaphore, #tpu.memory_space<semaphore_mem>>)
        %dma_start3A_2345 = arith.constant 128 : i32
        %dma_start3A_2346 = arith.constant 0 : i32
        %dma_start3A_2347 = tpu.memref_slice %arg11[%dma_start3A_2345, %dma_start3A_2346] : memref<200x64xf32, #tpu.memory_space<vmem>> -> memref<72x64xf32, #tpu.memory_space<vmem>>
        %dma_start3A_2348 = arith.constant 128 : i32
        %dma_start3A_2349 = tpu.memref_slice %arg5[%add3A_688, %dma_start3A_2348] : memref<128x208xi32, #tpu.memory_space<vmem>> -> memref<1x72xi32, #tpu.memory_space<vmem>>
        %dma_start3A_2350 = tpu.memref_squeeze %dma_start3A_2349 : memref<1x72xi32, #tpu.memory_space<vmem>> -> memref<72xi32, #tpu.memory_space<vmem>>
        %dma_start3A_2351 = arith.constant 0 : i32
        %dma_start3A_2352 = arith.constant 0 : i32
        %dma_start3A_2353 = tpu.memref_slice %arg3[%dma_start3A_2351, %dma_start3A_2352] : memref<1048576x64xf32, #tpu.memory_space<hbm>> -> memref<1048576x64xf32, #tpu.memory_space<hbm>>
        tpu.enqueue_indirect_dma source(%dma_start3A_2353 : memref<1048576x64xf32, #tpu.memory_space<hbm>>) target(%dma_start3A_2347 : memref<72x64xf32, #tpu.memory_space<vmem>>) offsets(%dma_start3A_2350 : memref<72xi32, #tpu.memory_space<vmem>>) semaphore(%arg18 : memref<!tpu.dma_semaphore, #tpu.memory_space<semaphore_mem>>)
      } else {
      }
      %add3A_691 = arith.constant 0 : i32
      %add3A_692 = arith.addi %add3A_664, %add3A_691 : i32
      %get3A_693 = arith.constant 0 : i32
      %get3A_694 = arith.index_cast %get3A_693 : i32 to index
      %get3A_695 = arith.constant 0 : index
      %get3A_696 = tpu.vector_load %arg6[%get3A_694, %get3A_695] {strides = array<i32>} : memref<200x64xf32, #tpu.memory_space<vmem>>, vector<1x16xf32>,
      %get3A_697 = vector.shape_cast %get3A_696 : vector<1x16xf32> to vector<16xf32>
      %get3A_698 = arith.constant 0 : i32
      %get3A_699 = arith.index_cast %get3A_698 : i32 to index
      %get3A_700 = arith.constant 16 : index
      %get3A_701 = tpu.vector_load %arg6[%get3A_699, %get3A_700] {strides = array<i32>} : memref<200x64xf32, #tpu.memory_space<vmem>>, vector<1x16xf32>,
      %get3A_702 = vector.shape_cast %get3A_701 : vector<1x16xf32> to vector<16xf32>
      %get3A_703 = arith.constant 0 : i32
      %get3A_704 = arith.index_cast %get3A_703 : i32 to index
      %get3A_705 = arith.constant 32 : index
      %get3A_706 = tpu.vector_load %arg6[%get3A_704, %get3A_705] {strides = array<i32>} : memref<200x64xf32, #tpu.memory_space<vmem>>, vector<1x16xf32>,
      %get3A_707 = vector.shape_cast %get3A_706 : vector<1x16xf32> to vector<16xf32>
      %get3A_708 = arith.constant 0 : i32
      %get3A_709 = arith.index_cast %get3A_708 : i32 to index
      %get3A_710 = arith.constant 48 : index
      %get3A_711 = tpu.vector_load %arg6[%get3A_709, %get3A_710] {strides = array<i32>} : memref<200x64xf32, #tpu.memory_space<vmem>>, vector<1x16xf32>,
      %get3A_712 = vector.shape_cast %get3A_711 : vector<1x16xf32> to vector<16xf32>
      %scan3A_713 = arith.constant 1 : i32
      %scan3A_714 = arith.constant 192 : i32
      %scan3A_715 = arith.addi %scan3A_713, %scan3A_714 : i32
      %scan3A_716 = arith.constant 8 : i32
      %scan3A_717:8 = scf.for %scan3A_2336 = %scan3A_713 to %scan3A_715 step %scan3A_716 iter_args(%scan3A_2337 = %get3A_697, %scan3A_2338 = %get3A_702, %scan3A_2339 = %get3A_707, %scan3A_2340 = %get3A_712, %scan3A_2341 = %get3A_697, %scan3A_2342 = %get3A_702, %scan3A_2343 = %get3A_707, %scan3A_2344 = %get3A_712) -> (vector<16xf32>, vector<16xf32>, vector<16xf32>, vector<16xf32>, vector<16xf32>, vector<16xf32>, vector<16xf32>, vector<16xf32>)  : i32 {
        %get3A_2345 = arith.index_cast %scan3A_2336 : i32 to index
        %get3A_2346 = arith.constant 0 : index
        %get3A_2347 = tpu.vector_load %arg6[%get3A_2345, %get3A_2346] {strides = array<i32>} : memref<200x64xf32, #tpu.memory_space<vmem>>, vector<1x16xf32>,
        %get3A_2348 = vector.shape_cast %get3A_2347 : vector<1x16xf32> to vector<16xf32>
        %min3A_2349 = arith.minimumf %scan3A_2337, %get3A_2348 : vector<16xf32>
        %max3A_2350 = arith.maximumf %scan3A_2341, %get3A_2348 : vector<16xf32>
        %get3A_2351 = arith.index_cast %scan3A_2336 : i32 to index
        %get3A_2352 = arith.constant 16 : index
        %get3A_2353 = tpu.vector_load %arg6[%get3A_2351, %get3A_2352] {strides = array<i32>} : memref<200x64xf32, #tpu.memory_space<vmem>>, vector<1x16xf32>,
        %get3A_2354 = vector.shape_cast %get3A_2353 : vector<1x16xf32> to vector<16xf32>
        %min3A_2355 = arith.minimumf %scan3A_2338, %get3A_2354 : vector<16xf32>
        %max3A_2356 = arith.maximumf %scan3A_2342, %get3A_2354 : vector<16xf32>
        %get3A_2357 = arith.index_cast %scan3A_2336 : i32 to index
        %get3A_2358 = arith.constant 32 : index
        %get3A_2359 = tpu.vector_load %arg6[%get3A_2357, %get3A_2358] {strides = array<i32>} : memref<200x64xf32, #tpu.memory_space<vmem>>, vector<1x16xf32>,
        %get3A_2360 = vector.shape_cast %get3A_2359 : vector<1x16xf32> to vector<16xf32>
        %min3A_2361 = arith.minimumf %scan3A_2339, %get3A_2360 : vector<16xf32>
        %max3A_2362 = arith.maximumf %scan3A_2343, %get3A_2360 : vector<16xf32>
        %get3A_2363 = arith.index_cast %scan3A_2336 : i32 to index
        %get3A_2364 = arith.constant 48 : index
        %get3A_2365 = tpu.vector_load %arg6[%get3A_2363, %get3A_2364] {strides = array<i32>} : memref<200x64xf32, #tpu.memory_space<vmem>>, vector<1x16xf32>,
        %get3A_2366 = vector.shape_cast %get3A_2365 : vector<1x16xf32> to vector<16xf32>
        %min3A_2367 = arith.minimumf %scan3A_2340, %get3A_2366 : vector<16xf32>
        %max3A_2368 = arith.maximumf %scan3A_2344, %get3A_2366 : vector<16xf32>
        %scan3A_2369 = arith.constant 1 : i32
        %scan3A_2370 = arith.addi %scan3A_2336, %scan3A_2369 : i32
        %get3A_2371 = arith.index_cast %scan3A_2370 : i32 to index
        %get3A_2372 = arith.constant 0 : index
        %get3A_2373 = tpu.vector_load %arg6[%get3A_2371, %get3A_2372] {strides = array<i32>} : memref<200x64xf32, #tpu.memory_space<vmem>>, vector<1x16xf32>,
        %get3A_2374 = vector.shape_cast %get3A_2373 : vector<1x16xf32> to vector<16xf32>
        %min3A_2375 = arith.minimumf %min3A_2349, %get3A_2374 : vector<16xf32>
        %max3A_2376 = arith.maximumf %max3A_2350, %get3A_2374 : vector<16xf32>
        %get3A_2377 = arith.index_cast %scan3A_2370 : i32 to index
        %get3A_2378 = arith.constant 16 : index
        %get3A_2379 = tpu.vector_load %arg6[%get3A_2377, %get3A_2378] {strides = array<i32>} : memref<200x64xf32, #tpu.memory_space<vmem>>, vector<1x16xf32>,
        %get3A_2380 = vector.shape_cast %get3A_2379 : vector<1x16xf32> to vector<16xf32>
        %min3A_2381 = arith.minimumf %min3A_2355, %get3A_2380 : vector<16xf32>
        %max3A_2382 = arith.maximumf %max3A_2356, %get3A_2380 : vector<16xf32>
        %get3A_2383 = arith.index_cast %scan3A_2370 : i32 to index
        %get3A_2384 = arith.constant 32 : index
        %get3A_2385 = tpu.vector_load %arg6[%get3A_2383, %get3A_2384] {strides = array<i32>} : memref<200x64xf32, #tpu.memory_space<vmem>>, vector<1x16xf32>,
        %get3A_2386 = vector.shape_cast %get3A_2385 : vector<1x16xf32> to vector<16xf32>
        %min3A_2387 = arith.minimumf %min3A_2361, %get3A_2386 : vector<16xf32>
        %max3A_2388 = arith.maximumf %max3A_2362, %get3A_2386 : vector<16xf32>
        %get3A_2389 = arith.index_cast %scan3A_2370 : i32 to index
        %get3A_2390 = arith.constant 48 : index
        %get3A_2391 = tpu.vector_load %arg6[%get3A_2389, %get3A_2390] {strides = array<i32>} : memref<200x64xf32, #tpu.memory_space<vmem>>, vector<1x16xf32>,
        %get3A_2392 = vector.shape_cast %get3A_2391 : vector<1x16xf32> to vector<16xf32>
        %min3A_2393 = arith.minimumf %min3A_2367, %get3A_2392 : vector<16xf32>
        %max3A_2394 = arith.maximumf %max3A_2368, %get3A_2392 : vector<16xf32>
        %scan3A_2395 = arith.constant 2 : i32
        %scan3A_2396 = arith.addi %scan3A_2336, %scan3A_2395 : i32
        %get3A_2397 = arith.index_cast %scan3A_2396 : i32 to index
        %get3A_2398 = arith.constant 0 : index
        %get3A_2399 = tpu.vector_load %arg6[%get3A_2397, %get3A_2398] {strides = array<i32>} : memref<200x64xf32, #tpu.memory_space<vmem>>, vector<1x16xf32>,
        %get3A_2400 = vector.shape_cast %get3A_2399 : vector<1x16xf32> to vector<16xf32>
        %min3A_2401 = arith.minimumf %min3A_2375, %get3A_2400 : vector<16xf32>
        %max3A_2402 = arith.maximumf %max3A_2376, %get3A_2400 : vector<16xf32>
        %get3A_2403 = arith.index_cast %scan3A_2396 : i32 to index
        %get3A_2404 = arith.constant 16 : index
        %get3A_2405 = tpu.vector_load %arg6[%get3A_2403, %get3A_2404] {strides = array<i32>} : memref<200x64xf32, #tpu.memory_space<vmem>>, vector<1x16xf32>,
        %get3A_2406 = vector.shape_cast %get3A_2405 : vector<1x16xf32> to vector<16xf32>
        %min3A_2407 = arith.minimumf %min3A_2381, %get3A_2406 : vector<16xf32>
        %max3A_2408 = arith.maximumf %max3A_2382, %get3A_2406 : vector<16xf32>
        %get3A_2409 = arith.index_cast %scan3A_2396 : i32 to index
        %get3A_2410 = arith.constant 32 : index
        %get3A_2411 = tpu.vector_load %arg6[%get3A_2409, %get3A_2410] {strides = array<i32>} : memref<200x64xf32, #tpu.memory_space<vmem>>, vector<1x16xf32>,
        %get3A_2412 = vector.shape_cast %get3A_2411 : vector<1x16xf32> to vector<16xf32>
        %min3A_2413 = arith.minimumf %min3A_2387, %get3A_2412 : vector<16xf32>
        %max3A_2414 = arith.maximumf %max3A_2388, %get3A_2412 : vector<16xf32>
        %get3A_2415 = arith.index_cast %scan3A_2396 : i32 to index
        %get3A_2416 = arith.constant 48 : index
        %get3A_2417 = tpu.vector_load %arg6[%get3A_2415, %get3A_2416] {strides = array<i32>} : memref<200x64xf32, #tpu.memory_space<vmem>>, vector<1x16xf32>,
        %get3A_2418 = vector.shape_cast %get3A_2417 : vector<1x16xf32> to vector<16xf32>
        %min3A_2419 = arith.minimumf %min3A_2393, %get3A_2418 : vector<16xf32>
        %max3A_2420 = arith.maximumf %max3A_2394, %get3A_2418 : vector<16xf32>
        %scan3A_2421 = arith.constant 3 : i32
        %scan3A_2422 = arith.addi %scan3A_2336, %scan3A_2421 : i32
        %get3A_2423 = arith.index_cast %scan3A_2422 : i32 to index
        %get3A_2424 = arith.constant 0 : index
        %get3A_2425 = tpu.vector_load %arg6[%get3A_2423, %get3A_2424] {strides = array<i32>} : memref<200x64xf32, #tpu.memory_space<vmem>>, vector<1x16xf32>,
        %get3A_2426 = vector.shape_cast %get3A_2425 : vector<1x16xf32> to vector<16xf32>
        %min3A_2427 = arith.minimumf %min3A_2401, %get3A_2426 : vector<16xf32>
        %max3A_2428 = arith.maximumf %max3A_2402, %get3A_2426 : vector<16xf32>
        %get3A_2429 = arith.index_cast %scan3A_2422 : i32 to index
        %get3A_2430 = arith.constant 16 : index
        %get3A_2431 = tpu.vector_load %arg6[%get3A_2429, %get3A_2430] {strides = array<i32>} : memref<200x64xf32, #tpu.memory_space<vmem>>, vector<1x16xf32>,
        %get3A_2432 = vector.shape_cast %get3A_2431 : vector<1x16xf32> to vector<16xf32>
        %min3A_2433 = arith.minimumf %min3A_2407, %get3A_2432 : vector<16xf32>
        %max3A_2434 = arith.maximumf %max3A_2408, %get3A_2432 : vector<16xf32>
        %get3A_2435 = arith.index_cast %scan3A_2422 : i32 to index
        %get3A_2436 = arith.constant 32 : index
        %get3A_2437 = tpu.vector_load %arg6[%get3A_2435, %get3A_2436] {strides = array<i32>} : memref<200x64xf32, #tpu.memory_space<vmem>>, vector<1x16xf32>,
        %get3A_2438 = vector.shape_cast %get3A_2437 : vector<1x16xf32> to vector<16xf32>
        %min3A_2439 = arith.minimumf %min3A_2413, %get3A_2438 : vector<16xf32>
        %max3A_2440 = arith.maximumf %max3A_2414, %get3A_2438 : vector<16xf32>
        %get3A_2441 = arith.index_cast %scan3A_2422 : i32 to index
        %get3A_2442 = arith.constant 48 : index
        %get3A_2443 = tpu.vector_load %arg6[%get3A_2441, %get3A_2442] {strides = array<i32>} : memref<200x64xf32, #tpu.memory_space<vmem>>, vector<1x16xf32>,
        %get3A_2444 = vector.shape_cast %get3A_2443 : vector<1x16xf32> to vector<16xf32>
        %min3A_2445 = arith.minimumf %min3A_2419, %get3A_2444 : vector<16xf32>
        %max3A_2446 = arith.maximumf %max3A_2420, %get3A_2444 : vector<16xf32>
        %scan3A_2447 = arith.constant 4 : i32
        %scan3A_2448 = arith.addi %scan3A_2336, %scan3A_2447 : i32
        %get3A_2449 = arith.index_cast %scan3A_2448 : i32 to index
        %get3A_2450 = arith.constant 0 : index
        %get3A_2451 = tpu.vector_load %arg6[%get3A_2449, %get3A_2450] {strides = array<i32>} : memref<200x64xf32, #tpu.memory_space<vmem>>, vector<1x16xf32>,
        %get3A_2452 = vector.shape_cast %get3A_2451 : vector<1x16xf32> to vector<16xf32>
        %min3A_2453 = arith.minimumf %min3A_2427, %get3A_2452 : vector<16xf32>
        %max3A_2454 = arith.maximumf %max3A_2428, %get3A_2452 : vector<16xf32>
        %get3A_2455 = arith.index_cast %scan3A_2448 : i32 to index
        %get3A_2456 = arith.constant 16 : index
        %get3A_2457 = tpu.vector_load %arg6[%get3A_2455, %get3A_2456] {strides = array<i32>} : memref<200x64xf32, #tpu.memory_space<vmem>>, vector<1x16xf32>,
        %get3A_2458 = vector.shape_cast %get3A_2457 : vector<1x16xf32> to vector<16xf32>
        %min3A_2459 = arith.minimumf %min3A_2433, %get3A_2458 : vector<16xf32>
        %max3A_2460 = arith.maximumf %max3A_2434, %get3A_2458 : vector<16xf32>
        %get3A_2461 = arith.index_cast %scan3A_2448 : i32 to index
        %get3A_2462 = arith.constant 32 : index
        %get3A_2463 = tpu.vector_load %arg6[%get3A_2461, %get3A_2462] {strides = array<i32>} : memref<200x64xf32, #tpu.memory_space<vmem>>, vector<1x16xf32>,
        %get3A_2464 = vector.shape_cast %get3A_2463 : vector<1x16xf32> to vector<16xf32>
        %min3A_2465 = arith.minimumf %min3A_2439, %get3A_2464 : vector<16xf32>
        %max3A_2466 = arith.maximumf %max3A_2440, %get3A_2464 : vector<16xf32>
        %get3A_2467 = arith.index_cast %scan3A_2448 : i32 to index
        %get3A_2468 = arith.constant 48 : index
        %get3A_2469 = tpu.vector_load %arg6[%get3A_2467, %get3A_2468] {strides = array<i32>} : memref<200x64xf32, #tpu.memory_space<vmem>>, vector<1x16xf32>,
        %get3A_2470 = vector.shape_cast %get3A_2469 : vector<1x16xf32> to vector<16xf32>
        %min3A_2471 = arith.minimumf %min3A_2445, %get3A_2470 : vector<16xf32>
        %max3A_2472 = arith.maximumf %max3A_2446, %get3A_2470 : vector<16xf32>
        %scan3A_2473 = arith.constant 5 : i32
        %scan3A_2474 = arith.addi %scan3A_2336, %scan3A_2473 : i32
        %get3A_2475 = arith.index_cast %scan3A_2474 : i32 to index
        %get3A_2476 = arith.constant 0 : index
        %get3A_2477 = tpu.vector_load %arg6[%get3A_2475, %get3A_2476] {strides = array<i32>} : memref<200x64xf32, #tpu.memory_space<vmem>>, vector<1x16xf32>,
        %get3A_2478 = vector.shape_cast %get3A_2477 : vector<1x16xf32> to vector<16xf32>
        %min3A_2479 = arith.minimumf %min3A_2453, %get3A_2478 : vector<16xf32>
        %max3A_2480 = arith.maximumf %max3A_2454, %get3A_2478 : vector<16xf32>
        %get3A_2481 = arith.index_cast %scan3A_2474 : i32 to index
        %get3A_2482 = arith.constant 16 : index
        %get3A_2483 = tpu.vector_load %arg6[%get3A_2481, %get3A_2482] {strides = array<i32>} : memref<200x64xf32, #tpu.memory_space<vmem>>, vector<1x16xf32>,
        %get3A_2484 = vector.shape_cast %get3A_2483 : vector<1x16xf32> to vector<16xf32>
        %min3A_2485 = arith.minimumf %min3A_2459, %get3A_2484 : vector<16xf32>
        %max3A_2486 = arith.maximumf %max3A_2460, %get3A_2484 : vector<16xf32>
        %get3A_2487 = arith.index_cast %scan3A_2474 : i32 to index
        %get3A_2488 = arith.constant 32 : index
        %get3A_2489 = tpu.vector_load %arg6[%get3A_2487, %get3A_2488] {strides = array<i32>} : memref<200x64xf32, #tpu.memory_space<vmem>>, vector<1x16xf32>,
        %get3A_2490 = vector.shape_cast %get3A_2489 : vector<1x16xf32> to vector<16xf32>
        %min3A_2491 = arith.minimumf %min3A_2465, %get3A_2490 : vector<16xf32>
        %max3A_2492 = arith.maximumf %max3A_2466, %get3A_2490 : vector<16xf32>
        %get3A_2493 = arith.index_cast %scan3A_2474 : i32 to index
        %get3A_2494 = arith.constant 48 : index
        %get3A_2495 = tpu.vector_load %arg6[%get3A_2493, %get3A_2494] {strides = array<i32>} : memref<200x64xf32, #tpu.memory_space<vmem>>, vector<1x16xf32>,
        %get3A_2496 = vector.shape_cast %get3A_2495 : vector<1x16xf32> to vector<16xf32>
        %min3A_2497 = arith.minimumf %min3A_2471, %get3A_2496 : vector<16xf32>
        %max3A_2498 = arith.maximumf %max3A_2472, %get3A_2496 : vector<16xf32>
        %scan3A_2499 = arith.constant 6 : i32
        %scan3A_2500 = arith.addi %scan3A_2336, %scan3A_2499 : i32
        %get3A_2501 = arith.index_cast %scan3A_2500 : i32 to index
        %get3A_2502 = arith.constant 0 : index
        %get3A_2503 = tpu.vector_load %arg6[%get3A_2501, %get3A_2502] {strides = array<i32>} : memref<200x64xf32, #tpu.memory_space<vmem>>, vector<1x16xf32>,
        %get3A_2504 = vector.shape_cast %get3A_2503 : vector<1x16xf32> to vector<16xf32>
        %min3A_2505 = arith.minimumf %min3A_2479, %get3A_2504 : vector<16xf32>
        %max3A_2506 = arith.maximumf %max3A_2480, %get3A_2504 : vector<16xf32>
        %get3A_2507 = arith.index_cast %scan3A_2500 : i32 to index
        %get3A_2508 = arith.constant 16 : index
        %get3A_2509 = tpu.vector_load %arg6[%get3A_2507, %get3A_2508] {strides = array<i32>} : memref<200x64xf32, #tpu.memory_space<vmem>>, vector<1x16xf32>,
        %get3A_2510 = vector.shape_cast %get3A_2509 : vector<1x16xf32> to vector<16xf32>
        %min3A_2511 = arith.minimumf %min3A_2485, %get3A_2510 : vector<16xf32>
        %max3A_2512 = arith.maximumf %max3A_2486, %get3A_2510 : vector<16xf32>
        %get3A_2513 = arith.index_cast %scan3A_2500 : i32 to index
        %get3A_2514 = arith.constant 32 : index
        %get3A_2515 = tpu.vector_load %arg6[%get3A_2513, %get3A_2514] {strides = array<i32>} : memref<200x64xf32, #tpu.memory_space<vmem>>, vector<1x16xf32>,
        %get3A_2516 = vector.shape_cast %get3A_2515 : vector<1x16xf32> to vector<16xf32>
        %min3A_2517 = arith.minimumf %min3A_2491, %get3A_2516 : vector<16xf32>
        %max3A_2518 = arith.maximumf %max3A_2492, %get3A_2516 : vector<16xf32>
        %get3A_2519 = arith.index_cast %scan3A_2500 : i32 to index
        %get3A_2520 = arith.constant 48 : index
        %get3A_2521 = tpu.vector_load %arg6[%get3A_2519, %get3A_2520] {strides = array<i32>} : memref<200x64xf32, #tpu.memory_space<vmem>>, vector<1x16xf32>,
        %get3A_2522 = vector.shape_cast %get3A_2521 : vector<1x16xf32> to vector<16xf32>
        %min3A_2523 = arith.minimumf %min3A_2497, %get3A_2522 : vector<16xf32>
        %max3A_2524 = arith.maximumf %max3A_2498, %get3A_2522 : vector<16xf32>
        %scan3A_2525 = arith.constant 7 : i32
        %scan3A_2526 = arith.addi %scan3A_2336, %scan3A_2525 : i32
        %get3A_2527 = arith.index_cast %scan3A_2526 : i32 to index
        %get3A_2528 = arith.constant 0 : index
        %get3A_2529 = tpu.vector_load %arg6[%get3A_2527, %get3A_2528] {strides = array<i32>} : memref<200x64xf32, #tpu.memory_space<vmem>>, vector<1x16xf32>,
        %get3A_2530 = vector.shape_cast %get3A_2529 : vector<1x16xf32> to vector<16xf32>
        %min3A_2531 = arith.minimumf %min3A_2505, %get3A_2530 : vector<16xf32>
        %max3A_2532 = arith.maximumf %max3A_2506, %get3A_2530 : vector<16xf32>
        %get3A_2533 = arith.index_cast %scan3A_2526 : i32 to index
        %get3A_2534 = arith.constant 16 : index
        %get3A_2535 = tpu.vector_load %arg6[%get3A_2533, %get3A_2534] {strides = array<i32>} : memref<200x64xf32, #tpu.memory_space<vmem>>, vector<1x16xf32>,
        %get3A_2536 = vector.shape_cast %get3A_2535 : vector<1x16xf32> to vector<16xf32>
        %min3A_2537 = arith.minimumf %min3A_2511, %get3A_2536 : vector<16xf32>
        %max3A_2538 = arith.maximumf %max3A_2512, %get3A_2536 : vector<16xf32>
        %get3A_2539 = arith.index_cast %scan3A_2526 : i32 to index
        %get3A_2540 = arith.constant 32 : index
        %get3A_2541 = tpu.vector_load %arg6[%get3A_2539, %get3A_2540] {strides = array<i32>} : memref<200x64xf32, #tpu.memory_space<vmem>>, vector<1x16xf32>,
        %get3A_2542 = vector.shape_cast %get3A_2541 : vector<1x16xf32> to vector<16xf32>
        %min3A_2543 = arith.minimumf %min3A_2517, %get3A_2542 : vector<16xf32>
        %max3A_2544 = arith.maximumf %max3A_2518, %get3A_2542 : vector<16xf32>
        %get3A_2545 = arith.index_cast %scan3A_2526 : i32 to index
        %get3A_2546 = arith.constant 48 : index
        %get3A_2547 = tpu.vector_load %arg6[%get3A_2545, %get3A_2546] {strides = array<i32>} : memref<200x64xf32, #tpu.memory_space<vmem>>, vector<1x16xf32>,
        %get3A_2548 = vector.shape_cast %get3A_2547 : vector<1x16xf32> to vector<16xf32>
        %min3A_2549 = arith.minimumf %min3A_2523, %get3A_2548 : vector<16xf32>
        %max3A_2550 = arith.maximumf %max3A_2524, %get3A_2548 : vector<16xf32>
        scf.yield %min3A_2531, %min3A_2537, %min3A_2543, %min3A_2549, %max3A_2532, %max3A_2538, %max3A_2544, %max3A_2550 : vector<16xf32>, vector<16xf32>, vector<16xf32>, vector<16xf32>, vector<16xf32>, vector<16xf32>, vector<16xf32>, vector<16xf32>
      }
      %scan3A_718 = arith.constant 192 : i32
      %scan3A_719 = arith.addi %scan3A_713, %scan3A_718 : i32
      %get3A_720 = arith.index_cast %scan3A_719 : i32 to index
      %get3A_721 = arith.constant 0 : index
      %get3A_722 = tpu.vector_load %arg6[%get3A_720, %get3A_721] {strides = array<i32>} : memref<200x64xf32, #tpu.memory_space<vmem>>, vector<1x16xf32>,
      %get3A_723 = vector.shape_cast %get3A_722 : vector<1x16xf32> to vector<16xf32>
      %min3A_724 = arith.minimumf %scan3A_717#0, %get3A_723 : vector<16xf32>
      %max3A_725 = arith.maximumf %scan3A_717#4, %get3A_723 : vector<16xf32>
      %get3A_726 = arith.index_cast %scan3A_719 : i32 to index
      %get3A_727 = arith.constant 16 : index
      %get3A_728 = tpu.vector_load %arg6[%get3A_726, %get3A_727] {strides = array<i32>} : memref<200x64xf32, #tpu.memory_space<vmem>>, vector<1x16xf32>,
      %get3A_729 = vector.shape_cast %get3A_728 : vector<1x16xf32> to vector<16xf32>
      %min3A_730 = arith.minimumf %scan3A_717#1, %get3A_729 : vector<16xf32>
      %max3A_731 = arith.maximumf %scan3A_717#5, %get3A_729 : vector<16xf32>
      %get3A_732 = arith.index_cast %scan3A_719 : i32 to index
      %get3A_733 = arith.constant 32 : index
      %get3A_734 = tpu.vector_load %arg6[%get3A_732, %get3A_733] {strides = array<i32>} : memref<200x64xf32, #tpu.memory_space<vmem>>, vector<1x16xf32>,
      %get3A_735 = vector.shape_cast %get3A_734 : vector<1x16xf32> to vector<16xf32>
      %min3A_736 = arith.minimumf %scan3A_717#2, %get3A_735 : vector<16xf32>
      %max3A_737 = arith.maximumf %scan3A_717#6, %get3A_735 : vector<16xf32>
      %get3A_738 = arith.index_cast %scan3A_719 : i32 to index
      %get3A_739 = arith.constant 48 : index
      %get3A_740 = tpu.vector_load %arg6[%get3A_738, %get3A_739] {strides = array<i32>} : memref<200x64xf32, #tpu.memory_space<vmem>>, vector<1x16xf32>,
      %get3A_741 = vector.shape_cast %get3A_740 : vector<1x16xf32> to vector<16xf32>
      %min3A_742 = arith.minimumf %scan3A_717#3, %get3A_741 : vector<16xf32>
      %max3A_743 = arith.maximumf %scan3A_717#7, %get3A_741 : vector<16xf32>
      %scan3A_744 = arith.constant 193 : i32
      %scan3A_745 = arith.addi %scan3A_713, %scan3A_744 : i32
      %get3A_746 = arith.index_cast %scan3A_745 : i32 to index
      %get3A_747 = arith.constant 0 : index
      %get3A_748 = tpu.vector_load %arg6[%get3A_746, %get3A_747] {strides = array<i32>} : memref<200x64xf32, #tpu.memory_space<vmem>>, vector<1x16xf32>,
      %get3A_749 = vector.shape_cast %get3A_748 : vector<1x16xf32> to vector<16xf32>
      %min3A_750 = arith.minimumf %min3A_724, %get3A_749 : vector<16xf32>
      %max3A_751 = arith.maximumf %max3A_725, %get3A_749 : vector<16xf32>
      %get3A_752 = arith.index_cast %scan3A_745 : i32 to index
      %get3A_753 = arith.constant 16 : index
      %get3A_754 = tpu.vector_load %arg6[%get3A_752, %get3A_753] {strides = array<i32>} : memref<200x64xf32, #tpu.memory_space<vmem>>, vector<1x16xf32>,
      %get3A_755 = vector.shape_cast %get3A_754 : vector<1x16xf32> to vector<16xf32>
      %min3A_756 = arith.minimumf %min3A_730, %get3A_755 : vector<16xf32>
      %max3A_757 = arith.maximumf %max3A_731, %get3A_755 : vector<16xf32>
      %get3A_758 = arith.index_cast %scan3A_745 : i32 to index
      %get3A_759 = arith.constant 32 : index
      %get3A_760 = tpu.vector_load %arg6[%get3A_758, %get3A_759] {strides = array<i32>} : memref<200x64xf32, #tpu.memory_space<vmem>>, vector<1x16xf32>,
      %get3A_761 = vector.shape_cast %get3A_760 : vector<1x16xf32> to vector<16xf32>
      %min3A_762 = arith.minimumf %min3A_736, %get3A_761 : vector<16xf32>
      %max3A_763 = arith.maximumf %max3A_737, %get3A_761 : vector<16xf32>
      %get3A_764 = arith.index_cast %scan3A_745 : i32 to index
      %get3A_765 = arith.constant 48 : index
      %get3A_766 = tpu.vector_load %arg6[%get3A_764, %get3A_765] {strides = array<i32>} : memref<200x64xf32, #tpu.memory_space<vmem>>, vector<1x16xf32>,
      %get3A_767 = vector.shape_cast %get3A_766 : vector<1x16xf32> to vector<16xf32>
      %min3A_768 = arith.minimumf %min3A_742, %get3A_767 : vector<16xf32>
      %max3A_769 = arith.maximumf %max3A_743, %get3A_767 : vector<16xf32>
      %scan3A_770 = arith.constant 194 : i32
      %scan3A_771 = arith.addi %scan3A_713, %scan3A_770 : i32
      %get3A_772 = arith.index_cast %scan3A_771 : i32 to index
      %get3A_773 = arith.constant 0 : index
      %get3A_774 = tpu.vector_load %arg6[%get3A_772, %get3A_773] {strides = array<i32>} : memref<200x64xf32, #tpu.memory_space<vmem>>, vector<1x16xf32>,
      %get3A_775 = vector.shape_cast %get3A_774 : vector<1x16xf32> to vector<16xf32>
      %min3A_776 = arith.minimumf %min3A_750, %get3A_775 : vector<16xf32>
      %max3A_777 = arith.maximumf %max3A_751, %get3A_775 : vector<16xf32>
      %get3A_778 = arith.index_cast %scan3A_771 : i32 to index
      %get3A_779 = arith.constant 16 : index
      %get3A_780 = tpu.vector_load %arg6[%get3A_778, %get3A_779] {strides = array<i32>} : memref<200x64xf32, #tpu.memory_space<vmem>>, vector<1x16xf32>,
      %get3A_781 = vector.shape_cast %get3A_780 : vector<1x16xf32> to vector<16xf32>
      %min3A_782 = arith.minimumf %min3A_756, %get3A_781 : vector<16xf32>
      %max3A_783 = arith.maximumf %max3A_757, %get3A_781 : vector<16xf32>
      %get3A_784 = arith.index_cast %scan3A_771 : i32 to index
      %get3A_785 = arith.constant 32 : index
      %get3A_786 = tpu.vector_load %arg6[%get3A_784, %get3A_785] {strides = array<i32>} : memref<200x64xf32, #tpu.memory_space<vmem>>, vector<1x16xf32>,
      %get3A_787 = vector.shape_cast %get3A_786 : vector<1x16xf32> to vector<16xf32>
      %min3A_788 = arith.minimumf %min3A_762, %get3A_787 : vector<16xf32>
      %max3A_789 = arith.maximumf %max3A_763, %get3A_787 : vector<16xf32>
      %get3A_790 = arith.index_cast %scan3A_771 : i32 to index
      %get3A_791 = arith.constant 48 : index
      %get3A_792 = tpu.vector_load %arg6[%get3A_790, %get3A_791] {strides = array<i32>} : memref<200x64xf32, #tpu.memory_space<vmem>>, vector<1x16xf32>,
      %get3A_793 = vector.shape_cast %get3A_792 : vector<1x16xf32> to vector<16xf32>
      %min3A_794 = arith.minimumf %min3A_768, %get3A_793 : vector<16xf32>
      %max3A_795 = arith.maximumf %max3A_769, %get3A_793 : vector<16xf32>
      %scan3A_796 = arith.constant 195 : i32
      %scan3A_797 = arith.addi %scan3A_713, %scan3A_796 : i32
      %get3A_798 = arith.index_cast %scan3A_797 : i32 to index
      %get3A_799 = arith.constant 0 : index
      %get3A_800 = tpu.vector_load %arg6[%get3A_798, %get3A_799] {strides = array<i32>} : memref<200x64xf32, #tpu.memory_space<vmem>>, vector<1x16xf32>,
      %get3A_801 = vector.shape_cast %get3A_800 : vector<1x16xf32> to vector<16xf32>
      %min3A_802 = arith.minimumf %min3A_776, %get3A_801 : vector<16xf32>
      %max3A_803 = arith.maximumf %max3A_777, %get3A_801 : vector<16xf32>
      %get3A_804 = arith.index_cast %scan3A_797 : i32 to index
      %get3A_805 = arith.constant 16 : index
      %get3A_806 = tpu.vector_load %arg6[%get3A_804, %get3A_805] {strides = array<i32>} : memref<200x64xf32, #tpu.memory_space<vmem>>, vector<1x16xf32>,
      %get3A_807 = vector.shape_cast %get3A_806 : vector<1x16xf32> to vector<16xf32>
      %min3A_808 = arith.minimumf %min3A_782, %get3A_807 : vector<16xf32>
      %max3A_809 = arith.maximumf %max3A_783, %get3A_807 : vector<16xf32>
      %get3A_810 = arith.index_cast %scan3A_797 : i32 to index
      %get3A_811 = arith.constant 32 : index
      %get3A_812 = tpu.vector_load %arg6[%get3A_810, %get3A_811] {strides = array<i32>} : memref<200x64xf32, #tpu.memory_space<vmem>>, vector<1x16xf32>,
      %get3A_813 = vector.shape_cast %get3A_812 : vector<1x16xf32> to vector<16xf32>
      %min3A_814 = arith.minimumf %min3A_788, %get3A_813 : vector<16xf32>
      %max3A_815 = arith.maximumf %max3A_789, %get3A_813 : vector<16xf32>
      %get3A_816 = arith.index_cast %scan3A_797 : i32 to index
      %get3A_817 = arith.constant 48 : index
      %get3A_818 = tpu.vector_load %arg6[%get3A_816, %get3A_817] {strides = array<i32>} : memref<200x64xf32, #tpu.memory_space<vmem>>, vector<1x16xf32>,
      %get3A_819 = vector.shape_cast %get3A_818 : vector<1x16xf32> to vector<16xf32>
      %min3A_820 = arith.minimumf %min3A_794, %get3A_819 : vector<16xf32>
      %max3A_821 = arith.maximumf %max3A_795, %get3A_819 : vector<16xf32>
      %scan3A_822 = arith.constant 196 : i32
      %scan3A_823 = arith.addi %scan3A_713, %scan3A_822 : i32
      %get3A_824 = arith.index_cast %scan3A_823 : i32 to index
      %get3A_825 = arith.constant 0 : index
      %get3A_826 = tpu.vector_load %arg6[%get3A_824, %get3A_825] {strides = array<i32>} : memref<200x64xf32, #tpu.memory_space<vmem>>, vector<1x16xf32>,
      %get3A_827 = vector.shape_cast %get3A_826 : vector<1x16xf32> to vector<16xf32>
      %min3A_828 = arith.minimumf %min3A_802, %get3A_827 : vector<16xf32>
      %max3A_829 = arith.maximumf %max3A_803, %get3A_827 : vector<16xf32>
      %get3A_830 = arith.index_cast %scan3A_823 : i32 to index
      %get3A_831 = arith.constant 16 : index
      %get3A_832 = tpu.vector_load %arg6[%get3A_830, %get3A_831] {strides = array<i32>} : memref<200x64xf32, #tpu.memory_space<vmem>>, vector<1x16xf32>,
      %get3A_833 = vector.shape_cast %get3A_832 : vector<1x16xf32> to vector<16xf32>
      %min3A_834 = arith.minimumf %min3A_808, %get3A_833 : vector<16xf32>
      %max3A_835 = arith.maximumf %max3A_809, %get3A_833 : vector<16xf32>
      %get3A_836 = arith.index_cast %scan3A_823 : i32 to index
      %get3A_837 = arith.constant 32 : index
      %get3A_838 = tpu.vector_load %arg6[%get3A_836, %get3A_837] {strides = array<i32>} : memref<200x64xf32, #tpu.memory_space<vmem>>, vector<1x16xf32>,
      %get3A_839 = vector.shape_cast %get3A_838 : vector<1x16xf32> to vector<16xf32>
      %min3A_840 = arith.minimumf %min3A_814, %get3A_839 : vector<16xf32>
      %max3A_841 = arith.maximumf %max3A_815, %get3A_839 : vector<16xf32>
      %get3A_842 = arith.index_cast %scan3A_823 : i32 to index
      %get3A_843 = arith.constant 48 : index
      %get3A_844 = tpu.vector_load %arg6[%get3A_842, %get3A_843] {strides = array<i32>} : memref<200x64xf32, #tpu.memory_space<vmem>>, vector<1x16xf32>,
      %get3A_845 = vector.shape_cast %get3A_844 : vector<1x16xf32> to vector<16xf32>
      %min3A_846 = arith.minimumf %min3A_820, %get3A_845 : vector<16xf32>
      %max3A_847 = arith.maximumf %max3A_821, %get3A_845 : vector<16xf32>
      %scan3A_848 = arith.constant 197 : i32
      %scan3A_849 = arith.addi %scan3A_713, %scan3A_848 : i32
      %get3A_850 = arith.index_cast %scan3A_849 : i32 to index
      %get3A_851 = arith.constant 0 : index
      %get3A_852 = tpu.vector_load %arg6[%get3A_850, %get3A_851] {strides = array<i32>} : memref<200x64xf32, #tpu.memory_space<vmem>>, vector<1x16xf32>,
      %get3A_853 = vector.shape_cast %get3A_852 : vector<1x16xf32> to vector<16xf32>
      %min3A_854 = arith.minimumf %min3A_828, %get3A_853 : vector<16xf32>
      %max3A_855 = arith.maximumf %max3A_829, %get3A_853 : vector<16xf32>
      %get3A_856 = arith.index_cast %scan3A_849 : i32 to index
      %get3A_857 = arith.constant 16 : index
      %get3A_858 = tpu.vector_load %arg6[%get3A_856, %get3A_857] {strides = array<i32>} : memref<200x64xf32, #tpu.memory_space<vmem>>, vector<1x16xf32>,
      %get3A_859 = vector.shape_cast %get3A_858 : vector<1x16xf32> to vector<16xf32>
      %min3A_860 = arith.minimumf %min3A_834, %get3A_859 : vector<16xf32>
      %max3A_861 = arith.maximumf %max3A_835, %get3A_859 : vector<16xf32>
      %get3A_862 = arith.index_cast %scan3A_849 : i32 to index
      %get3A_863 = arith.constant 32 : index
      %get3A_864 = tpu.vector_load %arg6[%get3A_862, %get3A_863] {strides = array<i32>} : memref<200x64xf32, #tpu.memory_space<vmem>>, vector<1x16xf32>,
      %get3A_865 = vector.shape_cast %get3A_864 : vector<1x16xf32> to vector<16xf32>
      %min3A_866 = arith.minimumf %min3A_840, %get3A_865 : vector<16xf32>
      %max3A_867 = arith.maximumf %max3A_841, %get3A_865 : vector<16xf32>
      %get3A_868 = arith.index_cast %scan3A_849 : i32 to index
      %get3A_869 = arith.constant 48 : index
      %get3A_870 = tpu.vector_load %arg6[%get3A_868, %get3A_869] {strides = array<i32>} : memref<200x64xf32, #tpu.memory_space<vmem>>, vector<1x16xf32>,
      %get3A_871 = vector.shape_cast %get3A_870 : vector<1x16xf32> to vector<16xf32>
      %min3A_872 = arith.minimumf %min3A_846, %get3A_871 : vector<16xf32>
      %max3A_873 = arith.maximumf %max3A_847, %get3A_871 : vector<16xf32>
      %scan3A_874 = arith.constant 198 : i32
      %scan3A_875 = arith.addi %scan3A_713, %scan3A_874 : i32
      %get3A_876 = arith.index_cast %scan3A_875 : i32 to index
      %get3A_877 = arith.constant 0 : index
      %get3A_878 = tpu.vector_load %arg6[%get3A_876, %get3A_877] {strides = array<i32>} : memref<200x64xf32, #tpu.memory_space<vmem>>, vector<1x16xf32>,
      %get3A_879 = vector.shape_cast %get3A_878 : vector<1x16xf32> to vector<16xf32>
      %min3A_880 = arith.minimumf %min3A_854, %get3A_879 : vector<16xf32>
      %max3A_881 = arith.maximumf %max3A_855, %get3A_879 : vector<16xf32>
      %get3A_882 = arith.index_cast %scan3A_875 : i32 to index
      %get3A_883 = arith.constant 16 : index
      %get3A_884 = tpu.vector_load %arg6[%get3A_882, %get3A_883] {strides = array<i32>} : memref<200x64xf32, #tpu.memory_space<vmem>>, vector<1x16xf32>,
      %get3A_885 = vector.shape_cast %get3A_884 : vector<1x16xf32> to vector<16xf32>
      %min3A_886 = arith.minimumf %min3A_860, %get3A_885 : vector<16xf32>
      %max3A_887 = arith.maximumf %max3A_861, %get3A_885 : vector<16xf32>
      %get3A_888 = arith.index_cast %scan3A_875 : i32 to index
      %get3A_889 = arith.constant 32 : index
      %get3A_890 = tpu.vector_load %arg6[%get3A_888, %get3A_889] {strides = array<i32>} : memref<200x64xf32, #tpu.memory_space<vmem>>, vector<1x16xf32>,
      %get3A_891 = vector.shape_cast %get3A_890 : vector<1x16xf32> to vector<16xf32>
      %min3A_892 = arith.minimumf %min3A_866, %get3A_891 : vector<16xf32>
      %max3A_893 = arith.maximumf %max3A_867, %get3A_891 : vector<16xf32>
      %get3A_894 = arith.index_cast %scan3A_875 : i32 to index
      %get3A_895 = arith.constant 48 : index
      %get3A_896 = tpu.vector_load %arg6[%get3A_894, %get3A_895] {strides = array<i32>} : memref<200x64xf32, #tpu.memory_space<vmem>>, vector<1x16xf32>,
      %get3A_897 = vector.shape_cast %get3A_896 : vector<1x16xf32> to vector<16xf32>
      %min3A_898 = arith.minimumf %min3A_872, %get3A_897 : vector<16xf32>
      %max3A_899 = arith.maximumf %max3A_873, %get3A_897 : vector<16xf32>
      %scan3A_900 = arith.constant 199 : i32
      %swap3A_901 = arith.index_cast %add3A_692 : i32 to index
      %swap3A_902 = arith.constant 0 : index
      %swap3A_903 = tpu.vector_load %arg12[%swap3A_901, %swap3A_902] {strides = array<i32>} : memref<128x128xf32, #tpu.memory_space<vmem>>, vector<1x16xf32>,
      %swap3A_904 = vector.shape_cast %swap3A_903 : vector<1x16xf32> to vector<16xf32>
      %swap3A_905 = vector.shape_cast %min3A_880 : vector<16xf32> to vector<1x16xf32>
      tpu.vector_store %arg12[%swap3A_901, %swap3A_902], %swap3A_905 {strides = array<i32>} : memref<128x128xf32, #tpu.memory_space<vmem>>, vector<1x16xf32>,
      %swap3A_906 = arith.index_cast %add3A_692 : i32 to index
      %swap3A_907 = arith.constant 64 : index
      %swap3A_908 = tpu.vector_load %arg12[%swap3A_906, %swap3A_907] {strides = array<i32>} : memref<128x128xf32, #tpu.memory_space<vmem>>, vector<1x16xf32>,
      %swap3A_909 = vector.shape_cast %swap3A_908 : vector<1x16xf32> to vector<16xf32>
      %swap3A_910 = vector.shape_cast %max3A_881 : vector<16xf32> to vector<1x16xf32>
      tpu.vector_store %arg12[%swap3A_906, %swap3A_907], %swap3A_910 {strides = array<i32>} : memref<128x128xf32, #tpu.memory_space<vmem>>, vector<1x16xf32>,
      %swap3A_911 = arith.index_cast %add3A_692 : i32 to index
      %swap3A_912 = arith.constant 16 : index
      %swap3A_913 = tpu.vector_load %arg12[%swap3A_911, %swap3A_912] {strides = array<i32>} : memref<128x128xf32, #tpu.memory_space<vmem>>, vector<1x16xf32>,
      %swap3A_914 = vector.shape_cast %swap3A_913 : vector<1x16xf32> to vector<16xf32>
      %swap3A_915 = vector.shape_cast %min3A_886 : vector<16xf32> to vector<1x16xf32>
      tpu.vector_store %arg12[%swap3A_911, %swap3A_912], %swap3A_915 {strides = array<i32>} : memref<128x128xf32, #tpu.memory_space<vmem>>, vector<1x16xf32>,
      %swap3A_916 = arith.index_cast %add3A_692 : i32 to index
      %swap3A_917 = arith.constant 80 : index
      %swap3A_918 = tpu.vector_load %arg12[%swap3A_916, %swap3A_917] {strides = array<i32>} : memref<128x128xf32, #tpu.memory_space<vmem>>, vector<1x16xf32>,
      %swap3A_919 = vector.shape_cast %swap3A_918 : vector<1x16xf32> to vector<16xf32>
      %swap3A_920 = vector.shape_cast %max3A_887 : vector<16xf32> to vector<1x16xf32>
      tpu.vector_store %arg12[%swap3A_916, %swap3A_917], %swap3A_920 {strides = array<i32>} : memref<128x128xf32, #tpu.memory_space<vmem>>, vector<1x16xf32>,
      %swap3A_921 = arith.index_cast %add3A_692 : i32 to index
      %swap3A_922 = arith.constant 32 : index
      %swap3A_923 = tpu.vector_load %arg12[%swap3A_921, %swap3A_922] {strides = array<i32>} : memref<128x128xf32, #tpu.memory_space<vmem>>, vector<1x16xf32>,
      %swap3A_924 = vector.shape_cast %swap3A_923 : vector<1x16xf32> to vector<16xf32>
      %swap3A_925 = vector.shape_cast %min3A_892 : vector<16xf32> to vector<1x16xf32>
      tpu.vector_store %arg12[%swap3A_921, %swap3A_922], %swap3A_925 {strides = array<i32>} : memref<128x128xf32, #tpu.memory_space<vmem>>, vector<1x16xf32>,
      %swap3A_926 = arith.index_cast %add3A_692 : i32 to index
      %swap3A_927 = arith.constant 96 : index
      %swap3A_928 = tpu.vector_load %arg12[%swap3A_926, %swap3A_927] {strides = array<i32>} : memref<128x128xf32, #tpu.memory_space<vmem>>, vector<1x16xf32>,
      %swap3A_929 = vector.shape_cast %swap3A_928 : vector<1x16xf32> to vector<16xf32>
      %swap3A_930 = vector.shape_cast %max3A_893 : vector<16xf32> to vector<1x16xf32>
      tpu.vector_store %arg12[%swap3A_926, %swap3A_927], %swap3A_930 {strides = array<i32>} : memref<128x128xf32, #tpu.memory_space<vmem>>, vector<1x16xf32>,
      %swap3A_931 = arith.index_cast %add3A_692 : i32 to index
      %swap3A_932 = arith.constant 48 : index
      %swap3A_933 = tpu.vector_load %arg12[%swap3A_931, %swap3A_932] {strides = array<i32>} : memref<128x128xf32, #tpu.memory_space<vmem>>, vector<1x16xf32>,
      %swap3A_934 = vector.shape_cast %swap3A_933 : vector<1x16xf32> to vector<16xf32>
      %swap3A_935 = vector.shape_cast %min3A_898 : vector<16xf32> to vector<1x16xf32>
      tpu.vector_store %arg12[%swap3A_931, %swap3A_932], %swap3A_935 {strides = array<i32>} : memref<128x128xf32, #tpu.memory_space<vmem>>, vector<1x16xf32>,
      %swap3A_936 = arith.index_cast %add3A_692 : i32 to index
      %swap3A_937 = arith.constant 112 : index
      %swap3A_938 = tpu.vector_load %arg12[%swap3A_936, %swap3A_937] {strides = array<i32>} : memref<128x128xf32, #tpu.memory_space<vmem>>, vector<1x16xf32>,
      %swap3A_939 = vector.shape_cast %swap3A_938 : vector<1x16xf32> to vector<16xf32>
      %swap3A_940 = vector.shape_cast %max3A_899 : vector<16xf32> to vector<1x16xf32>
      tpu.vector_store %arg12[%swap3A_936, %swap3A_937], %swap3A_940 {strides = array<i32>} : memref<128x128xf32, #tpu.memory_space<vmem>>, vector<1x16xf32>,
      %dma_wait3A_941 = arith.constant 0 : i32
      %dma_wait3A_942 = arith.constant 0 : i32
      %dma_wait3A_943 = arith.constant 0 : i32
      %dma_wait3A_944 = tpu.memref_slice %arg7[%dma_wait3A_942, %dma_wait3A_943] : memref<200x64xf32, #tpu.memory_space<vmem>> -> memref<128x64xf32, #tpu.memory_space<vmem>>
      %dma_wait3A_945 = arith.constant 0 : i32
      %dma_wait3A_946 = tpu.memref_slice %arg5[%dma_wait3A_941, %dma_wait3A_945] : memref<128x208xi32, #tpu.memory_space<vmem>> -> memref<1x128xi32, #tpu.memory_space<vmem>>
      %dma_wait3A_947 = tpu.memref_squeeze %dma_wait3A_946 : memref<1x128xi32, #tpu.memory_space<vmem>> -> memref<128xi32, #tpu.memory_space<vmem>>
      %dma_wait3A_948 = arith.constant 0 : i32
      %dma_wait3A_949 = arith.constant 0 : i32
      %dma_wait3A_950 = tpu.memref_slice %arg3[%dma_wait3A_948, %dma_wait3A_949] : memref<1048576x64xf32, #tpu.memory_space<hbm>> -> memref<1048576x64xf32, #tpu.memory_space<hbm>>
      tpu.wait_indirect_dma semaphore(%arg14 : memref<!tpu.dma_semaphore, #tpu.memory_space<semaphore_mem>>) src(%dma_wait3A_950 : memref<1048576x64xf32, #tpu.memory_space<hbm>>) dst(%dma_wait3A_944 : memref<128x64xf32, #tpu.memory_space<vmem>>)
      %dma_wait3A_951 = arith.constant 0 : i32
      %dma_wait3A_952 = arith.constant 128 : i32
      %dma_wait3A_953 = arith.constant 0 : i32
      %dma_wait3A_954 = tpu.memref_slice %arg7[%dma_wait3A_952, %dma_wait3A_953] : memref<200x64xf32, #tpu.memory_space<vmem>> -> memref<72x64xf32, #tpu.memory_space<vmem>>
      %dma_wait3A_955 = arith.constant 128 : i32
      %dma_wait3A_956 = tpu.memref_slice %arg5[%dma_wait3A_951, %dma_wait3A_955] : memref<128x208xi32, #tpu.memory_space<vmem>> -> memref<1x72xi32, #tpu.memory_space<vmem>>
      %dma_wait3A_957 = tpu.memref_squeeze %dma_wait3A_956 : memref<1x72xi32, #tpu.memory_space<vmem>> -> memref<72xi32, #tpu.memory_space<vmem>>
      %dma_wait3A_958 = arith.constant 0 : i32
      %dma_wait3A_959 = arith.constant 0 : i32
      %dma_wait3A_960 = tpu.memref_slice %arg3[%dma_wait3A_958, %dma_wait3A_959] : memref<1048576x64xf32, #tpu.memory_space<hbm>> -> memref<1048576x64xf32, #tpu.memory_space<hbm>>
      tpu.wait_indirect_dma semaphore(%arg14 : memref<!tpu.dma_semaphore, #tpu.memory_space<semaphore_mem>>) src(%dma_wait3A_960 : memref<1048576x64xf32, #tpu.memory_space<hbm>>) dst(%dma_wait3A_954 : memref<72x64xf32, #tpu.memory_space<vmem>>)
      %add3A_961 = arith.constant 1 : i32
      %add3A_962 = arith.addi %add3A_664, %add3A_961 : i32
      %add3A_963 = arith.constant 5 : i32
      %add3A_964 = arith.addi %add3A_962, %add3A_963 : i32
      %lt3A_965 = arith.constant 128 : i32
      %lt3A_966 = arith.cmpi slt, %add3A_964, %lt3A_965 : i32
      %convert_element_type3A_967 = arith.extui %lt3A_966 : i1 to i32
      %cond3A_968 = arith.constant 0 : i32
      %cond3A_969 = arith.cmpi ne, %convert_element_type3A_967, %cond3A_968 : i32
      scf.if %cond3A_969 {
        %dma_start3A_2336 = arith.constant 0 : i32
        %dma_start3A_2337 = arith.constant 0 : i32
        %dma_start3A_2338 = tpu.memref_slice %arg6[%dma_start3A_2336, %dma_start3A_2337] : memref<200x64xf32, #tpu.memory_space<vmem>> -> memref<128x64xf32, #tpu.memory_space<vmem>>
        %dma_start3A_2339 = arith.constant 0 : i32
        %dma_start3A_2340 = tpu.memref_slice %arg5[%add3A_964, %dma_start3A_2339] : memref<128x208xi32, #tpu.memory_space<vmem>> -> memref<1x128xi32, #tpu.memory_space<vmem>>
        %dma_start3A_2341 = tpu.memref_squeeze %dma_start3A_2340 : memref<1x128xi32, #tpu.memory_space<vmem>> -> memref<128xi32, #tpu.memory_space<vmem>>
        %dma_start3A_2342 = arith.constant 0 : i32
        %dma_start3A_2343 = arith.constant 0 : i32
        %dma_start3A_2344 = tpu.memref_slice %arg3[%dma_start3A_2342, %dma_start3A_2343] : memref<1048576x64xf32, #tpu.memory_space<hbm>> -> memref<1048576x64xf32, #tpu.memory_space<hbm>>
        tpu.enqueue_indirect_dma source(%dma_start3A_2344 : memref<1048576x64xf32, #tpu.memory_space<hbm>>) target(%dma_start3A_2338 : memref<128x64xf32, #tpu.memory_space<vmem>>) offsets(%dma_start3A_2341 : memref<128xi32, #tpu.memory_space<vmem>>) semaphore(%arg13 : memref<!tpu.dma_semaphore, #tpu.memory_space<semaphore_mem>>)
        %dma_start3A_2345 = arith.constant 128 : i32
        %dma_start3A_2346 = arith.constant 0 : i32
        %dma_start3A_2347 = tpu.memref_slice %arg6[%dma_start3A_2345, %dma_start3A_2346] : memref<200x64xf32, #tpu.memory_space<vmem>> -> memref<72x64xf32, #tpu.memory_space<vmem>>
        %dma_start3A_2348 = arith.constant 128 : i32
        %dma_start3A_2349 = tpu.memref_slice %arg5[%add3A_964, %dma_start3A_2348] : memref<128x208xi32, #tpu.memory_space<vmem>> -> memref<1x72xi32, #tpu.memory_space<vmem>>
        %dma_start3A_2350 = tpu.memref_squeeze %dma_start3A_2349 : memref<1x72xi32, #tpu.memory_space<vmem>> -> memref<72xi32, #tpu.memory_space<vmem>>
        %dma_start3A_2351 = arith.constant 0 : i32
        %dma_start3A_2352 = arith.constant 0 : i32
        %dma_start3A_2353 = tpu.memref_slice %arg3[%dma_start3A_2351, %dma_start3A_2352] : memref<1048576x64xf32, #tpu.memory_space<hbm>> -> memref<1048576x64xf32, #tpu.memory_space<hbm>>
        tpu.enqueue_indirect_dma source(%dma_start3A_2353 : memref<1048576x64xf32, #tpu.memory_space<hbm>>) target(%dma_start3A_2347 : memref<72x64xf32, #tpu.memory_space<vmem>>) offsets(%dma_start3A_2350 : memref<72xi32, #tpu.memory_space<vmem>>) semaphore(%arg13 : memref<!tpu.dma_semaphore, #tpu.memory_space<semaphore_mem>>)
      } else {
      }
      %add3A_970 = arith.constant 1 : i32
      %add3A_971 = arith.addi %add3A_664, %add3A_970 : i32
      %get3A_972 = arith.constant 0 : i32
      %get3A_973 = arith.index_cast %get3A_972 : i32 to index
      %get3A_974 = arith.constant 0 : index
      %get3A_975 = tpu.vector_load %arg7[%get3A_973, %get3A_974] {strides = array<i32>} : memref<200x64xf32, #tpu.memory_space<vmem>>, vector<1x16xf32>,
      %get3A_976 = vector.shape_cast %get3A_975 : vector<1x16xf32> to vector<16xf32>
      %get3A_977 = arith.constant 0 : i32
      %get3A_978 = arith.index_cast %get3A_977 : i32 to index
      %get3A_979 = arith.constant 16 : index
      %get3A_980 = tpu.vector_load %arg7[%get3A_978, %get3A_979] {strides = array<i32>} : memref<200x64xf32, #tpu.memory_space<vmem>>, vector<1x16xf32>,
      %get3A_981 = vector.shape_cast %get3A_980 : vector<1x16xf32> to vector<16xf32>
      %get3A_982 = arith.constant 0 : i32
      %get3A_983 = arith.index_cast %get3A_982 : i32 to index
      %get3A_984 = arith.constant 32 : index
      %get3A_985 = tpu.vector_load %arg7[%get3A_983, %get3A_984] {strides = array<i32>} : memref<200x64xf32, #tpu.memory_space<vmem>>, vector<1x16xf32>,
      %get3A_986 = vector.shape_cast %get3A_985 : vector<1x16xf32> to vector<16xf32>
      %get3A_987 = arith.constant 0 : i32
      %get3A_988 = arith.index_cast %get3A_987 : i32 to index
      %get3A_989 = arith.constant 48 : index
      %get3A_990 = tpu.vector_load %arg7[%get3A_988, %get3A_989] {strides = array<i32>} : memref<200x64xf32, #tpu.memory_space<vmem>>, vector<1x16xf32>,
      %get3A_991 = vector.shape_cast %get3A_990 : vector<1x16xf32> to vector<16xf32>
      %scan3A_992 = arith.constant 1 : i32
      %scan3A_993 = arith.constant 192 : i32
      %scan3A_994 = arith.addi %scan3A_992, %scan3A_993 : i32
      %scan3A_995 = arith.constant 8 : i32
      %scan3A_996:8 = scf.for %scan3A_2336 = %scan3A_992 to %scan3A_994 step %scan3A_995 iter_args(%scan3A_2337 = %get3A_976, %scan3A_2338 = %get3A_981, %scan3A_2339 = %get3A_986, %scan3A_2340 = %get3A_991, %scan3A_2341 = %get3A_976, %scan3A_2342 = %get3A_981, %scan3A_2343 = %get3A_986, %scan3A_2344 = %get3A_991) -> (vector<16xf32>, vector<16xf32>, vector<16xf32>, vector<16xf32>, vector<16xf32>, vector<16xf32>, vector<16xf32>, vector<16xf32>)  : i32 {
        %get3A_2345 = arith.index_cast %scan3A_2336 : i32 to index
        %get3A_2346 = arith.constant 0 : index
        %get3A_2347 = tpu.vector_load %arg7[%get3A_2345, %get3A_2346] {strides = array<i32>} : memref<200x64xf32, #tpu.memory_space<vmem>>, vector<1x16xf32>,
        %get3A_2348 = vector.shape_cast %get3A_2347 : vector<1x16xf32> to vector<16xf32>
        %min3A_2349 = arith.minimumf %scan3A_2337, %get3A_2348 : vector<16xf32>
        %max3A_2350 = arith.maximumf %scan3A_2341, %get3A_2348 : vector<16xf32>
        %get3A_2351 = arith.index_cast %scan3A_2336 : i32 to index
        %get3A_2352 = arith.constant 16 : index
        %get3A_2353 = tpu.vector_load %arg7[%get3A_2351, %get3A_2352] {strides = array<i32>} : memref<200x64xf32, #tpu.memory_space<vmem>>, vector<1x16xf32>,
        %get3A_2354 = vector.shape_cast %get3A_2353 : vector<1x16xf32> to vector<16xf32>
        %min3A_2355 = arith.minimumf %scan3A_2338, %get3A_2354 : vector<16xf32>
        %max3A_2356 = arith.maximumf %scan3A_2342, %get3A_2354 : vector<16xf32>
        %get3A_2357 = arith.index_cast %scan3A_2336 : i32 to index
        %get3A_2358 = arith.constant 32 : index
        %get3A_2359 = tpu.vector_load %arg7[%get3A_2357, %get3A_2358] {strides = array<i32>} : memref<200x64xf32, #tpu.memory_space<vmem>>, vector<1x16xf32>,
        %get3A_2360 = vector.shape_cast %get3A_2359 : vector<1x16xf32> to vector<16xf32>
        %min3A_2361 = arith.minimumf %scan3A_2339, %get3A_2360 : vector<16xf32>
        %max3A_2362 = arith.maximumf %scan3A_2343, %get3A_2360 : vector<16xf32>
        %get3A_2363 = arith.index_cast %scan3A_2336 : i32 to index
        %get3A_2364 = arith.constant 48 : index
        %get3A_2365 = tpu.vector_load %arg7[%get3A_2363, %get3A_2364] {strides = array<i32>} : memref<200x64xf32, #tpu.memory_space<vmem>>, vector<1x16xf32>,
        %get3A_2366 = vector.shape_cast %get3A_2365 : vector<1x16xf32> to vector<16xf32>
        %min3A_2367 = arith.minimumf %scan3A_2340, %get3A_2366 : vector<16xf32>
        %max3A_2368 = arith.maximumf %scan3A_2344, %get3A_2366 : vector<16xf32>
        %scan3A_2369 = arith.constant 1 : i32
        %scan3A_2370 = arith.addi %scan3A_2336, %scan3A_2369 : i32
        %get3A_2371 = arith.index_cast %scan3A_2370 : i32 to index
        %get3A_2372 = arith.constant 0 : index
        %get3A_2373 = tpu.vector_load %arg7[%get3A_2371, %get3A_2372] {strides = array<i32>} : memref<200x64xf32, #tpu.memory_space<vmem>>, vector<1x16xf32>,
        %get3A_2374 = vector.shape_cast %get3A_2373 : vector<1x16xf32> to vector<16xf32>
        %min3A_2375 = arith.minimumf %min3A_2349, %get3A_2374 : vector<16xf32>
        %max3A_2376 = arith.maximumf %max3A_2350, %get3A_2374 : vector<16xf32>
        %get3A_2377 = arith.index_cast %scan3A_2370 : i32 to index
        %get3A_2378 = arith.constant 16 : index
        %get3A_2379 = tpu.vector_load %arg7[%get3A_2377, %get3A_2378] {strides = array<i32>} : memref<200x64xf32, #tpu.memory_space<vmem>>, vector<1x16xf32>,
        %get3A_2380 = vector.shape_cast %get3A_2379 : vector<1x16xf32> to vector<16xf32>
        %min3A_2381 = arith.minimumf %min3A_2355, %get3A_2380 : vector<16xf32>
        %max3A_2382 = arith.maximumf %max3A_2356, %get3A_2380 : vector<16xf32>
        %get3A_2383 = arith.index_cast %scan3A_2370 : i32 to index
        %get3A_2384 = arith.constant 32 : index
        %get3A_2385 = tpu.vector_load %arg7[%get3A_2383, %get3A_2384] {strides = array<i32>} : memref<200x64xf32, #tpu.memory_space<vmem>>, vector<1x16xf32>,
        %get3A_2386 = vector.shape_cast %get3A_2385 : vector<1x16xf32> to vector<16xf32>
        %min3A_2387 = arith.minimumf %min3A_2361, %get3A_2386 : vector<16xf32>
        %max3A_2388 = arith.maximumf %max3A_2362, %get3A_2386 : vector<16xf32>
        %get3A_2389 = arith.index_cast %scan3A_2370 : i32 to index
        %get3A_2390 = arith.constant 48 : index
        %get3A_2391 = tpu.vector_load %arg7[%get3A_2389, %get3A_2390] {strides = array<i32>} : memref<200x64xf32, #tpu.memory_space<vmem>>, vector<1x16xf32>,
        %get3A_2392 = vector.shape_cast %get3A_2391 : vector<1x16xf32> to vector<16xf32>
        %min3A_2393 = arith.minimumf %min3A_2367, %get3A_2392 : vector<16xf32>
        %max3A_2394 = arith.maximumf %max3A_2368, %get3A_2392 : vector<16xf32>
        %scan3A_2395 = arith.constant 2 : i32
        %scan3A_2396 = arith.addi %scan3A_2336, %scan3A_2395 : i32
        %get3A_2397 = arith.index_cast %scan3A_2396 : i32 to index
        %get3A_2398 = arith.constant 0 : index
        %get3A_2399 = tpu.vector_load %arg7[%get3A_2397, %get3A_2398] {strides = array<i32>} : memref<200x64xf32, #tpu.memory_space<vmem>>, vector<1x16xf32>,
        %get3A_2400 = vector.shape_cast %get3A_2399 : vector<1x16xf32> to vector<16xf32>
        %min3A_2401 = arith.minimumf %min3A_2375, %get3A_2400 : vector<16xf32>
        %max3A_2402 = arith.maximumf %max3A_2376, %get3A_2400 : vector<16xf32>
        %get3A_2403 = arith.index_cast %scan3A_2396 : i32 to index
        %get3A_2404 = arith.constant 16 : index
        %get3A_2405 = tpu.vector_load %arg7[%get3A_2403, %get3A_2404] {strides = array<i32>} : memref<200x64xf32, #tpu.memory_space<vmem>>, vector<1x16xf32>,
        %get3A_2406 = vector.shape_cast %get3A_2405 : vector<1x16xf32> to vector<16xf32>
        %min3A_2407 = arith.minimumf %min3A_2381, %get3A_2406 : vector<16xf32>
        %max3A_2408 = arith.maximumf %max3A_2382, %get3A_2406 : vector<16xf32>
        %get3A_2409 = arith.index_cast %scan3A_2396 : i32 to index
        %get3A_2410 = arith.constant 32 : index
        %get3A_2411 = tpu.vector_load %arg7[%get3A_2409, %get3A_2410] {strides = array<i32>} : memref<200x64xf32, #tpu.memory_space<vmem>>, vector<1x16xf32>,
        %get3A_2412 = vector.shape_cast %get3A_2411 : vector<1x16xf32> to vector<16xf32>
        %min3A_2413 = arith.minimumf %min3A_2387, %get3A_2412 : vector<16xf32>
        %max3A_2414 = arith.maximumf %max3A_2388, %get3A_2412 : vector<16xf32>
        %get3A_2415 = arith.index_cast %scan3A_2396 : i32 to index
        %get3A_2416 = arith.constant 48 : index
        %get3A_2417 = tpu.vector_load %arg7[%get3A_2415, %get3A_2416] {strides = array<i32>} : memref<200x64xf32, #tpu.memory_space<vmem>>, vector<1x16xf32>,
        %get3A_2418 = vector.shape_cast %get3A_2417 : vector<1x16xf32> to vector<16xf32>
        %min3A_2419 = arith.minimumf %min3A_2393, %get3A_2418 : vector<16xf32>
        %max3A_2420 = arith.maximumf %max3A_2394, %get3A_2418 : vector<16xf32>
        %scan3A_2421 = arith.constant 3 : i32
        %scan3A_2422 = arith.addi %scan3A_2336, %scan3A_2421 : i32
        %get3A_2423 = arith.index_cast %scan3A_2422 : i32 to index
        %get3A_2424 = arith.constant 0 : index
        %get3A_2425 = tpu.vector_load %arg7[%get3A_2423, %get3A_2424] {strides = array<i32>} : memref<200x64xf32, #tpu.memory_space<vmem>>, vector<1x16xf32>,
        %get3A_2426 = vector.shape_cast %get3A_2425 : vector<1x16xf32> to vector<16xf32>
        %min3A_2427 = arith.minimumf %min3A_2401, %get3A_2426 : vector<16xf32>
        %max3A_2428 = arith.maximumf %max3A_2402, %get3A_2426 : vector<16xf32>
        %get3A_2429 = arith.index_cast %scan3A_2422 : i32 to index
        %get3A_2430 = arith.constant 16 : index
        %get3A_2431 = tpu.vector_load %arg7[%get3A_2429, %get3A_2430] {strides = array<i32>} : memref<200x64xf32, #tpu.memory_space<vmem>>, vector<1x16xf32>,
        %get3A_2432 = vector.shape_cast %get3A_2431 : vector<1x16xf32> to vector<16xf32>
        %min3A_2433 = arith.minimumf %min3A_2407, %get3A_2432 : vector<16xf32>
        %max3A_2434 = arith.maximumf %max3A_2408, %get3A_2432 : vector<16xf32>
        %get3A_2435 = arith.index_cast %scan3A_2422 : i32 to index
        %get3A_2436 = arith.constant 32 : index
        %get3A_2437 = tpu.vector_load %arg7[%get3A_2435, %get3A_2436] {strides = array<i32>} : memref<200x64xf32, #tpu.memory_space<vmem>>, vector<1x16xf32>,
        %get3A_2438 = vector.shape_cast %get3A_2437 : vector<1x16xf32> to vector<16xf32>
        %min3A_2439 = arith.minimumf %min3A_2413, %get3A_2438 : vector<16xf32>
        %max3A_2440 = arith.maximumf %max3A_2414, %get3A_2438 : vector<16xf32>
        %get3A_2441 = arith.index_cast %scan3A_2422 : i32 to index
        %get3A_2442 = arith.constant 48 : index
        %get3A_2443 = tpu.vector_load %arg7[%get3A_2441, %get3A_2442] {strides = array<i32>} : memref<200x64xf32, #tpu.memory_space<vmem>>, vector<1x16xf32>,
        %get3A_2444 = vector.shape_cast %get3A_2443 : vector<1x16xf32> to vector<16xf32>
        %min3A_2445 = arith.minimumf %min3A_2419, %get3A_2444 : vector<16xf32>
        %max3A_2446 = arith.maximumf %max3A_2420, %get3A_2444 : vector<16xf32>
        %scan3A_2447 = arith.constant 4 : i32
        %scan3A_2448 = arith.addi %scan3A_2336, %scan3A_2447 : i32
        %get3A_2449 = arith.index_cast %scan3A_2448 : i32 to index
        %get3A_2450 = arith.constant 0 : index
        %get3A_2451 = tpu.vector_load %arg7[%get3A_2449, %get3A_2450] {strides = array<i32>} : memref<200x64xf32, #tpu.memory_space<vmem>>, vector<1x16xf32>,
        %get3A_2452 = vector.shape_cast %get3A_2451 : vector<1x16xf32> to vector<16xf32>
        %min3A_2453 = arith.minimumf %min3A_2427, %get3A_2452 : vector<16xf32>
        %max3A_2454 = arith.maximumf %max3A_2428, %get3A_2452 : vector<16xf32>
        %get3A_2455 = arith.index_cast %scan3A_2448 : i32 to index
        %get3A_2456 = arith.constant 16 : index
        %get3A_2457 = tpu.vector_load %arg7[%get3A_2455, %get3A_2456] {strides = array<i32>} : memref<200x64xf32, #tpu.memory_space<vmem>>, vector<1x16xf32>,
        %get3A_2458 = vector.shape_cast %get3A_2457 : vector<1x16xf32> to vector<16xf32>
        %min3A_2459 = arith.minimumf %min3A_2433, %get3A_2458 : vector<16xf32>
        %max3A_2460 = arith.maximumf %max3A_2434, %get3A_2458 : vector<16xf32>
        %get3A_2461 = arith.index_cast %scan3A_2448 : i32 to index
        %get3A_2462 = arith.constant 32 : index
        %get3A_2463 = tpu.vector_load %arg7[%get3A_2461, %get3A_2462] {strides = array<i32>} : memref<200x64xf32, #tpu.memory_space<vmem>>, vector<1x16xf32>,
        %get3A_2464 = vector.shape_cast %get3A_2463 : vector<1x16xf32> to vector<16xf32>
        %min3A_2465 = arith.minimumf %min3A_2439, %get3A_2464 : vector<16xf32>
        %max3A_2466 = arith.maximumf %max3A_2440, %get3A_2464 : vector<16xf32>
        %get3A_2467 = arith.index_cast %scan3A_2448 : i32 to index
        %get3A_2468 = arith.constant 48 : index
        %get3A_2469 = tpu.vector_load %arg7[%get3A_2467, %get3A_2468] {strides = array<i32>} : memref<200x64xf32, #tpu.memory_space<vmem>>, vector<1x16xf32>,
        %get3A_2470 = vector.shape_cast %get3A_2469 : vector<1x16xf32> to vector<16xf32>
        %min3A_2471 = arith.minimumf %min3A_2445, %get3A_2470 : vector<16xf32>
        %max3A_2472 = arith.maximumf %max3A_2446, %get3A_2470 : vector<16xf32>
        %scan3A_2473 = arith.constant 5 : i32
        %scan3A_2474 = arith.addi %scan3A_2336, %scan3A_2473 : i32
        %get3A_2475 = arith.index_cast %scan3A_2474 : i32 to index
        %get3A_2476 = arith.constant 0 : index
        %get3A_2477 = tpu.vector_load %arg7[%get3A_2475, %get3A_2476] {strides = array<i32>} : memref<200x64xf32, #tpu.memory_space<vmem>>, vector<1x16xf32>,
        %get3A_2478 = vector.shape_cast %get3A_2477 : vector<1x16xf32> to vector<16xf32>
        %min3A_2479 = arith.minimumf %min3A_2453, %get3A_2478 : vector<16xf32>
        %max3A_2480 = arith.maximumf %max3A_2454, %get3A_2478 : vector<16xf32>
        %get3A_2481 = arith.index_cast %scan3A_2474 : i32 to index
        %get3A_2482 = arith.constant 16 : index
        %get3A_2483 = tpu.vector_load %arg7[%get3A_2481, %get3A_2482] {strides = array<i32>} : memref<200x64xf32, #tpu.memory_space<vmem>>, vector<1x16xf32>,
        %get3A_2484 = vector.shape_cast %get3A_2483 : vector<1x16xf32> to vector<16xf32>
        %min3A_2485 = arith.minimumf %min3A_2459, %get3A_2484 : vector<16xf32>
        %max3A_2486 = arith.maximumf %max3A_2460, %get3A_2484 : vector<16xf32>
        %get3A_2487 = arith.index_cast %scan3A_2474 : i32 to index
        %get3A_2488 = arith.constant 32 : index
        %get3A_2489 = tpu.vector_load %arg7[%get3A_2487, %get3A_2488] {strides = array<i32>} : memref<200x64xf32, #tpu.memory_space<vmem>>, vector<1x16xf32>,
        %get3A_2490 = vector.shape_cast %get3A_2489 : vector<1x16xf32> to vector<16xf32>
        %min3A_2491 = arith.minimumf %min3A_2465, %get3A_2490 : vector<16xf32>
        %max3A_2492 = arith.maximumf %max3A_2466, %get3A_2490 : vector<16xf32>
        %get3A_2493 = arith.index_cast %scan3A_2474 : i32 to index
        %get3A_2494 = arith.constant 48 : index
        %get3A_2495 = tpu.vector_load %arg7[%get3A_2493, %get3A_2494] {strides = array<i32>} : memref<200x64xf32, #tpu.memory_space<vmem>>, vector<1x16xf32>,
        %get3A_2496 = vector.shape_cast %get3A_2495 : vector<1x16xf32> to vector<16xf32>
        %min3A_2497 = arith.minimumf %min3A_2471, %get3A_2496 : vector<16xf32>
        %max3A_2498 = arith.maximumf %max3A_2472, %get3A_2496 : vector<16xf32>
        %scan3A_2499 = arith.constant 6 : i32
        %scan3A_2500 = arith.addi %scan3A_2336, %scan3A_2499 : i32
        %get3A_2501 = arith.index_cast %scan3A_2500 : i32 to index
        %get3A_2502 = arith.constant 0 : index
        %get3A_2503 = tpu.vector_load %arg7[%get3A_2501, %get3A_2502] {strides = array<i32>} : memref<200x64xf32, #tpu.memory_space<vmem>>, vector<1x16xf32>,
        %get3A_2504 = vector.shape_cast %get3A_2503 : vector<1x16xf32> to vector<16xf32>
        %min3A_2505 = arith.minimumf %min3A_2479, %get3A_2504 : vector<16xf32>
        %max3A_2506 = arith.maximumf %max3A_2480, %get3A_2504 : vector<16xf32>
        %get3A_2507 = arith.index_cast %scan3A_2500 : i32 to index
        %get3A_2508 = arith.constant 16 : index
        %get3A_2509 = tpu.vector_load %arg7[%get3A_2507, %get3A_2508] {strides = array<i32>} : memref<200x64xf32, #tpu.memory_space<vmem>>, vector<1x16xf32>,
        %get3A_2510 = vector.shape_cast %get3A_2509 : vector<1x16xf32> to vector<16xf32>
        %min3A_2511 = arith.minimumf %min3A_2485, %get3A_2510 : vector<16xf32>
        %max3A_2512 = arith.maximumf %max3A_2486, %get3A_2510 : vector<16xf32>
        %get3A_2513 = arith.index_cast %scan3A_2500 : i32 to index
        %get3A_2514 = arith.constant 32 : index
        %get3A_2515 = tpu.vector_load %arg7[%get3A_2513, %get3A_2514] {strides = array<i32>} : memref<200x64xf32, #tpu.memory_space<vmem>>, vector<1x16xf32>,
        %get3A_2516 = vector.shape_cast %get3A_2515 : vector<1x16xf32> to vector<16xf32>
        %min3A_2517 = arith.minimumf %min3A_2491, %get3A_2516 : vector<16xf32>
        %max3A_2518 = arith.maximumf %max3A_2492, %get3A_2516 : vector<16xf32>
        %get3A_2519 = arith.index_cast %scan3A_2500 : i32 to index
        %get3A_2520 = arith.constant 48 : index
        %get3A_2521 = tpu.vector_load %arg7[%get3A_2519, %get3A_2520] {strides = array<i32>} : memref<200x64xf32, #tpu.memory_space<vmem>>, vector<1x16xf32>,
        %get3A_2522 = vector.shape_cast %get3A_2521 : vector<1x16xf32> to vector<16xf32>
        %min3A_2523 = arith.minimumf %min3A_2497, %get3A_2522 : vector<16xf32>
        %max3A_2524 = arith.maximumf %max3A_2498, %get3A_2522 : vector<16xf32>
        %scan3A_2525 = arith.constant 7 : i32
        %scan3A_2526 = arith.addi %scan3A_2336, %scan3A_2525 : i32
        %get3A_2527 = arith.index_cast %scan3A_2526 : i32 to index
        %get3A_2528 = arith.constant 0 : index
        %get3A_2529 = tpu.vector_load %arg7[%get3A_2527, %get3A_2528] {strides = array<i32>} : memref<200x64xf32, #tpu.memory_space<vmem>>, vector<1x16xf32>,
        %get3A_2530 = vector.shape_cast %get3A_2529 : vector<1x16xf32> to vector<16xf32>
        %min3A_2531 = arith.minimumf %min3A_2505, %get3A_2530 : vector<16xf32>
        %max3A_2532 = arith.maximumf %max3A_2506, %get3A_2530 : vector<16xf32>
        %get3A_2533 = arith.index_cast %scan3A_2526 : i32 to index
        %get3A_2534 = arith.constant 16 : index
        %get3A_2535 = tpu.vector_load %arg7[%get3A_2533, %get3A_2534] {strides = array<i32>} : memref<200x64xf32, #tpu.memory_space<vmem>>, vector<1x16xf32>,
        %get3A_2536 = vector.shape_cast %get3A_2535 : vector<1x16xf32> to vector<16xf32>
        %min3A_2537 = arith.minimumf %min3A_2511, %get3A_2536 : vector<16xf32>
        %max3A_2538 = arith.maximumf %max3A_2512, %get3A_2536 : vector<16xf32>
        %get3A_2539 = arith.index_cast %scan3A_2526 : i32 to index
        %get3A_2540 = arith.constant 32 : index
        %get3A_2541 = tpu.vector_load %arg7[%get3A_2539, %get3A_2540] {strides = array<i32>} : memref<200x64xf32, #tpu.memory_space<vmem>>, vector<1x16xf32>,
        %get3A_2542 = vector.shape_cast %get3A_2541 : vector<1x16xf32> to vector<16xf32>
        %min3A_2543 = arith.minimumf %min3A_2517, %get3A_2542 : vector<16xf32>
        %max3A_2544 = arith.maximumf %max3A_2518, %get3A_2542 : vector<16xf32>
        %get3A_2545 = arith.index_cast %scan3A_2526 : i32 to index
        %get3A_2546 = arith.constant 48 : index
        %get3A_2547 = tpu.vector_load %arg7[%get3A_2545, %get3A_2546] {strides = array<i32>} : memref<200x64xf32, #tpu.memory_space<vmem>>, vector<1x16xf32>,
        %get3A_2548 = vector.shape_cast %get3A_2547 : vector<1x16xf32> to vector<16xf32>
        %min3A_2549 = arith.minimumf %min3A_2523, %get3A_2548 : vector<16xf32>
        %max3A_2550 = arith.maximumf %max3A_2524, %get3A_2548 : vector<16xf32>
        scf.yield %min3A_2531, %min3A_2537, %min3A_2543, %min3A_2549, %max3A_2532, %max3A_2538, %max3A_2544, %max3A_2550 : vector<16xf32>, vector<16xf32>, vector<16xf32>, vector<16xf32>, vector<16xf32>, vector<16xf32>, vector<16xf32>, vector<16xf32>
      }
      %scan3A_997 = arith.constant 192 : i32
      %scan3A_998 = arith.addi %scan3A_992, %scan3A_997 : i32
      %get3A_999 = arith.index_cast %scan3A_998 : i32 to index
      %get3A_1000 = arith.constant 0 : index
      %get3A_1001 = tpu.vector_load %arg7[%get3A_999, %get3A_1000] {strides = array<i32>} : memref<200x64xf32, #tpu.memory_space<vmem>>, vector<1x16xf32>,
      %get3A_1002 = vector.shape_cast %get3A_1001 : vector<1x16xf32> to vector<16xf32>
      %min3A_1003 = arith.minimumf %scan3A_996#0, %get3A_1002 : vector<16xf32>
      %max3A_1004 = arith.maximumf %scan3A_996#4, %get3A_1002 : vector<16xf32>
      %get3A_1005 = arith.index_cast %scan3A_998 : i32 to index
      %get3A_1006 = arith.constant 16 : index
      %get3A_1007 = tpu.vector_load %arg7[%get3A_1005, %get3A_1006] {strides = array<i32>} : memref<200x64xf32, #tpu.memory_space<vmem>>, vector<1x16xf32>,
      %get3A_1008 = vector.shape_cast %get3A_1007 : vector<1x16xf32> to vector<16xf32>
      %min3A_1009 = arith.minimumf %scan3A_996#1, %get3A_1008 : vector<16xf32>
      %max3A_1010 = arith.maximumf %scan3A_996#5, %get3A_1008 : vector<16xf32>
      %get3A_1011 = arith.index_cast %scan3A_998 : i32 to index
      %get3A_1012 = arith.constant 32 : index
      %get3A_1013 = tpu.vector_load %arg7[%get3A_1011, %get3A_1012] {strides = array<i32>} : memref<200x64xf32, #tpu.memory_space<vmem>>, vector<1x16xf32>,
      %get3A_1014 = vector.shape_cast %get3A_1013 : vector<1x16xf32> to vector<16xf32>
      %min3A_1015 = arith.minimumf %scan3A_996#2, %get3A_1014 : vector<16xf32>
      %max3A_1016 = arith.maximumf %scan3A_996#6, %get3A_1014 : vector<16xf32>
      %get3A_1017 = arith.index_cast %scan3A_998 : i32 to index
      %get3A_1018 = arith.constant 48 : index
      %get3A_1019 = tpu.vector_load %arg7[%get3A_1017, %get3A_1018] {strides = array<i32>} : memref<200x64xf32, #tpu.memory_space<vmem>>, vector<1x16xf32>,
      %get3A_1020 = vector.shape_cast %get3A_1019 : vector<1x16xf32> to vector<16xf32>
      %min3A_1021 = arith.minimumf %scan3A_996#3, %get3A_1020 : vector<16xf32>
      %max3A_1022 = arith.maximumf %scan3A_996#7, %get3A_1020 : vector<16xf32>
      %scan3A_1023 = arith.constant 193 : i32
      %scan3A_1024 = arith.addi %scan3A_992, %scan3A_1023 : i32
      %get3A_1025 = arith.index_cast %scan3A_1024 : i32 to index
      %get3A_1026 = arith.constant 0 : index
      %get3A_1027 = tpu.vector_load %arg7[%get3A_1025, %get3A_1026] {strides = array<i32>} : memref<200x64xf32, #tpu.memory_space<vmem>>, vector<1x16xf32>,
      %get3A_1028 = vector.shape_cast %get3A_1027 : vector<1x16xf32> to vector<16xf32>
      %min3A_1029 = arith.minimumf %min3A_1003, %get3A_1028 : vector<16xf32>
      %max3A_1030 = arith.maximumf %max3A_1004, %get3A_1028 : vector<16xf32>
      %get3A_1031 = arith.index_cast %scan3A_1024 : i32 to index
      %get3A_1032 = arith.constant 16 : index
      %get3A_1033 = tpu.vector_load %arg7[%get3A_1031, %get3A_1032] {strides = array<i32>} : memref<200x64xf32, #tpu.memory_space<vmem>>, vector<1x16xf32>,
      %get3A_1034 = vector.shape_cast %get3A_1033 : vector<1x16xf32> to vector<16xf32>
      %min3A_1035 = arith.minimumf %min3A_1009, %get3A_1034 : vector<16xf32>
      %max3A_1036 = arith.maximumf %max3A_1010, %get3A_1034 : vector<16xf32>
      %get3A_1037 = arith.index_cast %scan3A_1024 : i32 to index
      %get3A_1038 = arith.constant 32 : index
      %get3A_1039 = tpu.vector_load %arg7[%get3A_1037, %get3A_1038] {strides = array<i32>} : memref<200x64xf32, #tpu.memory_space<vmem>>, vector<1x16xf32>,
      %get3A_1040 = vector.shape_cast %get3A_1039 : vector<1x16xf32> to vector<16xf32>
      %min3A_1041 = arith.minimumf %min3A_1015, %get3A_1040 : vector<16xf32>
      %max3A_1042 = arith.maximumf %max3A_1016, %get3A_1040 : vector<16xf32>
      %get3A_1043 = arith.index_cast %scan3A_1024 : i32 to index
      %get3A_1044 = arith.constant 48 : index
      %get3A_1045 = tpu.vector_load %arg7[%get3A_1043, %get3A_1044] {strides = array<i32>} : memref<200x64xf32, #tpu.memory_space<vmem>>, vector<1x16xf32>,
      %get3A_1046 = vector.shape_cast %get3A_1045 : vector<1x16xf32> to vector<16xf32>
      %min3A_1047 = arith.minimumf %min3A_1021, %get3A_1046 : vector<16xf32>
      %max3A_1048 = arith.maximumf %max3A_1022, %get3A_1046 : vector<16xf32>
      %scan3A_1049 = arith.constant 194 : i32
      %scan3A_1050 = arith.addi %scan3A_992, %scan3A_1049 : i32
      %get3A_1051 = arith.index_cast %scan3A_1050 : i32 to index
      %get3A_1052 = arith.constant 0 : index
      %get3A_1053 = tpu.vector_load %arg7[%get3A_1051, %get3A_1052] {strides = array<i32>} : memref<200x64xf32, #tpu.memory_space<vmem>>, vector<1x16xf32>,
      %get3A_1054 = vector.shape_cast %get3A_1053 : vector<1x16xf32> to vector<16xf32>
      %min3A_1055 = arith.minimumf %min3A_1029, %get3A_1054 : vector<16xf32>
      %max3A_1056 = arith.maximumf %max3A_1030, %get3A_1054 : vector<16xf32>
      %get3A_1057 = arith.index_cast %scan3A_1050 : i32 to index
      %get3A_1058 = arith.constant 16 : index
      %get3A_1059 = tpu.vector_load %arg7[%get3A_1057, %get3A_1058] {strides = array<i32>} : memref<200x64xf32, #tpu.memory_space<vmem>>, vector<1x16xf32>,
      %get3A_1060 = vector.shape_cast %get3A_1059 : vector<1x16xf32> to vector<16xf32>
      %min3A_1061 = arith.minimumf %min3A_1035, %get3A_1060 : vector<16xf32>
      %max3A_1062 = arith.maximumf %max3A_1036, %get3A_1060 : vector<16xf32>
      %get3A_1063 = arith.index_cast %scan3A_1050 : i32 to index
      %get3A_1064 = arith.constant 32 : index
      %get3A_1065 = tpu.vector_load %arg7[%get3A_1063, %get3A_1064] {strides = array<i32>} : memref<200x64xf32, #tpu.memory_space<vmem>>, vector<1x16xf32>,
      %get3A_1066 = vector.shape_cast %get3A_1065 : vector<1x16xf32> to vector<16xf32>
      %min3A_1067 = arith.minimumf %min3A_1041, %get3A_1066 : vector<16xf32>
      %max3A_1068 = arith.maximumf %max3A_1042, %get3A_1066 : vector<16xf32>
      %get3A_1069 = arith.index_cast %scan3A_1050 : i32 to index
      %get3A_1070 = arith.constant 48 : index
      %get3A_1071 = tpu.vector_load %arg7[%get3A_1069, %get3A_1070] {strides = array<i32>} : memref<200x64xf32, #tpu.memory_space<vmem>>, vector<1x16xf32>,
      %get3A_1072 = vector.shape_cast %get3A_1071 : vector<1x16xf32> to vector<16xf32>
      %min3A_1073 = arith.minimumf %min3A_1047, %get3A_1072 : vector<16xf32>
      %max3A_1074 = arith.maximumf %max3A_1048, %get3A_1072 : vector<16xf32>
      %scan3A_1075 = arith.constant 195 : i32
      %scan3A_1076 = arith.addi %scan3A_992, %scan3A_1075 : i32
      %get3A_1077 = arith.index_cast %scan3A_1076 : i32 to index
      %get3A_1078 = arith.constant 0 : index
      %get3A_1079 = tpu.vector_load %arg7[%get3A_1077, %get3A_1078] {strides = array<i32>} : memref<200x64xf32, #tpu.memory_space<vmem>>, vector<1x16xf32>,
      %get3A_1080 = vector.shape_cast %get3A_1079 : vector<1x16xf32> to vector<16xf32>
      %min3A_1081 = arith.minimumf %min3A_1055, %get3A_1080 : vector<16xf32>
      %max3A_1082 = arith.maximumf %max3A_1056, %get3A_1080 : vector<16xf32>
      %get3A_1083 = arith.index_cast %scan3A_1076 : i32 to index
      %get3A_1084 = arith.constant 16 : index
      %get3A_1085 = tpu.vector_load %arg7[%get3A_1083, %get3A_1084] {strides = array<i32>} : memref<200x64xf32, #tpu.memory_space<vmem>>, vector<1x16xf32>,
      %get3A_1086 = vector.shape_cast %get3A_1085 : vector<1x16xf32> to vector<16xf32>
      %min3A_1087 = arith.minimumf %min3A_1061, %get3A_1086 : vector<16xf32>
      %max3A_1088 = arith.maximumf %max3A_1062, %get3A_1086 : vector<16xf32>
      %get3A_1089 = arith.index_cast %scan3A_1076 : i32 to index
      %get3A_1090 = arith.constant 32 : index
      %get3A_1091 = tpu.vector_load %arg7[%get3A_1089, %get3A_1090] {strides = array<i32>} : memref<200x64xf32, #tpu.memory_space<vmem>>, vector<1x16xf32>,
      %get3A_1092 = vector.shape_cast %get3A_1091 : vector<1x16xf32> to vector<16xf32>
      %min3A_1093 = arith.minimumf %min3A_1067, %get3A_1092 : vector<16xf32>
      %max3A_1094 = arith.maximumf %max3A_1068, %get3A_1092 : vector<16xf32>
      %get3A_1095 = arith.index_cast %scan3A_1076 : i32 to index
      %get3A_1096 = arith.constant 48 : index
      %get3A_1097 = tpu.vector_load %arg7[%get3A_1095, %get3A_1096] {strides = array<i32>} : memref<200x64xf32, #tpu.memory_space<vmem>>, vector<1x16xf32>,
      %get3A_1098 = vector.shape_cast %get3A_1097 : vector<1x16xf32> to vector<16xf32>
      %min3A_1099 = arith.minimumf %min3A_1073, %get3A_1098 : vector<16xf32>
      %max3A_1100 = arith.maximumf %max3A_1074, %get3A_1098 : vector<16xf32>
      %scan3A_1101 = arith.constant 196 : i32
      %scan3A_1102 = arith.addi %scan3A_992, %scan3A_1101 : i32
      %get3A_1103 = arith.index_cast %scan3A_1102 : i32 to index
      %get3A_1104 = arith.constant 0 : index
      %get3A_1105 = tpu.vector_load %arg7[%get3A_1103, %get3A_1104] {strides = array<i32>} : memref<200x64xf32, #tpu.memory_space<vmem>>, vector<1x16xf32>,
      %get3A_1106 = vector.shape_cast %get3A_1105 : vector<1x16xf32> to vector<16xf32>
      %min3A_1107 = arith.minimumf %min3A_1081, %get3A_1106 : vector<16xf32>
      %max3A_1108 = arith.maximumf %max3A_1082, %get3A_1106 : vector<16xf32>
      %get3A_1109 = arith.index_cast %scan3A_1102 : i32 to index
      %get3A_1110 = arith.constant 16 : index
      %get3A_1111 = tpu.vector_load %arg7[%get3A_1109, %get3A_1110] {strides = array<i32>} : memref<200x64xf32, #tpu.memory_space<vmem>>, vector<1x16xf32>,
      %get3A_1112 = vector.shape_cast %get3A_1111 : vector<1x16xf32> to vector<16xf32>
      %min3A_1113 = arith.minimumf %min3A_1087, %get3A_1112 : vector<16xf32>
      %max3A_1114 = arith.maximumf %max3A_1088, %get3A_1112 : vector<16xf32>
      %get3A_1115 = arith.index_cast %scan3A_1102 : i32 to index
      %get3A_1116 = arith.constant 32 : index
      %get3A_1117 = tpu.vector_load %arg7[%get3A_1115, %get3A_1116] {strides = array<i32>} : memref<200x64xf32, #tpu.memory_space<vmem>>, vector<1x16xf32>,
      %get3A_1118 = vector.shape_cast %get3A_1117 : vector<1x16xf32> to vector<16xf32>
      %min3A_1119 = arith.minimumf %min3A_1093, %get3A_1118 : vector<16xf32>
      %max3A_1120 = arith.maximumf %max3A_1094, %get3A_1118 : vector<16xf32>
      %get3A_1121 = arith.index_cast %scan3A_1102 : i32 to index
      %get3A_1122 = arith.constant 48 : index
      %get3A_1123 = tpu.vector_load %arg7[%get3A_1121, %get3A_1122] {strides = array<i32>} : memref<200x64xf32, #tpu.memory_space<vmem>>, vector<1x16xf32>,
      %get3A_1124 = vector.shape_cast %get3A_1123 : vector<1x16xf32> to vector<16xf32>
      %min3A_1125 = arith.minimumf %min3A_1099, %get3A_1124 : vector<16xf32>
      %max3A_1126 = arith.maximumf %max3A_1100, %get3A_1124 : vector<16xf32>
      %scan3A_1127 = arith.constant 197 : i32
      %scan3A_1128 = arith.addi %scan3A_992, %scan3A_1127 : i32
      %get3A_1129 = arith.index_cast %scan3A_1128 : i32 to index
      %get3A_1130 = arith.constant 0 : index
      %get3A_1131 = tpu.vector_load %arg7[%get3A_1129, %get3A_1130] {strides = array<i32>} : memref<200x64xf32, #tpu.memory_space<vmem>>, vector<1x16xf32>,
      %get3A_1132 = vector.shape_cast %get3A_1131 : vector<1x16xf32> to vector<16xf32>
      %min3A_1133 = arith.minimumf %min3A_1107, %get3A_1132 : vector<16xf32>
      %max3A_1134 = arith.maximumf %max3A_1108, %get3A_1132 : vector<16xf32>
      %get3A_1135 = arith.index_cast %scan3A_1128 : i32 to index
      %get3A_1136 = arith.constant 16 : index
      %get3A_1137 = tpu.vector_load %arg7[%get3A_1135, %get3A_1136] {strides = array<i32>} : memref<200x64xf32, #tpu.memory_space<vmem>>, vector<1x16xf32>,
      %get3A_1138 = vector.shape_cast %get3A_1137 : vector<1x16xf32> to vector<16xf32>
      %min3A_1139 = arith.minimumf %min3A_1113, %get3A_1138 : vector<16xf32>
      %max3A_1140 = arith.maximumf %max3A_1114, %get3A_1138 : vector<16xf32>
      %get3A_1141 = arith.index_cast %scan3A_1128 : i32 to index
      %get3A_1142 = arith.constant 32 : index
      %get3A_1143 = tpu.vector_load %arg7[%get3A_1141, %get3A_1142] {strides = array<i32>} : memref<200x64xf32, #tpu.memory_space<vmem>>, vector<1x16xf32>,
      %get3A_1144 = vector.shape_cast %get3A_1143 : vector<1x16xf32> to vector<16xf32>
      %min3A_1145 = arith.minimumf %min3A_1119, %get3A_1144 : vector<16xf32>
      %max3A_1146 = arith.maximumf %max3A_1120, %get3A_1144 : vector<16xf32>
      %get3A_1147 = arith.index_cast %scan3A_1128 : i32 to index
      %get3A_1148 = arith.constant 48 : index
      %get3A_1149 = tpu.vector_load %arg7[%get3A_1147, %get3A_1148] {strides = array<i32>} : memref<200x64xf32, #tpu.memory_space<vmem>>, vector<1x16xf32>,
      %get3A_1150 = vector.shape_cast %get3A_1149 : vector<1x16xf32> to vector<16xf32>
      %min3A_1151 = arith.minimumf %min3A_1125, %get3A_1150 : vector<16xf32>
      %max3A_1152 = arith.maximumf %max3A_1126, %get3A_1150 : vector<16xf32>
      %scan3A_1153 = arith.constant 198 : i32
      %scan3A_1154 = arith.addi %scan3A_992, %scan3A_1153 : i32
      %get3A_1155 = arith.index_cast %scan3A_1154 : i32 to index
      %get3A_1156 = arith.constant 0 : index
      %get3A_1157 = tpu.vector_load %arg7[%get3A_1155, %get3A_1156] {strides = array<i32>} : memref<200x64xf32, #tpu.memory_space<vmem>>, vector<1x16xf32>,
      %get3A_1158 = vector.shape_cast %get3A_1157 : vector<1x16xf32> to vector<16xf32>
      %min3A_1159 = arith.minimumf %min3A_1133, %get3A_1158 : vector<16xf32>
      %max3A_1160 = arith.maximumf %max3A_1134, %get3A_1158 : vector<16xf32>
      %get3A_1161 = arith.index_cast %scan3A_1154 : i32 to index
      %get3A_1162 = arith.constant 16 : index
      %get3A_1163 = tpu.vector_load %arg7[%get3A_1161, %get3A_1162] {strides = array<i32>} : memref<200x64xf32, #tpu.memory_space<vmem>>, vector<1x16xf32>,
      %get3A_1164 = vector.shape_cast %get3A_1163 : vector<1x16xf32> to vector<16xf32>
      %min3A_1165 = arith.minimumf %min3A_1139, %get3A_1164 : vector<16xf32>
      %max3A_1166 = arith.maximumf %max3A_1140, %get3A_1164 : vector<16xf32>
      %get3A_1167 = arith.index_cast %scan3A_1154 : i32 to index
      %get3A_1168 = arith.constant 32 : index
      %get3A_1169 = tpu.vector_load %arg7[%get3A_1167, %get3A_1168] {strides = array<i32>} : memref<200x64xf32, #tpu.memory_space<vmem>>, vector<1x16xf32>,
      %get3A_1170 = vector.shape_cast %get3A_1169 : vector<1x16xf32> to vector<16xf32>
      %min3A_1171 = arith.minimumf %min3A_1145, %get3A_1170 : vector<16xf32>
      %max3A_1172 = arith.maximumf %max3A_1146, %get3A_1170 : vector<16xf32>
      %get3A_1173 = arith.index_cast %scan3A_1154 : i32 to index
      %get3A_1174 = arith.constant 48 : index
      %get3A_1175 = tpu.vector_load %arg7[%get3A_1173, %get3A_1174] {strides = array<i32>} : memref<200x64xf32, #tpu.memory_space<vmem>>, vector<1x16xf32>,
      %get3A_1176 = vector.shape_cast %get3A_1175 : vector<1x16xf32> to vector<16xf32>
      %min3A_1177 = arith.minimumf %min3A_1151, %get3A_1176 : vector<16xf32>
      %max3A_1178 = arith.maximumf %max3A_1152, %get3A_1176 : vector<16xf32>
      %scan3A_1179 = arith.constant 199 : i32
      %swap3A_1180 = arith.index_cast %add3A_971 : i32 to index
      %swap3A_1181 = arith.constant 0 : index
      %swap3A_1182 = tpu.vector_load %arg12[%swap3A_1180, %swap3A_1181] {strides = array<i32>} : memref<128x128xf32, #tpu.memory_space<vmem>>, vector<1x16xf32>,
      %swap3A_1183 = vector.shape_cast %swap3A_1182 : vector<1x16xf32> to vector<16xf32>
      %swap3A_1184 = vector.shape_cast %min3A_1159 : vector<16xf32> to vector<1x16xf32>
      tpu.vector_store %arg12[%swap3A_1180, %swap3A_1181], %swap3A_1184 {strides = array<i32>} : memref<128x128xf32, #tpu.memory_space<vmem>>, vector<1x16xf32>,
      %swap3A_1185 = arith.index_cast %add3A_971 : i32 to index
      %swap3A_1186 = arith.constant 64 : index
      %swap3A_1187 = tpu.vector_load %arg12[%swap3A_1185, %swap3A_1186] {strides = array<i32>} : memref<128x128xf32, #tpu.memory_space<vmem>>, vector<1x16xf32>,
      %swap3A_1188 = vector.shape_cast %swap3A_1187 : vector<1x16xf32> to vector<16xf32>
      %swap3A_1189 = vector.shape_cast %max3A_1160 : vector<16xf32> to vector<1x16xf32>
      tpu.vector_store %arg12[%swap3A_1185, %swap3A_1186], %swap3A_1189 {strides = array<i32>} : memref<128x128xf32, #tpu.memory_space<vmem>>, vector<1x16xf32>,
      %swap3A_1190 = arith.index_cast %add3A_971 : i32 to index
      %swap3A_1191 = arith.constant 16 : index
      %swap3A_1192 = tpu.vector_load %arg12[%swap3A_1190, %swap3A_1191] {strides = array<i32>} : memref<128x128xf32, #tpu.memory_space<vmem>>, vector<1x16xf32>,
      %swap3A_1193 = vector.shape_cast %swap3A_1192 : vector<1x16xf32> to vector<16xf32>
      %swap3A_1194 = vector.shape_cast %min3A_1165 : vector<16xf32> to vector<1x16xf32>
      tpu.vector_store %arg12[%swap3A_1190, %swap3A_1191], %swap3A_1194 {strides = array<i32>} : memref<128x128xf32, #tpu.memory_space<vmem>>, vector<1x16xf32>,
      %swap3A_1195 = arith.index_cast %add3A_971 : i32 to index
      %swap3A_1196 = arith.constant 80 : index
      %swap3A_1197 = tpu.vector_load %arg12[%swap3A_1195, %swap3A_1196] {strides = array<i32>} : memref<128x128xf32, #tpu.memory_space<vmem>>, vector<1x16xf32>,
      %swap3A_1198 = vector.shape_cast %swap3A_1197 : vector<1x16xf32> to vector<16xf32>
      %swap3A_1199 = vector.shape_cast %max3A_1166 : vector<16xf32> to vector<1x16xf32>
      tpu.vector_store %arg12[%swap3A_1195, %swap3A_1196], %swap3A_1199 {strides = array<i32>} : memref<128x128xf32, #tpu.memory_space<vmem>>, vector<1x16xf32>,
      %swap3A_1200 = arith.index_cast %add3A_971 : i32 to index
      %swap3A_1201 = arith.constant 32 : index
      %swap3A_1202 = tpu.vector_load %arg12[%swap3A_1200, %swap3A_1201] {strides = array<i32>} : memref<128x128xf32, #tpu.memory_space<vmem>>, vector<1x16xf32>,
      %swap3A_1203 = vector.shape_cast %swap3A_1202 : vector<1x16xf32> to vector<16xf32>
      %swap3A_1204 = vector.shape_cast %min3A_1171 : vector<16xf32> to vector<1x16xf32>
      tpu.vector_store %arg12[%swap3A_1200, %swap3A_1201], %swap3A_1204 {strides = array<i32>} : memref<128x128xf32, #tpu.memory_space<vmem>>, vector<1x16xf32>,
      %swap3A_1205 = arith.index_cast %add3A_971 : i32 to index
      %swap3A_1206 = arith.constant 96 : index
      %swap3A_1207 = tpu.vector_load %arg12[%swap3A_1205, %swap3A_1206] {strides = array<i32>} : memref<128x128xf32, #tpu.memory_space<vmem>>, vector<1x16xf32>,
      %swap3A_1208 = vector.shape_cast %swap3A_1207 : vector<1x16xf32> to vector<16xf32>
      %swap3A_1209 = vector.shape_cast %max3A_1172 : vector<16xf32> to vector<1x16xf32>
      tpu.vector_store %arg12[%swap3A_1205, %swap3A_1206], %swap3A_1209 {strides = array<i32>} : memref<128x128xf32, #tpu.memory_space<vmem>>, vector<1x16xf32>,
      %swap3A_1210 = arith.index_cast %add3A_971 : i32 to index
      %swap3A_1211 = arith.constant 48 : index
      %swap3A_1212 = tpu.vector_load %arg12[%swap3A_1210, %swap3A_1211] {strides = array<i32>} : memref<128x128xf32, #tpu.memory_space<vmem>>, vector<1x16xf32>,
      %swap3A_1213 = vector.shape_cast %swap3A_1212 : vector<1x16xf32> to vector<16xf32>
      %swap3A_1214 = vector.shape_cast %min3A_1177 : vector<16xf32> to vector<1x16xf32>
      tpu.vector_store %arg12[%swap3A_1210, %swap3A_1211], %swap3A_1214 {strides = array<i32>} : memref<128x128xf32, #tpu.memory_space<vmem>>, vector<1x16xf32>,
      %swap3A_1215 = arith.index_cast %add3A_971 : i32 to index
      %swap3A_1216 = arith.constant 112 : index
      %swap3A_1217 = tpu.vector_load %arg12[%swap3A_1215, %swap3A_1216] {strides = array<i32>} : memref<128x128xf32, #tpu.memory_space<vmem>>, vector<1x16xf32>,
      %swap3A_1218 = vector.shape_cast %swap3A_1217 : vector<1x16xf32> to vector<16xf32>
      %swap3A_1219 = vector.shape_cast %max3A_1178 : vector<16xf32> to vector<1x16xf32>
      tpu.vector_store %arg12[%swap3A_1215, %swap3A_1216], %swap3A_1219 {strides = array<i32>} : memref<128x128xf32, #tpu.memory_space<vmem>>, vector<1x16xf32>,
      %dma_wait3A_1220 = arith.constant 0 : i32
      %dma_wait3A_1221 = arith.constant 0 : i32
      %dma_wait3A_1222 = arith.constant 0 : i32
      %dma_wait3A_1223 = tpu.memref_slice %arg8[%dma_wait3A_1221, %dma_wait3A_1222] : memref<200x64xf32, #tpu.memory_space<vmem>> -> memref<128x64xf32, #tpu.memory_space<vmem>>
      %dma_wait3A_1224 = arith.constant 0 : i32
      %dma_wait3A_1225 = tpu.memref_slice %arg5[%dma_wait3A_1220, %dma_wait3A_1224] : memref<128x208xi32, #tpu.memory_space<vmem>> -> memref<1x128xi32, #tpu.memory_space<vmem>>
      %dma_wait3A_1226 = tpu.memref_squeeze %dma_wait3A_1225 : memref<1x128xi32, #tpu.memory_space<vmem>> -> memref<128xi32, #tpu.memory_space<vmem>>
      %dma_wait3A_1227 = arith.constant 0 : i32
      %dma_wait3A_1228 = arith.constant 0 : i32
      %dma_wait3A_1229 = tpu.memref_slice %arg3[%dma_wait3A_1227, %dma_wait3A_1228] : memref<1048576x64xf32, #tpu.memory_space<hbm>> -> memref<1048576x64xf32, #tpu.memory_space<hbm>>
      tpu.wait_indirect_dma semaphore(%arg15 : memref<!tpu.dma_semaphore, #tpu.memory_space<semaphore_mem>>) src(%dma_wait3A_1229 : memref<1048576x64xf32, #tpu.memory_space<hbm>>) dst(%dma_wait3A_1223 : memref<128x64xf32, #tpu.memory_space<vmem>>)
      %dma_wait3A_1230 = arith.constant 0 : i32
      %dma_wait3A_1231 = arith.constant 128 : i32
      %dma_wait3A_1232 = arith.constant 0 : i32
      %dma_wait3A_1233 = tpu.memref_slice %arg8[%dma_wait3A_1231, %dma_wait3A_1232] : memref<200x64xf32, #tpu.memory_space<vmem>> -> memref<72x64xf32, #tpu.memory_space<vmem>>
      %dma_wait3A_1234 = arith.constant 128 : i32
      %dma_wait3A_1235 = tpu.memref_slice %arg5[%dma_wait3A_1230, %dma_wait3A_1234] : memref<128x208xi32, #tpu.memory_space<vmem>> -> memref<1x72xi32, #tpu.memory_space<vmem>>
      %dma_wait3A_1236 = tpu.memref_squeeze %dma_wait3A_1235 : memref<1x72xi32, #tpu.memory_space<vmem>> -> memref<72xi32, #tpu.memory_space<vmem>>
      %dma_wait3A_1237 = arith.constant 0 : i32
      %dma_wait3A_1238 = arith.constant 0 : i32
      %dma_wait3A_1239 = tpu.memref_slice %arg3[%dma_wait3A_1237, %dma_wait3A_1238] : memref<1048576x64xf32, #tpu.memory_space<hbm>> -> memref<1048576x64xf32, #tpu.memory_space<hbm>>
      tpu.wait_indirect_dma semaphore(%arg15 : memref<!tpu.dma_semaphore, #tpu.memory_space<semaphore_mem>>) src(%dma_wait3A_1239 : memref<1048576x64xf32, #tpu.memory_space<hbm>>) dst(%dma_wait3A_1233 : memref<72x64xf32, #tpu.memory_space<vmem>>)
      %add3A_1240 = arith.constant 2 : i32
      %add3A_1241 = arith.addi %add3A_664, %add3A_1240 : i32
      %add3A_1242 = arith.constant 5 : i32
      %add3A_1243 = arith.addi %add3A_1241, %add3A_1242 : i32
      %lt3A_1244 = arith.constant 128 : i32
      %lt3A_1245 = arith.cmpi slt, %add3A_1243, %lt3A_1244 : i32
      %convert_element_type3A_1246 = arith.extui %lt3A_1245 : i1 to i32
      %cond3A_1247 = arith.constant 0 : i32
      %cond3A_1248 = arith.cmpi ne, %convert_element_type3A_1246, %cond3A_1247 : i32
      scf.if %cond3A_1248 {
        %dma_start3A_2336 = arith.constant 0 : i32
        %dma_start3A_2337 = arith.constant 0 : i32
        %dma_start3A_2338 = tpu.memref_slice %arg7[%dma_start3A_2336, %dma_start3A_2337] : memref<200x64xf32, #tpu.memory_space<vmem>> -> memref<128x64xf32, #tpu.memory_space<vmem>>
        %dma_start3A_2339 = arith.constant 0 : i32
        %dma_start3A_2340 = tpu.memref_slice %arg5[%add3A_1243, %dma_start3A_2339] : memref<128x208xi32, #tpu.memory_space<vmem>> -> memref<1x128xi32, #tpu.memory_space<vmem>>
        %dma_start3A_2341 = tpu.memref_squeeze %dma_start3A_2340 : memref<1x128xi32, #tpu.memory_space<vmem>> -> memref<128xi32, #tpu.memory_space<vmem>>
        %dma_start3A_2342 = arith.constant 0 : i32
        %dma_start3A_2343 = arith.constant 0 : i32
        %dma_start3A_2344 = tpu.memref_slice %arg3[%dma_start3A_2342, %dma_start3A_2343] : memref<1048576x64xf32, #tpu.memory_space<hbm>> -> memref<1048576x64xf32, #tpu.memory_space<hbm>>
        tpu.enqueue_indirect_dma source(%dma_start3A_2344 : memref<1048576x64xf32, #tpu.memory_space<hbm>>) target(%dma_start3A_2338 : memref<128x64xf32, #tpu.memory_space<vmem>>) offsets(%dma_start3A_2341 : memref<128xi32, #tpu.memory_space<vmem>>) semaphore(%arg14 : memref<!tpu.dma_semaphore, #tpu.memory_space<semaphore_mem>>)
        %dma_start3A_2345 = arith.constant 128 : i32
        %dma_start3A_2346 = arith.constant 0 : i32
        %dma_start3A_2347 = tpu.memref_slice %arg7[%dma_start3A_2345, %dma_start3A_2346] : memref<200x64xf32, #tpu.memory_space<vmem>> -> memref<72x64xf32, #tpu.memory_space<vmem>>
        %dma_start3A_2348 = arith.constant 128 : i32
        %dma_start3A_2349 = tpu.memref_slice %arg5[%add3A_1243, %dma_start3A_2348] : memref<128x208xi32, #tpu.memory_space<vmem>> -> memref<1x72xi32, #tpu.memory_space<vmem>>
        %dma_start3A_2350 = tpu.memref_squeeze %dma_start3A_2349 : memref<1x72xi32, #tpu.memory_space<vmem>> -> memref<72xi32, #tpu.memory_space<vmem>>
        %dma_start3A_2351 = arith.constant 0 : i32
        %dma_start3A_2352 = arith.constant 0 : i32
        %dma_start3A_2353 = tpu.memref_slice %arg3[%dma_start3A_2351, %dma_start3A_2352] : memref<1048576x64xf32, #tpu.memory_space<hbm>> -> memref<1048576x64xf32, #tpu.memory_space<hbm>>
        tpu.enqueue_indirect_dma source(%dma_start3A_2353 : memref<1048576x64xf32, #tpu.memory_space<hbm>>) target(%dma_start3A_2347 : memref<72x64xf32, #tpu.memory_space<vmem>>) offsets(%dma_start3A_2350 : memref<72xi32, #tpu.memory_space<vmem>>) semaphore(%arg14 : memref<!tpu.dma_semaphore, #tpu.memory_space<semaphore_mem>>)
      } else {
      }
      %add3A_1249 = arith.constant 2 : i32
      %add3A_1250 = arith.addi %add3A_664, %add3A_1249 : i32
      %get3A_1251 = arith.constant 0 : i32
      %get3A_1252 = arith.index_cast %get3A_1251 : i32 to index
      %get3A_1253 = arith.constant 0 : index
      %get3A_1254 = tpu.vector_load %arg8[%get3A_1252, %get3A_1253] {strides = array<i32>} : memref<200x64xf32, #tpu.memory_space<vmem>>, vector<1x16xf32>,
      %get3A_1255 = vector.shape_cast %get3A_1254 : vector<1x16xf32> to vector<16xf32>
      %get3A_1256 = arith.constant 0 : i32
      %get3A_1257 = arith.index_cast %get3A_1256 : i32 to index
      %get3A_1258 = arith.constant 16 : index
      %get3A_1259 = tpu.vector_load %arg8[%get3A_1257, %get3A_1258] {strides = array<i32>} : memref<200x64xf32, #tpu.memory_space<vmem>>, vector<1x16xf32>,
      %get3A_1260 = vector.shape_cast %get3A_1259 : vector<1x16xf32> to vector<16xf32>
      %get3A_1261 = arith.constant 0 : i32
      %get3A_1262 = arith.index_cast %get3A_1261 : i32 to index
      %get3A_1263 = arith.constant 32 : index
      %get3A_1264 = tpu.vector_load %arg8[%get3A_1262, %get3A_1263] {strides = array<i32>} : memref<200x64xf32, #tpu.memory_space<vmem>>, vector<1x16xf32>,
      %get3A_1265 = vector.shape_cast %get3A_1264 : vector<1x16xf32> to vector<16xf32>
      %get3A_1266 = arith.constant 0 : i32
      %get3A_1267 = arith.index_cast %get3A_1266 : i32 to index
      %get3A_1268 = arith.constant 48 : index
      %get3A_1269 = tpu.vector_load %arg8[%get3A_1267, %get3A_1268] {strides = array<i32>} : memref<200x64xf32, #tpu.memory_space<vmem>>, vector<1x16xf32>,
      %get3A_1270 = vector.shape_cast %get3A_1269 : vector<1x16xf32> to vector<16xf32>
      %scan3A_1271 = arith.constant 1 : i32
      %scan3A_1272 = arith.constant 192 : i32
      %scan3A_1273 = arith.addi %scan3A_1271, %scan3A_1272 : i32
      %scan3A_1274 = arith.constant 8 : i32
      %scan3A_1275:8 = scf.for %scan3A_2336 = %scan3A_1271 to %scan3A_1273 step %scan3A_1274 iter_args(%scan3A_2337 = %get3A_1255, %scan3A_2338 = %get3A_1260, %scan3A_2339 = %get3A_1265, %scan3A_2340 = %get3A_1270, %scan3A_2341 = %get3A_1255, %scan3A_2342 = %get3A_1260, %scan3A_2343 = %get3A_1265, %scan3A_2344 = %get3A_1270) -> (vector<16xf32>, vector<16xf32>, vector<16xf32>, vector<16xf32>, vector<16xf32>, vector<16xf32>, vector<16xf32>, vector<16xf32>)  : i32 {
        %get3A_2345 = arith.index_cast %scan3A_2336 : i32 to index
        %get3A_2346 = arith.constant 0 : index
        %get3A_2347 = tpu.vector_load %arg8[%get3A_2345, %get3A_2346] {strides = array<i32>} : memref<200x64xf32, #tpu.memory_space<vmem>>, vector<1x16xf32>,
        %get3A_2348 = vector.shape_cast %get3A_2347 : vector<1x16xf32> to vector<16xf32>
        %min3A_2349 = arith.minimumf %scan3A_2337, %get3A_2348 : vector<16xf32>
        %max3A_2350 = arith.maximumf %scan3A_2341, %get3A_2348 : vector<16xf32>
        %get3A_2351 = arith.index_cast %scan3A_2336 : i32 to index
        %get3A_2352 = arith.constant 16 : index
        %get3A_2353 = tpu.vector_load %arg8[%get3A_2351, %get3A_2352] {strides = array<i32>} : memref<200x64xf32, #tpu.memory_space<vmem>>, vector<1x16xf32>,
        %get3A_2354 = vector.shape_cast %get3A_2353 : vector<1x16xf32> to vector<16xf32>
        %min3A_2355 = arith.minimumf %scan3A_2338, %get3A_2354 : vector<16xf32>
        %max3A_2356 = arith.maximumf %scan3A_2342, %get3A_2354 : vector<16xf32>
        %get3A_2357 = arith.index_cast %scan3A_2336 : i32 to index
        %get3A_2358 = arith.constant 32 : index
        %get3A_2359 = tpu.vector_load %arg8[%get3A_2357, %get3A_2358] {strides = array<i32>} : memref<200x64xf32, #tpu.memory_space<vmem>>, vector<1x16xf32>,
        %get3A_2360 = vector.shape_cast %get3A_2359 : vector<1x16xf32> to vector<16xf32>
        %min3A_2361 = arith.minimumf %scan3A_2339, %get3A_2360 : vector<16xf32>
        %max3A_2362 = arith.maximumf %scan3A_2343, %get3A_2360 : vector<16xf32>
        %get3A_2363 = arith.index_cast %scan3A_2336 : i32 to index
        %get3A_2364 = arith.constant 48 : index
        %get3A_2365 = tpu.vector_load %arg8[%get3A_2363, %get3A_2364] {strides = array<i32>} : memref<200x64xf32, #tpu.memory_space<vmem>>, vector<1x16xf32>,
        %get3A_2366 = vector.shape_cast %get3A_2365 : vector<1x16xf32> to vector<16xf32>
        %min3A_2367 = arith.minimumf %scan3A_2340, %get3A_2366 : vector<16xf32>
        %max3A_2368 = arith.maximumf %scan3A_2344, %get3A_2366 : vector<16xf32>
        %scan3A_2369 = arith.constant 1 : i32
        %scan3A_2370 = arith.addi %scan3A_2336, %scan3A_2369 : i32
        %get3A_2371 = arith.index_cast %scan3A_2370 : i32 to index
        %get3A_2372 = arith.constant 0 : index
        %get3A_2373 = tpu.vector_load %arg8[%get3A_2371, %get3A_2372] {strides = array<i32>} : memref<200x64xf32, #tpu.memory_space<vmem>>, vector<1x16xf32>,
        %get3A_2374 = vector.shape_cast %get3A_2373 : vector<1x16xf32> to vector<16xf32>
        %min3A_2375 = arith.minimumf %min3A_2349, %get3A_2374 : vector<16xf32>
        %max3A_2376 = arith.maximumf %max3A_2350, %get3A_2374 : vector<16xf32>
        %get3A_2377 = arith.index_cast %scan3A_2370 : i32 to index
        %get3A_2378 = arith.constant 16 : index
        %get3A_2379 = tpu.vector_load %arg8[%get3A_2377, %get3A_2378] {strides = array<i32>} : memref<200x64xf32, #tpu.memory_space<vmem>>, vector<1x16xf32>,
        %get3A_2380 = vector.shape_cast %get3A_2379 : vector<1x16xf32> to vector<16xf32>
        %min3A_2381 = arith.minimumf %min3A_2355, %get3A_2380 : vector<16xf32>
        %max3A_2382 = arith.maximumf %max3A_2356, %get3A_2380 : vector<16xf32>
        %get3A_2383 = arith.index_cast %scan3A_2370 : i32 to index
        %get3A_2384 = arith.constant 32 : index
        %get3A_2385 = tpu.vector_load %arg8[%get3A_2383, %get3A_2384] {strides = array<i32>} : memref<200x64xf32, #tpu.memory_space<vmem>>, vector<1x16xf32>,
        %get3A_2386 = vector.shape_cast %get3A_2385 : vector<1x16xf32> to vector<16xf32>
        %min3A_2387 = arith.minimumf %min3A_2361, %get3A_2386 : vector<16xf32>
        %max3A_2388 = arith.maximumf %max3A_2362, %get3A_2386 : vector<16xf32>
        %get3A_2389 = arith.index_cast %scan3A_2370 : i32 to index
        %get3A_2390 = arith.constant 48 : index
        %get3A_2391 = tpu.vector_load %arg8[%get3A_2389, %get3A_2390] {strides = array<i32>} : memref<200x64xf32, #tpu.memory_space<vmem>>, vector<1x16xf32>,
        %get3A_2392 = vector.shape_cast %get3A_2391 : vector<1x16xf32> to vector<16xf32>
        %min3A_2393 = arith.minimumf %min3A_2367, %get3A_2392 : vector<16xf32>
        %max3A_2394 = arith.maximumf %max3A_2368, %get3A_2392 : vector<16xf32>
        %scan3A_2395 = arith.constant 2 : i32
        %scan3A_2396 = arith.addi %scan3A_2336, %scan3A_2395 : i32
        %get3A_2397 = arith.index_cast %scan3A_2396 : i32 to index
        %get3A_2398 = arith.constant 0 : index
        %get3A_2399 = tpu.vector_load %arg8[%get3A_2397, %get3A_2398] {strides = array<i32>} : memref<200x64xf32, #tpu.memory_space<vmem>>, vector<1x16xf32>,
        %get3A_2400 = vector.shape_cast %get3A_2399 : vector<1x16xf32> to vector<16xf32>
        %min3A_2401 = arith.minimumf %min3A_2375, %get3A_2400 : vector<16xf32>
        %max3A_2402 = arith.maximumf %max3A_2376, %get3A_2400 : vector<16xf32>
        %get3A_2403 = arith.index_cast %scan3A_2396 : i32 to index
        %get3A_2404 = arith.constant 16 : index
        %get3A_2405 = tpu.vector_load %arg8[%get3A_2403, %get3A_2404] {strides = array<i32>} : memref<200x64xf32, #tpu.memory_space<vmem>>, vector<1x16xf32>,
        %get3A_2406 = vector.shape_cast %get3A_2405 : vector<1x16xf32> to vector<16xf32>
        %min3A_2407 = arith.minimumf %min3A_2381, %get3A_2406 : vector<16xf32>
        %max3A_2408 = arith.maximumf %max3A_2382, %get3A_2406 : vector<16xf32>
        %get3A_2409 = arith.index_cast %scan3A_2396 : i32 to index
        %get3A_2410 = arith.constant 32 : index
        %get3A_2411 = tpu.vector_load %arg8[%get3A_2409, %get3A_2410] {strides = array<i32>} : memref<200x64xf32, #tpu.memory_space<vmem>>, vector<1x16xf32>,
        %get3A_2412 = vector.shape_cast %get3A_2411 : vector<1x16xf32> to vector<16xf32>
        %min3A_2413 = arith.minimumf %min3A_2387, %get3A_2412 : vector<16xf32>
        %max3A_2414 = arith.maximumf %max3A_2388, %get3A_2412 : vector<16xf32>
        %get3A_2415 = arith.index_cast %scan3A_2396 : i32 to index
        %get3A_2416 = arith.constant 48 : index
        %get3A_2417 = tpu.vector_load %arg8[%get3A_2415, %get3A_2416] {strides = array<i32>} : memref<200x64xf32, #tpu.memory_space<vmem>>, vector<1x16xf32>,
        %get3A_2418 = vector.shape_cast %get3A_2417 : vector<1x16xf32> to vector<16xf32>
        %min3A_2419 = arith.minimumf %min3A_2393, %get3A_2418 : vector<16xf32>
        %max3A_2420 = arith.maximumf %max3A_2394, %get3A_2418 : vector<16xf32>
        %scan3A_2421 = arith.constant 3 : i32
        %scan3A_2422 = arith.addi %scan3A_2336, %scan3A_2421 : i32
        %get3A_2423 = arith.index_cast %scan3A_2422 : i32 to index
        %get3A_2424 = arith.constant 0 : index
        %get3A_2425 = tpu.vector_load %arg8[%get3A_2423, %get3A_2424] {strides = array<i32>} : memref<200x64xf32, #tpu.memory_space<vmem>>, vector<1x16xf32>,
        %get3A_2426 = vector.shape_cast %get3A_2425 : vector<1x16xf32> to vector<16xf32>
        %min3A_2427 = arith.minimumf %min3A_2401, %get3A_2426 : vector<16xf32>
        %max3A_2428 = arith.maximumf %max3A_2402, %get3A_2426 : vector<16xf32>
        %get3A_2429 = arith.index_cast %scan3A_2422 : i32 to index
        %get3A_2430 = arith.constant 16 : index
        %get3A_2431 = tpu.vector_load %arg8[%get3A_2429, %get3A_2430] {strides = array<i32>} : memref<200x64xf32, #tpu.memory_space<vmem>>, vector<1x16xf32>,
        %get3A_2432 = vector.shape_cast %get3A_2431 : vector<1x16xf32> to vector<16xf32>
        %min3A_2433 = arith.minimumf %min3A_2407, %get3A_2432 : vector<16xf32>
        %max3A_2434 = arith.maximumf %max3A_2408, %get3A_2432 : vector<16xf32>
        %get3A_2435 = arith.index_cast %scan3A_2422 : i32 to index
        %get3A_2436 = arith.constant 32 : index
        %get3A_2437 = tpu.vector_load %arg8[%get3A_2435, %get3A_2436] {strides = array<i32>} : memref<200x64xf32, #tpu.memory_space<vmem>>, vector<1x16xf32>,
        %get3A_2438 = vector.shape_cast %get3A_2437 : vector<1x16xf32> to vector<16xf32>
        %min3A_2439 = arith.minimumf %min3A_2413, %get3A_2438 : vector<16xf32>
        %max3A_2440 = arith.maximumf %max3A_2414, %get3A_2438 : vector<16xf32>
        %get3A_2441 = arith.index_cast %scan3A_2422 : i32 to index
        %get3A_2442 = arith.constant 48 : index
        %get3A_2443 = tpu.vector_load %arg8[%get3A_2441, %get3A_2442] {strides = array<i32>} : memref<200x64xf32, #tpu.memory_space<vmem>>, vector<1x16xf32>,
        %get3A_2444 = vector.shape_cast %get3A_2443 : vector<1x16xf32> to vector<16xf32>
        %min3A_2445 = arith.minimumf %min3A_2419, %get3A_2444 : vector<16xf32>
        %max3A_2446 = arith.maximumf %max3A_2420, %get3A_2444 : vector<16xf32>
        %scan3A_2447 = arith.constant 4 : i32
        %scan3A_2448 = arith.addi %scan3A_2336, %scan3A_2447 : i32
        %get3A_2449 = arith.index_cast %scan3A_2448 : i32 to index
        %get3A_2450 = arith.constant 0 : index
        %get3A_2451 = tpu.vector_load %arg8[%get3A_2449, %get3A_2450] {strides = array<i32>} : memref<200x64xf32, #tpu.memory_space<vmem>>, vector<1x16xf32>,
        %get3A_2452 = vector.shape_cast %get3A_2451 : vector<1x16xf32> to vector<16xf32>
        %min3A_2453 = arith.minimumf %min3A_2427, %get3A_2452 : vector<16xf32>
        %max3A_2454 = arith.maximumf %max3A_2428, %get3A_2452 : vector<16xf32>
        %get3A_2455 = arith.index_cast %scan3A_2448 : i32 to index
        %get3A_2456 = arith.constant 16 : index
        %get3A_2457 = tpu.vector_load %arg8[%get3A_2455, %get3A_2456] {strides = array<i32>} : memref<200x64xf32, #tpu.memory_space<vmem>>, vector<1x16xf32>,
        %get3A_2458 = vector.shape_cast %get3A_2457 : vector<1x16xf32> to vector<16xf32>
        %min3A_2459 = arith.minimumf %min3A_2433, %get3A_2458 : vector<16xf32>
        %max3A_2460 = arith.maximumf %max3A_2434, %get3A_2458 : vector<16xf32>
        %get3A_2461 = arith.index_cast %scan3A_2448 : i32 to index
        %get3A_2462 = arith.constant 32 : index
        %get3A_2463 = tpu.vector_load %arg8[%get3A_2461, %get3A_2462] {strides = array<i32>} : memref<200x64xf32, #tpu.memory_space<vmem>>, vector<1x16xf32>,
        %get3A_2464 = vector.shape_cast %get3A_2463 : vector<1x16xf32> to vector<16xf32>
        %min3A_2465 = arith.minimumf %min3A_2439, %get3A_2464 : vector<16xf32>
        %max3A_2466 = arith.maximumf %max3A_2440, %get3A_2464 : vector<16xf32>
        %get3A_2467 = arith.index_cast %scan3A_2448 : i32 to index
        %get3A_2468 = arith.constant 48 : index
        %get3A_2469 = tpu.vector_load %arg8[%get3A_2467, %get3A_2468] {strides = array<i32>} : memref<200x64xf32, #tpu.memory_space<vmem>>, vector<1x16xf32>,
        %get3A_2470 = vector.shape_cast %get3A_2469 : vector<1x16xf32> to vector<16xf32>
        %min3A_2471 = arith.minimumf %min3A_2445, %get3A_2470 : vector<16xf32>
        %max3A_2472 = arith.maximumf %max3A_2446, %get3A_2470 : vector<16xf32>
        %scan3A_2473 = arith.constant 5 : i32
        %scan3A_2474 = arith.addi %scan3A_2336, %scan3A_2473 : i32
        %get3A_2475 = arith.index_cast %scan3A_2474 : i32 to index
        %get3A_2476 = arith.constant 0 : index
        %get3A_2477 = tpu.vector_load %arg8[%get3A_2475, %get3A_2476] {strides = array<i32>} : memref<200x64xf32, #tpu.memory_space<vmem>>, vector<1x16xf32>,
        %get3A_2478 = vector.shape_cast %get3A_2477 : vector<1x16xf32> to vector<16xf32>
        %min3A_2479 = arith.minimumf %min3A_2453, %get3A_2478 : vector<16xf32>
        %max3A_2480 = arith.maximumf %max3A_2454, %get3A_2478 : vector<16xf32>
        %get3A_2481 = arith.index_cast %scan3A_2474 : i32 to index
        %get3A_2482 = arith.constant 16 : index
        %get3A_2483 = tpu.vector_load %arg8[%get3A_2481, %get3A_2482] {strides = array<i32>} : memref<200x64xf32, #tpu.memory_space<vmem>>, vector<1x16xf32>,
        %get3A_2484 = vector.shape_cast %get3A_2483 : vector<1x16xf32> to vector<16xf32>
        %min3A_2485 = arith.minimumf %min3A_2459, %get3A_2484 : vector<16xf32>
        %max3A_2486 = arith.maximumf %max3A_2460, %get3A_2484 : vector<16xf32>
        %get3A_2487 = arith.index_cast %scan3A_2474 : i32 to index
        %get3A_2488 = arith.constant 32 : index
        %get3A_2489 = tpu.vector_load %arg8[%get3A_2487, %get3A_2488] {strides = array<i32>} : memref<200x64xf32, #tpu.memory_space<vmem>>, vector<1x16xf32>,
        %get3A_2490 = vector.shape_cast %get3A_2489 : vector<1x16xf32> to vector<16xf32>
        %min3A_2491 = arith.minimumf %min3A_2465, %get3A_2490 : vector<16xf32>
        %max3A_2492 = arith.maximumf %max3A_2466, %get3A_2490 : vector<16xf32>
        %get3A_2493 = arith.index_cast %scan3A_2474 : i32 to index
        %get3A_2494 = arith.constant 48 : index
        %get3A_2495 = tpu.vector_load %arg8[%get3A_2493, %get3A_2494] {strides = array<i32>} : memref<200x64xf32, #tpu.memory_space<vmem>>, vector<1x16xf32>,
        %get3A_2496 = vector.shape_cast %get3A_2495 : vector<1x16xf32> to vector<16xf32>
        %min3A_2497 = arith.minimumf %min3A_2471, %get3A_2496 : vector<16xf32>
        %max3A_2498 = arith.maximumf %max3A_2472, %get3A_2496 : vector<16xf32>
        %scan3A_2499 = arith.constant 6 : i32
        %scan3A_2500 = arith.addi %scan3A_2336, %scan3A_2499 : i32
        %get3A_2501 = arith.index_cast %scan3A_2500 : i32 to index
        %get3A_2502 = arith.constant 0 : index
        %get3A_2503 = tpu.vector_load %arg8[%get3A_2501, %get3A_2502] {strides = array<i32>} : memref<200x64xf32, #tpu.memory_space<vmem>>, vector<1x16xf32>,
        %get3A_2504 = vector.shape_cast %get3A_2503 : vector<1x16xf32> to vector<16xf32>
        %min3A_2505 = arith.minimumf %min3A_2479, %get3A_2504 : vector<16xf32>
        %max3A_2506 = arith.maximumf %max3A_2480, %get3A_2504 : vector<16xf32>
        %get3A_2507 = arith.index_cast %scan3A_2500 : i32 to index
        %get3A_2508 = arith.constant 16 : index
        %get3A_2509 = tpu.vector_load %arg8[%get3A_2507, %get3A_2508] {strides = array<i32>} : memref<200x64xf32, #tpu.memory_space<vmem>>, vector<1x16xf32>,
        %get3A_2510 = vector.shape_cast %get3A_2509 : vector<1x16xf32> to vector<16xf32>
        %min3A_2511 = arith.minimumf %min3A_2485, %get3A_2510 : vector<16xf32>
        %max3A_2512 = arith.maximumf %max3A_2486, %get3A_2510 : vector<16xf32>
        %get3A_2513 = arith.index_cast %scan3A_2500 : i32 to index
        %get3A_2514 = arith.constant 32 : index
        %get3A_2515 = tpu.vector_load %arg8[%get3A_2513, %get3A_2514] {strides = array<i32>} : memref<200x64xf32, #tpu.memory_space<vmem>>, vector<1x16xf32>,
        %get3A_2516 = vector.shape_cast %get3A_2515 : vector<1x16xf32> to vector<16xf32>
        %min3A_2517 = arith.minimumf %min3A_2491, %get3A_2516 : vector<16xf32>
        %max3A_2518 = arith.maximumf %max3A_2492, %get3A_2516 : vector<16xf32>
        %get3A_2519 = arith.index_cast %scan3A_2500 : i32 to index
        %get3A_2520 = arith.constant 48 : index
        %get3A_2521 = tpu.vector_load %arg8[%get3A_2519, %get3A_2520] {strides = array<i32>} : memref<200x64xf32, #tpu.memory_space<vmem>>, vector<1x16xf32>,
        %get3A_2522 = vector.shape_cast %get3A_2521 : vector<1x16xf32> to vector<16xf32>
        %min3A_2523 = arith.minimumf %min3A_2497, %get3A_2522 : vector<16xf32>
        %max3A_2524 = arith.maximumf %max3A_2498, %get3A_2522 : vector<16xf32>
        %scan3A_2525 = arith.constant 7 : i32
        %scan3A_2526 = arith.addi %scan3A_2336, %scan3A_2525 : i32
        %get3A_2527 = arith.index_cast %scan3A_2526 : i32 to index
        %get3A_2528 = arith.constant 0 : index
        %get3A_2529 = tpu.vector_load %arg8[%get3A_2527, %get3A_2528] {strides = array<i32>} : memref<200x64xf32, #tpu.memory_space<vmem>>, vector<1x16xf32>,
        %get3A_2530 = vector.shape_cast %get3A_2529 : vector<1x16xf32> to vector<16xf32>
        %min3A_2531 = arith.minimumf %min3A_2505, %get3A_2530 : vector<16xf32>
        %max3A_2532 = arith.maximumf %max3A_2506, %get3A_2530 : vector<16xf32>
        %get3A_2533 = arith.index_cast %scan3A_2526 : i32 to index
        %get3A_2534 = arith.constant 16 : index
        %get3A_2535 = tpu.vector_load %arg8[%get3A_2533, %get3A_2534] {strides = array<i32>} : memref<200x64xf32, #tpu.memory_space<vmem>>, vector<1x16xf32>,
        %get3A_2536 = vector.shape_cast %get3A_2535 : vector<1x16xf32> to vector<16xf32>
        %min3A_2537 = arith.minimumf %min3A_2511, %get3A_2536 : vector<16xf32>
        %max3A_2538 = arith.maximumf %max3A_2512, %get3A_2536 : vector<16xf32>
        %get3A_2539 = arith.index_cast %scan3A_2526 : i32 to index
        %get3A_2540 = arith.constant 32 : index
        %get3A_2541 = tpu.vector_load %arg8[%get3A_2539, %get3A_2540] {strides = array<i32>} : memref<200x64xf32, #tpu.memory_space<vmem>>, vector<1x16xf32>,
        %get3A_2542 = vector.shape_cast %get3A_2541 : vector<1x16xf32> to vector<16xf32>
        %min3A_2543 = arith.minimumf %min3A_2517, %get3A_2542 : vector<16xf32>
        %max3A_2544 = arith.maximumf %max3A_2518, %get3A_2542 : vector<16xf32>
        %get3A_2545 = arith.index_cast %scan3A_2526 : i32 to index
        %get3A_2546 = arith.constant 48 : index
        %get3A_2547 = tpu.vector_load %arg8[%get3A_2545, %get3A_2546] {strides = array<i32>} : memref<200x64xf32, #tpu.memory_space<vmem>>, vector<1x16xf32>,
        %get3A_2548 = vector.shape_cast %get3A_2547 : vector<1x16xf32> to vector<16xf32>
        %min3A_2549 = arith.minimumf %min3A_2523, %get3A_2548 : vector<16xf32>
        %max3A_2550 = arith.maximumf %max3A_2524, %get3A_2548 : vector<16xf32>
        scf.yield %min3A_2531, %min3A_2537, %min3A_2543, %min3A_2549, %max3A_2532, %max3A_2538, %max3A_2544, %max3A_2550 : vector<16xf32>, vector<16xf32>, vector<16xf32>, vector<16xf32>, vector<16xf32>, vector<16xf32>, vector<16xf32>, vector<16xf32>
      }
      %scan3A_1276 = arith.constant 192 : i32
      %scan3A_1277 = arith.addi %scan3A_1271, %scan3A_1276 : i32
      %get3A_1278 = arith.index_cast %scan3A_1277 : i32 to index
      %get3A_1279 = arith.constant 0 : index
      %get3A_1280 = tpu.vector_load %arg8[%get3A_1278, %get3A_1279] {strides = array<i32>} : memref<200x64xf32, #tpu.memory_space<vmem>>, vector<1x16xf32>,
      %get3A_1281 = vector.shape_cast %get3A_1280 : vector<1x16xf32> to vector<16xf32>
      %min3A_1282 = arith.minimumf %scan3A_1275#0, %get3A_1281 : vector<16xf32>
      %max3A_1283 = arith.maximumf %scan3A_1275#4, %get3A_1281 : vector<16xf32>
      %get3A_1284 = arith.index_cast %scan3A_1277 : i32 to index
      %get3A_1285 = arith.constant 16 : index
      %get3A_1286 = tpu.vector_load %arg8[%get3A_1284, %get3A_1285] {strides = array<i32>} : memref<200x64xf32, #tpu.memory_space<vmem>>, vector<1x16xf32>,
      %get3A_1287 = vector.shape_cast %get3A_1286 : vector<1x16xf32> to vector<16xf32>
      %min3A_1288 = arith.minimumf %scan3A_1275#1, %get3A_1287 : vector<16xf32>
      %max3A_1289 = arith.maximumf %scan3A_1275#5, %get3A_1287 : vector<16xf32>
      %get3A_1290 = arith.index_cast %scan3A_1277 : i32 to index
      %get3A_1291 = arith.constant 32 : index
      %get3A_1292 = tpu.vector_load %arg8[%get3A_1290, %get3A_1291] {strides = array<i32>} : memref<200x64xf32, #tpu.memory_space<vmem>>, vector<1x16xf32>,
      %get3A_1293 = vector.shape_cast %get3A_1292 : vector<1x16xf32> to vector<16xf32>
      %min3A_1294 = arith.minimumf %scan3A_1275#2, %get3A_1293 : vector<16xf32>
      %max3A_1295 = arith.maximumf %scan3A_1275#6, %get3A_1293 : vector<16xf32>
      %get3A_1296 = arith.index_cast %scan3A_1277 : i32 to index
      %get3A_1297 = arith.constant 48 : index
      %get3A_1298 = tpu.vector_load %arg8[%get3A_1296, %get3A_1297] {strides = array<i32>} : memref<200x64xf32, #tpu.memory_space<vmem>>, vector<1x16xf32>,
      %get3A_1299 = vector.shape_cast %get3A_1298 : vector<1x16xf32> to vector<16xf32>
      %min3A_1300 = arith.minimumf %scan3A_1275#3, %get3A_1299 : vector<16xf32>
      %max3A_1301 = arith.maximumf %scan3A_1275#7, %get3A_1299 : vector<16xf32>
      %scan3A_1302 = arith.constant 193 : i32
      %scan3A_1303 = arith.addi %scan3A_1271, %scan3A_1302 : i32
      %get3A_1304 = arith.index_cast %scan3A_1303 : i32 to index
      %get3A_1305 = arith.constant 0 : index
      %get3A_1306 = tpu.vector_load %arg8[%get3A_1304, %get3A_1305] {strides = array<i32>} : memref<200x64xf32, #tpu.memory_space<vmem>>, vector<1x16xf32>,
      %get3A_1307 = vector.shape_cast %get3A_1306 : vector<1x16xf32> to vector<16xf32>
      %min3A_1308 = arith.minimumf %min3A_1282, %get3A_1307 : vector<16xf32>
      %max3A_1309 = arith.maximumf %max3A_1283, %get3A_1307 : vector<16xf32>
      %get3A_1310 = arith.index_cast %scan3A_1303 : i32 to index
      %get3A_1311 = arith.constant 16 : index
      %get3A_1312 = tpu.vector_load %arg8[%get3A_1310, %get3A_1311] {strides = array<i32>} : memref<200x64xf32, #tpu.memory_space<vmem>>, vector<1x16xf32>,
      %get3A_1313 = vector.shape_cast %get3A_1312 : vector<1x16xf32> to vector<16xf32>
      %min3A_1314 = arith.minimumf %min3A_1288, %get3A_1313 : vector<16xf32>
      %max3A_1315 = arith.maximumf %max3A_1289, %get3A_1313 : vector<16xf32>
      %get3A_1316 = arith.index_cast %scan3A_1303 : i32 to index
      %get3A_1317 = arith.constant 32 : index
      %get3A_1318 = tpu.vector_load %arg8[%get3A_1316, %get3A_1317] {strides = array<i32>} : memref<200x64xf32, #tpu.memory_space<vmem>>, vector<1x16xf32>,
      %get3A_1319 = vector.shape_cast %get3A_1318 : vector<1x16xf32> to vector<16xf32>
      %min3A_1320 = arith.minimumf %min3A_1294, %get3A_1319 : vector<16xf32>
      %max3A_1321 = arith.maximumf %max3A_1295, %get3A_1319 : vector<16xf32>
      %get3A_1322 = arith.index_cast %scan3A_1303 : i32 to index
      %get3A_1323 = arith.constant 48 : index
      %get3A_1324 = tpu.vector_load %arg8[%get3A_1322, %get3A_1323] {strides = array<i32>} : memref<200x64xf32, #tpu.memory_space<vmem>>, vector<1x16xf32>,
      %get3A_1325 = vector.shape_cast %get3A_1324 : vector<1x16xf32> to vector<16xf32>
      %min3A_1326 = arith.minimumf %min3A_1300, %get3A_1325 : vector<16xf32>
      %max3A_1327 = arith.maximumf %max3A_1301, %get3A_1325 : vector<16xf32>
      %scan3A_1328 = arith.constant 194 : i32
      %scan3A_1329 = arith.addi %scan3A_1271, %scan3A_1328 : i32
      %get3A_1330 = arith.index_cast %scan3A_1329 : i32 to index
      %get3A_1331 = arith.constant 0 : index
      %get3A_1332 = tpu.vector_load %arg8[%get3A_1330, %get3A_1331] {strides = array<i32>} : memref<200x64xf32, #tpu.memory_space<vmem>>, vector<1x16xf32>,
      %get3A_1333 = vector.shape_cast %get3A_1332 : vector<1x16xf32> to vector<16xf32>
      %min3A_1334 = arith.minimumf %min3A_1308, %get3A_1333 : vector<16xf32>
      %max3A_1335 = arith.maximumf %max3A_1309, %get3A_1333 : vector<16xf32>
      %get3A_1336 = arith.index_cast %scan3A_1329 : i32 to index
      %get3A_1337 = arith.constant 16 : index
      %get3A_1338 = tpu.vector_load %arg8[%get3A_1336, %get3A_1337] {strides = array<i32>} : memref<200x64xf32, #tpu.memory_space<vmem>>, vector<1x16xf32>,
      %get3A_1339 = vector.shape_cast %get3A_1338 : vector<1x16xf32> to vector<16xf32>
      %min3A_1340 = arith.minimumf %min3A_1314, %get3A_1339 : vector<16xf32>
      %max3A_1341 = arith.maximumf %max3A_1315, %get3A_1339 : vector<16xf32>
      %get3A_1342 = arith.index_cast %scan3A_1329 : i32 to index
      %get3A_1343 = arith.constant 32 : index
      %get3A_1344 = tpu.vector_load %arg8[%get3A_1342, %get3A_1343] {strides = array<i32>} : memref<200x64xf32, #tpu.memory_space<vmem>>, vector<1x16xf32>,
      %get3A_1345 = vector.shape_cast %get3A_1344 : vector<1x16xf32> to vector<16xf32>
      %min3A_1346 = arith.minimumf %min3A_1320, %get3A_1345 : vector<16xf32>
      %max3A_1347 = arith.maximumf %max3A_1321, %get3A_1345 : vector<16xf32>
      %get3A_1348 = arith.index_cast %scan3A_1329 : i32 to index
      %get3A_1349 = arith.constant 48 : index
      %get3A_1350 = tpu.vector_load %arg8[%get3A_1348, %get3A_1349] {strides = array<i32>} : memref<200x64xf32, #tpu.memory_space<vmem>>, vector<1x16xf32>,
      %get3A_1351 = vector.shape_cast %get3A_1350 : vector<1x16xf32> to vector<16xf32>
      %min3A_1352 = arith.minimumf %min3A_1326, %get3A_1351 : vector<16xf32>
      %max3A_1353 = arith.maximumf %max3A_1327, %get3A_1351 : vector<16xf32>
      %scan3A_1354 = arith.constant 195 : i32
      %scan3A_1355 = arith.addi %scan3A_1271, %scan3A_1354 : i32
      %get3A_1356 = arith.index_cast %scan3A_1355 : i32 to index
      %get3A_1357 = arith.constant 0 : index
      %get3A_1358 = tpu.vector_load %arg8[%get3A_1356, %get3A_1357] {strides = array<i32>} : memref<200x64xf32, #tpu.memory_space<vmem>>, vector<1x16xf32>,
      %get3A_1359 = vector.shape_cast %get3A_1358 : vector<1x16xf32> to vector<16xf32>
      %min3A_1360 = arith.minimumf %min3A_1334, %get3A_1359 : vector<16xf32>
      %max3A_1361 = arith.maximumf %max3A_1335, %get3A_1359 : vector<16xf32>
      %get3A_1362 = arith.index_cast %scan3A_1355 : i32 to index
      %get3A_1363 = arith.constant 16 : index
      %get3A_1364 = tpu.vector_load %arg8[%get3A_1362, %get3A_1363] {strides = array<i32>} : memref<200x64xf32, #tpu.memory_space<vmem>>, vector<1x16xf32>,
      %get3A_1365 = vector.shape_cast %get3A_1364 : vector<1x16xf32> to vector<16xf32>
      %min3A_1366 = arith.minimumf %min3A_1340, %get3A_1365 : vector<16xf32>
      %max3A_1367 = arith.maximumf %max3A_1341, %get3A_1365 : vector<16xf32>
      %get3A_1368 = arith.index_cast %scan3A_1355 : i32 to index
      %get3A_1369 = arith.constant 32 : index
      %get3A_1370 = tpu.vector_load %arg8[%get3A_1368, %get3A_1369] {strides = array<i32>} : memref<200x64xf32, #tpu.memory_space<vmem>>, vector<1x16xf32>,
      %get3A_1371 = vector.shape_cast %get3A_1370 : vector<1x16xf32> to vector<16xf32>
      %min3A_1372 = arith.minimumf %min3A_1346, %get3A_1371 : vector<16xf32>
      %max3A_1373 = arith.maximumf %max3A_1347, %get3A_1371 : vector<16xf32>
      %get3A_1374 = arith.index_cast %scan3A_1355 : i32 to index
      %get3A_1375 = arith.constant 48 : index
      %get3A_1376 = tpu.vector_load %arg8[%get3A_1374, %get3A_1375] {strides = array<i32>} : memref<200x64xf32, #tpu.memory_space<vmem>>, vector<1x16xf32>,
      %get3A_1377 = vector.shape_cast %get3A_1376 : vector<1x16xf32> to vector<16xf32>
      %min3A_1378 = arith.minimumf %min3A_1352, %get3A_1377 : vector<16xf32>
      %max3A_1379 = arith.maximumf %max3A_1353, %get3A_1377 : vector<16xf32>
      %scan3A_1380 = arith.constant 196 : i32
      %scan3A_1381 = arith.addi %scan3A_1271, %scan3A_1380 : i32
      %get3A_1382 = arith.index_cast %scan3A_1381 : i32 to index
      %get3A_1383 = arith.constant 0 : index
      %get3A_1384 = tpu.vector_load %arg8[%get3A_1382, %get3A_1383] {strides = array<i32>} : memref<200x64xf32, #tpu.memory_space<vmem>>, vector<1x16xf32>,
      %get3A_1385 = vector.shape_cast %get3A_1384 : vector<1x16xf32> to vector<16xf32>
      %min3A_1386 = arith.minimumf %min3A_1360, %get3A_1385 : vector<16xf32>
      %max3A_1387 = arith.maximumf %max3A_1361, %get3A_1385 : vector<16xf32>
      %get3A_1388 = arith.index_cast %scan3A_1381 : i32 to index
      %get3A_1389 = arith.constant 16 : index
      %get3A_1390 = tpu.vector_load %arg8[%get3A_1388, %get3A_1389] {strides = array<i32>} : memref<200x64xf32, #tpu.memory_space<vmem>>, vector<1x16xf32>,
      %get3A_1391 = vector.shape_cast %get3A_1390 : vector<1x16xf32> to vector<16xf32>
      %min3A_1392 = arith.minimumf %min3A_1366, %get3A_1391 : vector<16xf32>
      %max3A_1393 = arith.maximumf %max3A_1367, %get3A_1391 : vector<16xf32>
      %get3A_1394 = arith.index_cast %scan3A_1381 : i32 to index
      %get3A_1395 = arith.constant 32 : index
      %get3A_1396 = tpu.vector_load %arg8[%get3A_1394, %get3A_1395] {strides = array<i32>} : memref<200x64xf32, #tpu.memory_space<vmem>>, vector<1x16xf32>,
      %get3A_1397 = vector.shape_cast %get3A_1396 : vector<1x16xf32> to vector<16xf32>
      %min3A_1398 = arith.minimumf %min3A_1372, %get3A_1397 : vector<16xf32>
      %max3A_1399 = arith.maximumf %max3A_1373, %get3A_1397 : vector<16xf32>
      %get3A_1400 = arith.index_cast %scan3A_1381 : i32 to index
      %get3A_1401 = arith.constant 48 : index
      %get3A_1402 = tpu.vector_load %arg8[%get3A_1400, %get3A_1401] {strides = array<i32>} : memref<200x64xf32, #tpu.memory_space<vmem>>, vector<1x16xf32>,
      %get3A_1403 = vector.shape_cast %get3A_1402 : vector<1x16xf32> to vector<16xf32>
      %min3A_1404 = arith.minimumf %min3A_1378, %get3A_1403 : vector<16xf32>
      %max3A_1405 = arith.maximumf %max3A_1379, %get3A_1403 : vector<16xf32>
      %scan3A_1406 = arith.constant 197 : i32
      %scan3A_1407 = arith.addi %scan3A_1271, %scan3A_1406 : i32
      %get3A_1408 = arith.index_cast %scan3A_1407 : i32 to index
      %get3A_1409 = arith.constant 0 : index
      %get3A_1410 = tpu.vector_load %arg8[%get3A_1408, %get3A_1409] {strides = array<i32>} : memref<200x64xf32, #tpu.memory_space<vmem>>, vector<1x16xf32>,
      %get3A_1411 = vector.shape_cast %get3A_1410 : vector<1x16xf32> to vector<16xf32>
      %min3A_1412 = arith.minimumf %min3A_1386, %get3A_1411 : vector<16xf32>
      %max3A_1413 = arith.maximumf %max3A_1387, %get3A_1411 : vector<16xf32>
      %get3A_1414 = arith.index_cast %scan3A_1407 : i32 to index
      %get3A_1415 = arith.constant 16 : index
      %get3A_1416 = tpu.vector_load %arg8[%get3A_1414, %get3A_1415] {strides = array<i32>} : memref<200x64xf32, #tpu.memory_space<vmem>>, vector<1x16xf32>,
      %get3A_1417 = vector.shape_cast %get3A_1416 : vector<1x16xf32> to vector<16xf32>
      %min3A_1418 = arith.minimumf %min3A_1392, %get3A_1417 : vector<16xf32>
      %max3A_1419 = arith.maximumf %max3A_1393, %get3A_1417 : vector<16xf32>
      %get3A_1420 = arith.index_cast %scan3A_1407 : i32 to index
      %get3A_1421 = arith.constant 32 : index
      %get3A_1422 = tpu.vector_load %arg8[%get3A_1420, %get3A_1421] {strides = array<i32>} : memref<200x64xf32, #tpu.memory_space<vmem>>, vector<1x16xf32>,
      %get3A_1423 = vector.shape_cast %get3A_1422 : vector<1x16xf32> to vector<16xf32>
      %min3A_1424 = arith.minimumf %min3A_1398, %get3A_1423 : vector<16xf32>
      %max3A_1425 = arith.maximumf %max3A_1399, %get3A_1423 : vector<16xf32>
      %get3A_1426 = arith.index_cast %scan3A_1407 : i32 to index
      %get3A_1427 = arith.constant 48 : index
      %get3A_1428 = tpu.vector_load %arg8[%get3A_1426, %get3A_1427] {strides = array<i32>} : memref<200x64xf32, #tpu.memory_space<vmem>>, vector<1x16xf32>,
      %get3A_1429 = vector.shape_cast %get3A_1428 : vector<1x16xf32> to vector<16xf32>
      %min3A_1430 = arith.minimumf %min3A_1404, %get3A_1429 : vector<16xf32>
      %max3A_1431 = arith.maximumf %max3A_1405, %get3A_1429 : vector<16xf32>
      %scan3A_1432 = arith.constant 198 : i32
      %scan3A_1433 = arith.addi %scan3A_1271, %scan3A_1432 : i32
      %get3A_1434 = arith.index_cast %scan3A_1433 : i32 to index
      %get3A_1435 = arith.constant 0 : index
      %get3A_1436 = tpu.vector_load %arg8[%get3A_1434, %get3A_1435] {strides = array<i32>} : memref<200x64xf32, #tpu.memory_space<vmem>>, vector<1x16xf32>,
      %get3A_1437 = vector.shape_cast %get3A_1436 : vector<1x16xf32> to vector<16xf32>
      %min3A_1438 = arith.minimumf %min3A_1412, %get3A_1437 : vector<16xf32>
      %max3A_1439 = arith.maximumf %max3A_1413, %get3A_1437 : vector<16xf32>
      %get3A_1440 = arith.index_cast %scan3A_1433 : i32 to index
      %get3A_1441 = arith.constant 16 : index
      %get3A_1442 = tpu.vector_load %arg8[%get3A_1440, %get3A_1441] {strides = array<i32>} : memref<200x64xf32, #tpu.memory_space<vmem>>, vector<1x16xf32>,
      %get3A_1443 = vector.shape_cast %get3A_1442 : vector<1x16xf32> to vector<16xf32>
      %min3A_1444 = arith.minimumf %min3A_1418, %get3A_1443 : vector<16xf32>
      %max3A_1445 = arith.maximumf %max3A_1419, %get3A_1443 : vector<16xf32>
      %get3A_1446 = arith.index_cast %scan3A_1433 : i32 to index
      %get3A_1447 = arith.constant 32 : index
      %get3A_1448 = tpu.vector_load %arg8[%get3A_1446, %get3A_1447] {strides = array<i32>} : memref<200x64xf32, #tpu.memory_space<vmem>>, vector<1x16xf32>,
      %get3A_1449 = vector.shape_cast %get3A_1448 : vector<1x16xf32> to vector<16xf32>
      %min3A_1450 = arith.minimumf %min3A_1424, %get3A_1449 : vector<16xf32>
      %max3A_1451 = arith.maximumf %max3A_1425, %get3A_1449 : vector<16xf32>
      %get3A_1452 = arith.index_cast %scan3A_1433 : i32 to index
      %get3A_1453 = arith.constant 48 : index
      %get3A_1454 = tpu.vector_load %arg8[%get3A_1452, %get3A_1453] {strides = array<i32>} : memref<200x64xf32, #tpu.memory_space<vmem>>, vector<1x16xf32>,
      %get3A_1455 = vector.shape_cast %get3A_1454 : vector<1x16xf32> to vector<16xf32>
      %min3A_1456 = arith.minimumf %min3A_1430, %get3A_1455 : vector<16xf32>
      %max3A_1457 = arith.maximumf %max3A_1431, %get3A_1455 : vector<16xf32>
      %scan3A_1458 = arith.constant 199 : i32
      %swap3A_1459 = arith.index_cast %add3A_1250 : i32 to index
      %swap3A_1460 = arith.constant 0 : index
      %swap3A_1461 = tpu.vector_load %arg12[%swap3A_1459, %swap3A_1460] {strides = array<i32>} : memref<128x128xf32, #tpu.memory_space<vmem>>, vector<1x16xf32>,
      %swap3A_1462 = vector.shape_cast %swap3A_1461 : vector<1x16xf32> to vector<16xf32>
      %swap3A_1463 = vector.shape_cast %min3A_1438 : vector<16xf32> to vector<1x16xf32>
      tpu.vector_store %arg12[%swap3A_1459, %swap3A_1460], %swap3A_1463 {strides = array<i32>} : memref<128x128xf32, #tpu.memory_space<vmem>>, vector<1x16xf32>,
      %swap3A_1464 = arith.index_cast %add3A_1250 : i32 to index
      %swap3A_1465 = arith.constant 64 : index
      %swap3A_1466 = tpu.vector_load %arg12[%swap3A_1464, %swap3A_1465] {strides = array<i32>} : memref<128x128xf32, #tpu.memory_space<vmem>>, vector<1x16xf32>,
      %swap3A_1467 = vector.shape_cast %swap3A_1466 : vector<1x16xf32> to vector<16xf32>
      %swap3A_1468 = vector.shape_cast %max3A_1439 : vector<16xf32> to vector<1x16xf32>
      tpu.vector_store %arg12[%swap3A_1464, %swap3A_1465], %swap3A_1468 {strides = array<i32>} : memref<128x128xf32, #tpu.memory_space<vmem>>, vector<1x16xf32>,
      %swap3A_1469 = arith.index_cast %add3A_1250 : i32 to index
      %swap3A_1470 = arith.constant 16 : index
      %swap3A_1471 = tpu.vector_load %arg12[%swap3A_1469, %swap3A_1470] {strides = array<i32>} : memref<128x128xf32, #tpu.memory_space<vmem>>, vector<1x16xf32>,
      %swap3A_1472 = vector.shape_cast %swap3A_1471 : vector<1x16xf32> to vector<16xf32>
      %swap3A_1473 = vector.shape_cast %min3A_1444 : vector<16xf32> to vector<1x16xf32>
      tpu.vector_store %arg12[%swap3A_1469, %swap3A_1470], %swap3A_1473 {strides = array<i32>} : memref<128x128xf32, #tpu.memory_space<vmem>>, vector<1x16xf32>,
      %swap3A_1474 = arith.index_cast %add3A_1250 : i32 to index
      %swap3A_1475 = arith.constant 80 : index
      %swap3A_1476 = tpu.vector_load %arg12[%swap3A_1474, %swap3A_1475] {strides = array<i32>} : memref<128x128xf32, #tpu.memory_space<vmem>>, vector<1x16xf32>,
      %swap3A_1477 = vector.shape_cast %swap3A_1476 : vector<1x16xf32> to vector<16xf32>
      %swap3A_1478 = vector.shape_cast %max3A_1445 : vector<16xf32> to vector<1x16xf32>
      tpu.vector_store %arg12[%swap3A_1474, %swap3A_1475], %swap3A_1478 {strides = array<i32>} : memref<128x128xf32, #tpu.memory_space<vmem>>, vector<1x16xf32>,
      %swap3A_1479 = arith.index_cast %add3A_1250 : i32 to index
      %swap3A_1480 = arith.constant 32 : index
      %swap3A_1481 = tpu.vector_load %arg12[%swap3A_1479, %swap3A_1480] {strides = array<i32>} : memref<128x128xf32, #tpu.memory_space<vmem>>, vector<1x16xf32>,
      %swap3A_1482 = vector.shape_cast %swap3A_1481 : vector<1x16xf32> to vector<16xf32>
      %swap3A_1483 = vector.shape_cast %min3A_1450 : vector<16xf32> to vector<1x16xf32>
      tpu.vector_store %arg12[%swap3A_1479, %swap3A_1480], %swap3A_1483 {strides = array<i32>} : memref<128x128xf32, #tpu.memory_space<vmem>>, vector<1x16xf32>,
      %swap3A_1484 = arith.index_cast %add3A_1250 : i32 to index
      %swap3A_1485 = arith.constant 96 : index
      %swap3A_1486 = tpu.vector_load %arg12[%swap3A_1484, %swap3A_1485] {strides = array<i32>} : memref<128x128xf32, #tpu.memory_space<vmem>>, vector<1x16xf32>,
      %swap3A_1487 = vector.shape_cast %swap3A_1486 : vector<1x16xf32> to vector<16xf32>
      %swap3A_1488 = vector.shape_cast %max3A_1451 : vector<16xf32> to vector<1x16xf32>
      tpu.vector_store %arg12[%swap3A_1484, %swap3A_1485], %swap3A_1488 {strides = array<i32>} : memref<128x128xf32, #tpu.memory_space<vmem>>, vector<1x16xf32>,
      %swap3A_1489 = arith.index_cast %add3A_1250 : i32 to index
      %swap3A_1490 = arith.constant 48 : index
      %swap3A_1491 = tpu.vector_load %arg12[%swap3A_1489, %swap3A_1490] {strides = array<i32>} : memref<128x128xf32, #tpu.memory_space<vmem>>, vector<1x16xf32>,
      %swap3A_1492 = vector.shape_cast %swap3A_1491 : vector<1x16xf32> to vector<16xf32>
      %swap3A_1493 = vector.shape_cast %min3A_1456 : vector<16xf32> to vector<1x16xf32>
      tpu.vector_store %arg12[%swap3A_1489, %swap3A_1490], %swap3A_1493 {strides = array<i32>} : memref<128x128xf32, #tpu.memory_space<vmem>>, vector<1x16xf32>,
      %swap3A_1494 = arith.index_cast %add3A_1250 : i32 to index
      %swap3A_1495 = arith.constant 112 : index
      %swap3A_1496 = tpu.vector_load %arg12[%swap3A_1494, %swap3A_1495] {strides = array<i32>} : memref<128x128xf32, #tpu.memory_space<vmem>>, vector<1x16xf32>,
      %swap3A_1497 = vector.shape_cast %swap3A_1496 : vector<1x16xf32> to vector<16xf32>
      %swap3A_1498 = vector.shape_cast %max3A_1457 : vector<16xf32> to vector<1x16xf32>
      tpu.vector_store %arg12[%swap3A_1494, %swap3A_1495], %swap3A_1498 {strides = array<i32>} : memref<128x128xf32, #tpu.memory_space<vmem>>, vector<1x16xf32>,
      %dma_wait3A_1499 = arith.constant 0 : i32
      %dma_wait3A_1500 = arith.constant 0 : i32
      %dma_wait3A_1501 = arith.constant 0 : i32
      %dma_wait3A_1502 = tpu.memref_slice %arg9[%dma_wait3A_1500, %dma_wait3A_1501] : memref<200x64xf32, #tpu.memory_space<vmem>> -> memref<128x64xf32, #tpu.memory_space<vmem>>
      %dma_wait3A_1503 = arith.constant 0 : i32
      %dma_wait3A_1504 = tpu.memref_slice %arg5[%dma_wait3A_1499, %dma_wait3A_1503] : memref<128x208xi32, #tpu.memory_space<vmem>> -> memref<1x128xi32, #tpu.memory_space<vmem>>
      %dma_wait3A_1505 = tpu.memref_squeeze %dma_wait3A_1504 : memref<1x128xi32, #tpu.memory_space<vmem>> -> memref<128xi32, #tpu.memory_space<vmem>>
      %dma_wait3A_1506 = arith.constant 0 : i32
      %dma_wait3A_1507 = arith.constant 0 : i32
      %dma_wait3A_1508 = tpu.memref_slice %arg3[%dma_wait3A_1506, %dma_wait3A_1507] : memref<1048576x64xf32, #tpu.memory_space<hbm>> -> memref<1048576x64xf32, #tpu.memory_space<hbm>>
      tpu.wait_indirect_dma semaphore(%arg16 : memref<!tpu.dma_semaphore, #tpu.memory_space<semaphore_mem>>) src(%dma_wait3A_1508 : memref<1048576x64xf32, #tpu.memory_space<hbm>>) dst(%dma_wait3A_1502 : memref<128x64xf32, #tpu.memory_space<vmem>>)
      %dma_wait3A_1509 = arith.constant 0 : i32
      %dma_wait3A_1510 = arith.constant 128 : i32
      %dma_wait3A_1511 = arith.constant 0 : i32
      %dma_wait3A_1512 = tpu.memref_slice %arg9[%dma_wait3A_1510, %dma_wait3A_1511] : memref<200x64xf32, #tpu.memory_space<vmem>> -> memref<72x64xf32, #tpu.memory_space<vmem>>
      %dma_wait3A_1513 = arith.constant 128 : i32
      %dma_wait3A_1514 = tpu.memref_slice %arg5[%dma_wait3A_1509, %dma_wait3A_1513] : memref<128x208xi32, #tpu.memory_space<vmem>> -> memref<1x72xi32, #tpu.memory_space<vmem>>
      %dma_wait3A_1515 = tpu.memref_squeeze %dma_wait3A_1514 : memref<1x72xi32, #tpu.memory_space<vmem>> -> memref<72xi32, #tpu.memory_space<vmem>>
      %dma_wait3A_1516 = arith.constant 0 : i32
      %dma_wait3A_1517 = arith.constant 0 : i32
      %dma_wait3A_1518 = tpu.memref_slice %arg3[%dma_wait3A_1516, %dma_wait3A_1517] : memref<1048576x64xf32, #tpu.memory_space<hbm>> -> memref<1048576x64xf32, #tpu.memory_space<hbm>>
      tpu.wait_indirect_dma semaphore(%arg16 : memref<!tpu.dma_semaphore, #tpu.memory_space<semaphore_mem>>) src(%dma_wait3A_1518 : memref<1048576x64xf32, #tpu.memory_space<hbm>>) dst(%dma_wait3A_1512 : memref<72x64xf32, #tpu.memory_space<vmem>>)
      %add3A_1519 = arith.constant 3 : i32
      %add3A_1520 = arith.addi %add3A_664, %add3A_1519 : i32
      %add3A_1521 = arith.constant 5 : i32
      %add3A_1522 = arith.addi %add3A_1520, %add3A_1521 : i32
      %lt3A_1523 = arith.constant 128 : i32
      %lt3A_1524 = arith.cmpi slt, %add3A_1522, %lt3A_1523 : i32
      %convert_element_type3A_1525 = arith.extui %lt3A_1524 : i1 to i32
      %cond3A_1526 = arith.constant 0 : i32
      %cond3A_1527 = arith.cmpi ne, %convert_element_type3A_1525, %cond3A_1526 : i32
      scf.if %cond3A_1527 {
        %dma_start3A_2336 = arith.constant 0 : i32
        %dma_start3A_2337 = arith.constant 0 : i32
        %dma_start3A_2338 = tpu.memref_slice %arg8[%dma_start3A_2336, %dma_start3A_2337] : memref<200x64xf32, #tpu.memory_space<vmem>> -> memref<128x64xf32, #tpu.memory_space<vmem>>
        %dma_start3A_2339 = arith.constant 0 : i32
        %dma_start3A_2340 = tpu.memref_slice %arg5[%add3A_1522, %dma_start3A_2339] : memref<128x208xi32, #tpu.memory_space<vmem>> -> memref<1x128xi32, #tpu.memory_space<vmem>>
        %dma_start3A_2341 = tpu.memref_squeeze %dma_start3A_2340 : memref<1x128xi32, #tpu.memory_space<vmem>> -> memref<128xi32, #tpu.memory_space<vmem>>
        %dma_start3A_2342 = arith.constant 0 : i32
        %dma_start3A_2343 = arith.constant 0 : i32
        %dma_start3A_2344 = tpu.memref_slice %arg3[%dma_start3A_2342, %dma_start3A_2343] : memref<1048576x64xf32, #tpu.memory_space<hbm>> -> memref<1048576x64xf32, #tpu.memory_space<hbm>>
        tpu.enqueue_indirect_dma source(%dma_start3A_2344 : memref<1048576x64xf32, #tpu.memory_space<hbm>>) target(%dma_start3A_2338 : memref<128x64xf32, #tpu.memory_space<vmem>>) offsets(%dma_start3A_2341 : memref<128xi32, #tpu.memory_space<vmem>>) semaphore(%arg15 : memref<!tpu.dma_semaphore, #tpu.memory_space<semaphore_mem>>)
        %dma_start3A_2345 = arith.constant 128 : i32
        %dma_start3A_2346 = arith.constant 0 : i32
        %dma_start3A_2347 = tpu.memref_slice %arg8[%dma_start3A_2345, %dma_start3A_2346] : memref<200x64xf32, #tpu.memory_space<vmem>> -> memref<72x64xf32, #tpu.memory_space<vmem>>
        %dma_start3A_2348 = arith.constant 128 : i32
        %dma_start3A_2349 = tpu.memref_slice %arg5[%add3A_1522, %dma_start3A_2348] : memref<128x208xi32, #tpu.memory_space<vmem>> -> memref<1x72xi32, #tpu.memory_space<vmem>>
        %dma_start3A_2350 = tpu.memref_squeeze %dma_start3A_2349 : memref<1x72xi32, #tpu.memory_space<vmem>> -> memref<72xi32, #tpu.memory_space<vmem>>
        %dma_start3A_2351 = arith.constant 0 : i32
        %dma_start3A_2352 = arith.constant 0 : i32
        %dma_start3A_2353 = tpu.memref_slice %arg3[%dma_start3A_2351, %dma_start3A_2352] : memref<1048576x64xf32, #tpu.memory_space<hbm>> -> memref<1048576x64xf32, #tpu.memory_space<hbm>>
        tpu.enqueue_indirect_dma source(%dma_start3A_2353 : memref<1048576x64xf32, #tpu.memory_space<hbm>>) target(%dma_start3A_2347 : memref<72x64xf32, #tpu.memory_space<vmem>>) offsets(%dma_start3A_2350 : memref<72xi32, #tpu.memory_space<vmem>>) semaphore(%arg15 : memref<!tpu.dma_semaphore, #tpu.memory_space<semaphore_mem>>)
      } else {
      }
      %add3A_1528 = arith.constant 3 : i32
      %add3A_1529 = arith.addi %add3A_664, %add3A_1528 : i32
      %get3A_1530 = arith.constant 0 : i32
      %get3A_1531 = arith.index_cast %get3A_1530 : i32 to index
      %get3A_1532 = arith.constant 0 : index
      %get3A_1533 = tpu.vector_load %arg9[%get3A_1531, %get3A_1532] {strides = array<i32>} : memref<200x64xf32, #tpu.memory_space<vmem>>, vector<1x16xf32>,
      %get3A_1534 = vector.shape_cast %get3A_1533 : vector<1x16xf32> to vector<16xf32>
      %get3A_1535 = arith.constant 0 : i32
      %get3A_1536 = arith.index_cast %get3A_1535 : i32 to index
      %get3A_1537 = arith.constant 16 : index
      %get3A_1538 = tpu.vector_load %arg9[%get3A_1536, %get3A_1537] {strides = array<i32>} : memref<200x64xf32, #tpu.memory_space<vmem>>, vector<1x16xf32>,
      %get3A_1539 = vector.shape_cast %get3A_1538 : vector<1x16xf32> to vector<16xf32>
      %get3A_1540 = arith.constant 0 : i32
      %get3A_1541 = arith.index_cast %get3A_1540 : i32 to index
      %get3A_1542 = arith.constant 32 : index
      %get3A_1543 = tpu.vector_load %arg9[%get3A_1541, %get3A_1542] {strides = array<i32>} : memref<200x64xf32, #tpu.memory_space<vmem>>, vector<1x16xf32>,
      %get3A_1544 = vector.shape_cast %get3A_1543 : vector<1x16xf32> to vector<16xf32>
      %get3A_1545 = arith.constant 0 : i32
      %get3A_1546 = arith.index_cast %get3A_1545 : i32 to index
      %get3A_1547 = arith.constant 48 : index
      %get3A_1548 = tpu.vector_load %arg9[%get3A_1546, %get3A_1547] {strides = array<i32>} : memref<200x64xf32, #tpu.memory_space<vmem>>, vector<1x16xf32>,
      %get3A_1549 = vector.shape_cast %get3A_1548 : vector<1x16xf32> to vector<16xf32>
      %scan3A_1550 = arith.constant 1 : i32
      %scan3A_1551 = arith.constant 192 : i32
      %scan3A_1552 = arith.addi %scan3A_1550, %scan3A_1551 : i32
      %scan3A_1553 = arith.constant 8 : i32
      %scan3A_1554:8 = scf.for %scan3A_2336 = %scan3A_1550 to %scan3A_1552 step %scan3A_1553 iter_args(%scan3A_2337 = %get3A_1534, %scan3A_2338 = %get3A_1539, %scan3A_2339 = %get3A_1544, %scan3A_2340 = %get3A_1549, %scan3A_2341 = %get3A_1534, %scan3A_2342 = %get3A_1539, %scan3A_2343 = %get3A_1544, %scan3A_2344 = %get3A_1549) -> (vector<16xf32>, vector<16xf32>, vector<16xf32>, vector<16xf32>, vector<16xf32>, vector<16xf32>, vector<16xf32>, vector<16xf32>)  : i32 {
        %get3A_2345 = arith.index_cast %scan3A_2336 : i32 to index
        %get3A_2346 = arith.constant 0 : index
        %get3A_2347 = tpu.vector_load %arg9[%get3A_2345, %get3A_2346] {strides = array<i32>} : memref<200x64xf32, #tpu.memory_space<vmem>>, vector<1x16xf32>,
        %get3A_2348 = vector.shape_cast %get3A_2347 : vector<1x16xf32> to vector<16xf32>
        %min3A_2349 = arith.minimumf %scan3A_2337, %get3A_2348 : vector<16xf32>
        %max3A_2350 = arith.maximumf %scan3A_2341, %get3A_2348 : vector<16xf32>
        %get3A_2351 = arith.index_cast %scan3A_2336 : i32 to index
        %get3A_2352 = arith.constant 16 : index
        %get3A_2353 = tpu.vector_load %arg9[%get3A_2351, %get3A_2352] {strides = array<i32>} : memref<200x64xf32, #tpu.memory_space<vmem>>, vector<1x16xf32>,
        %get3A_2354 = vector.shape_cast %get3A_2353 : vector<1x16xf32> to vector<16xf32>
        %min3A_2355 = arith.minimumf %scan3A_2338, %get3A_2354 : vector<16xf32>
        %max3A_2356 = arith.maximumf %scan3A_2342, %get3A_2354 : vector<16xf32>
        %get3A_2357 = arith.index_cast %scan3A_2336 : i32 to index
        %get3A_2358 = arith.constant 32 : index
        %get3A_2359 = tpu.vector_load %arg9[%get3A_2357, %get3A_2358] {strides = array<i32>} : memref<200x64xf32, #tpu.memory_space<vmem>>, vector<1x16xf32>,
        %get3A_2360 = vector.shape_cast %get3A_2359 : vector<1x16xf32> to vector<16xf32>
        %min3A_2361 = arith.minimumf %scan3A_2339, %get3A_2360 : vector<16xf32>
        %max3A_2362 = arith.maximumf %scan3A_2343, %get3A_2360 : vector<16xf32>
        %get3A_2363 = arith.index_cast %scan3A_2336 : i32 to index
        %get3A_2364 = arith.constant 48 : index
        %get3A_2365 = tpu.vector_load %arg9[%get3A_2363, %get3A_2364] {strides = array<i32>} : memref<200x64xf32, #tpu.memory_space<vmem>>, vector<1x16xf32>,
        %get3A_2366 = vector.shape_cast %get3A_2365 : vector<1x16xf32> to vector<16xf32>
        %min3A_2367 = arith.minimumf %scan3A_2340, %get3A_2366 : vector<16xf32>
        %max3A_2368 = arith.maximumf %scan3A_2344, %get3A_2366 : vector<16xf32>
        %scan3A_2369 = arith.constant 1 : i32
        %scan3A_2370 = arith.addi %scan3A_2336, %scan3A_2369 : i32
        %get3A_2371 = arith.index_cast %scan3A_2370 : i32 to index
        %get3A_2372 = arith.constant 0 : index
        %get3A_2373 = tpu.vector_load %arg9[%get3A_2371, %get3A_2372] {strides = array<i32>} : memref<200x64xf32, #tpu.memory_space<vmem>>, vector<1x16xf32>,
        %get3A_2374 = vector.shape_cast %get3A_2373 : vector<1x16xf32> to vector<16xf32>
        %min3A_2375 = arith.minimumf %min3A_2349, %get3A_2374 : vector<16xf32>
        %max3A_2376 = arith.maximumf %max3A_2350, %get3A_2374 : vector<16xf32>
        %get3A_2377 = arith.index_cast %scan3A_2370 : i32 to index
        %get3A_2378 = arith.constant 16 : index
        %get3A_2379 = tpu.vector_load %arg9[%get3A_2377, %get3A_2378] {strides = array<i32>} : memref<200x64xf32, #tpu.memory_space<vmem>>, vector<1x16xf32>,
        %get3A_2380 = vector.shape_cast %get3A_2379 : vector<1x16xf32> to vector<16xf32>
        %min3A_2381 = arith.minimumf %min3A_2355, %get3A_2380 : vector<16xf32>
        %max3A_2382 = arith.maximumf %max3A_2356, %get3A_2380 : vector<16xf32>
        %get3A_2383 = arith.index_cast %scan3A_2370 : i32 to index
        %get3A_2384 = arith.constant 32 : index
        %get3A_2385 = tpu.vector_load %arg9[%get3A_2383, %get3A_2384] {strides = array<i32>} : memref<200x64xf32, #tpu.memory_space<vmem>>, vector<1x16xf32>,
        %get3A_2386 = vector.shape_cast %get3A_2385 : vector<1x16xf32> to vector<16xf32>
        %min3A_2387 = arith.minimumf %min3A_2361, %get3A_2386 : vector<16xf32>
        %max3A_2388 = arith.maximumf %max3A_2362, %get3A_2386 : vector<16xf32>
        %get3A_2389 = arith.index_cast %scan3A_2370 : i32 to index
        %get3A_2390 = arith.constant 48 : index
        %get3A_2391 = tpu.vector_load %arg9[%get3A_2389, %get3A_2390] {strides = array<i32>} : memref<200x64xf32, #tpu.memory_space<vmem>>, vector<1x16xf32>,
        %get3A_2392 = vector.shape_cast %get3A_2391 : vector<1x16xf32> to vector<16xf32>
        %min3A_2393 = arith.minimumf %min3A_2367, %get3A_2392 : vector<16xf32>
        %max3A_2394 = arith.maximumf %max3A_2368, %get3A_2392 : vector<16xf32>
        %scan3A_2395 = arith.constant 2 : i32
        %scan3A_2396 = arith.addi %scan3A_2336, %scan3A_2395 : i32
        %get3A_2397 = arith.index_cast %scan3A_2396 : i32 to index
        %get3A_2398 = arith.constant 0 : index
        %get3A_2399 = tpu.vector_load %arg9[%get3A_2397, %get3A_2398] {strides = array<i32>} : memref<200x64xf32, #tpu.memory_space<vmem>>, vector<1x16xf32>,
        %get3A_2400 = vector.shape_cast %get3A_2399 : vector<1x16xf32> to vector<16xf32>
        %min3A_2401 = arith.minimumf %min3A_2375, %get3A_2400 : vector<16xf32>
        %max3A_2402 = arith.maximumf %max3A_2376, %get3A_2400 : vector<16xf32>
        %get3A_2403 = arith.index_cast %scan3A_2396 : i32 to index
        %get3A_2404 = arith.constant 16 : index
        %get3A_2405 = tpu.vector_load %arg9[%get3A_2403, %get3A_2404] {strides = array<i32>} : memref<200x64xf32, #tpu.memory_space<vmem>>, vector<1x16xf32>,
        %get3A_2406 = vector.shape_cast %get3A_2405 : vector<1x16xf32> to vector<16xf32>
        %min3A_2407 = arith.minimumf %min3A_2381, %get3A_2406 : vector<16xf32>
        %max3A_2408 = arith.maximumf %max3A_2382, %get3A_2406 : vector<16xf32>
        %get3A_2409 = arith.index_cast %scan3A_2396 : i32 to index
        %get3A_2410 = arith.constant 32 : index
        %get3A_2411 = tpu.vector_load %arg9[%get3A_2409, %get3A_2410] {strides = array<i32>} : memref<200x64xf32, #tpu.memory_space<vmem>>, vector<1x16xf32>,
        %get3A_2412 = vector.shape_cast %get3A_2411 : vector<1x16xf32> to vector<16xf32>
        %min3A_2413 = arith.minimumf %min3A_2387, %get3A_2412 : vector<16xf32>
        %max3A_2414 = arith.maximumf %max3A_2388, %get3A_2412 : vector<16xf32>
        %get3A_2415 = arith.index_cast %scan3A_2396 : i32 to index
        %get3A_2416 = arith.constant 48 : index
        %get3A_2417 = tpu.vector_load %arg9[%get3A_2415, %get3A_2416] {strides = array<i32>} : memref<200x64xf32, #tpu.memory_space<vmem>>, vector<1x16xf32>,
        %get3A_2418 = vector.shape_cast %get3A_2417 : vector<1x16xf32> to vector<16xf32>
        %min3A_2419 = arith.minimumf %min3A_2393, %get3A_2418 : vector<16xf32>
        %max3A_2420 = arith.maximumf %max3A_2394, %get3A_2418 : vector<16xf32>
        %scan3A_2421 = arith.constant 3 : i32
        %scan3A_2422 = arith.addi %scan3A_2336, %scan3A_2421 : i32
        %get3A_2423 = arith.index_cast %scan3A_2422 : i32 to index
        %get3A_2424 = arith.constant 0 : index
        %get3A_2425 = tpu.vector_load %arg9[%get3A_2423, %get3A_2424] {strides = array<i32>} : memref<200x64xf32, #tpu.memory_space<vmem>>, vector<1x16xf32>,
        %get3A_2426 = vector.shape_cast %get3A_2425 : vector<1x16xf32> to vector<16xf32>
        %min3A_2427 = arith.minimumf %min3A_2401, %get3A_2426 : vector<16xf32>
        %max3A_2428 = arith.maximumf %max3A_2402, %get3A_2426 : vector<16xf32>
        %get3A_2429 = arith.index_cast %scan3A_2422 : i32 to index
        %get3A_2430 = arith.constant 16 : index
        %get3A_2431 = tpu.vector_load %arg9[%get3A_2429, %get3A_2430] {strides = array<i32>} : memref<200x64xf32, #tpu.memory_space<vmem>>, vector<1x16xf32>,
        %get3A_2432 = vector.shape_cast %get3A_2431 : vector<1x16xf32> to vector<16xf32>
        %min3A_2433 = arith.minimumf %min3A_2407, %get3A_2432 : vector<16xf32>
        %max3A_2434 = arith.maximumf %max3A_2408, %get3A_2432 : vector<16xf32>
        %get3A_2435 = arith.index_cast %scan3A_2422 : i32 to index
        %get3A_2436 = arith.constant 32 : index
        %get3A_2437 = tpu.vector_load %arg9[%get3A_2435, %get3A_2436] {strides = array<i32>} : memref<200x64xf32, #tpu.memory_space<vmem>>, vector<1x16xf32>,
        %get3A_2438 = vector.shape_cast %get3A_2437 : vector<1x16xf32> to vector<16xf32>
        %min3A_2439 = arith.minimumf %min3A_2413, %get3A_2438 : vector<16xf32>
        %max3A_2440 = arith.maximumf %max3A_2414, %get3A_2438 : vector<16xf32>
        %get3A_2441 = arith.index_cast %scan3A_2422 : i32 to index
        %get3A_2442 = arith.constant 48 : index
        %get3A_2443 = tpu.vector_load %arg9[%get3A_2441, %get3A_2442] {strides = array<i32>} : memref<200x64xf32, #tpu.memory_space<vmem>>, vector<1x16xf32>,
        %get3A_2444 = vector.shape_cast %get3A_2443 : vector<1x16xf32> to vector<16xf32>
        %min3A_2445 = arith.minimumf %min3A_2419, %get3A_2444 : vector<16xf32>
        %max3A_2446 = arith.maximumf %max3A_2420, %get3A_2444 : vector<16xf32>
        %scan3A_2447 = arith.constant 4 : i32
        %scan3A_2448 = arith.addi %scan3A_2336, %scan3A_2447 : i32
        %get3A_2449 = arith.index_cast %scan3A_2448 : i32 to index
        %get3A_2450 = arith.constant 0 : index
        %get3A_2451 = tpu.vector_load %arg9[%get3A_2449, %get3A_2450] {strides = array<i32>} : memref<200x64xf32, #tpu.memory_space<vmem>>, vector<1x16xf32>,
        %get3A_2452 = vector.shape_cast %get3A_2451 : vector<1x16xf32> to vector<16xf32>
        %min3A_2453 = arith.minimumf %min3A_2427, %get3A_2452 : vector<16xf32>
        %max3A_2454 = arith.maximumf %max3A_2428, %get3A_2452 : vector<16xf32>
        %get3A_2455 = arith.index_cast %scan3A_2448 : i32 to index
        %get3A_2456 = arith.constant 16 : index
        %get3A_2457 = tpu.vector_load %arg9[%get3A_2455, %get3A_2456] {strides = array<i32>} : memref<200x64xf32, #tpu.memory_space<vmem>>, vector<1x16xf32>,
        %get3A_2458 = vector.shape_cast %get3A_2457 : vector<1x16xf32> to vector<16xf32>
        %min3A_2459 = arith.minimumf %min3A_2433, %get3A_2458 : vector<16xf32>
        %max3A_2460 = arith.maximumf %max3A_2434, %get3A_2458 : vector<16xf32>
        %get3A_2461 = arith.index_cast %scan3A_2448 : i32 to index
        %get3A_2462 = arith.constant 32 : index
        %get3A_2463 = tpu.vector_load %arg9[%get3A_2461, %get3A_2462] {strides = array<i32>} : memref<200x64xf32, #tpu.memory_space<vmem>>, vector<1x16xf32>,
        %get3A_2464 = vector.shape_cast %get3A_2463 : vector<1x16xf32> to vector<16xf32>
        %min3A_2465 = arith.minimumf %min3A_2439, %get3A_2464 : vector<16xf32>
        %max3A_2466 = arith.maximumf %max3A_2440, %get3A_2464 : vector<16xf32>
        %get3A_2467 = arith.index_cast %scan3A_2448 : i32 to index
        %get3A_2468 = arith.constant 48 : index
        %get3A_2469 = tpu.vector_load %arg9[%get3A_2467, %get3A_2468] {strides = array<i32>} : memref<200x64xf32, #tpu.memory_space<vmem>>, vector<1x16xf32>,
        %get3A_2470 = vector.shape_cast %get3A_2469 : vector<1x16xf32> to vector<16xf32>
        %min3A_2471 = arith.minimumf %min3A_2445, %get3A_2470 : vector<16xf32>
        %max3A_2472 = arith.maximumf %max3A_2446, %get3A_2470 : vector<16xf32>
        %scan3A_2473 = arith.constant 5 : i32
        %scan3A_2474 = arith.addi %scan3A_2336, %scan3A_2473 : i32
        %get3A_2475 = arith.index_cast %scan3A_2474 : i32 to index
        %get3A_2476 = arith.constant 0 : index
        %get3A_2477 = tpu.vector_load %arg9[%get3A_2475, %get3A_2476] {strides = array<i32>} : memref<200x64xf32, #tpu.memory_space<vmem>>, vector<1x16xf32>,
        %get3A_2478 = vector.shape_cast %get3A_2477 : vector<1x16xf32> to vector<16xf32>
        %min3A_2479 = arith.minimumf %min3A_2453, %get3A_2478 : vector<16xf32>
        %max3A_2480 = arith.maximumf %max3A_2454, %get3A_2478 : vector<16xf32>
        %get3A_2481 = arith.index_cast %scan3A_2474 : i32 to index
        %get3A_2482 = arith.constant 16 : index
        %get3A_2483 = tpu.vector_load %arg9[%get3A_2481, %get3A_2482] {strides = array<i32>} : memref<200x64xf32, #tpu.memory_space<vmem>>, vector<1x16xf32>,
        %get3A_2484 = vector.shape_cast %get3A_2483 : vector<1x16xf32> to vector<16xf32>
        %min3A_2485 = arith.minimumf %min3A_2459, %get3A_2484 : vector<16xf32>
        %max3A_2486 = arith.maximumf %max3A_2460, %get3A_2484 : vector<16xf32>
        %get3A_2487 = arith.index_cast %scan3A_2474 : i32 to index
        %get3A_2488 = arith.constant 32 : index
        %get3A_2489 = tpu.vector_load %arg9[%get3A_2487, %get3A_2488] {strides = array<i32>} : memref<200x64xf32, #tpu.memory_space<vmem>>, vector<1x16xf32>,
        %get3A_2490 = vector.shape_cast %get3A_2489 : vector<1x16xf32> to vector<16xf32>
        %min3A_2491 = arith.minimumf %min3A_2465, %get3A_2490 : vector<16xf32>
        %max3A_2492 = arith.maximumf %max3A_2466, %get3A_2490 : vector<16xf32>
        %get3A_2493 = arith.index_cast %scan3A_2474 : i32 to index
        %get3A_2494 = arith.constant 48 : index
        %get3A_2495 = tpu.vector_load %arg9[%get3A_2493, %get3A_2494] {strides = array<i32>} : memref<200x64xf32, #tpu.memory_space<vmem>>, vector<1x16xf32>,
        %get3A_2496 = vector.shape_cast %get3A_2495 : vector<1x16xf32> to vector<16xf32>
        %min3A_2497 = arith.minimumf %min3A_2471, %get3A_2496 : vector<16xf32>
        %max3A_2498 = arith.maximumf %max3A_2472, %get3A_2496 : vector<16xf32>
        %scan3A_2499 = arith.constant 6 : i32
        %scan3A_2500 = arith.addi %scan3A_2336, %scan3A_2499 : i32
        %get3A_2501 = arith.index_cast %scan3A_2500 : i32 to index
        %get3A_2502 = arith.constant 0 : index
        %get3A_2503 = tpu.vector_load %arg9[%get3A_2501, %get3A_2502] {strides = array<i32>} : memref<200x64xf32, #tpu.memory_space<vmem>>, vector<1x16xf32>,
        %get3A_2504 = vector.shape_cast %get3A_2503 : vector<1x16xf32> to vector<16xf32>
        %min3A_2505 = arith.minimumf %min3A_2479, %get3A_2504 : vector<16xf32>
        %max3A_2506 = arith.maximumf %max3A_2480, %get3A_2504 : vector<16xf32>
        %get3A_2507 = arith.index_cast %scan3A_2500 : i32 to index
        %get3A_2508 = arith.constant 16 : index
        %get3A_2509 = tpu.vector_load %arg9[%get3A_2507, %get3A_2508] {strides = array<i32>} : memref<200x64xf32, #tpu.memory_space<vmem>>, vector<1x16xf32>,
        %get3A_2510 = vector.shape_cast %get3A_2509 : vector<1x16xf32> to vector<16xf32>
        %min3A_2511 = arith.minimumf %min3A_2485, %get3A_2510 : vector<16xf32>
        %max3A_2512 = arith.maximumf %max3A_2486, %get3A_2510 : vector<16xf32>
        %get3A_2513 = arith.index_cast %scan3A_2500 : i32 to index
        %get3A_2514 = arith.constant 32 : index
        %get3A_2515 = tpu.vector_load %arg9[%get3A_2513, %get3A_2514] {strides = array<i32>} : memref<200x64xf32, #tpu.memory_space<vmem>>, vector<1x16xf32>,
        %get3A_2516 = vector.shape_cast %get3A_2515 : vector<1x16xf32> to vector<16xf32>
        %min3A_2517 = arith.minimumf %min3A_2491, %get3A_2516 : vector<16xf32>
        %max3A_2518 = arith.maximumf %max3A_2492, %get3A_2516 : vector<16xf32>
        %get3A_2519 = arith.index_cast %scan3A_2500 : i32 to index
        %get3A_2520 = arith.constant 48 : index
        %get3A_2521 = tpu.vector_load %arg9[%get3A_2519, %get3A_2520] {strides = array<i32>} : memref<200x64xf32, #tpu.memory_space<vmem>>, vector<1x16xf32>,
        %get3A_2522 = vector.shape_cast %get3A_2521 : vector<1x16xf32> to vector<16xf32>
        %min3A_2523 = arith.minimumf %min3A_2497, %get3A_2522 : vector<16xf32>
        %max3A_2524 = arith.maximumf %max3A_2498, %get3A_2522 : vector<16xf32>
        %scan3A_2525 = arith.constant 7 : i32
        %scan3A_2526 = arith.addi %scan3A_2336, %scan3A_2525 : i32
        %get3A_2527 = arith.index_cast %scan3A_2526 : i32 to index
        %get3A_2528 = arith.constant 0 : index
        %get3A_2529 = tpu.vector_load %arg9[%get3A_2527, %get3A_2528] {strides = array<i32>} : memref<200x64xf32, #tpu.memory_space<vmem>>, vector<1x16xf32>,
        %get3A_2530 = vector.shape_cast %get3A_2529 : vector<1x16xf32> to vector<16xf32>
        %min3A_2531 = arith.minimumf %min3A_2505, %get3A_2530 : vector<16xf32>
        %max3A_2532 = arith.maximumf %max3A_2506, %get3A_2530 : vector<16xf32>
        %get3A_2533 = arith.index_cast %scan3A_2526 : i32 to index
        %get3A_2534 = arith.constant 16 : index
        %get3A_2535 = tpu.vector_load %arg9[%get3A_2533, %get3A_2534] {strides = array<i32>} : memref<200x64xf32, #tpu.memory_space<vmem>>, vector<1x16xf32>,
        %get3A_2536 = vector.shape_cast %get3A_2535 : vector<1x16xf32> to vector<16xf32>
        %min3A_2537 = arith.minimumf %min3A_2511, %get3A_2536 : vector<16xf32>
        %max3A_2538 = arith.maximumf %max3A_2512, %get3A_2536 : vector<16xf32>
        %get3A_2539 = arith.index_cast %scan3A_2526 : i32 to index
        %get3A_2540 = arith.constant 32 : index
        %get3A_2541 = tpu.vector_load %arg9[%get3A_2539, %get3A_2540] {strides = array<i32>} : memref<200x64xf32, #tpu.memory_space<vmem>>, vector<1x16xf32>,
        %get3A_2542 = vector.shape_cast %get3A_2541 : vector<1x16xf32> to vector<16xf32>
        %min3A_2543 = arith.minimumf %min3A_2517, %get3A_2542 : vector<16xf32>
        %max3A_2544 = arith.maximumf %max3A_2518, %get3A_2542 : vector<16xf32>
        %get3A_2545 = arith.index_cast %scan3A_2526 : i32 to index
        %get3A_2546 = arith.constant 48 : index
        %get3A_2547 = tpu.vector_load %arg9[%get3A_2545, %get3A_2546] {strides = array<i32>} : memref<200x64xf32, #tpu.memory_space<vmem>>, vector<1x16xf32>,
        %get3A_2548 = vector.shape_cast %get3A_2547 : vector<1x16xf32> to vector<16xf32>
        %min3A_2549 = arith.minimumf %min3A_2523, %get3A_2548 : vector<16xf32>
        %max3A_2550 = arith.maximumf %max3A_2524, %get3A_2548 : vector<16xf32>
        scf.yield %min3A_2531, %min3A_2537, %min3A_2543, %min3A_2549, %max3A_2532, %max3A_2538, %max3A_2544, %max3A_2550 : vector<16xf32>, vector<16xf32>, vector<16xf32>, vector<16xf32>, vector<16xf32>, vector<16xf32>, vector<16xf32>, vector<16xf32>
      }
      %scan3A_1555 = arith.constant 192 : i32
      %scan3A_1556 = arith.addi %scan3A_1550, %scan3A_1555 : i32
      %get3A_1557 = arith.index_cast %scan3A_1556 : i32 to index
      %get3A_1558 = arith.constant 0 : index
      %get3A_1559 = tpu.vector_load %arg9[%get3A_1557, %get3A_1558] {strides = array<i32>} : memref<200x64xf32, #tpu.memory_space<vmem>>, vector<1x16xf32>,
      %get3A_1560 = vector.shape_cast %get3A_1559 : vector<1x16xf32> to vector<16xf32>
      %min3A_1561 = arith.minimumf %scan3A_1554#0, %get3A_1560 : vector<16xf32>
      %max3A_1562 = arith.maximumf %scan3A_1554#4, %get3A_1560 : vector<16xf32>
      %get3A_1563 = arith.index_cast %scan3A_1556 : i32 to index
      %get3A_1564 = arith.constant 16 : index
      %get3A_1565 = tpu.vector_load %arg9[%get3A_1563, %get3A_1564] {strides = array<i32>} : memref<200x64xf32, #tpu.memory_space<vmem>>, vector<1x16xf32>,
      %get3A_1566 = vector.shape_cast %get3A_1565 : vector<1x16xf32> to vector<16xf32>
      %min3A_1567 = arith.minimumf %scan3A_1554#1, %get3A_1566 : vector<16xf32>
      %max3A_1568 = arith.maximumf %scan3A_1554#5, %get3A_1566 : vector<16xf32>
      %get3A_1569 = arith.index_cast %scan3A_1556 : i32 to index
      %get3A_1570 = arith.constant 32 : index
      %get3A_1571 = tpu.vector_load %arg9[%get3A_1569, %get3A_1570] {strides = array<i32>} : memref<200x64xf32, #tpu.memory_space<vmem>>, vector<1x16xf32>,
      %get3A_1572 = vector.shape_cast %get3A_1571 : vector<1x16xf32> to vector<16xf32>
      %min3A_1573 = arith.minimumf %scan3A_1554#2, %get3A_1572 : vector<16xf32>
      %max3A_1574 = arith.maximumf %scan3A_1554#6, %get3A_1572 : vector<16xf32>
      %get3A_1575 = arith.index_cast %scan3A_1556 : i32 to index
      %get3A_1576 = arith.constant 48 : index
      %get3A_1577 = tpu.vector_load %arg9[%get3A_1575, %get3A_1576] {strides = array<i32>} : memref<200x64xf32, #tpu.memory_space<vmem>>, vector<1x16xf32>,
      %get3A_1578 = vector.shape_cast %get3A_1577 : vector<1x16xf32> to vector<16xf32>
      %min3A_1579 = arith.minimumf %scan3A_1554#3, %get3A_1578 : vector<16xf32>
      %max3A_1580 = arith.maximumf %scan3A_1554#7, %get3A_1578 : vector<16xf32>
      %scan3A_1581 = arith.constant 193 : i32
      %scan3A_1582 = arith.addi %scan3A_1550, %scan3A_1581 : i32
      %get3A_1583 = arith.index_cast %scan3A_1582 : i32 to index
      %get3A_1584 = arith.constant 0 : index
      %get3A_1585 = tpu.vector_load %arg9[%get3A_1583, %get3A_1584] {strides = array<i32>} : memref<200x64xf32, #tpu.memory_space<vmem>>, vector<1x16xf32>,
      %get3A_1586 = vector.shape_cast %get3A_1585 : vector<1x16xf32> to vector<16xf32>
      %min3A_1587 = arith.minimumf %min3A_1561, %get3A_1586 : vector<16xf32>
      %max3A_1588 = arith.maximumf %max3A_1562, %get3A_1586 : vector<16xf32>
      %get3A_1589 = arith.index_cast %scan3A_1582 : i32 to index
      %get3A_1590 = arith.constant 16 : index
      %get3A_1591 = tpu.vector_load %arg9[%get3A_1589, %get3A_1590] {strides = array<i32>} : memref<200x64xf32, #tpu.memory_space<vmem>>, vector<1x16xf32>,
      %get3A_1592 = vector.shape_cast %get3A_1591 : vector<1x16xf32> to vector<16xf32>
      %min3A_1593 = arith.minimumf %min3A_1567, %get3A_1592 : vector<16xf32>
      %max3A_1594 = arith.maximumf %max3A_1568, %get3A_1592 : vector<16xf32>
      %get3A_1595 = arith.index_cast %scan3A_1582 : i32 to index
      %get3A_1596 = arith.constant 32 : index
      %get3A_1597 = tpu.vector_load %arg9[%get3A_1595, %get3A_1596] {strides = array<i32>} : memref<200x64xf32, #tpu.memory_space<vmem>>, vector<1x16xf32>,
      %get3A_1598 = vector.shape_cast %get3A_1597 : vector<1x16xf32> to vector<16xf32>
      %min3A_1599 = arith.minimumf %min3A_1573, %get3A_1598 : vector<16xf32>
      %max3A_1600 = arith.maximumf %max3A_1574, %get3A_1598 : vector<16xf32>
      %get3A_1601 = arith.index_cast %scan3A_1582 : i32 to index
      %get3A_1602 = arith.constant 48 : index
      %get3A_1603 = tpu.vector_load %arg9[%get3A_1601, %get3A_1602] {strides = array<i32>} : memref<200x64xf32, #tpu.memory_space<vmem>>, vector<1x16xf32>,
      %get3A_1604 = vector.shape_cast %get3A_1603 : vector<1x16xf32> to vector<16xf32>
      %min3A_1605 = arith.minimumf %min3A_1579, %get3A_1604 : vector<16xf32>
      %max3A_1606 = arith.maximumf %max3A_1580, %get3A_1604 : vector<16xf32>
      %scan3A_1607 = arith.constant 194 : i32
      %scan3A_1608 = arith.addi %scan3A_1550, %scan3A_1607 : i32
      %get3A_1609 = arith.index_cast %scan3A_1608 : i32 to index
      %get3A_1610 = arith.constant 0 : index
      %get3A_1611 = tpu.vector_load %arg9[%get3A_1609, %get3A_1610] {strides = array<i32>} : memref<200x64xf32, #tpu.memory_space<vmem>>, vector<1x16xf32>,
      %get3A_1612 = vector.shape_cast %get3A_1611 : vector<1x16xf32> to vector<16xf32>
      %min3A_1613 = arith.minimumf %min3A_1587, %get3A_1612 : vector<16xf32>
      %max3A_1614 = arith.maximumf %max3A_1588, %get3A_1612 : vector<16xf32>
      %get3A_1615 = arith.index_cast %scan3A_1608 : i32 to index
      %get3A_1616 = arith.constant 16 : index
      %get3A_1617 = tpu.vector_load %arg9[%get3A_1615, %get3A_1616] {strides = array<i32>} : memref<200x64xf32, #tpu.memory_space<vmem>>, vector<1x16xf32>,
      %get3A_1618 = vector.shape_cast %get3A_1617 : vector<1x16xf32> to vector<16xf32>
      %min3A_1619 = arith.minimumf %min3A_1593, %get3A_1618 : vector<16xf32>
      %max3A_1620 = arith.maximumf %max3A_1594, %get3A_1618 : vector<16xf32>
      %get3A_1621 = arith.index_cast %scan3A_1608 : i32 to index
      %get3A_1622 = arith.constant 32 : index
      %get3A_1623 = tpu.vector_load %arg9[%get3A_1621, %get3A_1622] {strides = array<i32>} : memref<200x64xf32, #tpu.memory_space<vmem>>, vector<1x16xf32>,
      %get3A_1624 = vector.shape_cast %get3A_1623 : vector<1x16xf32> to vector<16xf32>
      %min3A_1625 = arith.minimumf %min3A_1599, %get3A_1624 : vector<16xf32>
      %max3A_1626 = arith.maximumf %max3A_1600, %get3A_1624 : vector<16xf32>
      %get3A_1627 = arith.index_cast %scan3A_1608 : i32 to index
      %get3A_1628 = arith.constant 48 : index
      %get3A_1629 = tpu.vector_load %arg9[%get3A_1627, %get3A_1628] {strides = array<i32>} : memref<200x64xf32, #tpu.memory_space<vmem>>, vector<1x16xf32>,
      %get3A_1630 = vector.shape_cast %get3A_1629 : vector<1x16xf32> to vector<16xf32>
      %min3A_1631 = arith.minimumf %min3A_1605, %get3A_1630 : vector<16xf32>
      %max3A_1632 = arith.maximumf %max3A_1606, %get3A_1630 : vector<16xf32>
      %scan3A_1633 = arith.constant 195 : i32
      %scan3A_1634 = arith.addi %scan3A_1550, %scan3A_1633 : i32
      %get3A_1635 = arith.index_cast %scan3A_1634 : i32 to index
      %get3A_1636 = arith.constant 0 : index
      %get3A_1637 = tpu.vector_load %arg9[%get3A_1635, %get3A_1636] {strides = array<i32>} : memref<200x64xf32, #tpu.memory_space<vmem>>, vector<1x16xf32>,
      %get3A_1638 = vector.shape_cast %get3A_1637 : vector<1x16xf32> to vector<16xf32>
      %min3A_1639 = arith.minimumf %min3A_1613, %get3A_1638 : vector<16xf32>
      %max3A_1640 = arith.maximumf %max3A_1614, %get3A_1638 : vector<16xf32>
      %get3A_1641 = arith.index_cast %scan3A_1634 : i32 to index
      %get3A_1642 = arith.constant 16 : index
      %get3A_1643 = tpu.vector_load %arg9[%get3A_1641, %get3A_1642] {strides = array<i32>} : memref<200x64xf32, #tpu.memory_space<vmem>>, vector<1x16xf32>,
      %get3A_1644 = vector.shape_cast %get3A_1643 : vector<1x16xf32> to vector<16xf32>
      %min3A_1645 = arith.minimumf %min3A_1619, %get3A_1644 : vector<16xf32>
      %max3A_1646 = arith.maximumf %max3A_1620, %get3A_1644 : vector<16xf32>
      %get3A_1647 = arith.index_cast %scan3A_1634 : i32 to index
      %get3A_1648 = arith.constant 32 : index
      %get3A_1649 = tpu.vector_load %arg9[%get3A_1647, %get3A_1648] {strides = array<i32>} : memref<200x64xf32, #tpu.memory_space<vmem>>, vector<1x16xf32>,
      %get3A_1650 = vector.shape_cast %get3A_1649 : vector<1x16xf32> to vector<16xf32>
      %min3A_1651 = arith.minimumf %min3A_1625, %get3A_1650 : vector<16xf32>
      %max3A_1652 = arith.maximumf %max3A_1626, %get3A_1650 : vector<16xf32>
      %get3A_1653 = arith.index_cast %scan3A_1634 : i32 to index
      %get3A_1654 = arith.constant 48 : index
      %get3A_1655 = tpu.vector_load %arg9[%get3A_1653, %get3A_1654] {strides = array<i32>} : memref<200x64xf32, #tpu.memory_space<vmem>>, vector<1x16xf32>,
      %get3A_1656 = vector.shape_cast %get3A_1655 : vector<1x16xf32> to vector<16xf32>
      %min3A_1657 = arith.minimumf %min3A_1631, %get3A_1656 : vector<16xf32>
      %max3A_1658 = arith.maximumf %max3A_1632, %get3A_1656 : vector<16xf32>
      %scan3A_1659 = arith.constant 196 : i32
      %scan3A_1660 = arith.addi %scan3A_1550, %scan3A_1659 : i32
      %get3A_1661 = arith.index_cast %scan3A_1660 : i32 to index
      %get3A_1662 = arith.constant 0 : index
      %get3A_1663 = tpu.vector_load %arg9[%get3A_1661, %get3A_1662] {strides = array<i32>} : memref<200x64xf32, #tpu.memory_space<vmem>>, vector<1x16xf32>,
      %get3A_1664 = vector.shape_cast %get3A_1663 : vector<1x16xf32> to vector<16xf32>
      %min3A_1665 = arith.minimumf %min3A_1639, %get3A_1664 : vector<16xf32>
      %max3A_1666 = arith.maximumf %max3A_1640, %get3A_1664 : vector<16xf32>
      %get3A_1667 = arith.index_cast %scan3A_1660 : i32 to index
      %get3A_1668 = arith.constant 16 : index
      %get3A_1669 = tpu.vector_load %arg9[%get3A_1667, %get3A_1668] {strides = array<i32>} : memref<200x64xf32, #tpu.memory_space<vmem>>, vector<1x16xf32>,
      %get3A_1670 = vector.shape_cast %get3A_1669 : vector<1x16xf32> to vector<16xf32>
      %min3A_1671 = arith.minimumf %min3A_1645, %get3A_1670 : vector<16xf32>
      %max3A_1672 = arith.maximumf %max3A_1646, %get3A_1670 : vector<16xf32>
      %get3A_1673 = arith.index_cast %scan3A_1660 : i32 to index
      %get3A_1674 = arith.constant 32 : index
      %get3A_1675 = tpu.vector_load %arg9[%get3A_1673, %get3A_1674] {strides = array<i32>} : memref<200x64xf32, #tpu.memory_space<vmem>>, vector<1x16xf32>,
      %get3A_1676 = vector.shape_cast %get3A_1675 : vector<1x16xf32> to vector<16xf32>
      %min3A_1677 = arith.minimumf %min3A_1651, %get3A_1676 : vector<16xf32>
      %max3A_1678 = arith.maximumf %max3A_1652, %get3A_1676 : vector<16xf32>
      %get3A_1679 = arith.index_cast %scan3A_1660 : i32 to index
      %get3A_1680 = arith.constant 48 : index
      %get3A_1681 = tpu.vector_load %arg9[%get3A_1679, %get3A_1680] {strides = array<i32>} : memref<200x64xf32, #tpu.memory_space<vmem>>, vector<1x16xf32>,
      %get3A_1682 = vector.shape_cast %get3A_1681 : vector<1x16xf32> to vector<16xf32>
      %min3A_1683 = arith.minimumf %min3A_1657, %get3A_1682 : vector<16xf32>
      %max3A_1684 = arith.maximumf %max3A_1658, %get3A_1682 : vector<16xf32>
      %scan3A_1685 = arith.constant 197 : i32
      %scan3A_1686 = arith.addi %scan3A_1550, %scan3A_1685 : i32
      %get3A_1687 = arith.index_cast %scan3A_1686 : i32 to index
      %get3A_1688 = arith.constant 0 : index
      %get3A_1689 = tpu.vector_load %arg9[%get3A_1687, %get3A_1688] {strides = array<i32>} : memref<200x64xf32, #tpu.memory_space<vmem>>, vector<1x16xf32>,
      %get3A_1690 = vector.shape_cast %get3A_1689 : vector<1x16xf32> to vector<16xf32>
      %min3A_1691 = arith.minimumf %min3A_1665, %get3A_1690 : vector<16xf32>
      %max3A_1692 = arith.maximumf %max3A_1666, %get3A_1690 : vector<16xf32>
      %get3A_1693 = arith.index_cast %scan3A_1686 : i32 to index
      %get3A_1694 = arith.constant 16 : index
      %get3A_1695 = tpu.vector_load %arg9[%get3A_1693, %get3A_1694] {strides = array<i32>} : memref<200x64xf32, #tpu.memory_space<vmem>>, vector<1x16xf32>,
      %get3A_1696 = vector.shape_cast %get3A_1695 : vector<1x16xf32> to vector<16xf32>
      %min3A_1697 = arith.minimumf %min3A_1671, %get3A_1696 : vector<16xf32>
      %max3A_1698 = arith.maximumf %max3A_1672, %get3A_1696 : vector<16xf32>
      %get3A_1699 = arith.index_cast %scan3A_1686 : i32 to index
      %get3A_1700 = arith.constant 32 : index
      %get3A_1701 = tpu.vector_load %arg9[%get3A_1699, %get3A_1700] {strides = array<i32>} : memref<200x64xf32, #tpu.memory_space<vmem>>, vector<1x16xf32>,
      %get3A_1702 = vector.shape_cast %get3A_1701 : vector<1x16xf32> to vector<16xf32>
      %min3A_1703 = arith.minimumf %min3A_1677, %get3A_1702 : vector<16xf32>
      %max3A_1704 = arith.maximumf %max3A_1678, %get3A_1702 : vector<16xf32>
      %get3A_1705 = arith.index_cast %scan3A_1686 : i32 to index
      %get3A_1706 = arith.constant 48 : index
      %get3A_1707 = tpu.vector_load %arg9[%get3A_1705, %get3A_1706] {strides = array<i32>} : memref<200x64xf32, #tpu.memory_space<vmem>>, vector<1x16xf32>,
      %get3A_1708 = vector.shape_cast %get3A_1707 : vector<1x16xf32> to vector<16xf32>
      %min3A_1709 = arith.minimumf %min3A_1683, %get3A_1708 : vector<16xf32>
      %max3A_1710 = arith.maximumf %max3A_1684, %get3A_1708 : vector<16xf32>
      %scan3A_1711 = arith.constant 198 : i32
      %scan3A_1712 = arith.addi %scan3A_1550, %scan3A_1711 : i32
      %get3A_1713 = arith.index_cast %scan3A_1712 : i32 to index
      %get3A_1714 = arith.constant 0 : index
      %get3A_1715 = tpu.vector_load %arg9[%get3A_1713, %get3A_1714] {strides = array<i32>} : memref<200x64xf32, #tpu.memory_space<vmem>>, vector<1x16xf32>,
      %get3A_1716 = vector.shape_cast %get3A_1715 : vector<1x16xf32> to vector<16xf32>
      %min3A_1717 = arith.minimumf %min3A_1691, %get3A_1716 : vector<16xf32>
      %max3A_1718 = arith.maximumf %max3A_1692, %get3A_1716 : vector<16xf32>
      %get3A_1719 = arith.index_cast %scan3A_1712 : i32 to index
      %get3A_1720 = arith.constant 16 : index
      %get3A_1721 = tpu.vector_load %arg9[%get3A_1719, %get3A_1720] {strides = array<i32>} : memref<200x64xf32, #tpu.memory_space<vmem>>, vector<1x16xf32>,
      %get3A_1722 = vector.shape_cast %get3A_1721 : vector<1x16xf32> to vector<16xf32>
      %min3A_1723 = arith.minimumf %min3A_1697, %get3A_1722 : vector<16xf32>
      %max3A_1724 = arith.maximumf %max3A_1698, %get3A_1722 : vector<16xf32>
      %get3A_1725 = arith.index_cast %scan3A_1712 : i32 to index
      %get3A_1726 = arith.constant 32 : index
      %get3A_1727 = tpu.vector_load %arg9[%get3A_1725, %get3A_1726] {strides = array<i32>} : memref<200x64xf32, #tpu.memory_space<vmem>>, vector<1x16xf32>,
      %get3A_1728 = vector.shape_cast %get3A_1727 : vector<1x16xf32> to vector<16xf32>
      %min3A_1729 = arith.minimumf %min3A_1703, %get3A_1728 : vector<16xf32>
      %max3A_1730 = arith.maximumf %max3A_1704, %get3A_1728 : vector<16xf32>
      %get3A_1731 = arith.index_cast %scan3A_1712 : i32 to index
      %get3A_1732 = arith.constant 48 : index
      %get3A_1733 = tpu.vector_load %arg9[%get3A_1731, %get3A_1732] {strides = array<i32>} : memref<200x64xf32, #tpu.memory_space<vmem>>, vector<1x16xf32>,
      %get3A_1734 = vector.shape_cast %get3A_1733 : vector<1x16xf32> to vector<16xf32>
      %min3A_1735 = arith.minimumf %min3A_1709, %get3A_1734 : vector<16xf32>
      %max3A_1736 = arith.maximumf %max3A_1710, %get3A_1734 : vector<16xf32>
      %scan3A_1737 = arith.constant 199 : i32
      %swap3A_1738 = arith.index_cast %add3A_1529 : i32 to index
      %swap3A_1739 = arith.constant 0 : index
      %swap3A_1740 = tpu.vector_load %arg12[%swap3A_1738, %swap3A_1739] {strides = array<i32>} : memref<128x128xf32, #tpu.memory_space<vmem>>, vector<1x16xf32>,
      %swap3A_1741 = vector.shape_cast %swap3A_1740 : vector<1x16xf32> to vector<16xf32>
      %swap3A_1742 = vector.shape_cast %min3A_1717 : vector<16xf32> to vector<1x16xf32>
      tpu.vector_store %arg12[%swap3A_1738, %swap3A_1739], %swap3A_1742 {strides = array<i32>} : memref<128x128xf32, #tpu.memory_space<vmem>>, vector<1x16xf32>,
      %swap3A_1743 = arith.index_cast %add3A_1529 : i32 to index
      %swap3A_1744 = arith.constant 64 : index
      %swap3A_1745 = tpu.vector_load %arg12[%swap3A_1743, %swap3A_1744] {strides = array<i32>} : memref<128x128xf32, #tpu.memory_space<vmem>>, vector<1x16xf32>,
      %swap3A_1746 = vector.shape_cast %swap3A_1745 : vector<1x16xf32> to vector<16xf32>
      %swap3A_1747 = vector.shape_cast %max3A_1718 : vector<16xf32> to vector<1x16xf32>
      tpu.vector_store %arg12[%swap3A_1743, %swap3A_1744], %swap3A_1747 {strides = array<i32>} : memref<128x128xf32, #tpu.memory_space<vmem>>, vector<1x16xf32>,
      %swap3A_1748 = arith.index_cast %add3A_1529 : i32 to index
      %swap3A_1749 = arith.constant 16 : index
      %swap3A_1750 = tpu.vector_load %arg12[%swap3A_1748, %swap3A_1749] {strides = array<i32>} : memref<128x128xf32, #tpu.memory_space<vmem>>, vector<1x16xf32>,
      %swap3A_1751 = vector.shape_cast %swap3A_1750 : vector<1x16xf32> to vector<16xf32>
      %swap3A_1752 = vector.shape_cast %min3A_1723 : vector<16xf32> to vector<1x16xf32>
      tpu.vector_store %arg12[%swap3A_1748, %swap3A_1749], %swap3A_1752 {strides = array<i32>} : memref<128x128xf32, #tpu.memory_space<vmem>>, vector<1x16xf32>,
      %swap3A_1753 = arith.index_cast %add3A_1529 : i32 to index
      %swap3A_1754 = arith.constant 80 : index
      %swap3A_1755 = tpu.vector_load %arg12[%swap3A_1753, %swap3A_1754] {strides = array<i32>} : memref<128x128xf32, #tpu.memory_space<vmem>>, vector<1x16xf32>,
      %swap3A_1756 = vector.shape_cast %swap3A_1755 : vector<1x16xf32> to vector<16xf32>
      %swap3A_1757 = vector.shape_cast %max3A_1724 : vector<16xf32> to vector<1x16xf32>
      tpu.vector_store %arg12[%swap3A_1753, %swap3A_1754], %swap3A_1757 {strides = array<i32>} : memref<128x128xf32, #tpu.memory_space<vmem>>, vector<1x16xf32>,
      %swap3A_1758 = arith.index_cast %add3A_1529 : i32 to index
      %swap3A_1759 = arith.constant 32 : index
      %swap3A_1760 = tpu.vector_load %arg12[%swap3A_1758, %swap3A_1759] {strides = array<i32>} : memref<128x128xf32, #tpu.memory_space<vmem>>, vector<1x16xf32>,
      %swap3A_1761 = vector.shape_cast %swap3A_1760 : vector<1x16xf32> to vector<16xf32>
      %swap3A_1762 = vector.shape_cast %min3A_1729 : vector<16xf32> to vector<1x16xf32>
      tpu.vector_store %arg12[%swap3A_1758, %swap3A_1759], %swap3A_1762 {strides = array<i32>} : memref<128x128xf32, #tpu.memory_space<vmem>>, vector<1x16xf32>,
      %swap3A_1763 = arith.index_cast %add3A_1529 : i32 to index
      %swap3A_1764 = arith.constant 96 : index
      %swap3A_1765 = tpu.vector_load %arg12[%swap3A_1763, %swap3A_1764] {strides = array<i32>} : memref<128x128xf32, #tpu.memory_space<vmem>>, vector<1x16xf32>,
      %swap3A_1766 = vector.shape_cast %swap3A_1765 : vector<1x16xf32> to vector<16xf32>
      %swap3A_1767 = vector.shape_cast %max3A_1730 : vector<16xf32> to vector<1x16xf32>
      tpu.vector_store %arg12[%swap3A_1763, %swap3A_1764], %swap3A_1767 {strides = array<i32>} : memref<128x128xf32, #tpu.memory_space<vmem>>, vector<1x16xf32>,
      %swap3A_1768 = arith.index_cast %add3A_1529 : i32 to index
      %swap3A_1769 = arith.constant 48 : index
      %swap3A_1770 = tpu.vector_load %arg12[%swap3A_1768, %swap3A_1769] {strides = array<i32>} : memref<128x128xf32, #tpu.memory_space<vmem>>, vector<1x16xf32>,
      %swap3A_1771 = vector.shape_cast %swap3A_1770 : vector<1x16xf32> to vector<16xf32>
      %swap3A_1772 = vector.shape_cast %min3A_1735 : vector<16xf32> to vector<1x16xf32>
      tpu.vector_store %arg12[%swap3A_1768, %swap3A_1769], %swap3A_1772 {strides = array<i32>} : memref<128x128xf32, #tpu.memory_space<vmem>>, vector<1x16xf32>,
      %swap3A_1773 = arith.index_cast %add3A_1529 : i32 to index
      %swap3A_1774 = arith.constant 112 : index
      %swap3A_1775 = tpu.vector_load %arg12[%swap3A_1773, %swap3A_1774] {strides = array<i32>} : memref<128x128xf32, #tpu.memory_space<vmem>>, vector<1x16xf32>,
      %swap3A_1776 = vector.shape_cast %swap3A_1775 : vector<1x16xf32> to vector<16xf32>
      %swap3A_1777 = vector.shape_cast %max3A_1736 : vector<16xf32> to vector<1x16xf32>
      tpu.vector_store %arg12[%swap3A_1773, %swap3A_1774], %swap3A_1777 {strides = array<i32>} : memref<128x128xf32, #tpu.memory_space<vmem>>, vector<1x16xf32>,
      %dma_wait3A_1778 = arith.constant 0 : i32
      %dma_wait3A_1779 = arith.constant 0 : i32
      %dma_wait3A_1780 = arith.constant 0 : i32
      %dma_wait3A_1781 = tpu.memref_slice %arg10[%dma_wait3A_1779, %dma_wait3A_1780] : memref<200x64xf32, #tpu.memory_space<vmem>> -> memref<128x64xf32, #tpu.memory_space<vmem>>
      %dma_wait3A_1782 = arith.constant 0 : i32
      %dma_wait3A_1783 = tpu.memref_slice %arg5[%dma_wait3A_1778, %dma_wait3A_1782] : memref<128x208xi32, #tpu.memory_space<vmem>> -> memref<1x128xi32, #tpu.memory_space<vmem>>
      %dma_wait3A_1784 = tpu.memref_squeeze %dma_wait3A_1783 : memref<1x128xi32, #tpu.memory_space<vmem>> -> memref<128xi32, #tpu.memory_space<vmem>>
      %dma_wait3A_1785 = arith.constant 0 : i32
      %dma_wait3A_1786 = arith.constant 0 : i32
      %dma_wait3A_1787 = tpu.memref_slice %arg3[%dma_wait3A_1785, %dma_wait3A_1786] : memref<1048576x64xf32, #tpu.memory_space<hbm>> -> memref<1048576x64xf32, #tpu.memory_space<hbm>>
      tpu.wait_indirect_dma semaphore(%arg17 : memref<!tpu.dma_semaphore, #tpu.memory_space<semaphore_mem>>) src(%dma_wait3A_1787 : memref<1048576x64xf32, #tpu.memory_space<hbm>>) dst(%dma_wait3A_1781 : memref<128x64xf32, #tpu.memory_space<vmem>>)
      %dma_wait3A_1788 = arith.constant 0 : i32
      %dma_wait3A_1789 = arith.constant 128 : i32
      %dma_wait3A_1790 = arith.constant 0 : i32
      %dma_wait3A_1791 = tpu.memref_slice %arg10[%dma_wait3A_1789, %dma_wait3A_1790] : memref<200x64xf32, #tpu.memory_space<vmem>> -> memref<72x64xf32, #tpu.memory_space<vmem>>
      %dma_wait3A_1792 = arith.constant 128 : i32
      %dma_wait3A_1793 = tpu.memref_slice %arg5[%dma_wait3A_1788, %dma_wait3A_1792] : memref<128x208xi32, #tpu.memory_space<vmem>> -> memref<1x72xi32, #tpu.memory_space<vmem>>
      %dma_wait3A_1794 = tpu.memref_squeeze %dma_wait3A_1793 : memref<1x72xi32, #tpu.memory_space<vmem>> -> memref<72xi32, #tpu.memory_space<vmem>>
      %dma_wait3A_1795 = arith.constant 0 : i32
      %dma_wait3A_1796 = arith.constant 0 : i32
      %dma_wait3A_1797 = tpu.memref_slice %arg3[%dma_wait3A_1795, %dma_wait3A_1796] : memref<1048576x64xf32, #tpu.memory_space<hbm>> -> memref<1048576x64xf32, #tpu.memory_space<hbm>>
      tpu.wait_indirect_dma semaphore(%arg17 : memref<!tpu.dma_semaphore, #tpu.memory_space<semaphore_mem>>) src(%dma_wait3A_1797 : memref<1048576x64xf32, #tpu.memory_space<hbm>>) dst(%dma_wait3A_1791 : memref<72x64xf32, #tpu.memory_space<vmem>>)
      %add3A_1798 = arith.constant 4 : i32
      %add3A_1799 = arith.addi %add3A_664, %add3A_1798 : i32
      %add3A_1800 = arith.constant 5 : i32
      %add3A_1801 = arith.addi %add3A_1799, %add3A_1800 : i32
      %lt3A_1802 = arith.constant 128 : i32
      %lt3A_1803 = arith.cmpi slt, %add3A_1801, %lt3A_1802 : i32
      %convert_element_type3A_1804 = arith.extui %lt3A_1803 : i1 to i32
      %cond3A_1805 = arith.constant 0 : i32
      %cond3A_1806 = arith.cmpi ne, %convert_element_type3A_1804, %cond3A_1805 : i32
      scf.if %cond3A_1806 {
        %dma_start3A_2336 = arith.constant 0 : i32
        %dma_start3A_2337 = arith.constant 0 : i32
        %dma_start3A_2338 = tpu.memref_slice %arg9[%dma_start3A_2336, %dma_start3A_2337] : memref<200x64xf32, #tpu.memory_space<vmem>> -> memref<128x64xf32, #tpu.memory_space<vmem>>
        %dma_start3A_2339 = arith.constant 0 : i32
        %dma_start3A_2340 = tpu.memref_slice %arg5[%add3A_1801, %dma_start3A_2339] : memref<128x208xi32, #tpu.memory_space<vmem>> -> memref<1x128xi32, #tpu.memory_space<vmem>>
        %dma_start3A_2341 = tpu.memref_squeeze %dma_start3A_2340 : memref<1x128xi32, #tpu.memory_space<vmem>> -> memref<128xi32, #tpu.memory_space<vmem>>
        %dma_start3A_2342 = arith.constant 0 : i32
        %dma_start3A_2343 = arith.constant 0 : i32
        %dma_start3A_2344 = tpu.memref_slice %arg3[%dma_start3A_2342, %dma_start3A_2343] : memref<1048576x64xf32, #tpu.memory_space<hbm>> -> memref<1048576x64xf32, #tpu.memory_space<hbm>>
        tpu.enqueue_indirect_dma source(%dma_start3A_2344 : memref<1048576x64xf32, #tpu.memory_space<hbm>>) target(%dma_start3A_2338 : memref<128x64xf32, #tpu.memory_space<vmem>>) offsets(%dma_start3A_2341 : memref<128xi32, #tpu.memory_space<vmem>>) semaphore(%arg16 : memref<!tpu.dma_semaphore, #tpu.memory_space<semaphore_mem>>)
        %dma_start3A_2345 = arith.constant 128 : i32
        %dma_start3A_2346 = arith.constant 0 : i32
        %dma_start3A_2347 = tpu.memref_slice %arg9[%dma_start3A_2345, %dma_start3A_2346] : memref<200x64xf32, #tpu.memory_space<vmem>> -> memref<72x64xf32, #tpu.memory_space<vmem>>
        %dma_start3A_2348 = arith.constant 128 : i32
        %dma_start3A_2349 = tpu.memref_slice %arg5[%add3A_1801, %dma_start3A_2348] : memref<128x208xi32, #tpu.memory_space<vmem>> -> memref<1x72xi32, #tpu.memory_space<vmem>>
        %dma_start3A_2350 = tpu.memref_squeeze %dma_start3A_2349 : memref<1x72xi32, #tpu.memory_space<vmem>> -> memref<72xi32, #tpu.memory_space<vmem>>
        %dma_start3A_2351 = arith.constant 0 : i32
        %dma_start3A_2352 = arith.constant 0 : i32
        %dma_start3A_2353 = tpu.memref_slice %arg3[%dma_start3A_2351, %dma_start3A_2352] : memref<1048576x64xf32, #tpu.memory_space<hbm>> -> memref<1048576x64xf32, #tpu.memory_space<hbm>>
        tpu.enqueue_indirect_dma source(%dma_start3A_2353 : memref<1048576x64xf32, #tpu.memory_space<hbm>>) target(%dma_start3A_2347 : memref<72x64xf32, #tpu.memory_space<vmem>>) offsets(%dma_start3A_2350 : memref<72xi32, #tpu.memory_space<vmem>>) semaphore(%arg16 : memref<!tpu.dma_semaphore, #tpu.memory_space<semaphore_mem>>)
      } else {
      }
      %add3A_1807 = arith.constant 4 : i32
      %add3A_1808 = arith.addi %add3A_664, %add3A_1807 : i32
      %get3A_1809 = arith.constant 0 : i32
      %get3A_1810 = arith.index_cast %get3A_1809 : i32 to index
      %get3A_1811 = arith.constant 0 : index
      %get3A_1812 = tpu.vector_load %arg10[%get3A_1810, %get3A_1811] {strides = array<i32>} : memref<200x64xf32, #tpu.memory_space<vmem>>, vector<1x16xf32>,
      %get3A_1813 = vector.shape_cast %get3A_1812 : vector<1x16xf32> to vector<16xf32>
      %get3A_1814 = arith.constant 0 : i32
      %get3A_1815 = arith.index_cast %get3A_1814 : i32 to index
      %get3A_1816 = arith.constant 16 : index
      %get3A_1817 = tpu.vector_load %arg10[%get3A_1815, %get3A_1816] {strides = array<i32>} : memref<200x64xf32, #tpu.memory_space<vmem>>, vector<1x16xf32>,
      %get3A_1818 = vector.shape_cast %get3A_1817 : vector<1x16xf32> to vector<16xf32>
      %get3A_1819 = arith.constant 0 : i32
      %get3A_1820 = arith.index_cast %get3A_1819 : i32 to index
      %get3A_1821 = arith.constant 32 : index
      %get3A_1822 = tpu.vector_load %arg10[%get3A_1820, %get3A_1821] {strides = array<i32>} : memref<200x64xf32, #tpu.memory_space<vmem>>, vector<1x16xf32>,
      %get3A_1823 = vector.shape_cast %get3A_1822 : vector<1x16xf32> to vector<16xf32>
      %get3A_1824 = arith.constant 0 : i32
      %get3A_1825 = arith.index_cast %get3A_1824 : i32 to index
      %get3A_1826 = arith.constant 48 : index
      %get3A_1827 = tpu.vector_load %arg10[%get3A_1825, %get3A_1826] {strides = array<i32>} : memref<200x64xf32, #tpu.memory_space<vmem>>, vector<1x16xf32>,
      %get3A_1828 = vector.shape_cast %get3A_1827 : vector<1x16xf32> to vector<16xf32>
      %scan3A_1829 = arith.constant 1 : i32
      %scan3A_1830 = arith.constant 192 : i32
      %scan3A_1831 = arith.addi %scan3A_1829, %scan3A_1830 : i32
      %scan3A_1832 = arith.constant 8 : i32
      %scan3A_1833:8 = scf.for %scan3A_2336 = %scan3A_1829 to %scan3A_1831 step %scan3A_1832 iter_args(%scan3A_2337 = %get3A_1813, %scan3A_2338 = %get3A_1818, %scan3A_2339 = %get3A_1823, %scan3A_2340 = %get3A_1828, %scan3A_2341 = %get3A_1813, %scan3A_2342 = %get3A_1818, %scan3A_2343 = %get3A_1823, %scan3A_2344 = %get3A_1828) -> (vector<16xf32>, vector<16xf32>, vector<16xf32>, vector<16xf32>, vector<16xf32>, vector<16xf32>, vector<16xf32>, vector<16xf32>)  : i32 {
        %get3A_2345 = arith.index_cast %scan3A_2336 : i32 to index
        %get3A_2346 = arith.constant 0 : index
        %get3A_2347 = tpu.vector_load %arg10[%get3A_2345, %get3A_2346] {strides = array<i32>} : memref<200x64xf32, #tpu.memory_space<vmem>>, vector<1x16xf32>,
        %get3A_2348 = vector.shape_cast %get3A_2347 : vector<1x16xf32> to vector<16xf32>
        %min3A_2349 = arith.minimumf %scan3A_2337, %get3A_2348 : vector<16xf32>
        %max3A_2350 = arith.maximumf %scan3A_2341, %get3A_2348 : vector<16xf32>
        %get3A_2351 = arith.index_cast %scan3A_2336 : i32 to index
        %get3A_2352 = arith.constant 16 : index
        %get3A_2353 = tpu.vector_load %arg10[%get3A_2351, %get3A_2352] {strides = array<i32>} : memref<200x64xf32, #tpu.memory_space<vmem>>, vector<1x16xf32>,
        %get3A_2354 = vector.shape_cast %get3A_2353 : vector<1x16xf32> to vector<16xf32>
        %min3A_2355 = arith.minimumf %scan3A_2338, %get3A_2354 : vector<16xf32>
        %max3A_2356 = arith.maximumf %scan3A_2342, %get3A_2354 : vector<16xf32>
        %get3A_2357 = arith.index_cast %scan3A_2336 : i32 to index
        %get3A_2358 = arith.constant 32 : index
        %get3A_2359 = tpu.vector_load %arg10[%get3A_2357, %get3A_2358] {strides = array<i32>} : memref<200x64xf32, #tpu.memory_space<vmem>>, vector<1x16xf32>,
        %get3A_2360 = vector.shape_cast %get3A_2359 : vector<1x16xf32> to vector<16xf32>
        %min3A_2361 = arith.minimumf %scan3A_2339, %get3A_2360 : vector<16xf32>
        %max3A_2362 = arith.maximumf %scan3A_2343, %get3A_2360 : vector<16xf32>
        %get3A_2363 = arith.index_cast %scan3A_2336 : i32 to index
        %get3A_2364 = arith.constant 48 : index
        %get3A_2365 = tpu.vector_load %arg10[%get3A_2363, %get3A_2364] {strides = array<i32>} : memref<200x64xf32, #tpu.memory_space<vmem>>, vector<1x16xf32>,
        %get3A_2366 = vector.shape_cast %get3A_2365 : vector<1x16xf32> to vector<16xf32>
        %min3A_2367 = arith.minimumf %scan3A_2340, %get3A_2366 : vector<16xf32>
        %max3A_2368 = arith.maximumf %scan3A_2344, %get3A_2366 : vector<16xf32>
        %scan3A_2369 = arith.constant 1 : i32
        %scan3A_2370 = arith.addi %scan3A_2336, %scan3A_2369 : i32
        %get3A_2371 = arith.index_cast %scan3A_2370 : i32 to index
        %get3A_2372 = arith.constant 0 : index
        %get3A_2373 = tpu.vector_load %arg10[%get3A_2371, %get3A_2372] {strides = array<i32>} : memref<200x64xf32, #tpu.memory_space<vmem>>, vector<1x16xf32>,
        %get3A_2374 = vector.shape_cast %get3A_2373 : vector<1x16xf32> to vector<16xf32>
        %min3A_2375 = arith.minimumf %min3A_2349, %get3A_2374 : vector<16xf32>
        %max3A_2376 = arith.maximumf %max3A_2350, %get3A_2374 : vector<16xf32>
        %get3A_2377 = arith.index_cast %scan3A_2370 : i32 to index
        %get3A_2378 = arith.constant 16 : index
        %get3A_2379 = tpu.vector_load %arg10[%get3A_2377, %get3A_2378] {strides = array<i32>} : memref<200x64xf32, #tpu.memory_space<vmem>>, vector<1x16xf32>,
        %get3A_2380 = vector.shape_cast %get3A_2379 : vector<1x16xf32> to vector<16xf32>
        %min3A_2381 = arith.minimumf %min3A_2355, %get3A_2380 : vector<16xf32>
        %max3A_2382 = arith.maximumf %max3A_2356, %get3A_2380 : vector<16xf32>
        %get3A_2383 = arith.index_cast %scan3A_2370 : i32 to index
        %get3A_2384 = arith.constant 32 : index
        %get3A_2385 = tpu.vector_load %arg10[%get3A_2383, %get3A_2384] {strides = array<i32>} : memref<200x64xf32, #tpu.memory_space<vmem>>, vector<1x16xf32>,
        %get3A_2386 = vector.shape_cast %get3A_2385 : vector<1x16xf32> to vector<16xf32>
        %min3A_2387 = arith.minimumf %min3A_2361, %get3A_2386 : vector<16xf32>
        %max3A_2388 = arith.maximumf %max3A_2362, %get3A_2386 : vector<16xf32>
        %get3A_2389 = arith.index_cast %scan3A_2370 : i32 to index
        %get3A_2390 = arith.constant 48 : index
        %get3A_2391 = tpu.vector_load %arg10[%get3A_2389, %get3A_2390] {strides = array<i32>} : memref<200x64xf32, #tpu.memory_space<vmem>>, vector<1x16xf32>,
        %get3A_2392 = vector.shape_cast %get3A_2391 : vector<1x16xf32> to vector<16xf32>
        %min3A_2393 = arith.minimumf %min3A_2367, %get3A_2392 : vector<16xf32>
        %max3A_2394 = arith.maximumf %max3A_2368, %get3A_2392 : vector<16xf32>
        %scan3A_2395 = arith.constant 2 : i32
        %scan3A_2396 = arith.addi %scan3A_2336, %scan3A_2395 : i32
        %get3A_2397 = arith.index_cast %scan3A_2396 : i32 to index
        %get3A_2398 = arith.constant 0 : index
        %get3A_2399 = tpu.vector_load %arg10[%get3A_2397, %get3A_2398] {strides = array<i32>} : memref<200x64xf32, #tpu.memory_space<vmem>>, vector<1x16xf32>,
        %get3A_2400 = vector.shape_cast %get3A_2399 : vector<1x16xf32> to vector<16xf32>
        %min3A_2401 = arith.minimumf %min3A_2375, %get3A_2400 : vector<16xf32>
        %max3A_2402 = arith.maximumf %max3A_2376, %get3A_2400 : vector<16xf32>
        %get3A_2403 = arith.index_cast %scan3A_2396 : i32 to index
        %get3A_2404 = arith.constant 16 : index
        %get3A_2405 = tpu.vector_load %arg10[%get3A_2403, %get3A_2404] {strides = array<i32>} : memref<200x64xf32, #tpu.memory_space<vmem>>, vector<1x16xf32>,
        %get3A_2406 = vector.shape_cast %get3A_2405 : vector<1x16xf32> to vector<16xf32>
        %min3A_2407 = arith.minimumf %min3A_2381, %get3A_2406 : vector<16xf32>
        %max3A_2408 = arith.maximumf %max3A_2382, %get3A_2406 : vector<16xf32>
        %get3A_2409 = arith.index_cast %scan3A_2396 : i32 to index
        %get3A_2410 = arith.constant 32 : index
        %get3A_2411 = tpu.vector_load %arg10[%get3A_2409, %get3A_2410] {strides = array<i32>} : memref<200x64xf32, #tpu.memory_space<vmem>>, vector<1x16xf32>,
        %get3A_2412 = vector.shape_cast %get3A_2411 : vector<1x16xf32> to vector<16xf32>
        %min3A_2413 = arith.minimumf %min3A_2387, %get3A_2412 : vector<16xf32>
        %max3A_2414 = arith.maximumf %max3A_2388, %get3A_2412 : vector<16xf32>
        %get3A_2415 = arith.index_cast %scan3A_2396 : i32 to index
        %get3A_2416 = arith.constant 48 : index
        %get3A_2417 = tpu.vector_load %arg10[%get3A_2415, %get3A_2416] {strides = array<i32>} : memref<200x64xf32, #tpu.memory_space<vmem>>, vector<1x16xf32>,
        %get3A_2418 = vector.shape_cast %get3A_2417 : vector<1x16xf32> to vector<16xf32>
        %min3A_2419 = arith.minimumf %min3A_2393, %get3A_2418 : vector<16xf32>
        %max3A_2420 = arith.maximumf %max3A_2394, %get3A_2418 : vector<16xf32>
        %scan3A_2421 = arith.constant 3 : i32
        %scan3A_2422 = arith.addi %scan3A_2336, %scan3A_2421 : i32
        %get3A_2423 = arith.index_cast %scan3A_2422 : i32 to index
        %get3A_2424 = arith.constant 0 : index
        %get3A_2425 = tpu.vector_load %arg10[%get3A_2423, %get3A_2424] {strides = array<i32>} : memref<200x64xf32, #tpu.memory_space<vmem>>, vector<1x16xf32>,
        %get3A_2426 = vector.shape_cast %get3A_2425 : vector<1x16xf32> to vector<16xf32>
        %min3A_2427 = arith.minimumf %min3A_2401, %get3A_2426 : vector<16xf32>
        %max3A_2428 = arith.maximumf %max3A_2402, %get3A_2426 : vector<16xf32>
        %get3A_2429 = arith.index_cast %scan3A_2422 : i32 to index
        %get3A_2430 = arith.constant 16 : index
        %get3A_2431 = tpu.vector_load %arg10[%get3A_2429, %get3A_2430] {strides = array<i32>} : memref<200x64xf32, #tpu.memory_space<vmem>>, vector<1x16xf32>,
        %get3A_2432 = vector.shape_cast %get3A_2431 : vector<1x16xf32> to vector<16xf32>
        %min3A_2433 = arith.minimumf %min3A_2407, %get3A_2432 : vector<16xf32>
        %max3A_2434 = arith.maximumf %max3A_2408, %get3A_2432 : vector<16xf32>
        %get3A_2435 = arith.index_cast %scan3A_2422 : i32 to index
        %get3A_2436 = arith.constant 32 : index
        %get3A_2437 = tpu.vector_load %arg10[%get3A_2435, %get3A_2436] {strides = array<i32>} : memref<200x64xf32, #tpu.memory_space<vmem>>, vector<1x16xf32>,
        %get3A_2438 = vector.shape_cast %get3A_2437 : vector<1x16xf32> to vector<16xf32>
        %min3A_2439 = arith.minimumf %min3A_2413, %get3A_2438 : vector<16xf32>
        %max3A_2440 = arith.maximumf %max3A_2414, %get3A_2438 : vector<16xf32>
        %get3A_2441 = arith.index_cast %scan3A_2422 : i32 to index
        %get3A_2442 = arith.constant 48 : index
        %get3A_2443 = tpu.vector_load %arg10[%get3A_2441, %get3A_2442] {strides = array<i32>} : memref<200x64xf32, #tpu.memory_space<vmem>>, vector<1x16xf32>,
        %get3A_2444 = vector.shape_cast %get3A_2443 : vector<1x16xf32> to vector<16xf32>
        %min3A_2445 = arith.minimumf %min3A_2419, %get3A_2444 : vector<16xf32>
        %max3A_2446 = arith.maximumf %max3A_2420, %get3A_2444 : vector<16xf32>
        %scan3A_2447 = arith.constant 4 : i32
        %scan3A_2448 = arith.addi %scan3A_2336, %scan3A_2447 : i32
        %get3A_2449 = arith.index_cast %scan3A_2448 : i32 to index
        %get3A_2450 = arith.constant 0 : index
        %get3A_2451 = tpu.vector_load %arg10[%get3A_2449, %get3A_2450] {strides = array<i32>} : memref<200x64xf32, #tpu.memory_space<vmem>>, vector<1x16xf32>,
        %get3A_2452 = vector.shape_cast %get3A_2451 : vector<1x16xf32> to vector<16xf32>
        %min3A_2453 = arith.minimumf %min3A_2427, %get3A_2452 : vector<16xf32>
        %max3A_2454 = arith.maximumf %max3A_2428, %get3A_2452 : vector<16xf32>
        %get3A_2455 = arith.index_cast %scan3A_2448 : i32 to index
        %get3A_2456 = arith.constant 16 : index
        %get3A_2457 = tpu.vector_load %arg10[%get3A_2455, %get3A_2456] {strides = array<i32>} : memref<200x64xf32, #tpu.memory_space<vmem>>, vector<1x16xf32>,
        %get3A_2458 = vector.shape_cast %get3A_2457 : vector<1x16xf32> to vector<16xf32>
        %min3A_2459 = arith.minimumf %min3A_2433, %get3A_2458 : vector<16xf32>
        %max3A_2460 = arith.maximumf %max3A_2434, %get3A_2458 : vector<16xf32>
        %get3A_2461 = arith.index_cast %scan3A_2448 : i32 to index
        %get3A_2462 = arith.constant 32 : index
        %get3A_2463 = tpu.vector_load %arg10[%get3A_2461, %get3A_2462] {strides = array<i32>} : memref<200x64xf32, #tpu.memory_space<vmem>>, vector<1x16xf32>,
        %get3A_2464 = vector.shape_cast %get3A_2463 : vector<1x16xf32> to vector<16xf32>
        %min3A_2465 = arith.minimumf %min3A_2439, %get3A_2464 : vector<16xf32>
        %max3A_2466 = arith.maximumf %max3A_2440, %get3A_2464 : vector<16xf32>
        %get3A_2467 = arith.index_cast %scan3A_2448 : i32 to index
        %get3A_2468 = arith.constant 48 : index
        %get3A_2469 = tpu.vector_load %arg10[%get3A_2467, %get3A_2468] {strides = array<i32>} : memref<200x64xf32, #tpu.memory_space<vmem>>, vector<1x16xf32>,
        %get3A_2470 = vector.shape_cast %get3A_2469 : vector<1x16xf32> to vector<16xf32>
        %min3A_2471 = arith.minimumf %min3A_2445, %get3A_2470 : vector<16xf32>
        %max3A_2472 = arith.maximumf %max3A_2446, %get3A_2470 : vector<16xf32>
        %scan3A_2473 = arith.constant 5 : i32
        %scan3A_2474 = arith.addi %scan3A_2336, %scan3A_2473 : i32
        %get3A_2475 = arith.index_cast %scan3A_2474 : i32 to index
        %get3A_2476 = arith.constant 0 : index
        %get3A_2477 = tpu.vector_load %arg10[%get3A_2475, %get3A_2476] {strides = array<i32>} : memref<200x64xf32, #tpu.memory_space<vmem>>, vector<1x16xf32>,
        %get3A_2478 = vector.shape_cast %get3A_2477 : vector<1x16xf32> to vector<16xf32>
        %min3A_2479 = arith.minimumf %min3A_2453, %get3A_2478 : vector<16xf32>
        %max3A_2480 = arith.maximumf %max3A_2454, %get3A_2478 : vector<16xf32>
        %get3A_2481 = arith.index_cast %scan3A_2474 : i32 to index
        %get3A_2482 = arith.constant 16 : index
        %get3A_2483 = tpu.vector_load %arg10[%get3A_2481, %get3A_2482] {strides = array<i32>} : memref<200x64xf32, #tpu.memory_space<vmem>>, vector<1x16xf32>,
        %get3A_2484 = vector.shape_cast %get3A_2483 : vector<1x16xf32> to vector<16xf32>
        %min3A_2485 = arith.minimumf %min3A_2459, %get3A_2484 : vector<16xf32>
        %max3A_2486 = arith.maximumf %max3A_2460, %get3A_2484 : vector<16xf32>
        %get3A_2487 = arith.index_cast %scan3A_2474 : i32 to index
        %get3A_2488 = arith.constant 32 : index
        %get3A_2489 = tpu.vector_load %arg10[%get3A_2487, %get3A_2488] {strides = array<i32>} : memref<200x64xf32, #tpu.memory_space<vmem>>, vector<1x16xf32>,
        %get3A_2490 = vector.shape_cast %get3A_2489 : vector<1x16xf32> to vector<16xf32>
        %min3A_2491 = arith.minimumf %min3A_2465, %get3A_2490 : vector<16xf32>
        %max3A_2492 = arith.maximumf %max3A_2466, %get3A_2490 : vector<16xf32>
        %get3A_2493 = arith.index_cast %scan3A_2474 : i32 to index
        %get3A_2494 = arith.constant 48 : index
        %get3A_2495 = tpu.vector_load %arg10[%get3A_2493, %get3A_2494] {strides = array<i32>} : memref<200x64xf32, #tpu.memory_space<vmem>>, vector<1x16xf32>,
        %get3A_2496 = vector.shape_cast %get3A_2495 : vector<1x16xf32> to vector<16xf32>
        %min3A_2497 = arith.minimumf %min3A_2471, %get3A_2496 : vector<16xf32>
        %max3A_2498 = arith.maximumf %max3A_2472, %get3A_2496 : vector<16xf32>
        %scan3A_2499 = arith.constant 6 : i32
        %scan3A_2500 = arith.addi %scan3A_2336, %scan3A_2499 : i32
        %get3A_2501 = arith.index_cast %scan3A_2500 : i32 to index
        %get3A_2502 = arith.constant 0 : index
        %get3A_2503 = tpu.vector_load %arg10[%get3A_2501, %get3A_2502] {strides = array<i32>} : memref<200x64xf32, #tpu.memory_space<vmem>>, vector<1x16xf32>,
        %get3A_2504 = vector.shape_cast %get3A_2503 : vector<1x16xf32> to vector<16xf32>
        %min3A_2505 = arith.minimumf %min3A_2479, %get3A_2504 : vector<16xf32>
        %max3A_2506 = arith.maximumf %max3A_2480, %get3A_2504 : vector<16xf32>
        %get3A_2507 = arith.index_cast %scan3A_2500 : i32 to index
        %get3A_2508 = arith.constant 16 : index
        %get3A_2509 = tpu.vector_load %arg10[%get3A_2507, %get3A_2508] {strides = array<i32>} : memref<200x64xf32, #tpu.memory_space<vmem>>, vector<1x16xf32>,
        %get3A_2510 = vector.shape_cast %get3A_2509 : vector<1x16xf32> to vector<16xf32>
        %min3A_2511 = arith.minimumf %min3A_2485, %get3A_2510 : vector<16xf32>
        %max3A_2512 = arith.maximumf %max3A_2486, %get3A_2510 : vector<16xf32>
        %get3A_2513 = arith.index_cast %scan3A_2500 : i32 to index
        %get3A_2514 = arith.constant 32 : index
        %get3A_2515 = tpu.vector_load %arg10[%get3A_2513, %get3A_2514] {strides = array<i32>} : memref<200x64xf32, #tpu.memory_space<vmem>>, vector<1x16xf32>,
        %get3A_2516 = vector.shape_cast %get3A_2515 : vector<1x16xf32> to vector<16xf32>
        %min3A_2517 = arith.minimumf %min3A_2491, %get3A_2516 : vector<16xf32>
        %max3A_2518 = arith.maximumf %max3A_2492, %get3A_2516 : vector<16xf32>
        %get3A_2519 = arith.index_cast %scan3A_2500 : i32 to index
        %get3A_2520 = arith.constant 48 : index
        %get3A_2521 = tpu.vector_load %arg10[%get3A_2519, %get3A_2520] {strides = array<i32>} : memref<200x64xf32, #tpu.memory_space<vmem>>, vector<1x16xf32>,
        %get3A_2522 = vector.shape_cast %get3A_2521 : vector<1x16xf32> to vector<16xf32>
        %min3A_2523 = arith.minimumf %min3A_2497, %get3A_2522 : vector<16xf32>
        %max3A_2524 = arith.maximumf %max3A_2498, %get3A_2522 : vector<16xf32>
        %scan3A_2525 = arith.constant 7 : i32
        %scan3A_2526 = arith.addi %scan3A_2336, %scan3A_2525 : i32
        %get3A_2527 = arith.index_cast %scan3A_2526 : i32 to index
        %get3A_2528 = arith.constant 0 : index
        %get3A_2529 = tpu.vector_load %arg10[%get3A_2527, %get3A_2528] {strides = array<i32>} : memref<200x64xf32, #tpu.memory_space<vmem>>, vector<1x16xf32>,
        %get3A_2530 = vector.shape_cast %get3A_2529 : vector<1x16xf32> to vector<16xf32>
        %min3A_2531 = arith.minimumf %min3A_2505, %get3A_2530 : vector<16xf32>
        %max3A_2532 = arith.maximumf %max3A_2506, %get3A_2530 : vector<16xf32>
        %get3A_2533 = arith.index_cast %scan3A_2526 : i32 to index
        %get3A_2534 = arith.constant 16 : index
        %get3A_2535 = tpu.vector_load %arg10[%get3A_2533, %get3A_2534] {strides = array<i32>} : memref<200x64xf32, #tpu.memory_space<vmem>>, vector<1x16xf32>,
        %get3A_2536 = vector.shape_cast %get3A_2535 : vector<1x16xf32> to vector<16xf32>
        %min3A_2537 = arith.minimumf %min3A_2511, %get3A_2536 : vector<16xf32>
        %max3A_2538 = arith.maximumf %max3A_2512, %get3A_2536 : vector<16xf32>
        %get3A_2539 = arith.index_cast %scan3A_2526 : i32 to index
        %get3A_2540 = arith.constant 32 : index
        %get3A_2541 = tpu.vector_load %arg10[%get3A_2539, %get3A_2540] {strides = array<i32>} : memref<200x64xf32, #tpu.memory_space<vmem>>, vector<1x16xf32>,
        %get3A_2542 = vector.shape_cast %get3A_2541 : vector<1x16xf32> to vector<16xf32>
        %min3A_2543 = arith.minimumf %min3A_2517, %get3A_2542 : vector<16xf32>
        %max3A_2544 = arith.maximumf %max3A_2518, %get3A_2542 : vector<16xf32>
        %get3A_2545 = arith.index_cast %scan3A_2526 : i32 to index
        %get3A_2546 = arith.constant 48 : index
        %get3A_2547 = tpu.vector_load %arg10[%get3A_2545, %get3A_2546] {strides = array<i32>} : memref<200x64xf32, #tpu.memory_space<vmem>>, vector<1x16xf32>,
        %get3A_2548 = vector.shape_cast %get3A_2547 : vector<1x16xf32> to vector<16xf32>
        %min3A_2549 = arith.minimumf %min3A_2523, %get3A_2548 : vector<16xf32>
        %max3A_2550 = arith.maximumf %max3A_2524, %get3A_2548 : vector<16xf32>
        scf.yield %min3A_2531, %min3A_2537, %min3A_2543, %min3A_2549, %max3A_2532, %max3A_2538, %max3A_2544, %max3A_2550 : vector<16xf32>, vector<16xf32>, vector<16xf32>, vector<16xf32>, vector<16xf32>, vector<16xf32>, vector<16xf32>, vector<16xf32>
      }
      %scan3A_1834 = arith.constant 192 : i32
      %scan3A_1835 = arith.addi %scan3A_1829, %scan3A_1834 : i32
      %get3A_1836 = arith.index_cast %scan3A_1835 : i32 to index
      %get3A_1837 = arith.constant 0 : index
      %get3A_1838 = tpu.vector_load %arg10[%get3A_1836, %get3A_1837] {strides = array<i32>} : memref<200x64xf32, #tpu.memory_space<vmem>>, vector<1x16xf32>,
      %get3A_1839 = vector.shape_cast %get3A_1838 : vector<1x16xf32> to vector<16xf32>
      %min3A_1840 = arith.minimumf %scan3A_1833#0, %get3A_1839 : vector<16xf32>
      %max3A_1841 = arith.maximumf %scan3A_1833#4, %get3A_1839 : vector<16xf32>
      %get3A_1842 = arith.index_cast %scan3A_1835 : i32 to index
      %get3A_1843 = arith.constant 16 : index
      %get3A_1844 = tpu.vector_load %arg10[%get3A_1842, %get3A_1843] {strides = array<i32>} : memref<200x64xf32, #tpu.memory_space<vmem>>, vector<1x16xf32>,
      %get3A_1845 = vector.shape_cast %get3A_1844 : vector<1x16xf32> to vector<16xf32>
      %min3A_1846 = arith.minimumf %scan3A_1833#1, %get3A_1845 : vector<16xf32>
      %max3A_1847 = arith.maximumf %scan3A_1833#5, %get3A_1845 : vector<16xf32>
      %get3A_1848 = arith.index_cast %scan3A_1835 : i32 to index
      %get3A_1849 = arith.constant 32 : index
      %get3A_1850 = tpu.vector_load %arg10[%get3A_1848, %get3A_1849] {strides = array<i32>} : memref<200x64xf32, #tpu.memory_space<vmem>>, vector<1x16xf32>,
      %get3A_1851 = vector.shape_cast %get3A_1850 : vector<1x16xf32> to vector<16xf32>
      %min3A_1852 = arith.minimumf %scan3A_1833#2, %get3A_1851 : vector<16xf32>
      %max3A_1853 = arith.maximumf %scan3A_1833#6, %get3A_1851 : vector<16xf32>
      %get3A_1854 = arith.index_cast %scan3A_1835 : i32 to index
      %get3A_1855 = arith.constant 48 : index
      %get3A_1856 = tpu.vector_load %arg10[%get3A_1854, %get3A_1855] {strides = array<i32>} : memref<200x64xf32, #tpu.memory_space<vmem>>, vector<1x16xf32>,
      %get3A_1857 = vector.shape_cast %get3A_1856 : vector<1x16xf32> to vector<16xf32>
      %min3A_1858 = arith.minimumf %scan3A_1833#3, %get3A_1857 : vector<16xf32>
      %max3A_1859 = arith.maximumf %scan3A_1833#7, %get3A_1857 : vector<16xf32>
      %scan3A_1860 = arith.constant 193 : i32
      %scan3A_1861 = arith.addi %scan3A_1829, %scan3A_1860 : i32
      %get3A_1862 = arith.index_cast %scan3A_1861 : i32 to index
      %get3A_1863 = arith.constant 0 : index
      %get3A_1864 = tpu.vector_load %arg10[%get3A_1862, %get3A_1863] {strides = array<i32>} : memref<200x64xf32, #tpu.memory_space<vmem>>, vector<1x16xf32>,
      %get3A_1865 = vector.shape_cast %get3A_1864 : vector<1x16xf32> to vector<16xf32>
      %min3A_1866 = arith.minimumf %min3A_1840, %get3A_1865 : vector<16xf32>
      %max3A_1867 = arith.maximumf %max3A_1841, %get3A_1865 : vector<16xf32>
      %get3A_1868 = arith.index_cast %scan3A_1861 : i32 to index
      %get3A_1869 = arith.constant 16 : index
      %get3A_1870 = tpu.vector_load %arg10[%get3A_1868, %get3A_1869] {strides = array<i32>} : memref<200x64xf32, #tpu.memory_space<vmem>>, vector<1x16xf32>,
      %get3A_1871 = vector.shape_cast %get3A_1870 : vector<1x16xf32> to vector<16xf32>
      %min3A_1872 = arith.minimumf %min3A_1846, %get3A_1871 : vector<16xf32>
      %max3A_1873 = arith.maximumf %max3A_1847, %get3A_1871 : vector<16xf32>
      %get3A_1874 = arith.index_cast %scan3A_1861 : i32 to index
      %get3A_1875 = arith.constant 32 : index
      %get3A_1876 = tpu.vector_load %arg10[%get3A_1874, %get3A_1875] {strides = array<i32>} : memref<200x64xf32, #tpu.memory_space<vmem>>, vector<1x16xf32>,
      %get3A_1877 = vector.shape_cast %get3A_1876 : vector<1x16xf32> to vector<16xf32>
      %min3A_1878 = arith.minimumf %min3A_1852, %get3A_1877 : vector<16xf32>
      %max3A_1879 = arith.maximumf %max3A_1853, %get3A_1877 : vector<16xf32>
      %get3A_1880 = arith.index_cast %scan3A_1861 : i32 to index
      %get3A_1881 = arith.constant 48 : index
      %get3A_1882 = tpu.vector_load %arg10[%get3A_1880, %get3A_1881] {strides = array<i32>} : memref<200x64xf32, #tpu.memory_space<vmem>>, vector<1x16xf32>,
      %get3A_1883 = vector.shape_cast %get3A_1882 : vector<1x16xf32> to vector<16xf32>
      %min3A_1884 = arith.minimumf %min3A_1858, %get3A_1883 : vector<16xf32>
      %max3A_1885 = arith.maximumf %max3A_1859, %get3A_1883 : vector<16xf32>
      %scan3A_1886 = arith.constant 194 : i32
      %scan3A_1887 = arith.addi %scan3A_1829, %scan3A_1886 : i32
      %get3A_1888 = arith.index_cast %scan3A_1887 : i32 to index
      %get3A_1889 = arith.constant 0 : index
      %get3A_1890 = tpu.vector_load %arg10[%get3A_1888, %get3A_1889] {strides = array<i32>} : memref<200x64xf32, #tpu.memory_space<vmem>>, vector<1x16xf32>,
      %get3A_1891 = vector.shape_cast %get3A_1890 : vector<1x16xf32> to vector<16xf32>
      %min3A_1892 = arith.minimumf %min3A_1866, %get3A_1891 : vector<16xf32>
      %max3A_1893 = arith.maximumf %max3A_1867, %get3A_1891 : vector<16xf32>
      %get3A_1894 = arith.index_cast %scan3A_1887 : i32 to index
      %get3A_1895 = arith.constant 16 : index
      %get3A_1896 = tpu.vector_load %arg10[%get3A_1894, %get3A_1895] {strides = array<i32>} : memref<200x64xf32, #tpu.memory_space<vmem>>, vector<1x16xf32>,
      %get3A_1897 = vector.shape_cast %get3A_1896 : vector<1x16xf32> to vector<16xf32>
      %min3A_1898 = arith.minimumf %min3A_1872, %get3A_1897 : vector<16xf32>
      %max3A_1899 = arith.maximumf %max3A_1873, %get3A_1897 : vector<16xf32>
      %get3A_1900 = arith.index_cast %scan3A_1887 : i32 to index
      %get3A_1901 = arith.constant 32 : index
      %get3A_1902 = tpu.vector_load %arg10[%get3A_1900, %get3A_1901] {strides = array<i32>} : memref<200x64xf32, #tpu.memory_space<vmem>>, vector<1x16xf32>,
      %get3A_1903 = vector.shape_cast %get3A_1902 : vector<1x16xf32> to vector<16xf32>
      %min3A_1904 = arith.minimumf %min3A_1878, %get3A_1903 : vector<16xf32>
      %max3A_1905 = arith.maximumf %max3A_1879, %get3A_1903 : vector<16xf32>
      %get3A_1906 = arith.index_cast %scan3A_1887 : i32 to index
      %get3A_1907 = arith.constant 48 : index
      %get3A_1908 = tpu.vector_load %arg10[%get3A_1906, %get3A_1907] {strides = array<i32>} : memref<200x64xf32, #tpu.memory_space<vmem>>, vector<1x16xf32>,
      %get3A_1909 = vector.shape_cast %get3A_1908 : vector<1x16xf32> to vector<16xf32>
      %min3A_1910 = arith.minimumf %min3A_1884, %get3A_1909 : vector<16xf32>
      %max3A_1911 = arith.maximumf %max3A_1885, %get3A_1909 : vector<16xf32>
      %scan3A_1912 = arith.constant 195 : i32
      %scan3A_1913 = arith.addi %scan3A_1829, %scan3A_1912 : i32
      %get3A_1914 = arith.index_cast %scan3A_1913 : i32 to index
      %get3A_1915 = arith.constant 0 : index
      %get3A_1916 = tpu.vector_load %arg10[%get3A_1914, %get3A_1915] {strides = array<i32>} : memref<200x64xf32, #tpu.memory_space<vmem>>, vector<1x16xf32>,
      %get3A_1917 = vector.shape_cast %get3A_1916 : vector<1x16xf32> to vector<16xf32>
      %min3A_1918 = arith.minimumf %min3A_1892, %get3A_1917 : vector<16xf32>
      %max3A_1919 = arith.maximumf %max3A_1893, %get3A_1917 : vector<16xf32>
      %get3A_1920 = arith.index_cast %scan3A_1913 : i32 to index
      %get3A_1921 = arith.constant 16 : index
      %get3A_1922 = tpu.vector_load %arg10[%get3A_1920, %get3A_1921] {strides = array<i32>} : memref<200x64xf32, #tpu.memory_space<vmem>>, vector<1x16xf32>,
      %get3A_1923 = vector.shape_cast %get3A_1922 : vector<1x16xf32> to vector<16xf32>
      %min3A_1924 = arith.minimumf %min3A_1898, %get3A_1923 : vector<16xf32>
      %max3A_1925 = arith.maximumf %max3A_1899, %get3A_1923 : vector<16xf32>
      %get3A_1926 = arith.index_cast %scan3A_1913 : i32 to index
      %get3A_1927 = arith.constant 32 : index
      %get3A_1928 = tpu.vector_load %arg10[%get3A_1926, %get3A_1927] {strides = array<i32>} : memref<200x64xf32, #tpu.memory_space<vmem>>, vector<1x16xf32>,
      %get3A_1929 = vector.shape_cast %get3A_1928 : vector<1x16xf32> to vector<16xf32>
      %min3A_1930 = arith.minimumf %min3A_1904, %get3A_1929 : vector<16xf32>
      %max3A_1931 = arith.maximumf %max3A_1905, %get3A_1929 : vector<16xf32>
      %get3A_1932 = arith.index_cast %scan3A_1913 : i32 to index
      %get3A_1933 = arith.constant 48 : index
      %get3A_1934 = tpu.vector_load %arg10[%get3A_1932, %get3A_1933] {strides = array<i32>} : memref<200x64xf32, #tpu.memory_space<vmem>>, vector<1x16xf32>,
      %get3A_1935 = vector.shape_cast %get3A_1934 : vector<1x16xf32> to vector<16xf32>
      %min3A_1936 = arith.minimumf %min3A_1910, %get3A_1935 : vector<16xf32>
      %max3A_1937 = arith.maximumf %max3A_1911, %get3A_1935 : vector<16xf32>
      %scan3A_1938 = arith.constant 196 : i32
      %scan3A_1939 = arith.addi %scan3A_1829, %scan3A_1938 : i32
      %get3A_1940 = arith.index_cast %scan3A_1939 : i32 to index
      %get3A_1941 = arith.constant 0 : index
      %get3A_1942 = tpu.vector_load %arg10[%get3A_1940, %get3A_1941] {strides = array<i32>} : memref<200x64xf32, #tpu.memory_space<vmem>>, vector<1x16xf32>,
      %get3A_1943 = vector.shape_cast %get3A_1942 : vector<1x16xf32> to vector<16xf32>
      %min3A_1944 = arith.minimumf %min3A_1918, %get3A_1943 : vector<16xf32>
      %max3A_1945 = arith.maximumf %max3A_1919, %get3A_1943 : vector<16xf32>
      %get3A_1946 = arith.index_cast %scan3A_1939 : i32 to index
      %get3A_1947 = arith.constant 16 : index
      %get3A_1948 = tpu.vector_load %arg10[%get3A_1946, %get3A_1947] {strides = array<i32>} : memref<200x64xf32, #tpu.memory_space<vmem>>, vector<1x16xf32>,
      %get3A_1949 = vector.shape_cast %get3A_1948 : vector<1x16xf32> to vector<16xf32>
      %min3A_1950 = arith.minimumf %min3A_1924, %get3A_1949 : vector<16xf32>
      %max3A_1951 = arith.maximumf %max3A_1925, %get3A_1949 : vector<16xf32>
      %get3A_1952 = arith.index_cast %scan3A_1939 : i32 to index
      %get3A_1953 = arith.constant 32 : index
      %get3A_1954 = tpu.vector_load %arg10[%get3A_1952, %get3A_1953] {strides = array<i32>} : memref<200x64xf32, #tpu.memory_space<vmem>>, vector<1x16xf32>,
      %get3A_1955 = vector.shape_cast %get3A_1954 : vector<1x16xf32> to vector<16xf32>
      %min3A_1956 = arith.minimumf %min3A_1930, %get3A_1955 : vector<16xf32>
      %max3A_1957 = arith.maximumf %max3A_1931, %get3A_1955 : vector<16xf32>
      %get3A_1958 = arith.index_cast %scan3A_1939 : i32 to index
      %get3A_1959 = arith.constant 48 : index
      %get3A_1960 = tpu.vector_load %arg10[%get3A_1958, %get3A_1959] {strides = array<i32>} : memref<200x64xf32, #tpu.memory_space<vmem>>, vector<1x16xf32>,
      %get3A_1961 = vector.shape_cast %get3A_1960 : vector<1x16xf32> to vector<16xf32>
      %min3A_1962 = arith.minimumf %min3A_1936, %get3A_1961 : vector<16xf32>
      %max3A_1963 = arith.maximumf %max3A_1937, %get3A_1961 : vector<16xf32>
      %scan3A_1964 = arith.constant 197 : i32
      %scan3A_1965 = arith.addi %scan3A_1829, %scan3A_1964 : i32
      %get3A_1966 = arith.index_cast %scan3A_1965 : i32 to index
      %get3A_1967 = arith.constant 0 : index
      %get3A_1968 = tpu.vector_load %arg10[%get3A_1966, %get3A_1967] {strides = array<i32>} : memref<200x64xf32, #tpu.memory_space<vmem>>, vector<1x16xf32>,
      %get3A_1969 = vector.shape_cast %get3A_1968 : vector<1x16xf32> to vector<16xf32>
      %min3A_1970 = arith.minimumf %min3A_1944, %get3A_1969 : vector<16xf32>
      %max3A_1971 = arith.maximumf %max3A_1945, %get3A_1969 : vector<16xf32>
      %get3A_1972 = arith.index_cast %scan3A_1965 : i32 to index
      %get3A_1973 = arith.constant 16 : index
      %get3A_1974 = tpu.vector_load %arg10[%get3A_1972, %get3A_1973] {strides = array<i32>} : memref<200x64xf32, #tpu.memory_space<vmem>>, vector<1x16xf32>,
      %get3A_1975 = vector.shape_cast %get3A_1974 : vector<1x16xf32> to vector<16xf32>
      %min3A_1976 = arith.minimumf %min3A_1950, %get3A_1975 : vector<16xf32>
      %max3A_1977 = arith.maximumf %max3A_1951, %get3A_1975 : vector<16xf32>
      %get3A_1978 = arith.index_cast %scan3A_1965 : i32 to index
      %get3A_1979 = arith.constant 32 : index
      %get3A_1980 = tpu.vector_load %arg10[%get3A_1978, %get3A_1979] {strides = array<i32>} : memref<200x64xf32, #tpu.memory_space<vmem>>, vector<1x16xf32>,
      %get3A_1981 = vector.shape_cast %get3A_1980 : vector<1x16xf32> to vector<16xf32>
      %min3A_1982 = arith.minimumf %min3A_1956, %get3A_1981 : vector<16xf32>
      %max3A_1983 = arith.maximumf %max3A_1957, %get3A_1981 : vector<16xf32>
      %get3A_1984 = arith.index_cast %scan3A_1965 : i32 to index
      %get3A_1985 = arith.constant 48 : index
      %get3A_1986 = tpu.vector_load %arg10[%get3A_1984, %get3A_1985] {strides = array<i32>} : memref<200x64xf32, #tpu.memory_space<vmem>>, vector<1x16xf32>,
      %get3A_1987 = vector.shape_cast %get3A_1986 : vector<1x16xf32> to vector<16xf32>
      %min3A_1988 = arith.minimumf %min3A_1962, %get3A_1987 : vector<16xf32>
      %max3A_1989 = arith.maximumf %max3A_1963, %get3A_1987 : vector<16xf32>
      %scan3A_1990 = arith.constant 198 : i32
      %scan3A_1991 = arith.addi %scan3A_1829, %scan3A_1990 : i32
      %get3A_1992 = arith.index_cast %scan3A_1991 : i32 to index
      %get3A_1993 = arith.constant 0 : index
      %get3A_1994 = tpu.vector_load %arg10[%get3A_1992, %get3A_1993] {strides = array<i32>} : memref<200x64xf32, #tpu.memory_space<vmem>>, vector<1x16xf32>,
      %get3A_1995 = vector.shape_cast %get3A_1994 : vector<1x16xf32> to vector<16xf32>
      %min3A_1996 = arith.minimumf %min3A_1970, %get3A_1995 : vector<16xf32>
      %max3A_1997 = arith.maximumf %max3A_1971, %get3A_1995 : vector<16xf32>
      %get3A_1998 = arith.index_cast %scan3A_1991 : i32 to index
      %get3A_1999 = arith.constant 16 : index
      %get3A_2000 = tpu.vector_load %arg10[%get3A_1998, %get3A_1999] {strides = array<i32>} : memref<200x64xf32, #tpu.memory_space<vmem>>, vector<1x16xf32>,
      %get3A_2001 = vector.shape_cast %get3A_2000 : vector<1x16xf32> to vector<16xf32>
      %min3A_2002 = arith.minimumf %min3A_1976, %get3A_2001 : vector<16xf32>
      %max3A_2003 = arith.maximumf %max3A_1977, %get3A_2001 : vector<16xf32>
      %get3A_2004 = arith.index_cast %scan3A_1991 : i32 to index
      %get3A_2005 = arith.constant 32 : index
      %get3A_2006 = tpu.vector_load %arg10[%get3A_2004, %get3A_2005] {strides = array<i32>} : memref<200x64xf32, #tpu.memory_space<vmem>>, vector<1x16xf32>,
      %get3A_2007 = vector.shape_cast %get3A_2006 : vector<1x16xf32> to vector<16xf32>
      %min3A_2008 = arith.minimumf %min3A_1982, %get3A_2007 : vector<16xf32>
      %max3A_2009 = arith.maximumf %max3A_1983, %get3A_2007 : vector<16xf32>
      %get3A_2010 = arith.index_cast %scan3A_1991 : i32 to index
      %get3A_2011 = arith.constant 48 : index
      %get3A_2012 = tpu.vector_load %arg10[%get3A_2010, %get3A_2011] {strides = array<i32>} : memref<200x64xf32, #tpu.memory_space<vmem>>, vector<1x16xf32>,
      %get3A_2013 = vector.shape_cast %get3A_2012 : vector<1x16xf32> to vector<16xf32>
      %min3A_2014 = arith.minimumf %min3A_1988, %get3A_2013 : vector<16xf32>
      %max3A_2015 = arith.maximumf %max3A_1989, %get3A_2013 : vector<16xf32>
      %scan3A_2016 = arith.constant 199 : i32
      %swap3A_2017 = arith.index_cast %add3A_1808 : i32 to index
      %swap3A_2018 = arith.constant 0 : index
      %swap3A_2019 = tpu.vector_load %arg12[%swap3A_2017, %swap3A_2018] {strides = array<i32>} : memref<128x128xf32, #tpu.memory_space<vmem>>, vector<1x16xf32>,
      %swap3A_2020 = vector.shape_cast %swap3A_2019 : vector<1x16xf32> to vector<16xf32>
      %swap3A_2021 = vector.shape_cast %min3A_1996 : vector<16xf32> to vector<1x16xf32>
      tpu.vector_store %arg12[%swap3A_2017, %swap3A_2018], %swap3A_2021 {strides = array<i32>} : memref<128x128xf32, #tpu.memory_space<vmem>>, vector<1x16xf32>,
      %swap3A_2022 = arith.index_cast %add3A_1808 : i32 to index
      %swap3A_2023 = arith.constant 64 : index
      %swap3A_2024 = tpu.vector_load %arg12[%swap3A_2022, %swap3A_2023] {strides = array<i32>} : memref<128x128xf32, #tpu.memory_space<vmem>>, vector<1x16xf32>,
      %swap3A_2025 = vector.shape_cast %swap3A_2024 : vector<1x16xf32> to vector<16xf32>
      %swap3A_2026 = vector.shape_cast %max3A_1997 : vector<16xf32> to vector<1x16xf32>
      tpu.vector_store %arg12[%swap3A_2022, %swap3A_2023], %swap3A_2026 {strides = array<i32>} : memref<128x128xf32, #tpu.memory_space<vmem>>, vector<1x16xf32>,
      %swap3A_2027 = arith.index_cast %add3A_1808 : i32 to index
      %swap3A_2028 = arith.constant 16 : index
      %swap3A_2029 = tpu.vector_load %arg12[%swap3A_2027, %swap3A_2028] {strides = array<i32>} : memref<128x128xf32, #tpu.memory_space<vmem>>, vector<1x16xf32>,
      %swap3A_2030 = vector.shape_cast %swap3A_2029 : vector<1x16xf32> to vector<16xf32>
      %swap3A_2031 = vector.shape_cast %min3A_2002 : vector<16xf32> to vector<1x16xf32>
      tpu.vector_store %arg12[%swap3A_2027, %swap3A_2028], %swap3A_2031 {strides = array<i32>} : memref<128x128xf32, #tpu.memory_space<vmem>>, vector<1x16xf32>,
      %swap3A_2032 = arith.index_cast %add3A_1808 : i32 to index
      %swap3A_2033 = arith.constant 80 : index
      %swap3A_2034 = tpu.vector_load %arg12[%swap3A_2032, %swap3A_2033] {strides = array<i32>} : memref<128x128xf32, #tpu.memory_space<vmem>>, vector<1x16xf32>,
      %swap3A_2035 = vector.shape_cast %swap3A_2034 : vector<1x16xf32> to vector<16xf32>
      %swap3A_2036 = vector.shape_cast %max3A_2003 : vector<16xf32> to vector<1x16xf32>
      tpu.vector_store %arg12[%swap3A_2032, %swap3A_2033], %swap3A_2036 {strides = array<i32>} : memref<128x128xf32, #tpu.memory_space<vmem>>, vector<1x16xf32>,
      %swap3A_2037 = arith.index_cast %add3A_1808 : i32 to index
      %swap3A_2038 = arith.constant 32 : index
      %swap3A_2039 = tpu.vector_load %arg12[%swap3A_2037, %swap3A_2038] {strides = array<i32>} : memref<128x128xf32, #tpu.memory_space<vmem>>, vector<1x16xf32>,
      %swap3A_2040 = vector.shape_cast %swap3A_2039 : vector<1x16xf32> to vector<16xf32>
      %swap3A_2041 = vector.shape_cast %min3A_2008 : vector<16xf32> to vector<1x16xf32>
      tpu.vector_store %arg12[%swap3A_2037, %swap3A_2038], %swap3A_2041 {strides = array<i32>} : memref<128x128xf32, #tpu.memory_space<vmem>>, vector<1x16xf32>,
      %swap3A_2042 = arith.index_cast %add3A_1808 : i32 to index
      %swap3A_2043 = arith.constant 96 : index
      %swap3A_2044 = tpu.vector_load %arg12[%swap3A_2042, %swap3A_2043] {strides = array<i32>} : memref<128x128xf32, #tpu.memory_space<vmem>>, vector<1x16xf32>,
      %swap3A_2045 = vector.shape_cast %swap3A_2044 : vector<1x16xf32> to vector<16xf32>
      %swap3A_2046 = vector.shape_cast %max3A_2009 : vector<16xf32> to vector<1x16xf32>
      tpu.vector_store %arg12[%swap3A_2042, %swap3A_2043], %swap3A_2046 {strides = array<i32>} : memref<128x128xf32, #tpu.memory_space<vmem>>, vector<1x16xf32>,
      %swap3A_2047 = arith.index_cast %add3A_1808 : i32 to index
      %swap3A_2048 = arith.constant 48 : index
      %swap3A_2049 = tpu.vector_load %arg12[%swap3A_2047, %swap3A_2048] {strides = array<i32>} : memref<128x128xf32, #tpu.memory_space<vmem>>, vector<1x16xf32>,
      %swap3A_2050 = vector.shape_cast %swap3A_2049 : vector<1x16xf32> to vector<16xf32>
      %swap3A_2051 = vector.shape_cast %min3A_2014 : vector<16xf32> to vector<1x16xf32>
      tpu.vector_store %arg12[%swap3A_2047, %swap3A_2048], %swap3A_2051 {strides = array<i32>} : memref<128x128xf32, #tpu.memory_space<vmem>>, vector<1x16xf32>,
      %swap3A_2052 = arith.index_cast %add3A_1808 : i32 to index
      %swap3A_2053 = arith.constant 112 : index
      %swap3A_2054 = tpu.vector_load %arg12[%swap3A_2052, %swap3A_2053] {strides = array<i32>} : memref<128x128xf32, #tpu.memory_space<vmem>>, vector<1x16xf32>,
      %swap3A_2055 = vector.shape_cast %swap3A_2054 : vector<1x16xf32> to vector<16xf32>
      %swap3A_2056 = vector.shape_cast %max3A_2015 : vector<16xf32> to vector<1x16xf32>
      tpu.vector_store %arg12[%swap3A_2052, %swap3A_2053], %swap3A_2056 {strides = array<i32>} : memref<128x128xf32, #tpu.memory_space<vmem>>, vector<1x16xf32>,
      %dma_wait3A_2057 = arith.constant 0 : i32
      %dma_wait3A_2058 = arith.constant 0 : i32
      %dma_wait3A_2059 = arith.constant 0 : i32
      %dma_wait3A_2060 = tpu.memref_slice %arg11[%dma_wait3A_2058, %dma_wait3A_2059] : memref<200x64xf32, #tpu.memory_space<vmem>> -> memref<128x64xf32, #tpu.memory_space<vmem>>
      %dma_wait3A_2061 = arith.constant 0 : i32
      %dma_wait3A_2062 = tpu.memref_slice %arg5[%dma_wait3A_2057, %dma_wait3A_2061] : memref<128x208xi32, #tpu.memory_space<vmem>> -> memref<1x128xi32, #tpu.memory_space<vmem>>
      %dma_wait3A_2063 = tpu.memref_squeeze %dma_wait3A_2062 : memref<1x128xi32, #tpu.memory_space<vmem>> -> memref<128xi32, #tpu.memory_space<vmem>>
      %dma_wait3A_2064 = arith.constant 0 : i32
      %dma_wait3A_2065 = arith.constant 0 : i32
      %dma_wait3A_2066 = tpu.memref_slice %arg3[%dma_wait3A_2064, %dma_wait3A_2065] : memref<1048576x64xf32, #tpu.memory_space<hbm>> -> memref<1048576x64xf32, #tpu.memory_space<hbm>>
      tpu.wait_indirect_dma semaphore(%arg18 : memref<!tpu.dma_semaphore, #tpu.memory_space<semaphore_mem>>) src(%dma_wait3A_2066 : memref<1048576x64xf32, #tpu.memory_space<hbm>>) dst(%dma_wait3A_2060 : memref<128x64xf32, #tpu.memory_space<vmem>>)
      %dma_wait3A_2067 = arith.constant 0 : i32
      %dma_wait3A_2068 = arith.constant 128 : i32
      %dma_wait3A_2069 = arith.constant 0 : i32
      %dma_wait3A_2070 = tpu.memref_slice %arg11[%dma_wait3A_2068, %dma_wait3A_2069] : memref<200x64xf32, #tpu.memory_space<vmem>> -> memref<72x64xf32, #tpu.memory_space<vmem>>
      %dma_wait3A_2071 = arith.constant 128 : i32
      %dma_wait3A_2072 = tpu.memref_slice %arg5[%dma_wait3A_2067, %dma_wait3A_2071] : memref<128x208xi32, #tpu.memory_space<vmem>> -> memref<1x72xi32, #tpu.memory_space<vmem>>
      %dma_wait3A_2073 = tpu.memref_squeeze %dma_wait3A_2072 : memref<1x72xi32, #tpu.memory_space<vmem>> -> memref<72xi32, #tpu.memory_space<vmem>>
      %dma_wait3A_2074 = arith.constant 0 : i32
      %dma_wait3A_2075 = arith.constant 0 : i32
      %dma_wait3A_2076 = tpu.memref_slice %arg3[%dma_wait3A_2074, %dma_wait3A_2075] : memref<1048576x64xf32, #tpu.memory_space<hbm>> -> memref<1048576x64xf32, #tpu.memory_space<hbm>>
      tpu.wait_indirect_dma semaphore(%arg18 : memref<!tpu.dma_semaphore, #tpu.memory_space<semaphore_mem>>) src(%dma_wait3A_2076 : memref<1048576x64xf32, #tpu.memory_space<hbm>>) dst(%dma_wait3A_2070 : memref<72x64xf32, #tpu.memory_space<vmem>>)
      %add3A_2077 = arith.constant 5 : i32
      %add3A_2078 = arith.addi %add3A_664, %add3A_2077 : i32
      %add3A_2079 = arith.constant 5 : i32
      %add3A_2080 = arith.addi %add3A_2078, %add3A_2079 : i32
      %lt3A_2081 = arith.constant 128 : i32
      %lt3A_2082 = arith.cmpi slt, %add3A_2080, %lt3A_2081 : i32
      %convert_element_type3A_2083 = arith.extui %lt3A_2082 : i1 to i32
      %cond3A_2084 = arith.constant 0 : i32
      %cond3A_2085 = arith.cmpi ne, %convert_element_type3A_2083, %cond3A_2084 : i32
      scf.if %cond3A_2085 {
        %dma_start3A_2336 = arith.constant 0 : i32
        %dma_start3A_2337 = arith.constant 0 : i32
        %dma_start3A_2338 = tpu.memref_slice %arg10[%dma_start3A_2336, %dma_start3A_2337] : memref<200x64xf32, #tpu.memory_space<vmem>> -> memref<128x64xf32, #tpu.memory_space<vmem>>
        %dma_start3A_2339 = arith.constant 0 : i32
        %dma_start3A_2340 = tpu.memref_slice %arg5[%add3A_2080, %dma_start3A_2339] : memref<128x208xi32, #tpu.memory_space<vmem>> -> memref<1x128xi32, #tpu.memory_space<vmem>>
        %dma_start3A_2341 = tpu.memref_squeeze %dma_start3A_2340 : memref<1x128xi32, #tpu.memory_space<vmem>> -> memref<128xi32, #tpu.memory_space<vmem>>
        %dma_start3A_2342 = arith.constant 0 : i32
        %dma_start3A_2343 = arith.constant 0 : i32
        %dma_start3A_2344 = tpu.memref_slice %arg3[%dma_start3A_2342, %dma_start3A_2343] : memref<1048576x64xf32, #tpu.memory_space<hbm>> -> memref<1048576x64xf32, #tpu.memory_space<hbm>>
        tpu.enqueue_indirect_dma source(%dma_start3A_2344 : memref<1048576x64xf32, #tpu.memory_space<hbm>>) target(%dma_start3A_2338 : memref<128x64xf32, #tpu.memory_space<vmem>>) offsets(%dma_start3A_2341 : memref<128xi32, #tpu.memory_space<vmem>>) semaphore(%arg17 : memref<!tpu.dma_semaphore, #tpu.memory_space<semaphore_mem>>)
        %dma_start3A_2345 = arith.constant 128 : i32
        %dma_start3A_2346 = arith.constant 0 : i32
        %dma_start3A_2347 = tpu.memref_slice %arg10[%dma_start3A_2345, %dma_start3A_2346] : memref<200x64xf32, #tpu.memory_space<vmem>> -> memref<72x64xf32, #tpu.memory_space<vmem>>
        %dma_start3A_2348 = arith.constant 128 : i32
        %dma_start3A_2349 = tpu.memref_slice %arg5[%add3A_2080, %dma_start3A_2348] : memref<128x208xi32, #tpu.memory_space<vmem>> -> memref<1x72xi32, #tpu.memory_space<vmem>>
        %dma_start3A_2350 = tpu.memref_squeeze %dma_start3A_2349 : memref<1x72xi32, #tpu.memory_space<vmem>> -> memref<72xi32, #tpu.memory_space<vmem>>
        %dma_start3A_2351 = arith.constant 0 : i32
        %dma_start3A_2352 = arith.constant 0 : i32
        %dma_start3A_2353 = tpu.memref_slice %arg3[%dma_start3A_2351, %dma_start3A_2352] : memref<1048576x64xf32, #tpu.memory_space<hbm>> -> memref<1048576x64xf32, #tpu.memory_space<hbm>>
        tpu.enqueue_indirect_dma source(%dma_start3A_2353 : memref<1048576x64xf32, #tpu.memory_space<hbm>>) target(%dma_start3A_2347 : memref<72x64xf32, #tpu.memory_space<vmem>>) offsets(%dma_start3A_2350 : memref<72xi32, #tpu.memory_space<vmem>>) semaphore(%arg17 : memref<!tpu.dma_semaphore, #tpu.memory_space<semaphore_mem>>)
      } else {
      }
      %add3A_2086 = arith.constant 5 : i32
      %add3A_2087 = arith.addi %add3A_664, %add3A_2086 : i32
      %get3A_2088 = arith.constant 0 : i32
      %get3A_2089 = arith.index_cast %get3A_2088 : i32 to index
      %get3A_2090 = arith.constant 0 : index
      %get3A_2091 = tpu.vector_load %arg11[%get3A_2089, %get3A_2090] {strides = array<i32>} : memref<200x64xf32, #tpu.memory_space<vmem>>, vector<1x16xf32>,
      %get3A_2092 = vector.shape_cast %get3A_2091 : vector<1x16xf32> to vector<16xf32>
      %get3A_2093 = arith.constant 0 : i32
      %get3A_2094 = arith.index_cast %get3A_2093 : i32 to index
      %get3A_2095 = arith.constant 16 : index
      %get3A_2096 = tpu.vector_load %arg11[%get3A_2094, %get3A_2095] {strides = array<i32>} : memref<200x64xf32, #tpu.memory_space<vmem>>, vector<1x16xf32>,
      %get3A_2097 = vector.shape_cast %get3A_2096 : vector<1x16xf32> to vector<16xf32>
      %get3A_2098 = arith.constant 0 : i32
      %get3A_2099 = arith.index_cast %get3A_2098 : i32 to index
      %get3A_2100 = arith.constant 32 : index
      %get3A_2101 = tpu.vector_load %arg11[%get3A_2099, %get3A_2100] {strides = array<i32>} : memref<200x64xf32, #tpu.memory_space<vmem>>, vector<1x16xf32>,
      %get3A_2102 = vector.shape_cast %get3A_2101 : vector<1x16xf32> to vector<16xf32>
      %get3A_2103 = arith.constant 0 : i32
      %get3A_2104 = arith.index_cast %get3A_2103 : i32 to index
      %get3A_2105 = arith.constant 48 : index
      %get3A_2106 = tpu.vector_load %arg11[%get3A_2104, %get3A_2105] {strides = array<i32>} : memref<200x64xf32, #tpu.memory_space<vmem>>, vector<1x16xf32>,
      %get3A_2107 = vector.shape_cast %get3A_2106 : vector<1x16xf32> to vector<16xf32>
      %scan3A_2108 = arith.constant 1 : i32
      %scan3A_2109 = arith.constant 192 : i32
      %scan3A_2110 = arith.addi %scan3A_2108, %scan3A_2109 : i32
      %scan3A_2111 = arith.constant 8 : i32
      %scan3A_2112:8 = scf.for %scan3A_2336 = %scan3A_2108 to %scan3A_2110 step %scan3A_2111 iter_args(%scan3A_2337 = %get3A_2092, %scan3A_2338 = %get3A_2097, %scan3A_2339 = %get3A_2102, %scan3A_2340 = %get3A_2107, %scan3A_2341 = %get3A_2092, %scan3A_2342 = %get3A_2097, %scan3A_2343 = %get3A_2102, %scan3A_2344 = %get3A_2107) -> (vector<16xf32>, vector<16xf32>, vector<16xf32>, vector<16xf32>, vector<16xf32>, vector<16xf32>, vector<16xf32>, vector<16xf32>)  : i32 {
        %get3A_2345 = arith.index_cast %scan3A_2336 : i32 to index
        %get3A_2346 = arith.constant 0 : index
        %get3A_2347 = tpu.vector_load %arg11[%get3A_2345, %get3A_2346] {strides = array<i32>} : memref<200x64xf32, #tpu.memory_space<vmem>>, vector<1x16xf32>,
        %get3A_2348 = vector.shape_cast %get3A_2347 : vector<1x16xf32> to vector<16xf32>
        %min3A_2349 = arith.minimumf %scan3A_2337, %get3A_2348 : vector<16xf32>
        %max3A_2350 = arith.maximumf %scan3A_2341, %get3A_2348 : vector<16xf32>
        %get3A_2351 = arith.index_cast %scan3A_2336 : i32 to index
        %get3A_2352 = arith.constant 16 : index
        %get3A_2353 = tpu.vector_load %arg11[%get3A_2351, %get3A_2352] {strides = array<i32>} : memref<200x64xf32, #tpu.memory_space<vmem>>, vector<1x16xf32>,
        %get3A_2354 = vector.shape_cast %get3A_2353 : vector<1x16xf32> to vector<16xf32>
        %min3A_2355 = arith.minimumf %scan3A_2338, %get3A_2354 : vector<16xf32>
        %max3A_2356 = arith.maximumf %scan3A_2342, %get3A_2354 : vector<16xf32>
        %get3A_2357 = arith.index_cast %scan3A_2336 : i32 to index
        %get3A_2358 = arith.constant 32 : index
        %get3A_2359 = tpu.vector_load %arg11[%get3A_2357, %get3A_2358] {strides = array<i32>} : memref<200x64xf32, #tpu.memory_space<vmem>>, vector<1x16xf32>,
        %get3A_2360 = vector.shape_cast %get3A_2359 : vector<1x16xf32> to vector<16xf32>
        %min3A_2361 = arith.minimumf %scan3A_2339, %get3A_2360 : vector<16xf32>
        %max3A_2362 = arith.maximumf %scan3A_2343, %get3A_2360 : vector<16xf32>
        %get3A_2363 = arith.index_cast %scan3A_2336 : i32 to index
        %get3A_2364 = arith.constant 48 : index
        %get3A_2365 = tpu.vector_load %arg11[%get3A_2363, %get3A_2364] {strides = array<i32>} : memref<200x64xf32, #tpu.memory_space<vmem>>, vector<1x16xf32>,
        %get3A_2366 = vector.shape_cast %get3A_2365 : vector<1x16xf32> to vector<16xf32>
        %min3A_2367 = arith.minimumf %scan3A_2340, %get3A_2366 : vector<16xf32>
        %max3A_2368 = arith.maximumf %scan3A_2344, %get3A_2366 : vector<16xf32>
        %scan3A_2369 = arith.constant 1 : i32
        %scan3A_2370 = arith.addi %scan3A_2336, %scan3A_2369 : i32
        %get3A_2371 = arith.index_cast %scan3A_2370 : i32 to index
        %get3A_2372 = arith.constant 0 : index
        %get3A_2373 = tpu.vector_load %arg11[%get3A_2371, %get3A_2372] {strides = array<i32>} : memref<200x64xf32, #tpu.memory_space<vmem>>, vector<1x16xf32>,
        %get3A_2374 = vector.shape_cast %get3A_2373 : vector<1x16xf32> to vector<16xf32>
        %min3A_2375 = arith.minimumf %min3A_2349, %get3A_2374 : vector<16xf32>
        %max3A_2376 = arith.maximumf %max3A_2350, %get3A_2374 : vector<16xf32>
        %get3A_2377 = arith.index_cast %scan3A_2370 : i32 to index
        %get3A_2378 = arith.constant 16 : index
        %get3A_2379 = tpu.vector_load %arg11[%get3A_2377, %get3A_2378] {strides = array<i32>} : memref<200x64xf32, #tpu.memory_space<vmem>>, vector<1x16xf32>,
        %get3A_2380 = vector.shape_cast %get3A_2379 : vector<1x16xf32> to vector<16xf32>
        %min3A_2381 = arith.minimumf %min3A_2355, %get3A_2380 : vector<16xf32>
        %max3A_2382 = arith.maximumf %max3A_2356, %get3A_2380 : vector<16xf32>
        %get3A_2383 = arith.index_cast %scan3A_2370 : i32 to index
        %get3A_2384 = arith.constant 32 : index
        %get3A_2385 = tpu.vector_load %arg11[%get3A_2383, %get3A_2384] {strides = array<i32>} : memref<200x64xf32, #tpu.memory_space<vmem>>, vector<1x16xf32>,
        %get3A_2386 = vector.shape_cast %get3A_2385 : vector<1x16xf32> to vector<16xf32>
        %min3A_2387 = arith.minimumf %min3A_2361, %get3A_2386 : vector<16xf32>
        %max3A_2388 = arith.maximumf %max3A_2362, %get3A_2386 : vector<16xf32>
        %get3A_2389 = arith.index_cast %scan3A_2370 : i32 to index
        %get3A_2390 = arith.constant 48 : index
        %get3A_2391 = tpu.vector_load %arg11[%get3A_2389, %get3A_2390] {strides = array<i32>} : memref<200x64xf32, #tpu.memory_space<vmem>>, vector<1x16xf32>,
        %get3A_2392 = vector.shape_cast %get3A_2391 : vector<1x16xf32> to vector<16xf32>
        %min3A_2393 = arith.minimumf %min3A_2367, %get3A_2392 : vector<16xf32>
        %max3A_2394 = arith.maximumf %max3A_2368, %get3A_2392 : vector<16xf32>
        %scan3A_2395 = arith.constant 2 : i32
        %scan3A_2396 = arith.addi %scan3A_2336, %scan3A_2395 : i32
        %get3A_2397 = arith.index_cast %scan3A_2396 : i32 to index
        %get3A_2398 = arith.constant 0 : index
        %get3A_2399 = tpu.vector_load %arg11[%get3A_2397, %get3A_2398] {strides = array<i32>} : memref<200x64xf32, #tpu.memory_space<vmem>>, vector<1x16xf32>,
        %get3A_2400 = vector.shape_cast %get3A_2399 : vector<1x16xf32> to vector<16xf32>
        %min3A_2401 = arith.minimumf %min3A_2375, %get3A_2400 : vector<16xf32>
        %max3A_2402 = arith.maximumf %max3A_2376, %get3A_2400 : vector<16xf32>
        %get3A_2403 = arith.index_cast %scan3A_2396 : i32 to index
        %get3A_2404 = arith.constant 16 : index
        %get3A_2405 = tpu.vector_load %arg11[%get3A_2403, %get3A_2404] {strides = array<i32>} : memref<200x64xf32, #tpu.memory_space<vmem>>, vector<1x16xf32>,
        %get3A_2406 = vector.shape_cast %get3A_2405 : vector<1x16xf32> to vector<16xf32>
        %min3A_2407 = arith.minimumf %min3A_2381, %get3A_2406 : vector<16xf32>
        %max3A_2408 = arith.maximumf %max3A_2382, %get3A_2406 : vector<16xf32>
        %get3A_2409 = arith.index_cast %scan3A_2396 : i32 to index
        %get3A_2410 = arith.constant 32 : index
        %get3A_2411 = tpu.vector_load %arg11[%get3A_2409, %get3A_2410] {strides = array<i32>} : memref<200x64xf32, #tpu.memory_space<vmem>>, vector<1x16xf32>,
        %get3A_2412 = vector.shape_cast %get3A_2411 : vector<1x16xf32> to vector<16xf32>
        %min3A_2413 = arith.minimumf %min3A_2387, %get3A_2412 : vector<16xf32>
        %max3A_2414 = arith.maximumf %max3A_2388, %get3A_2412 : vector<16xf32>
        %get3A_2415 = arith.index_cast %scan3A_2396 : i32 to index
        %get3A_2416 = arith.constant 48 : index
        %get3A_2417 = tpu.vector_load %arg11[%get3A_2415, %get3A_2416] {strides = array<i32>} : memref<200x64xf32, #tpu.memory_space<vmem>>, vector<1x16xf32>,
        %get3A_2418 = vector.shape_cast %get3A_2417 : vector<1x16xf32> to vector<16xf32>
        %min3A_2419 = arith.minimumf %min3A_2393, %get3A_2418 : vector<16xf32>
        %max3A_2420 = arith.maximumf %max3A_2394, %get3A_2418 : vector<16xf32>
        %scan3A_2421 = arith.constant 3 : i32
        %scan3A_2422 = arith.addi %scan3A_2336, %scan3A_2421 : i32
        %get3A_2423 = arith.index_cast %scan3A_2422 : i32 to index
        %get3A_2424 = arith.constant 0 : index
        %get3A_2425 = tpu.vector_load %arg11[%get3A_2423, %get3A_2424] {strides = array<i32>} : memref<200x64xf32, #tpu.memory_space<vmem>>, vector<1x16xf32>,
        %get3A_2426 = vector.shape_cast %get3A_2425 : vector<1x16xf32> to vector<16xf32>
        %min3A_2427 = arith.minimumf %min3A_2401, %get3A_2426 : vector<16xf32>
        %max3A_2428 = arith.maximumf %max3A_2402, %get3A_2426 : vector<16xf32>
        %get3A_2429 = arith.index_cast %scan3A_2422 : i32 to index
        %get3A_2430 = arith.constant 16 : index
        %get3A_2431 = tpu.vector_load %arg11[%get3A_2429, %get3A_2430] {strides = array<i32>} : memref<200x64xf32, #tpu.memory_space<vmem>>, vector<1x16xf32>,
        %get3A_2432 = vector.shape_cast %get3A_2431 : vector<1x16xf32> to vector<16xf32>
        %min3A_2433 = arith.minimumf %min3A_2407, %get3A_2432 : vector<16xf32>
        %max3A_2434 = arith.maximumf %max3A_2408, %get3A_2432 : vector<16xf32>
        %get3A_2435 = arith.index_cast %scan3A_2422 : i32 to index
        %get3A_2436 = arith.constant 32 : index
        %get3A_2437 = tpu.vector_load %arg11[%get3A_2435, %get3A_2436] {strides = array<i32>} : memref<200x64xf32, #tpu.memory_space<vmem>>, vector<1x16xf32>,
        %get3A_2438 = vector.shape_cast %get3A_2437 : vector<1x16xf32> to vector<16xf32>
        %min3A_2439 = arith.minimumf %min3A_2413, %get3A_2438 : vector<16xf32>
        %max3A_2440 = arith.maximumf %max3A_2414, %get3A_2438 : vector<16xf32>
        %get3A_2441 = arith.index_cast %scan3A_2422 : i32 to index
        %get3A_2442 = arith.constant 48 : index
        %get3A_2443 = tpu.vector_load %arg11[%get3A_2441, %get3A_2442] {strides = array<i32>} : memref<200x64xf32, #tpu.memory_space<vmem>>, vector<1x16xf32>,
        %get3A_2444 = vector.shape_cast %get3A_2443 : vector<1x16xf32> to vector<16xf32>
        %min3A_2445 = arith.minimumf %min3A_2419, %get3A_2444 : vector<16xf32>
        %max3A_2446 = arith.maximumf %max3A_2420, %get3A_2444 : vector<16xf32>
        %scan3A_2447 = arith.constant 4 : i32
        %scan3A_2448 = arith.addi %scan3A_2336, %scan3A_2447 : i32
        %get3A_2449 = arith.index_cast %scan3A_2448 : i32 to index
        %get3A_2450 = arith.constant 0 : index
        %get3A_2451 = tpu.vector_load %arg11[%get3A_2449, %get3A_2450] {strides = array<i32>} : memref<200x64xf32, #tpu.memory_space<vmem>>, vector<1x16xf32>,
        %get3A_2452 = vector.shape_cast %get3A_2451 : vector<1x16xf32> to vector<16xf32>
        %min3A_2453 = arith.minimumf %min3A_2427, %get3A_2452 : vector<16xf32>
        %max3A_2454 = arith.maximumf %max3A_2428, %get3A_2452 : vector<16xf32>
        %get3A_2455 = arith.index_cast %scan3A_2448 : i32 to index
        %get3A_2456 = arith.constant 16 : index
        %get3A_2457 = tpu.vector_load %arg11[%get3A_2455, %get3A_2456] {strides = array<i32>} : memref<200x64xf32, #tpu.memory_space<vmem>>, vector<1x16xf32>,
        %get3A_2458 = vector.shape_cast %get3A_2457 : vector<1x16xf32> to vector<16xf32>
        %min3A_2459 = arith.minimumf %min3A_2433, %get3A_2458 : vector<16xf32>
        %max3A_2460 = arith.maximumf %max3A_2434, %get3A_2458 : vector<16xf32>
        %get3A_2461 = arith.index_cast %scan3A_2448 : i32 to index
        %get3A_2462 = arith.constant 32 : index
        %get3A_2463 = tpu.vector_load %arg11[%get3A_2461, %get3A_2462] {strides = array<i32>} : memref<200x64xf32, #tpu.memory_space<vmem>>, vector<1x16xf32>,
        %get3A_2464 = vector.shape_cast %get3A_2463 : vector<1x16xf32> to vector<16xf32>
        %min3A_2465 = arith.minimumf %min3A_2439, %get3A_2464 : vector<16xf32>
        %max3A_2466 = arith.maximumf %max3A_2440, %get3A_2464 : vector<16xf32>
        %get3A_2467 = arith.index_cast %scan3A_2448 : i32 to index
        %get3A_2468 = arith.constant 48 : index
        %get3A_2469 = tpu.vector_load %arg11[%get3A_2467, %get3A_2468] {strides = array<i32>} : memref<200x64xf32, #tpu.memory_space<vmem>>, vector<1x16xf32>,
        %get3A_2470 = vector.shape_cast %get3A_2469 : vector<1x16xf32> to vector<16xf32>
        %min3A_2471 = arith.minimumf %min3A_2445, %get3A_2470 : vector<16xf32>
        %max3A_2472 = arith.maximumf %max3A_2446, %get3A_2470 : vector<16xf32>
        %scan3A_2473 = arith.constant 5 : i32
        %scan3A_2474 = arith.addi %scan3A_2336, %scan3A_2473 : i32
        %get3A_2475 = arith.index_cast %scan3A_2474 : i32 to index
        %get3A_2476 = arith.constant 0 : index
        %get3A_2477 = tpu.vector_load %arg11[%get3A_2475, %get3A_2476] {strides = array<i32>} : memref<200x64xf32, #tpu.memory_space<vmem>>, vector<1x16xf32>,
        %get3A_2478 = vector.shape_cast %get3A_2477 : vector<1x16xf32> to vector<16xf32>
        %min3A_2479 = arith.minimumf %min3A_2453, %get3A_2478 : vector<16xf32>
        %max3A_2480 = arith.maximumf %max3A_2454, %get3A_2478 : vector<16xf32>
        %get3A_2481 = arith.index_cast %scan3A_2474 : i32 to index
        %get3A_2482 = arith.constant 16 : index
        %get3A_2483 = tpu.vector_load %arg11[%get3A_2481, %get3A_2482] {strides = array<i32>} : memref<200x64xf32, #tpu.memory_space<vmem>>, vector<1x16xf32>,
        %get3A_2484 = vector.shape_cast %get3A_2483 : vector<1x16xf32> to vector<16xf32>
        %min3A_2485 = arith.minimumf %min3A_2459, %get3A_2484 : vector<16xf32>
        %max3A_2486 = arith.maximumf %max3A_2460, %get3A_2484 : vector<16xf32>
        %get3A_2487 = arith.index_cast %scan3A_2474 : i32 to index
        %get3A_2488 = arith.constant 32 : index
        %get3A_2489 = tpu.vector_load %arg11[%get3A_2487, %get3A_2488] {strides = array<i32>} : memref<200x64xf32, #tpu.memory_space<vmem>>, vector<1x16xf32>,
        %get3A_2490 = vector.shape_cast %get3A_2489 : vector<1x16xf32> to vector<16xf32>
        %min3A_2491 = arith.minimumf %min3A_2465, %get3A_2490 : vector<16xf32>
        %max3A_2492 = arith.maximumf %max3A_2466, %get3A_2490 : vector<16xf32>
        %get3A_2493 = arith.index_cast %scan3A_2474 : i32 to index
        %get3A_2494 = arith.constant 48 : index
        %get3A_2495 = tpu.vector_load %arg11[%get3A_2493, %get3A_2494] {strides = array<i32>} : memref<200x64xf32, #tpu.memory_space<vmem>>, vector<1x16xf32>,
        %get3A_2496 = vector.shape_cast %get3A_2495 : vector<1x16xf32> to vector<16xf32>
        %min3A_2497 = arith.minimumf %min3A_2471, %get3A_2496 : vector<16xf32>
        %max3A_2498 = arith.maximumf %max3A_2472, %get3A_2496 : vector<16xf32>
        %scan3A_2499 = arith.constant 6 : i32
        %scan3A_2500 = arith.addi %scan3A_2336, %scan3A_2499 : i32
        %get3A_2501 = arith.index_cast %scan3A_2500 : i32 to index
        %get3A_2502 = arith.constant 0 : index
        %get3A_2503 = tpu.vector_load %arg11[%get3A_2501, %get3A_2502] {strides = array<i32>} : memref<200x64xf32, #tpu.memory_space<vmem>>, vector<1x16xf32>,
        %get3A_2504 = vector.shape_cast %get3A_2503 : vector<1x16xf32> to vector<16xf32>
        %min3A_2505 = arith.minimumf %min3A_2479, %get3A_2504 : vector<16xf32>
        %max3A_2506 = arith.maximumf %max3A_2480, %get3A_2504 : vector<16xf32>
        %get3A_2507 = arith.index_cast %scan3A_2500 : i32 to index
        %get3A_2508 = arith.constant 16 : index
        %get3A_2509 = tpu.vector_load %arg11[%get3A_2507, %get3A_2508] {strides = array<i32>} : memref<200x64xf32, #tpu.memory_space<vmem>>, vector<1x16xf32>,
        %get3A_2510 = vector.shape_cast %get3A_2509 : vector<1x16xf32> to vector<16xf32>
        %min3A_2511 = arith.minimumf %min3A_2485, %get3A_2510 : vector<16xf32>
        %max3A_2512 = arith.maximumf %max3A_2486, %get3A_2510 : vector<16xf32>
        %get3A_2513 = arith.index_cast %scan3A_2500 : i32 to index
        %get3A_2514 = arith.constant 32 : index
        %get3A_2515 = tpu.vector_load %arg11[%get3A_2513, %get3A_2514] {strides = array<i32>} : memref<200x64xf32, #tpu.memory_space<vmem>>, vector<1x16xf32>,
        %get3A_2516 = vector.shape_cast %get3A_2515 : vector<1x16xf32> to vector<16xf32>
        %min3A_2517 = arith.minimumf %min3A_2491, %get3A_2516 : vector<16xf32>
        %max3A_2518 = arith.maximumf %max3A_2492, %get3A_2516 : vector<16xf32>
        %get3A_2519 = arith.index_cast %scan3A_2500 : i32 to index
        %get3A_2520 = arith.constant 48 : index
        %get3A_2521 = tpu.vector_load %arg11[%get3A_2519, %get3A_2520] {strides = array<i32>} : memref<200x64xf32, #tpu.memory_space<vmem>>, vector<1x16xf32>,
        %get3A_2522 = vector.shape_cast %get3A_2521 : vector<1x16xf32> to vector<16xf32>
        %min3A_2523 = arith.minimumf %min3A_2497, %get3A_2522 : vector<16xf32>
        %max3A_2524 = arith.maximumf %max3A_2498, %get3A_2522 : vector<16xf32>
        %scan3A_2525 = arith.constant 7 : i32
        %scan3A_2526 = arith.addi %scan3A_2336, %scan3A_2525 : i32
        %get3A_2527 = arith.index_cast %scan3A_2526 : i32 to index
        %get3A_2528 = arith.constant 0 : index
        %get3A_2529 = tpu.vector_load %arg11[%get3A_2527, %get3A_2528] {strides = array<i32>} : memref<200x64xf32, #tpu.memory_space<vmem>>, vector<1x16xf32>,
        %get3A_2530 = vector.shape_cast %get3A_2529 : vector<1x16xf32> to vector<16xf32>
        %min3A_2531 = arith.minimumf %min3A_2505, %get3A_2530 : vector<16xf32>
        %max3A_2532 = arith.maximumf %max3A_2506, %get3A_2530 : vector<16xf32>
        %get3A_2533 = arith.index_cast %scan3A_2526 : i32 to index
        %get3A_2534 = arith.constant 16 : index
        %get3A_2535 = tpu.vector_load %arg11[%get3A_2533, %get3A_2534] {strides = array<i32>} : memref<200x64xf32, #tpu.memory_space<vmem>>, vector<1x16xf32>,
        %get3A_2536 = vector.shape_cast %get3A_2535 : vector<1x16xf32> to vector<16xf32>
        %min3A_2537 = arith.minimumf %min3A_2511, %get3A_2536 : vector<16xf32>
        %max3A_2538 = arith.maximumf %max3A_2512, %get3A_2536 : vector<16xf32>
        %get3A_2539 = arith.index_cast %scan3A_2526 : i32 to index
        %get3A_2540 = arith.constant 32 : index
        %get3A_2541 = tpu.vector_load %arg11[%get3A_2539, %get3A_2540] {strides = array<i32>} : memref<200x64xf32, #tpu.memory_space<vmem>>, vector<1x16xf32>,
        %get3A_2542 = vector.shape_cast %get3A_2541 : vector<1x16xf32> to vector<16xf32>
        %min3A_2543 = arith.minimumf %min3A_2517, %get3A_2542 : vector<16xf32>
        %max3A_2544 = arith.maximumf %max3A_2518, %get3A_2542 : vector<16xf32>
        %get3A_2545 = arith.index_cast %scan3A_2526 : i32 to index
        %get3A_2546 = arith.constant 48 : index
        %get3A_2547 = tpu.vector_load %arg11[%get3A_2545, %get3A_2546] {strides = array<i32>} : memref<200x64xf32, #tpu.memory_space<vmem>>, vector<1x16xf32>,
        %get3A_2548 = vector.shape_cast %get3A_2547 : vector<1x16xf32> to vector<16xf32>
        %min3A_2549 = arith.minimumf %min3A_2523, %get3A_2548 : vector<16xf32>
        %max3A_2550 = arith.maximumf %max3A_2524, %get3A_2548 : vector<16xf32>
        scf.yield %min3A_2531, %min3A_2537, %min3A_2543, %min3A_2549, %max3A_2532, %max3A_2538, %max3A_2544, %max3A_2550 : vector<16xf32>, vector<16xf32>, vector<16xf32>, vector<16xf32>, vector<16xf32>, vector<16xf32>, vector<16xf32>, vector<16xf32>
      }
      %scan3A_2113 = arith.constant 192 : i32
      %scan3A_2114 = arith.addi %scan3A_2108, %scan3A_2113 : i32
      %get3A_2115 = arith.index_cast %scan3A_2114 : i32 to index
      %get3A_2116 = arith.constant 0 : index
      %get3A_2117 = tpu.vector_load %arg11[%get3A_2115, %get3A_2116] {strides = array<i32>} : memref<200x64xf32, #tpu.memory_space<vmem>>, vector<1x16xf32>,
      %get3A_2118 = vector.shape_cast %get3A_2117 : vector<1x16xf32> to vector<16xf32>
      %min3A_2119 = arith.minimumf %scan3A_2112#0, %get3A_2118 : vector<16xf32>
      %max3A_2120 = arith.maximumf %scan3A_2112#4, %get3A_2118 : vector<16xf32>
      %get3A_2121 = arith.index_cast %scan3A_2114 : i32 to index
      %get3A_2122 = arith.constant 16 : index
      %get3A_2123 = tpu.vector_load %arg11[%get3A_2121, %get3A_2122] {strides = array<i32>} : memref<200x64xf32, #tpu.memory_space<vmem>>, vector<1x16xf32>,
      %get3A_2124 = vector.shape_cast %get3A_2123 : vector<1x16xf32> to vector<16xf32>
      %min3A_2125 = arith.minimumf %scan3A_2112#1, %get3A_2124 : vector<16xf32>
      %max3A_2126 = arith.maximumf %scan3A_2112#5, %get3A_2124 : vector<16xf32>
      %get3A_2127 = arith.index_cast %scan3A_2114 : i32 to index
      %get3A_2128 = arith.constant 32 : index
      %get3A_2129 = tpu.vector_load %arg11[%get3A_2127, %get3A_2128] {strides = array<i32>} : memref<200x64xf32, #tpu.memory_space<vmem>>, vector<1x16xf32>,
      %get3A_2130 = vector.shape_cast %get3A_2129 : vector<1x16xf32> to vector<16xf32>
      %min3A_2131 = arith.minimumf %scan3A_2112#2, %get3A_2130 : vector<16xf32>
      %max3A_2132 = arith.maximumf %scan3A_2112#6, %get3A_2130 : vector<16xf32>
      %get3A_2133 = arith.index_cast %scan3A_2114 : i32 to index
      %get3A_2134 = arith.constant 48 : index
      %get3A_2135 = tpu.vector_load %arg11[%get3A_2133, %get3A_2134] {strides = array<i32>} : memref<200x64xf32, #tpu.memory_space<vmem>>, vector<1x16xf32>,
      %get3A_2136 = vector.shape_cast %get3A_2135 : vector<1x16xf32> to vector<16xf32>
      %min3A_2137 = arith.minimumf %scan3A_2112#3, %get3A_2136 : vector<16xf32>
      %max3A_2138 = arith.maximumf %scan3A_2112#7, %get3A_2136 : vector<16xf32>
      %scan3A_2139 = arith.constant 193 : i32
      %scan3A_2140 = arith.addi %scan3A_2108, %scan3A_2139 : i32
      %get3A_2141 = arith.index_cast %scan3A_2140 : i32 to index
      %get3A_2142 = arith.constant 0 : index
      %get3A_2143 = tpu.vector_load %arg11[%get3A_2141, %get3A_2142] {strides = array<i32>} : memref<200x64xf32, #tpu.memory_space<vmem>>, vector<1x16xf32>,
      %get3A_2144 = vector.shape_cast %get3A_2143 : vector<1x16xf32> to vector<16xf32>
      %min3A_2145 = arith.minimumf %min3A_2119, %get3A_2144 : vector<16xf32>
      %max3A_2146 = arith.maximumf %max3A_2120, %get3A_2144 : vector<16xf32>
      %get3A_2147 = arith.index_cast %scan3A_2140 : i32 to index
      %get3A_2148 = arith.constant 16 : index
      %get3A_2149 = tpu.vector_load %arg11[%get3A_2147, %get3A_2148] {strides = array<i32>} : memref<200x64xf32, #tpu.memory_space<vmem>>, vector<1x16xf32>,
      %get3A_2150 = vector.shape_cast %get3A_2149 : vector<1x16xf32> to vector<16xf32>
      %min3A_2151 = arith.minimumf %min3A_2125, %get3A_2150 : vector<16xf32>
      %max3A_2152 = arith.maximumf %max3A_2126, %get3A_2150 : vector<16xf32>
      %get3A_2153 = arith.index_cast %scan3A_2140 : i32 to index
      %get3A_2154 = arith.constant 32 : index
      %get3A_2155 = tpu.vector_load %arg11[%get3A_2153, %get3A_2154] {strides = array<i32>} : memref<200x64xf32, #tpu.memory_space<vmem>>, vector<1x16xf32>,
      %get3A_2156 = vector.shape_cast %get3A_2155 : vector<1x16xf32> to vector<16xf32>
      %min3A_2157 = arith.minimumf %min3A_2131, %get3A_2156 : vector<16xf32>
      %max3A_2158 = arith.maximumf %max3A_2132, %get3A_2156 : vector<16xf32>
      %get3A_2159 = arith.index_cast %scan3A_2140 : i32 to index
      %get3A_2160 = arith.constant 48 : index
      %get3A_2161 = tpu.vector_load %arg11[%get3A_2159, %get3A_2160] {strides = array<i32>} : memref<200x64xf32, #tpu.memory_space<vmem>>, vector<1x16xf32>,
      %get3A_2162 = vector.shape_cast %get3A_2161 : vector<1x16xf32> to vector<16xf32>
      %min3A_2163 = arith.minimumf %min3A_2137, %get3A_2162 : vector<16xf32>
      %max3A_2164 = arith.maximumf %max3A_2138, %get3A_2162 : vector<16xf32>
      %scan3A_2165 = arith.constant 194 : i32
      %scan3A_2166 = arith.addi %scan3A_2108, %scan3A_2165 : i32
      %get3A_2167 = arith.index_cast %scan3A_2166 : i32 to index
      %get3A_2168 = arith.constant 0 : index
      %get3A_2169 = tpu.vector_load %arg11[%get3A_2167, %get3A_2168] {strides = array<i32>} : memref<200x64xf32, #tpu.memory_space<vmem>>, vector<1x16xf32>,
      %get3A_2170 = vector.shape_cast %get3A_2169 : vector<1x16xf32> to vector<16xf32>
      %min3A_2171 = arith.minimumf %min3A_2145, %get3A_2170 : vector<16xf32>
      %max3A_2172 = arith.maximumf %max3A_2146, %get3A_2170 : vector<16xf32>
      %get3A_2173 = arith.index_cast %scan3A_2166 : i32 to index
      %get3A_2174 = arith.constant 16 : index
      %get3A_2175 = tpu.vector_load %arg11[%get3A_2173, %get3A_2174] {strides = array<i32>} : memref<200x64xf32, #tpu.memory_space<vmem>>, vector<1x16xf32>,
      %get3A_2176 = vector.shape_cast %get3A_2175 : vector<1x16xf32> to vector<16xf32>
      %min3A_2177 = arith.minimumf %min3A_2151, %get3A_2176 : vector<16xf32>
      %max3A_2178 = arith.maximumf %max3A_2152, %get3A_2176 : vector<16xf32>
      %get3A_2179 = arith.index_cast %scan3A_2166 : i32 to index
      %get3A_2180 = arith.constant 32 : index
      %get3A_2181 = tpu.vector_load %arg11[%get3A_2179, %get3A_2180] {strides = array<i32>} : memref<200x64xf32, #tpu.memory_space<vmem>>, vector<1x16xf32>,
      %get3A_2182 = vector.shape_cast %get3A_2181 : vector<1x16xf32> to vector<16xf32>
      %min3A_2183 = arith.minimumf %min3A_2157, %get3A_2182 : vector<16xf32>
      %max3A_2184 = arith.maximumf %max3A_2158, %get3A_2182 : vector<16xf32>
      %get3A_2185 = arith.index_cast %scan3A_2166 : i32 to index
      %get3A_2186 = arith.constant 48 : index
      %get3A_2187 = tpu.vector_load %arg11[%get3A_2185, %get3A_2186] {strides = array<i32>} : memref<200x64xf32, #tpu.memory_space<vmem>>, vector<1x16xf32>,
      %get3A_2188 = vector.shape_cast %get3A_2187 : vector<1x16xf32> to vector<16xf32>
      %min3A_2189 = arith.minimumf %min3A_2163, %get3A_2188 : vector<16xf32>
      %max3A_2190 = arith.maximumf %max3A_2164, %get3A_2188 : vector<16xf32>
      %scan3A_2191 = arith.constant 195 : i32
      %scan3A_2192 = arith.addi %scan3A_2108, %scan3A_2191 : i32
      %get3A_2193 = arith.index_cast %scan3A_2192 : i32 to index
      %get3A_2194 = arith.constant 0 : index
      %get3A_2195 = tpu.vector_load %arg11[%get3A_2193, %get3A_2194] {strides = array<i32>} : memref<200x64xf32, #tpu.memory_space<vmem>>, vector<1x16xf32>,
      %get3A_2196 = vector.shape_cast %get3A_2195 : vector<1x16xf32> to vector<16xf32>
      %min3A_2197 = arith.minimumf %min3A_2171, %get3A_2196 : vector<16xf32>
      %max3A_2198 = arith.maximumf %max3A_2172, %get3A_2196 : vector<16xf32>
      %get3A_2199 = arith.index_cast %scan3A_2192 : i32 to index
      %get3A_2200 = arith.constant 16 : index
      %get3A_2201 = tpu.vector_load %arg11[%get3A_2199, %get3A_2200] {strides = array<i32>} : memref<200x64xf32, #tpu.memory_space<vmem>>, vector<1x16xf32>,
      %get3A_2202 = vector.shape_cast %get3A_2201 : vector<1x16xf32> to vector<16xf32>
      %min3A_2203 = arith.minimumf %min3A_2177, %get3A_2202 : vector<16xf32>
      %max3A_2204 = arith.maximumf %max3A_2178, %get3A_2202 : vector<16xf32>
      %get3A_2205 = arith.index_cast %scan3A_2192 : i32 to index
      %get3A_2206 = arith.constant 32 : index
      %get3A_2207 = tpu.vector_load %arg11[%get3A_2205, %get3A_2206] {strides = array<i32>} : memref<200x64xf32, #tpu.memory_space<vmem>>, vector<1x16xf32>,
      %get3A_2208 = vector.shape_cast %get3A_2207 : vector<1x16xf32> to vector<16xf32>
      %min3A_2209 = arith.minimumf %min3A_2183, %get3A_2208 : vector<16xf32>
      %max3A_2210 = arith.maximumf %max3A_2184, %get3A_2208 : vector<16xf32>
      %get3A_2211 = arith.index_cast %scan3A_2192 : i32 to index
      %get3A_2212 = arith.constant 48 : index
      %get3A_2213 = tpu.vector_load %arg11[%get3A_2211, %get3A_2212] {strides = array<i32>} : memref<200x64xf32, #tpu.memory_space<vmem>>, vector<1x16xf32>,
      %get3A_2214 = vector.shape_cast %get3A_2213 : vector<1x16xf32> to vector<16xf32>
      %min3A_2215 = arith.minimumf %min3A_2189, %get3A_2214 : vector<16xf32>
      %max3A_2216 = arith.maximumf %max3A_2190, %get3A_2214 : vector<16xf32>
      %scan3A_2217 = arith.constant 196 : i32
      %scan3A_2218 = arith.addi %scan3A_2108, %scan3A_2217 : i32
      %get3A_2219 = arith.index_cast %scan3A_2218 : i32 to index
      %get3A_2220 = arith.constant 0 : index
      %get3A_2221 = tpu.vector_load %arg11[%get3A_2219, %get3A_2220] {strides = array<i32>} : memref<200x64xf32, #tpu.memory_space<vmem>>, vector<1x16xf32>,
      %get3A_2222 = vector.shape_cast %get3A_2221 : vector<1x16xf32> to vector<16xf32>
      %min3A_2223 = arith.minimumf %min3A_2197, %get3A_2222 : vector<16xf32>
      %max3A_2224 = arith.maximumf %max3A_2198, %get3A_2222 : vector<16xf32>
      %get3A_2225 = arith.index_cast %scan3A_2218 : i32 to index
      %get3A_2226 = arith.constant 16 : index
      %get3A_2227 = tpu.vector_load %arg11[%get3A_2225, %get3A_2226] {strides = array<i32>} : memref<200x64xf32, #tpu.memory_space<vmem>>, vector<1x16xf32>,
      %get3A_2228 = vector.shape_cast %get3A_2227 : vector<1x16xf32> to vector<16xf32>
      %min3A_2229 = arith.minimumf %min3A_2203, %get3A_2228 : vector<16xf32>
      %max3A_2230 = arith.maximumf %max3A_2204, %get3A_2228 : vector<16xf32>
      %get3A_2231 = arith.index_cast %scan3A_2218 : i32 to index
      %get3A_2232 = arith.constant 32 : index
      %get3A_2233 = tpu.vector_load %arg11[%get3A_2231, %get3A_2232] {strides = array<i32>} : memref<200x64xf32, #tpu.memory_space<vmem>>, vector<1x16xf32>,
      %get3A_2234 = vector.shape_cast %get3A_2233 : vector<1x16xf32> to vector<16xf32>
      %min3A_2235 = arith.minimumf %min3A_2209, %get3A_2234 : vector<16xf32>
      %max3A_2236 = arith.maximumf %max3A_2210, %get3A_2234 : vector<16xf32>
      %get3A_2237 = arith.index_cast %scan3A_2218 : i32 to index
      %get3A_2238 = arith.constant 48 : index
      %get3A_2239 = tpu.vector_load %arg11[%get3A_2237, %get3A_2238] {strides = array<i32>} : memref<200x64xf32, #tpu.memory_space<vmem>>, vector<1x16xf32>,
      %get3A_2240 = vector.shape_cast %get3A_2239 : vector<1x16xf32> to vector<16xf32>
      %min3A_2241 = arith.minimumf %min3A_2215, %get3A_2240 : vector<16xf32>
      %max3A_2242 = arith.maximumf %max3A_2216, %get3A_2240 : vector<16xf32>
      %scan3A_2243 = arith.constant 197 : i32
      %scan3A_2244 = arith.addi %scan3A_2108, %scan3A_2243 : i32
      %get3A_2245 = arith.index_cast %scan3A_2244 : i32 to index
      %get3A_2246 = arith.constant 0 : index
      %get3A_2247 = tpu.vector_load %arg11[%get3A_2245, %get3A_2246] {strides = array<i32>} : memref<200x64xf32, #tpu.memory_space<vmem>>, vector<1x16xf32>,
      %get3A_2248 = vector.shape_cast %get3A_2247 : vector<1x16xf32> to vector<16xf32>
      %min3A_2249 = arith.minimumf %min3A_2223, %get3A_2248 : vector<16xf32>
      %max3A_2250 = arith.maximumf %max3A_2224, %get3A_2248 : vector<16xf32>
      %get3A_2251 = arith.index_cast %scan3A_2244 : i32 to index
      %get3A_2252 = arith.constant 16 : index
      %get3A_2253 = tpu.vector_load %arg11[%get3A_2251, %get3A_2252] {strides = array<i32>} : memref<200x64xf32, #tpu.memory_space<vmem>>, vector<1x16xf32>,
      %get3A_2254 = vector.shape_cast %get3A_2253 : vector<1x16xf32> to vector<16xf32>
      %min3A_2255 = arith.minimumf %min3A_2229, %get3A_2254 : vector<16xf32>
      %max3A_2256 = arith.maximumf %max3A_2230, %get3A_2254 : vector<16xf32>
      %get3A_2257 = arith.index_cast %scan3A_2244 : i32 to index
      %get3A_2258 = arith.constant 32 : index
      %get3A_2259 = tpu.vector_load %arg11[%get3A_2257, %get3A_2258] {strides = array<i32>} : memref<200x64xf32, #tpu.memory_space<vmem>>, vector<1x16xf32>,
      %get3A_2260 = vector.shape_cast %get3A_2259 : vector<1x16xf32> to vector<16xf32>
      %min3A_2261 = arith.minimumf %min3A_2235, %get3A_2260 : vector<16xf32>
      %max3A_2262 = arith.maximumf %max3A_2236, %get3A_2260 : vector<16xf32>
      %get3A_2263 = arith.index_cast %scan3A_2244 : i32 to index
      %get3A_2264 = arith.constant 48 : index
      %get3A_2265 = tpu.vector_load %arg11[%get3A_2263, %get3A_2264] {strides = array<i32>} : memref<200x64xf32, #tpu.memory_space<vmem>>, vector<1x16xf32>,
      %get3A_2266 = vector.shape_cast %get3A_2265 : vector<1x16xf32> to vector<16xf32>
      %min3A_2267 = arith.minimumf %min3A_2241, %get3A_2266 : vector<16xf32>
      %max3A_2268 = arith.maximumf %max3A_2242, %get3A_2266 : vector<16xf32>
      %scan3A_2269 = arith.constant 198 : i32
      %scan3A_2270 = arith.addi %scan3A_2108, %scan3A_2269 : i32
      %get3A_2271 = arith.index_cast %scan3A_2270 : i32 to index
      %get3A_2272 = arith.constant 0 : index
      %get3A_2273 = tpu.vector_load %arg11[%get3A_2271, %get3A_2272] {strides = array<i32>} : memref<200x64xf32, #tpu.memory_space<vmem>>, vector<1x16xf32>,
      %get3A_2274 = vector.shape_cast %get3A_2273 : vector<1x16xf32> to vector<16xf32>
      %min3A_2275 = arith.minimumf %min3A_2249, %get3A_2274 : vector<16xf32>
      %max3A_2276 = arith.maximumf %max3A_2250, %get3A_2274 : vector<16xf32>
      %get3A_2277 = arith.index_cast %scan3A_2270 : i32 to index
      %get3A_2278 = arith.constant 16 : index
      %get3A_2279 = tpu.vector_load %arg11[%get3A_2277, %get3A_2278] {strides = array<i32>} : memref<200x64xf32, #tpu.memory_space<vmem>>, vector<1x16xf32>,
      %get3A_2280 = vector.shape_cast %get3A_2279 : vector<1x16xf32> to vector<16xf32>
      %min3A_2281 = arith.minimumf %min3A_2255, %get3A_2280 : vector<16xf32>
      %max3A_2282 = arith.maximumf %max3A_2256, %get3A_2280 : vector<16xf32>
      %get3A_2283 = arith.index_cast %scan3A_2270 : i32 to index
      %get3A_2284 = arith.constant 32 : index
      %get3A_2285 = tpu.vector_load %arg11[%get3A_2283, %get3A_2284] {strides = array<i32>} : memref<200x64xf32, #tpu.memory_space<vmem>>, vector<1x16xf32>,
      %get3A_2286 = vector.shape_cast %get3A_2285 : vector<1x16xf32> to vector<16xf32>
      %min3A_2287 = arith.minimumf %min3A_2261, %get3A_2286 : vector<16xf32>
      %max3A_2288 = arith.maximumf %max3A_2262, %get3A_2286 : vector<16xf32>
      %get3A_2289 = arith.index_cast %scan3A_2270 : i32 to index
      %get3A_2290 = arith.constant 48 : index
      %get3A_2291 = tpu.vector_load %arg11[%get3A_2289, %get3A_2290] {strides = array<i32>} : memref<200x64xf32, #tpu.memory_space<vmem>>, vector<1x16xf32>,
      %get3A_2292 = vector.shape_cast %get3A_2291 : vector<1x16xf32> to vector<16xf32>
      %min3A_2293 = arith.minimumf %min3A_2267, %get3A_2292 : vector<16xf32>
      %max3A_2294 = arith.maximumf %max3A_2268, %get3A_2292 : vector<16xf32>
      %scan3A_2295 = arith.constant 199 : i32
      %swap3A_2296 = arith.index_cast %add3A_2087 : i32 to index
      %swap3A_2297 = arith.constant 0 : index
      %swap3A_2298 = tpu.vector_load %arg12[%swap3A_2296, %swap3A_2297] {strides = array<i32>} : memref<128x128xf32, #tpu.memory_space<vmem>>, vector<1x16xf32>,
      %swap3A_2299 = vector.shape_cast %swap3A_2298 : vector<1x16xf32> to vector<16xf32>
      %swap3A_2300 = vector.shape_cast %min3A_2275 : vector<16xf32> to vector<1x16xf32>
      tpu.vector_store %arg12[%swap3A_2296, %swap3A_2297], %swap3A_2300 {strides = array<i32>} : memref<128x128xf32, #tpu.memory_space<vmem>>, vector<1x16xf32>,
      %swap3A_2301 = arith.index_cast %add3A_2087 : i32 to index
      %swap3A_2302 = arith.constant 64 : index
      %swap3A_2303 = tpu.vector_load %arg12[%swap3A_2301, %swap3A_2302] {strides = array<i32>} : memref<128x128xf32, #tpu.memory_space<vmem>>, vector<1x16xf32>,
      %swap3A_2304 = vector.shape_cast %swap3A_2303 : vector<1x16xf32> to vector<16xf32>
      %swap3A_2305 = vector.shape_cast %max3A_2276 : vector<16xf32> to vector<1x16xf32>
      tpu.vector_store %arg12[%swap3A_2301, %swap3A_2302], %swap3A_2305 {strides = array<i32>} : memref<128x128xf32, #tpu.memory_space<vmem>>, vector<1x16xf32>,
      %swap3A_2306 = arith.index_cast %add3A_2087 : i32 to index
      %swap3A_2307 = arith.constant 16 : index
      %swap3A_2308 = tpu.vector_load %arg12[%swap3A_2306, %swap3A_2307] {strides = array<i32>} : memref<128x128xf32, #tpu.memory_space<vmem>>, vector<1x16xf32>,
      %swap3A_2309 = vector.shape_cast %swap3A_2308 : vector<1x16xf32> to vector<16xf32>
      %swap3A_2310 = vector.shape_cast %min3A_2281 : vector<16xf32> to vector<1x16xf32>
      tpu.vector_store %arg12[%swap3A_2306, %swap3A_2307], %swap3A_2310 {strides = array<i32>} : memref<128x128xf32, #tpu.memory_space<vmem>>, vector<1x16xf32>,
      %swap3A_2311 = arith.index_cast %add3A_2087 : i32 to index
      %swap3A_2312 = arith.constant 80 : index
      %swap3A_2313 = tpu.vector_load %arg12[%swap3A_2311, %swap3A_2312] {strides = array<i32>} : memref<128x128xf32, #tpu.memory_space<vmem>>, vector<1x16xf32>,
      %swap3A_2314 = vector.shape_cast %swap3A_2313 : vector<1x16xf32> to vector<16xf32>
      %swap3A_2315 = vector.shape_cast %max3A_2282 : vector<16xf32> to vector<1x16xf32>
      tpu.vector_store %arg12[%swap3A_2311, %swap3A_2312], %swap3A_2315 {strides = array<i32>} : memref<128x128xf32, #tpu.memory_space<vmem>>, vector<1x16xf32>,
      %swap3A_2316 = arith.index_cast %add3A_2087 : i32 to index
      %swap3A_2317 = arith.constant 32 : index
      %swap3A_2318 = tpu.vector_load %arg12[%swap3A_2316, %swap3A_2317] {strides = array<i32>} : memref<128x128xf32, #tpu.memory_space<vmem>>, vector<1x16xf32>,
      %swap3A_2319 = vector.shape_cast %swap3A_2318 : vector<1x16xf32> to vector<16xf32>
      %swap3A_2320 = vector.shape_cast %min3A_2287 : vector<16xf32> to vector<1x16xf32>
      tpu.vector_store %arg12[%swap3A_2316, %swap3A_2317], %swap3A_2320 {strides = array<i32>} : memref<128x128xf32, #tpu.memory_space<vmem>>, vector<1x16xf32>,
      %swap3A_2321 = arith.index_cast %add3A_2087 : i32 to index
      %swap3A_2322 = arith.constant 96 : index
      %swap3A_2323 = tpu.vector_load %arg12[%swap3A_2321, %swap3A_2322] {strides = array<i32>} : memref<128x128xf32, #tpu.memory_space<vmem>>, vector<1x16xf32>,
      %swap3A_2324 = vector.shape_cast %swap3A_2323 : vector<1x16xf32> to vector<16xf32>
      %swap3A_2325 = vector.shape_cast %max3A_2288 : vector<16xf32> to vector<1x16xf32>
      tpu.vector_store %arg12[%swap3A_2321, %swap3A_2322], %swap3A_2325 {strides = array<i32>} : memref<128x128xf32, #tpu.memory_space<vmem>>, vector<1x16xf32>,
      %swap3A_2326 = arith.index_cast %add3A_2087 : i32 to index
      %swap3A_2327 = arith.constant 48 : index
      %swap3A_2328 = tpu.vector_load %arg12[%swap3A_2326, %swap3A_2327] {strides = array<i32>} : memref<128x128xf32, #tpu.memory_space<vmem>>, vector<1x16xf32>,
      %swap3A_2329 = vector.shape_cast %swap3A_2328 : vector<1x16xf32> to vector<16xf32>
      %swap3A_2330 = vector.shape_cast %min3A_2293 : vector<16xf32> to vector<1x16xf32>
      tpu.vector_store %arg12[%swap3A_2326, %swap3A_2327], %swap3A_2330 {strides = array<i32>} : memref<128x128xf32, #tpu.memory_space<vmem>>, vector<1x16xf32>,
      %swap3A_2331 = arith.index_cast %add3A_2087 : i32 to index
      %swap3A_2332 = arith.constant 112 : index
      %swap3A_2333 = tpu.vector_load %arg12[%swap3A_2331, %swap3A_2332] {strides = array<i32>} : memref<128x128xf32, #tpu.memory_space<vmem>>, vector<1x16xf32>,
      %swap3A_2334 = vector.shape_cast %swap3A_2333 : vector<1x16xf32> to vector<16xf32>
      %swap3A_2335 = vector.shape_cast %max3A_2294 : vector<16xf32> to vector<1x16xf32>
      tpu.vector_store %arg12[%swap3A_2331, %swap3A_2332], %swap3A_2335 {strides = array<i32>} : memref<128x128xf32, #tpu.memory_space<vmem>>, vector<1x16xf32>,
    }
    %scan3A_112 = arith.constant 21 : i32
    %dma_wait3A = arith.constant 0 : i32
    %dma_wait3A_113 = arith.constant 0 : i32
    %dma_wait3A_114 = arith.constant 0 : i32
    %dma_wait3A_115 = tpu.memref_slice %arg6[%dma_wait3A_113, %dma_wait3A_114] : memref<200x64xf32, #tpu.memory_space<vmem>> -> memref<128x64xf32, #tpu.memory_space<vmem>>
    %dma_wait3A_116 = arith.constant 0 : i32
    %dma_wait3A_117 = tpu.memref_slice %arg5[%dma_wait3A, %dma_wait3A_116] : memref<128x208xi32, #tpu.memory_space<vmem>> -> memref<1x128xi32, #tpu.memory_space<vmem>>
    %dma_wait3A_118 = tpu.memref_squeeze %dma_wait3A_117 : memref<1x128xi32, #tpu.memory_space<vmem>> -> memref<128xi32, #tpu.memory_space<vmem>>
    %dma_wait3A_119 = arith.constant 0 : i32
    %dma_wait3A_120 = arith.constant 0 : i32
    %dma_wait3A_121 = tpu.memref_slice %arg3[%dma_wait3A_119, %dma_wait3A_120] : memref<1048576x64xf32, #tpu.memory_space<hbm>> -> memref<1048576x64xf32, #tpu.memory_space<hbm>>
    tpu.wait_indirect_dma semaphore(%arg13 : memref<!tpu.dma_semaphore, #tpu.memory_space<semaphore_mem>>) src(%dma_wait3A_121 : memref<1048576x64xf32, #tpu.memory_space<hbm>>) dst(%dma_wait3A_115 : memref<128x64xf32, #tpu.memory_space<vmem>>)
    %dma_wait3A_122 = arith.constant 0 : i32
    %dma_wait3A_123 = arith.constant 128 : i32
    %dma_wait3A_124 = arith.constant 0 : i32
    %dma_wait3A_125 = tpu.memref_slice %arg6[%dma_wait3A_123, %dma_wait3A_124] : memref<200x64xf32, #tpu.memory_space<vmem>> -> memref<72x64xf32, #tpu.memory_space<vmem>>
    %dma_wait3A_126 = arith.constant 128 : i32
    %dma_wait3A_127 = tpu.memref_slice %arg5[%dma_wait3A_122, %dma_wait3A_126] : memref<128x208xi32, #tpu.memory_space<vmem>> -> memref<1x72xi32, #tpu.memory_space<vmem>>
    %dma_wait3A_128 = tpu.memref_squeeze %dma_wait3A_127 : memref<1x72xi32, #tpu.memory_space<vmem>> -> memref<72xi32, #tpu.memory_space<vmem>>
    %dma_wait3A_129 = arith.constant 0 : i32
    %dma_wait3A_130 = arith.constant 0 : i32
    %dma_wait3A_131 = tpu.memref_slice %arg3[%dma_wait3A_129, %dma_wait3A_130] : memref<1048576x64xf32, #tpu.memory_space<hbm>> -> memref<1048576x64xf32, #tpu.memory_space<hbm>>
    tpu.wait_indirect_dma semaphore(%arg13 : memref<!tpu.dma_semaphore, #tpu.memory_space<semaphore_mem>>) src(%dma_wait3A_131 : memref<1048576x64xf32, #tpu.memory_space<hbm>>) dst(%dma_wait3A_125 : memref<72x64xf32, #tpu.memory_space<vmem>>)
    %get3A = arith.constant 0 : i32
    %get3A_132 = arith.index_cast %get3A : i32 to index
    %get3A_133 = arith.constant 0 : index
    %get3A_134 = tpu.vector_load %arg6[%get3A_132, %get3A_133] {strides = array<i32>} : memref<200x64xf32, #tpu.memory_space<vmem>>, vector<1x16xf32>,
    %get3A_135 = vector.shape_cast %get3A_134 : vector<1x16xf32> to vector<16xf32>
    %get3A_136 = arith.constant 0 : i32
    %get3A_137 = arith.index_cast %get3A_136 : i32 to index
    %get3A_138 = arith.constant 16 : index
    %get3A_139 = tpu.vector_load %arg6[%get3A_137, %get3A_138] {strides = array<i32>} : memref<200x64xf32, #tpu.memory_space<vmem>>, vector<1x16xf32>,
    %get3A_140 = vector.shape_cast %get3A_139 : vector<1x16xf32> to vector<16xf32>
    %get3A_141 = arith.constant 0 : i32
    %get3A_142 = arith.index_cast %get3A_141 : i32 to index
    %get3A_143 = arith.constant 32 : index
    %get3A_144 = tpu.vector_load %arg6[%get3A_142, %get3A_143] {strides = array<i32>} : memref<200x64xf32, #tpu.memory_space<vmem>>, vector<1x16xf32>,
    %get3A_145 = vector.shape_cast %get3A_144 : vector<1x16xf32> to vector<16xf32>
    %get3A_146 = arith.constant 0 : i32
    %get3A_147 = arith.index_cast %get3A_146 : i32 to index
    %get3A_148 = arith.constant 48 : index
    %get3A_149 = tpu.vector_load %arg6[%get3A_147, %get3A_148] {strides = array<i32>} : memref<200x64xf32, #tpu.memory_space<vmem>>, vector<1x16xf32>,
    %get3A_150 = vector.shape_cast %get3A_149 : vector<1x16xf32> to vector<16xf32>
    %scan3A_151 = arith.constant 1 : i32
    %scan3A_152 = arith.constant 192 : i32
    %scan3A_153 = arith.addi %scan3A_151, %scan3A_152 : i32
    %scan3A_154 = arith.constant 8 : i32
    %scan3A_155:8 = scf.for %scan3A_660 = %scan3A_151 to %scan3A_153 step %scan3A_154 iter_args(%scan3A_661 = %get3A_135, %scan3A_662 = %get3A_140, %scan3A_663 = %get3A_145, %scan3A_664 = %get3A_150, %scan3A_665 = %get3A_135, %scan3A_666 = %get3A_140, %scan3A_667 = %get3A_145, %scan3A_668 = %get3A_150) -> (vector<16xf32>, vector<16xf32>, vector<16xf32>, vector<16xf32>, vector<16xf32>, vector<16xf32>, vector<16xf32>, vector<16xf32>)  : i32 {
      %get3A_669 = arith.index_cast %scan3A_660 : i32 to index
      %get3A_670 = arith.constant 0 : index
      %get3A_671 = tpu.vector_load %arg6[%get3A_669, %get3A_670] {strides = array<i32>} : memref<200x64xf32, #tpu.memory_space<vmem>>, vector<1x16xf32>,
      %get3A_672 = vector.shape_cast %get3A_671 : vector<1x16xf32> to vector<16xf32>
      %min3A_673 = arith.minimumf %scan3A_661, %get3A_672 : vector<16xf32>
      %max3A_674 = arith.maximumf %scan3A_665, %get3A_672 : vector<16xf32>
      %get3A_675 = arith.index_cast %scan3A_660 : i32 to index
      %get3A_676 = arith.constant 16 : index
      %get3A_677 = tpu.vector_load %arg6[%get3A_675, %get3A_676] {strides = array<i32>} : memref<200x64xf32, #tpu.memory_space<vmem>>, vector<1x16xf32>,
      %get3A_678 = vector.shape_cast %get3A_677 : vector<1x16xf32> to vector<16xf32>
      %min3A_679 = arith.minimumf %scan3A_662, %get3A_678 : vector<16xf32>
      %max3A_680 = arith.maximumf %scan3A_666, %get3A_678 : vector<16xf32>
      %get3A_681 = arith.index_cast %scan3A_660 : i32 to index
      %get3A_682 = arith.constant 32 : index
      %get3A_683 = tpu.vector_load %arg6[%get3A_681, %get3A_682] {strides = array<i32>} : memref<200x64xf32, #tpu.memory_space<vmem>>, vector<1x16xf32>,
      %get3A_684 = vector.shape_cast %get3A_683 : vector<1x16xf32> to vector<16xf32>
      %min3A_685 = arith.minimumf %scan3A_663, %get3A_684 : vector<16xf32>
      %max3A_686 = arith.maximumf %scan3A_667, %get3A_684 : vector<16xf32>
      %get3A_687 = arith.index_cast %scan3A_660 : i32 to index
      %get3A_688 = arith.constant 48 : index
      %get3A_689 = tpu.vector_load %arg6[%get3A_687, %get3A_688] {strides = array<i32>} : memref<200x64xf32, #tpu.memory_space<vmem>>, vector<1x16xf32>,
      %get3A_690 = vector.shape_cast %get3A_689 : vector<1x16xf32> to vector<16xf32>
      %min3A_691 = arith.minimumf %scan3A_664, %get3A_690 : vector<16xf32>
      %max3A_692 = arith.maximumf %scan3A_668, %get3A_690 : vector<16xf32>
      %scan3A_693 = arith.constant 1 : i32
      %scan3A_694 = arith.addi %scan3A_660, %scan3A_693 : i32
      %get3A_695 = arith.index_cast %scan3A_694 : i32 to index
      %get3A_696 = arith.constant 0 : index
      %get3A_697 = tpu.vector_load %arg6[%get3A_695, %get3A_696] {strides = array<i32>} : memref<200x64xf32, #tpu.memory_space<vmem>>, vector<1x16xf32>,
      %get3A_698 = vector.shape_cast %get3A_697 : vector<1x16xf32> to vector<16xf32>
      %min3A_699 = arith.minimumf %min3A_673, %get3A_698 : vector<16xf32>
      %max3A_700 = arith.maximumf %max3A_674, %get3A_698 : vector<16xf32>
      %get3A_701 = arith.index_cast %scan3A_694 : i32 to index
      %get3A_702 = arith.constant 16 : index
      %get3A_703 = tpu.vector_load %arg6[%get3A_701, %get3A_702] {strides = array<i32>} : memref<200x64xf32, #tpu.memory_space<vmem>>, vector<1x16xf32>,
      %get3A_704 = vector.shape_cast %get3A_703 : vector<1x16xf32> to vector<16xf32>
      %min3A_705 = arith.minimumf %min3A_679, %get3A_704 : vector<16xf32>
      %max3A_706 = arith.maximumf %max3A_680, %get3A_704 : vector<16xf32>
      %get3A_707 = arith.index_cast %scan3A_694 : i32 to index
      %get3A_708 = arith.constant 32 : index
      %get3A_709 = tpu.vector_load %arg6[%get3A_707, %get3A_708] {strides = array<i32>} : memref<200x64xf32, #tpu.memory_space<vmem>>, vector<1x16xf32>,
      %get3A_710 = vector.shape_cast %get3A_709 : vector<1x16xf32> to vector<16xf32>
      %min3A_711 = arith.minimumf %min3A_685, %get3A_710 : vector<16xf32>
      %max3A_712 = arith.maximumf %max3A_686, %get3A_710 : vector<16xf32>
      %get3A_713 = arith.index_cast %scan3A_694 : i32 to index
      %get3A_714 = arith.constant 48 : index
      %get3A_715 = tpu.vector_load %arg6[%get3A_713, %get3A_714] {strides = array<i32>} : memref<200x64xf32, #tpu.memory_space<vmem>>, vector<1x16xf32>,
      %get3A_716 = vector.shape_cast %get3A_715 : vector<1x16xf32> to vector<16xf32>
      %min3A_717 = arith.minimumf %min3A_691, %get3A_716 : vector<16xf32>
      %max3A_718 = arith.maximumf %max3A_692, %get3A_716 : vector<16xf32>
      %scan3A_719 = arith.constant 2 : i32
      %scan3A_720 = arith.addi %scan3A_660, %scan3A_719 : i32
      %get3A_721 = arith.index_cast %scan3A_720 : i32 to index
      %get3A_722 = arith.constant 0 : index
      %get3A_723 = tpu.vector_load %arg6[%get3A_721, %get3A_722] {strides = array<i32>} : memref<200x64xf32, #tpu.memory_space<vmem>>, vector<1x16xf32>,
      %get3A_724 = vector.shape_cast %get3A_723 : vector<1x16xf32> to vector<16xf32>
      %min3A_725 = arith.minimumf %min3A_699, %get3A_724 : vector<16xf32>
      %max3A_726 = arith.maximumf %max3A_700, %get3A_724 : vector<16xf32>
      %get3A_727 = arith.index_cast %scan3A_720 : i32 to index
      %get3A_728 = arith.constant 16 : index
      %get3A_729 = tpu.vector_load %arg6[%get3A_727, %get3A_728] {strides = array<i32>} : memref<200x64xf32, #tpu.memory_space<vmem>>, vector<1x16xf32>,
      %get3A_730 = vector.shape_cast %get3A_729 : vector<1x16xf32> to vector<16xf32>
      %min3A_731 = arith.minimumf %min3A_705, %get3A_730 : vector<16xf32>
      %max3A_732 = arith.maximumf %max3A_706, %get3A_730 : vector<16xf32>
      %get3A_733 = arith.index_cast %scan3A_720 : i32 to index
      %get3A_734 = arith.constant 32 : index
      %get3A_735 = tpu.vector_load %arg6[%get3A_733, %get3A_734] {strides = array<i32>} : memref<200x64xf32, #tpu.memory_space<vmem>>, vector<1x16xf32>,
      %get3A_736 = vector.shape_cast %get3A_735 : vector<1x16xf32> to vector<16xf32>
      %min3A_737 = arith.minimumf %min3A_711, %get3A_736 : vector<16xf32>
      %max3A_738 = arith.maximumf %max3A_712, %get3A_736 : vector<16xf32>
      %get3A_739 = arith.index_cast %scan3A_720 : i32 to index
      %get3A_740 = arith.constant 48 : index
      %get3A_741 = tpu.vector_load %arg6[%get3A_739, %get3A_740] {strides = array<i32>} : memref<200x64xf32, #tpu.memory_space<vmem>>, vector<1x16xf32>,
      %get3A_742 = vector.shape_cast %get3A_741 : vector<1x16xf32> to vector<16xf32>
      %min3A_743 = arith.minimumf %min3A_717, %get3A_742 : vector<16xf32>
      %max3A_744 = arith.maximumf %max3A_718, %get3A_742 : vector<16xf32>
      %scan3A_745 = arith.constant 3 : i32
      %scan3A_746 = arith.addi %scan3A_660, %scan3A_745 : i32
      %get3A_747 = arith.index_cast %scan3A_746 : i32 to index
      %get3A_748 = arith.constant 0 : index
      %get3A_749 = tpu.vector_load %arg6[%get3A_747, %get3A_748] {strides = array<i32>} : memref<200x64xf32, #tpu.memory_space<vmem>>, vector<1x16xf32>,
      %get3A_750 = vector.shape_cast %get3A_749 : vector<1x16xf32> to vector<16xf32>
      %min3A_751 = arith.minimumf %min3A_725, %get3A_750 : vector<16xf32>
      %max3A_752 = arith.maximumf %max3A_726, %get3A_750 : vector<16xf32>
      %get3A_753 = arith.index_cast %scan3A_746 : i32 to index
      %get3A_754 = arith.constant 16 : index
      %get3A_755 = tpu.vector_load %arg6[%get3A_753, %get3A_754] {strides = array<i32>} : memref<200x64xf32, #tpu.memory_space<vmem>>, vector<1x16xf32>,
      %get3A_756 = vector.shape_cast %get3A_755 : vector<1x16xf32> to vector<16xf32>
      %min3A_757 = arith.minimumf %min3A_731, %get3A_756 : vector<16xf32>
      %max3A_758 = arith.maximumf %max3A_732, %get3A_756 : vector<16xf32>
      %get3A_759 = arith.index_cast %scan3A_746 : i32 to index
      %get3A_760 = arith.constant 32 : index
      %get3A_761 = tpu.vector_load %arg6[%get3A_759, %get3A_760] {strides = array<i32>} : memref<200x64xf32, #tpu.memory_space<vmem>>, vector<1x16xf32>,
      %get3A_762 = vector.shape_cast %get3A_761 : vector<1x16xf32> to vector<16xf32>
      %min3A_763 = arith.minimumf %min3A_737, %get3A_762 : vector<16xf32>
      %max3A_764 = arith.maximumf %max3A_738, %get3A_762 : vector<16xf32>
      %get3A_765 = arith.index_cast %scan3A_746 : i32 to index
      %get3A_766 = arith.constant 48 : index
      %get3A_767 = tpu.vector_load %arg6[%get3A_765, %get3A_766] {strides = array<i32>} : memref<200x64xf32, #tpu.memory_space<vmem>>, vector<1x16xf32>,
      %get3A_768 = vector.shape_cast %get3A_767 : vector<1x16xf32> to vector<16xf32>
      %min3A_769 = arith.minimumf %min3A_743, %get3A_768 : vector<16xf32>
      %max3A_770 = arith.maximumf %max3A_744, %get3A_768 : vector<16xf32>
      %scan3A_771 = arith.constant 4 : i32
      %scan3A_772 = arith.addi %scan3A_660, %scan3A_771 : i32
      %get3A_773 = arith.index_cast %scan3A_772 : i32 to index
      %get3A_774 = arith.constant 0 : index
      %get3A_775 = tpu.vector_load %arg6[%get3A_773, %get3A_774] {strides = array<i32>} : memref<200x64xf32, #tpu.memory_space<vmem>>, vector<1x16xf32>,
      %get3A_776 = vector.shape_cast %get3A_775 : vector<1x16xf32> to vector<16xf32>
      %min3A_777 = arith.minimumf %min3A_751, %get3A_776 : vector<16xf32>
      %max3A_778 = arith.maximumf %max3A_752, %get3A_776 : vector<16xf32>
      %get3A_779 = arith.index_cast %scan3A_772 : i32 to index
      %get3A_780 = arith.constant 16 : index
      %get3A_781 = tpu.vector_load %arg6[%get3A_779, %get3A_780] {strides = array<i32>} : memref<200x64xf32, #tpu.memory_space<vmem>>, vector<1x16xf32>,
      %get3A_782 = vector.shape_cast %get3A_781 : vector<1x16xf32> to vector<16xf32>
      %min3A_783 = arith.minimumf %min3A_757, %get3A_782 : vector<16xf32>
      %max3A_784 = arith.maximumf %max3A_758, %get3A_782 : vector<16xf32>
      %get3A_785 = arith.index_cast %scan3A_772 : i32 to index
      %get3A_786 = arith.constant 32 : index
      %get3A_787 = tpu.vector_load %arg6[%get3A_785, %get3A_786] {strides = array<i32>} : memref<200x64xf32, #tpu.memory_space<vmem>>, vector<1x16xf32>,
      %get3A_788 = vector.shape_cast %get3A_787 : vector<1x16xf32> to vector<16xf32>
      %min3A_789 = arith.minimumf %min3A_763, %get3A_788 : vector<16xf32>
      %max3A_790 = arith.maximumf %max3A_764, %get3A_788 : vector<16xf32>
      %get3A_791 = arith.index_cast %scan3A_772 : i32 to index
      %get3A_792 = arith.constant 48 : index
      %get3A_793 = tpu.vector_load %arg6[%get3A_791, %get3A_792] {strides = array<i32>} : memref<200x64xf32, #tpu.memory_space<vmem>>, vector<1x16xf32>,
      %get3A_794 = vector.shape_cast %get3A_793 : vector<1x16xf32> to vector<16xf32>
      %min3A_795 = arith.minimumf %min3A_769, %get3A_794 : vector<16xf32>
      %max3A_796 = arith.maximumf %max3A_770, %get3A_794 : vector<16xf32>
      %scan3A_797 = arith.constant 5 : i32
      %scan3A_798 = arith.addi %scan3A_660, %scan3A_797 : i32
      %get3A_799 = arith.index_cast %scan3A_798 : i32 to index
      %get3A_800 = arith.constant 0 : index
      %get3A_801 = tpu.vector_load %arg6[%get3A_799, %get3A_800] {strides = array<i32>} : memref<200x64xf32, #tpu.memory_space<vmem>>, vector<1x16xf32>,
      %get3A_802 = vector.shape_cast %get3A_801 : vector<1x16xf32> to vector<16xf32>
      %min3A_803 = arith.minimumf %min3A_777, %get3A_802 : vector<16xf32>
      %max3A_804 = arith.maximumf %max3A_778, %get3A_802 : vector<16xf32>
      %get3A_805 = arith.index_cast %scan3A_798 : i32 to index
      %get3A_806 = arith.constant 16 : index
      %get3A_807 = tpu.vector_load %arg6[%get3A_805, %get3A_806] {strides = array<i32>} : memref<200x64xf32, #tpu.memory_space<vmem>>, vector<1x16xf32>,
      %get3A_808 = vector.shape_cast %get3A_807 : vector<1x16xf32> to vector<16xf32>
      %min3A_809 = arith.minimumf %min3A_783, %get3A_808 : vector<16xf32>
      %max3A_810 = arith.maximumf %max3A_784, %get3A_808 : vector<16xf32>
      %get3A_811 = arith.index_cast %scan3A_798 : i32 to index
      %get3A_812 = arith.constant 32 : index
      %get3A_813 = tpu.vector_load %arg6[%get3A_811, %get3A_812] {strides = array<i32>} : memref<200x64xf32, #tpu.memory_space<vmem>>, vector<1x16xf32>,
      %get3A_814 = vector.shape_cast %get3A_813 : vector<1x16xf32> to vector<16xf32>
      %min3A_815 = arith.minimumf %min3A_789, %get3A_814 : vector<16xf32>
      %max3A_816 = arith.maximumf %max3A_790, %get3A_814 : vector<16xf32>
      %get3A_817 = arith.index_cast %scan3A_798 : i32 to index
      %get3A_818 = arith.constant 48 : index
      %get3A_819 = tpu.vector_load %arg6[%get3A_817, %get3A_818] {strides = array<i32>} : memref<200x64xf32, #tpu.memory_space<vmem>>, vector<1x16xf32>,
      %get3A_820 = vector.shape_cast %get3A_819 : vector<1x16xf32> to vector<16xf32>
      %min3A_821 = arith.minimumf %min3A_795, %get3A_820 : vector<16xf32>
      %max3A_822 = arith.maximumf %max3A_796, %get3A_820 : vector<16xf32>
      %scan3A_823 = arith.constant 6 : i32
      %scan3A_824 = arith.addi %scan3A_660, %scan3A_823 : i32
      %get3A_825 = arith.index_cast %scan3A_824 : i32 to index
      %get3A_826 = arith.constant 0 : index
      %get3A_827 = tpu.vector_load %arg6[%get3A_825, %get3A_826] {strides = array<i32>} : memref<200x64xf32, #tpu.memory_space<vmem>>, vector<1x16xf32>,
      %get3A_828 = vector.shape_cast %get3A_827 : vector<1x16xf32> to vector<16xf32>
      %min3A_829 = arith.minimumf %min3A_803, %get3A_828 : vector<16xf32>
      %max3A_830 = arith.maximumf %max3A_804, %get3A_828 : vector<16xf32>
      %get3A_831 = arith.index_cast %scan3A_824 : i32 to index
      %get3A_832 = arith.constant 16 : index
      %get3A_833 = tpu.vector_load %arg6[%get3A_831, %get3A_832] {strides = array<i32>} : memref<200x64xf32, #tpu.memory_space<vmem>>, vector<1x16xf32>,
      %get3A_834 = vector.shape_cast %get3A_833 : vector<1x16xf32> to vector<16xf32>
      %min3A_835 = arith.minimumf %min3A_809, %get3A_834 : vector<16xf32>
      %max3A_836 = arith.maximumf %max3A_810, %get3A_834 : vector<16xf32>
      %get3A_837 = arith.index_cast %scan3A_824 : i32 to index
      %get3A_838 = arith.constant 32 : index
      %get3A_839 = tpu.vector_load %arg6[%get3A_837, %get3A_838] {strides = array<i32>} : memref<200x64xf32, #tpu.memory_space<vmem>>, vector<1x16xf32>,
      %get3A_840 = vector.shape_cast %get3A_839 : vector<1x16xf32> to vector<16xf32>
      %min3A_841 = arith.minimumf %min3A_815, %get3A_840 : vector<16xf32>
      %max3A_842 = arith.maximumf %max3A_816, %get3A_840 : vector<16xf32>
      %get3A_843 = arith.index_cast %scan3A_824 : i32 to index
      %get3A_844 = arith.constant 48 : index
      %get3A_845 = tpu.vector_load %arg6[%get3A_843, %get3A_844] {strides = array<i32>} : memref<200x64xf32, #tpu.memory_space<vmem>>, vector<1x16xf32>,
      %get3A_846 = vector.shape_cast %get3A_845 : vector<1x16xf32> to vector<16xf32>
      %min3A_847 = arith.minimumf %min3A_821, %get3A_846 : vector<16xf32>
      %max3A_848 = arith.maximumf %max3A_822, %get3A_846 : vector<16xf32>
      %scan3A_849 = arith.constant 7 : i32
      %scan3A_850 = arith.addi %scan3A_660, %scan3A_849 : i32
      %get3A_851 = arith.index_cast %scan3A_850 : i32 to index
      %get3A_852 = arith.constant 0 : index
      %get3A_853 = tpu.vector_load %arg6[%get3A_851, %get3A_852] {strides = array<i32>} : memref<200x64xf32, #tpu.memory_space<vmem>>, vector<1x16xf32>,
      %get3A_854 = vector.shape_cast %get3A_853 : vector<1x16xf32> to vector<16xf32>
      %min3A_855 = arith.minimumf %min3A_829, %get3A_854 : vector<16xf32>
      %max3A_856 = arith.maximumf %max3A_830, %get3A_854 : vector<16xf32>
      %get3A_857 = arith.index_cast %scan3A_850 : i32 to index
      %get3A_858 = arith.constant 16 : index
      %get3A_859 = tpu.vector_load %arg6[%get3A_857, %get3A_858] {strides = array<i32>} : memref<200x64xf32, #tpu.memory_space<vmem>>, vector<1x16xf32>,
      %get3A_860 = vector.shape_cast %get3A_859 : vector<1x16xf32> to vector<16xf32>
      %min3A_861 = arith.minimumf %min3A_835, %get3A_860 : vector<16xf32>
      %max3A_862 = arith.maximumf %max3A_836, %get3A_860 : vector<16xf32>
      %get3A_863 = arith.index_cast %scan3A_850 : i32 to index
      %get3A_864 = arith.constant 32 : index
      %get3A_865 = tpu.vector_load %arg6[%get3A_863, %get3A_864] {strides = array<i32>} : memref<200x64xf32, #tpu.memory_space<vmem>>, vector<1x16xf32>,
      %get3A_866 = vector.shape_cast %get3A_865 : vector<1x16xf32> to vector<16xf32>
      %min3A_867 = arith.minimumf %min3A_841, %get3A_866 : vector<16xf32>
      %max3A_868 = arith.maximumf %max3A_842, %get3A_866 : vector<16xf32>
      %get3A_869 = arith.index_cast %scan3A_850 : i32 to index
      %get3A_870 = arith.constant 48 : index
      %get3A_871 = tpu.vector_load %arg6[%get3A_869, %get3A_870] {strides = array<i32>} : memref<200x64xf32, #tpu.memory_space<vmem>>, vector<1x16xf32>,
      %get3A_872 = vector.shape_cast %get3A_871 : vector<1x16xf32> to vector<16xf32>
      %min3A_873 = arith.minimumf %min3A_847, %get3A_872 : vector<16xf32>
      %max3A_874 = arith.maximumf %max3A_848, %get3A_872 : vector<16xf32>
      scf.yield %min3A_855, %min3A_861, %min3A_867, %min3A_873, %max3A_856, %max3A_862, %max3A_868, %max3A_874 : vector<16xf32>, vector<16xf32>, vector<16xf32>, vector<16xf32>, vector<16xf32>, vector<16xf32>, vector<16xf32>, vector<16xf32>
    }
    %scan3A_156 = arith.constant 192 : i32
    %scan3A_157 = arith.addi %scan3A_151, %scan3A_156 : i32
    %get3A_158 = arith.index_cast %scan3A_157 : i32 to index
    %get3A_159 = arith.constant 0 : index
    %get3A_160 = tpu.vector_load %arg6[%get3A_158, %get3A_159] {strides = array<i32>} : memref<200x64xf32, #tpu.memory_space<vmem>>, vector<1x16xf32>,
    %get3A_161 = vector.shape_cast %get3A_160 : vector<1x16xf32> to vector<16xf32>
    %min3A = arith.minimumf %scan3A_155#0, %get3A_161 : vector<16xf32>
    %max3A = arith.maximumf %scan3A_155#4, %get3A_161 : vector<16xf32>
    %get3A_162 = arith.index_cast %scan3A_157 : i32 to index
    %get3A_163 = arith.constant 16 : index
    %get3A_164 = tpu.vector_load %arg6[%get3A_162, %get3A_163] {strides = array<i32>} : memref<200x64xf32, #tpu.memory_space<vmem>>, vector<1x16xf32>,
    %get3A_165 = vector.shape_cast %get3A_164 : vector<1x16xf32> to vector<16xf32>
    %min3A_166 = arith.minimumf %scan3A_155#1, %get3A_165 : vector<16xf32>
    %max3A_167 = arith.maximumf %scan3A_155#5, %get3A_165 : vector<16xf32>
    %get3A_168 = arith.index_cast %scan3A_157 : i32 to index
    %get3A_169 = arith.constant 32 : index
    %get3A_170 = tpu.vector_load %arg6[%get3A_168, %get3A_169] {strides = array<i32>} : memref<200x64xf32, #tpu.memory_space<vmem>>, vector<1x16xf32>,
    %get3A_171 = vector.shape_cast %get3A_170 : vector<1x16xf32> to vector<16xf32>
    %min3A_172 = arith.minimumf %scan3A_155#2, %get3A_171 : vector<16xf32>
    %max3A_173 = arith.maximumf %scan3A_155#6, %get3A_171 : vector<16xf32>
    %get3A_174 = arith.index_cast %scan3A_157 : i32 to index
    %get3A_175 = arith.constant 48 : index
    %get3A_176 = tpu.vector_load %arg6[%get3A_174, %get3A_175] {strides = array<i32>} : memref<200x64xf32, #tpu.memory_space<vmem>>, vector<1x16xf32>,
    %get3A_177 = vector.shape_cast %get3A_176 : vector<1x16xf32> to vector<16xf32>
    %min3A_178 = arith.minimumf %scan3A_155#3, %get3A_177 : vector<16xf32>
    %max3A_179 = arith.maximumf %scan3A_155#7, %get3A_177 : vector<16xf32>
    %scan3A_180 = arith.constant 193 : i32
    %scan3A_181 = arith.addi %scan3A_151, %scan3A_180 : i32
    %get3A_182 = arith.index_cast %scan3A_181 : i32 to index
    %get3A_183 = arith.constant 0 : index
    %get3A_184 = tpu.vector_load %arg6[%get3A_182, %get3A_183] {strides = array<i32>} : memref<200x64xf32, #tpu.memory_space<vmem>>, vector<1x16xf32>,
    %get3A_185 = vector.shape_cast %get3A_184 : vector<1x16xf32> to vector<16xf32>
    %min3A_186 = arith.minimumf %min3A, %get3A_185 : vector<16xf32>
    %max3A_187 = arith.maximumf %max3A, %get3A_185 : vector<16xf32>
    %get3A_188 = arith.index_cast %scan3A_181 : i32 to index
    %get3A_189 = arith.constant 16 : index
    %get3A_190 = tpu.vector_load %arg6[%get3A_188, %get3A_189] {strides = array<i32>} : memref<200x64xf32, #tpu.memory_space<vmem>>, vector<1x16xf32>,
    %get3A_191 = vector.shape_cast %get3A_190 : vector<1x16xf32> to vector<16xf32>
    %min3A_192 = arith.minimumf %min3A_166, %get3A_191 : vector<16xf32>
    %max3A_193 = arith.maximumf %max3A_167, %get3A_191 : vector<16xf32>
    %get3A_194 = arith.index_cast %scan3A_181 : i32 to index
    %get3A_195 = arith.constant 32 : index
    %get3A_196 = tpu.vector_load %arg6[%get3A_194, %get3A_195] {strides = array<i32>} : memref<200x64xf32, #tpu.memory_space<vmem>>, vector<1x16xf32>,
    %get3A_197 = vector.shape_cast %get3A_196 : vector<1x16xf32> to vector<16xf32>
    %min3A_198 = arith.minimumf %min3A_172, %get3A_197 : vector<16xf32>
    %max3A_199 = arith.maximumf %max3A_173, %get3A_197 : vector<16xf32>
    %get3A_200 = arith.index_cast %scan3A_181 : i32 to index
    %get3A_201 = arith.constant 48 : index
    %get3A_202 = tpu.vector_load %arg6[%get3A_200, %get3A_201] {strides = array<i32>} : memref<200x64xf32, #tpu.memory_space<vmem>>, vector<1x16xf32>,
    %get3A_203 = vector.shape_cast %get3A_202 : vector<1x16xf32> to vector<16xf32>
    %min3A_204 = arith.minimumf %min3A_178, %get3A_203 : vector<16xf32>
    %max3A_205 = arith.maximumf %max3A_179, %get3A_203 : vector<16xf32>
    %scan3A_206 = arith.constant 194 : i32
    %scan3A_207 = arith.addi %scan3A_151, %scan3A_206 : i32
    %get3A_208 = arith.index_cast %scan3A_207 : i32 to index
    %get3A_209 = arith.constant 0 : index
    %get3A_210 = tpu.vector_load %arg6[%get3A_208, %get3A_209] {strides = array<i32>} : memref<200x64xf32, #tpu.memory_space<vmem>>, vector<1x16xf32>,
    %get3A_211 = vector.shape_cast %get3A_210 : vector<1x16xf32> to vector<16xf32>
    %min3A_212 = arith.minimumf %min3A_186, %get3A_211 : vector<16xf32>
    %max3A_213 = arith.maximumf %max3A_187, %get3A_211 : vector<16xf32>
    %get3A_214 = arith.index_cast %scan3A_207 : i32 to index
    %get3A_215 = arith.constant 16 : index
    %get3A_216 = tpu.vector_load %arg6[%get3A_214, %get3A_215] {strides = array<i32>} : memref<200x64xf32, #tpu.memory_space<vmem>>, vector<1x16xf32>,
    %get3A_217 = vector.shape_cast %get3A_216 : vector<1x16xf32> to vector<16xf32>
    %min3A_218 = arith.minimumf %min3A_192, %get3A_217 : vector<16xf32>
    %max3A_219 = arith.maximumf %max3A_193, %get3A_217 : vector<16xf32>
    %get3A_220 = arith.index_cast %scan3A_207 : i32 to index
    %get3A_221 = arith.constant 32 : index
    %get3A_222 = tpu.vector_load %arg6[%get3A_220, %get3A_221] {strides = array<i32>} : memref<200x64xf32, #tpu.memory_space<vmem>>, vector<1x16xf32>,
    %get3A_223 = vector.shape_cast %get3A_222 : vector<1x16xf32> to vector<16xf32>
    %min3A_224 = arith.minimumf %min3A_198, %get3A_223 : vector<16xf32>
    %max3A_225 = arith.maximumf %max3A_199, %get3A_223 : vector<16xf32>
    %get3A_226 = arith.index_cast %scan3A_207 : i32 to index
    %get3A_227 = arith.constant 48 : index
    %get3A_228 = tpu.vector_load %arg6[%get3A_226, %get3A_227] {strides = array<i32>} : memref<200x64xf32, #tpu.memory_space<vmem>>, vector<1x16xf32>,
    %get3A_229 = vector.shape_cast %get3A_228 : vector<1x16xf32> to vector<16xf32>
    %min3A_230 = arith.minimumf %min3A_204, %get3A_229 : vector<16xf32>
    %max3A_231 = arith.maximumf %max3A_205, %get3A_229 : vector<16xf32>
    %scan3A_232 = arith.constant 195 : i32
    %scan3A_233 = arith.addi %scan3A_151, %scan3A_232 : i32
    %get3A_234 = arith.index_cast %scan3A_233 : i32 to index
    %get3A_235 = arith.constant 0 : index
    %get3A_236 = tpu.vector_load %arg6[%get3A_234, %get3A_235] {strides = array<i32>} : memref<200x64xf32, #tpu.memory_space<vmem>>, vector<1x16xf32>,
    %get3A_237 = vector.shape_cast %get3A_236 : vector<1x16xf32> to vector<16xf32>
    %min3A_238 = arith.minimumf %min3A_212, %get3A_237 : vector<16xf32>
    %max3A_239 = arith.maximumf %max3A_213, %get3A_237 : vector<16xf32>
    %get3A_240 = arith.index_cast %scan3A_233 : i32 to index
    %get3A_241 = arith.constant 16 : index
    %get3A_242 = tpu.vector_load %arg6[%get3A_240, %get3A_241] {strides = array<i32>} : memref<200x64xf32, #tpu.memory_space<vmem>>, vector<1x16xf32>,
    %get3A_243 = vector.shape_cast %get3A_242 : vector<1x16xf32> to vector<16xf32>
    %min3A_244 = arith.minimumf %min3A_218, %get3A_243 : vector<16xf32>
    %max3A_245 = arith.maximumf %max3A_219, %get3A_243 : vector<16xf32>
    %get3A_246 = arith.index_cast %scan3A_233 : i32 to index
    %get3A_247 = arith.constant 32 : index
    %get3A_248 = tpu.vector_load %arg6[%get3A_246, %get3A_247] {strides = array<i32>} : memref<200x64xf32, #tpu.memory_space<vmem>>, vector<1x16xf32>,
    %get3A_249 = vector.shape_cast %get3A_248 : vector<1x16xf32> to vector<16xf32>
    %min3A_250 = arith.minimumf %min3A_224, %get3A_249 : vector<16xf32>
    %max3A_251 = arith.maximumf %max3A_225, %get3A_249 : vector<16xf32>
    %get3A_252 = arith.index_cast %scan3A_233 : i32 to index
    %get3A_253 = arith.constant 48 : index
    %get3A_254 = tpu.vector_load %arg6[%get3A_252, %get3A_253] {strides = array<i32>} : memref<200x64xf32, #tpu.memory_space<vmem>>, vector<1x16xf32>,
    %get3A_255 = vector.shape_cast %get3A_254 : vector<1x16xf32> to vector<16xf32>
    %min3A_256 = arith.minimumf %min3A_230, %get3A_255 : vector<16xf32>
    %max3A_257 = arith.maximumf %max3A_231, %get3A_255 : vector<16xf32>
    %scan3A_258 = arith.constant 196 : i32
    %scan3A_259 = arith.addi %scan3A_151, %scan3A_258 : i32
    %get3A_260 = arith.index_cast %scan3A_259 : i32 to index
    %get3A_261 = arith.constant 0 : index
    %get3A_262 = tpu.vector_load %arg6[%get3A_260, %get3A_261] {strides = array<i32>} : memref<200x64xf32, #tpu.memory_space<vmem>>, vector<1x16xf32>,
    %get3A_263 = vector.shape_cast %get3A_262 : vector<1x16xf32> to vector<16xf32>
    %min3A_264 = arith.minimumf %min3A_238, %get3A_263 : vector<16xf32>
    %max3A_265 = arith.maximumf %max3A_239, %get3A_263 : vector<16xf32>
    %get3A_266 = arith.index_cast %scan3A_259 : i32 to index
    %get3A_267 = arith.constant 16 : index
    %get3A_268 = tpu.vector_load %arg6[%get3A_266, %get3A_267] {strides = array<i32>} : memref<200x64xf32, #tpu.memory_space<vmem>>, vector<1x16xf32>,
    %get3A_269 = vector.shape_cast %get3A_268 : vector<1x16xf32> to vector<16xf32>
    %min3A_270 = arith.minimumf %min3A_244, %get3A_269 : vector<16xf32>
    %max3A_271 = arith.maximumf %max3A_245, %get3A_269 : vector<16xf32>
    %get3A_272 = arith.index_cast %scan3A_259 : i32 to index
    %get3A_273 = arith.constant 32 : index
    %get3A_274 = tpu.vector_load %arg6[%get3A_272, %get3A_273] {strides = array<i32>} : memref<200x64xf32, #tpu.memory_space<vmem>>, vector<1x16xf32>,
    %get3A_275 = vector.shape_cast %get3A_274 : vector<1x16xf32> to vector<16xf32>
    %min3A_276 = arith.minimumf %min3A_250, %get3A_275 : vector<16xf32>
    %max3A_277 = arith.maximumf %max3A_251, %get3A_275 : vector<16xf32>
    %get3A_278 = arith.index_cast %scan3A_259 : i32 to index
    %get3A_279 = arith.constant 48 : index
    %get3A_280 = tpu.vector_load %arg6[%get3A_278, %get3A_279] {strides = array<i32>} : memref<200x64xf32, #tpu.memory_space<vmem>>, vector<1x16xf32>,
    %get3A_281 = vector.shape_cast %get3A_280 : vector<1x16xf32> to vector<16xf32>
    %min3A_282 = arith.minimumf %min3A_256, %get3A_281 : vector<16xf32>
    %max3A_283 = arith.maximumf %max3A_257, %get3A_281 : vector<16xf32>
    %scan3A_284 = arith.constant 197 : i32
    %scan3A_285 = arith.addi %scan3A_151, %scan3A_284 : i32
    %get3A_286 = arith.index_cast %scan3A_285 : i32 to index
    %get3A_287 = arith.constant 0 : index
    %get3A_288 = tpu.vector_load %arg6[%get3A_286, %get3A_287] {strides = array<i32>} : memref<200x64xf32, #tpu.memory_space<vmem>>, vector<1x16xf32>,
    %get3A_289 = vector.shape_cast %get3A_288 : vector<1x16xf32> to vector<16xf32>
    %min3A_290 = arith.minimumf %min3A_264, %get3A_289 : vector<16xf32>
    %max3A_291 = arith.maximumf %max3A_265, %get3A_289 : vector<16xf32>
    %get3A_292 = arith.index_cast %scan3A_285 : i32 to index
    %get3A_293 = arith.constant 16 : index
    %get3A_294 = tpu.vector_load %arg6[%get3A_292, %get3A_293] {strides = array<i32>} : memref<200x64xf32, #tpu.memory_space<vmem>>, vector<1x16xf32>,
    %get3A_295 = vector.shape_cast %get3A_294 : vector<1x16xf32> to vector<16xf32>
    %min3A_296 = arith.minimumf %min3A_270, %get3A_295 : vector<16xf32>
    %max3A_297 = arith.maximumf %max3A_271, %get3A_295 : vector<16xf32>
    %get3A_298 = arith.index_cast %scan3A_285 : i32 to index
    %get3A_299 = arith.constant 32 : index
    %get3A_300 = tpu.vector_load %arg6[%get3A_298, %get3A_299] {strides = array<i32>} : memref<200x64xf32, #tpu.memory_space<vmem>>, vector<1x16xf32>,
    %get3A_301 = vector.shape_cast %get3A_300 : vector<1x16xf32> to vector<16xf32>
    %min3A_302 = arith.minimumf %min3A_276, %get3A_301 : vector<16xf32>
    %max3A_303 = arith.maximumf %max3A_277, %get3A_301 : vector<16xf32>
    %get3A_304 = arith.index_cast %scan3A_285 : i32 to index
    %get3A_305 = arith.constant 48 : index
    %get3A_306 = tpu.vector_load %arg6[%get3A_304, %get3A_305] {strides = array<i32>} : memref<200x64xf32, #tpu.memory_space<vmem>>, vector<1x16xf32>,
    %get3A_307 = vector.shape_cast %get3A_306 : vector<1x16xf32> to vector<16xf32>
    %min3A_308 = arith.minimumf %min3A_282, %get3A_307 : vector<16xf32>
    %max3A_309 = arith.maximumf %max3A_283, %get3A_307 : vector<16xf32>
    %scan3A_310 = arith.constant 198 : i32
    %scan3A_311 = arith.addi %scan3A_151, %scan3A_310 : i32
    %get3A_312 = arith.index_cast %scan3A_311 : i32 to index
    %get3A_313 = arith.constant 0 : index
    %get3A_314 = tpu.vector_load %arg6[%get3A_312, %get3A_313] {strides = array<i32>} : memref<200x64xf32, #tpu.memory_space<vmem>>, vector<1x16xf32>,
    %get3A_315 = vector.shape_cast %get3A_314 : vector<1x16xf32> to vector<16xf32>
    %min3A_316 = arith.minimumf %min3A_290, %get3A_315 : vector<16xf32>
    %max3A_317 = arith.maximumf %max3A_291, %get3A_315 : vector<16xf32>
    %get3A_318 = arith.index_cast %scan3A_311 : i32 to index
    %get3A_319 = arith.constant 16 : index
    %get3A_320 = tpu.vector_load %arg6[%get3A_318, %get3A_319] {strides = array<i32>} : memref<200x64xf32, #tpu.memory_space<vmem>>, vector<1x16xf32>,
    %get3A_321 = vector.shape_cast %get3A_320 : vector<1x16xf32> to vector<16xf32>
    %min3A_322 = arith.minimumf %min3A_296, %get3A_321 : vector<16xf32>
    %max3A_323 = arith.maximumf %max3A_297, %get3A_321 : vector<16xf32>
    %get3A_324 = arith.index_cast %scan3A_311 : i32 to index
    %get3A_325 = arith.constant 32 : index
    %get3A_326 = tpu.vector_load %arg6[%get3A_324, %get3A_325] {strides = array<i32>} : memref<200x64xf32, #tpu.memory_space<vmem>>, vector<1x16xf32>,
    %get3A_327 = vector.shape_cast %get3A_326 : vector<1x16xf32> to vector<16xf32>
    %min3A_328 = arith.minimumf %min3A_302, %get3A_327 : vector<16xf32>
    %max3A_329 = arith.maximumf %max3A_303, %get3A_327 : vector<16xf32>
    %get3A_330 = arith.index_cast %scan3A_311 : i32 to index
    %get3A_331 = arith.constant 48 : index
    %get3A_332 = tpu.vector_load %arg6[%get3A_330, %get3A_331] {strides = array<i32>} : memref<200x64xf32, #tpu.memory_space<vmem>>, vector<1x16xf32>,
    %get3A_333 = vector.shape_cast %get3A_332 : vector<1x16xf32> to vector<16xf32>
    %min3A_334 = arith.minimumf %min3A_308, %get3A_333 : vector<16xf32>
    %max3A_335 = arith.maximumf %max3A_309, %get3A_333 : vector<16xf32>
    %scan3A_336 = arith.constant 199 : i32
    %swap3A = arith.constant 126 : i32
    %swap3A_337 = arith.index_cast %swap3A : i32 to index
    %swap3A_338 = arith.constant 0 : index
    %swap3A_339 = tpu.vector_load %arg12[%swap3A_337, %swap3A_338] {strides = array<i32>} : memref<128x128xf32, #tpu.memory_space<vmem>>, vector<1x16xf32>,
    %swap3A_340 = vector.shape_cast %swap3A_339 : vector<1x16xf32> to vector<16xf32>
    %swap3A_341 = vector.shape_cast %min3A_316 : vector<16xf32> to vector<1x16xf32>
    tpu.vector_store %arg12[%swap3A_337, %swap3A_338], %swap3A_341 {strides = array<i32>} : memref<128x128xf32, #tpu.memory_space<vmem>>, vector<1x16xf32>,
    %swap3A_342 = arith.constant 126 : i32
    %swap3A_343 = arith.index_cast %swap3A_342 : i32 to index
    %swap3A_344 = arith.constant 64 : index
    %swap3A_345 = tpu.vector_load %arg12[%swap3A_343, %swap3A_344] {strides = array<i32>} : memref<128x128xf32, #tpu.memory_space<vmem>>, vector<1x16xf32>,
    %swap3A_346 = vector.shape_cast %swap3A_345 : vector<1x16xf32> to vector<16xf32>
    %swap3A_347 = vector.shape_cast %max3A_317 : vector<16xf32> to vector<1x16xf32>
    tpu.vector_store %arg12[%swap3A_343, %swap3A_344], %swap3A_347 {strides = array<i32>} : memref<128x128xf32, #tpu.memory_space<vmem>>, vector<1x16xf32>,
    %swap3A_348 = arith.constant 126 : i32
    %swap3A_349 = arith.index_cast %swap3A_348 : i32 to index
    %swap3A_350 = arith.constant 16 : index
    %swap3A_351 = tpu.vector_load %arg12[%swap3A_349, %swap3A_350] {strides = array<i32>} : memref<128x128xf32, #tpu.memory_space<vmem>>, vector<1x16xf32>,
    %swap3A_352 = vector.shape_cast %swap3A_351 : vector<1x16xf32> to vector<16xf32>
    %swap3A_353 = vector.shape_cast %min3A_322 : vector<16xf32> to vector<1x16xf32>
    tpu.vector_store %arg12[%swap3A_349, %swap3A_350], %swap3A_353 {strides = array<i32>} : memref<128x128xf32, #tpu.memory_space<vmem>>, vector<1x16xf32>,
    %swap3A_354 = arith.constant 126 : i32
    %swap3A_355 = arith.index_cast %swap3A_354 : i32 to index
    %swap3A_356 = arith.constant 80 : index
    %swap3A_357 = tpu.vector_load %arg12[%swap3A_355, %swap3A_356] {strides = array<i32>} : memref<128x128xf32, #tpu.memory_space<vmem>>, vector<1x16xf32>,
    %swap3A_358 = vector.shape_cast %swap3A_357 : vector<1x16xf32> to vector<16xf32>
    %swap3A_359 = vector.shape_cast %max3A_323 : vector<16xf32> to vector<1x16xf32>
    tpu.vector_store %arg12[%swap3A_355, %swap3A_356], %swap3A_359 {strides = array<i32>} : memref<128x128xf32, #tpu.memory_space<vmem>>, vector<1x16xf32>,
    %swap3A_360 = arith.constant 126 : i32
    %swap3A_361 = arith.index_cast %swap3A_360 : i32 to index
    %swap3A_362 = arith.constant 32 : index
    %swap3A_363 = tpu.vector_load %arg12[%swap3A_361, %swap3A_362] {strides = array<i32>} : memref<128x128xf32, #tpu.memory_space<vmem>>, vector<1x16xf32>,
    %swap3A_364 = vector.shape_cast %swap3A_363 : vector<1x16xf32> to vector<16xf32>
    %swap3A_365 = vector.shape_cast %min3A_328 : vector<16xf32> to vector<1x16xf32>
    tpu.vector_store %arg12[%swap3A_361, %swap3A_362], %swap3A_365 {strides = array<i32>} : memref<128x128xf32, #tpu.memory_space<vmem>>, vector<1x16xf32>,
    %swap3A_366 = arith.constant 126 : i32
    %swap3A_367 = arith.index_cast %swap3A_366 : i32 to index
    %swap3A_368 = arith.constant 96 : index
    %swap3A_369 = tpu.vector_load %arg12[%swap3A_367, %swap3A_368] {strides = array<i32>} : memref<128x128xf32, #tpu.memory_space<vmem>>, vector<1x16xf32>,
    %swap3A_370 = vector.shape_cast %swap3A_369 : vector<1x16xf32> to vector<16xf32>
    %swap3A_371 = vector.shape_cast %max3A_329 : vector<16xf32> to vector<1x16xf32>
    tpu.vector_store %arg12[%swap3A_367, %swap3A_368], %swap3A_371 {strides = array<i32>} : memref<128x128xf32, #tpu.memory_space<vmem>>, vector<1x16xf32>,
    %swap3A_372 = arith.constant 126 : i32
    %swap3A_373 = arith.index_cast %swap3A_372 : i32 to index
    %swap3A_374 = arith.constant 48 : index
    %swap3A_375 = tpu.vector_load %arg12[%swap3A_373, %swap3A_374] {strides = array<i32>} : memref<128x128xf32, #tpu.memory_space<vmem>>, vector<1x16xf32>,
    %swap3A_376 = vector.shape_cast %swap3A_375 : vector<1x16xf32> to vector<16xf32>
    %swap3A_377 = vector.shape_cast %min3A_334 : vector<16xf32> to vector<1x16xf32>
    tpu.vector_store %arg12[%swap3A_373, %swap3A_374], %swap3A_377 {strides = array<i32>} : memref<128x128xf32, #tpu.memory_space<vmem>>, vector<1x16xf32>,
    %swap3A_378 = arith.constant 126 : i32
    %swap3A_379 = arith.index_cast %swap3A_378 : i32 to index
    %swap3A_380 = arith.constant 112 : index
    %swap3A_381 = tpu.vector_load %arg12[%swap3A_379, %swap3A_380] {strides = array<i32>} : memref<128x128xf32, #tpu.memory_space<vmem>>, vector<1x16xf32>,
    %swap3A_382 = vector.shape_cast %swap3A_381 : vector<1x16xf32> to vector<16xf32>
    %swap3A_383 = vector.shape_cast %max3A_335 : vector<16xf32> to vector<1x16xf32>
    tpu.vector_store %arg12[%swap3A_379, %swap3A_380], %swap3A_383 {strides = array<i32>} : memref<128x128xf32, #tpu.memory_space<vmem>>, vector<1x16xf32>,
    %dma_wait3A_384 = arith.constant 0 : i32
    %dma_wait3A_385 = arith.constant 0 : i32
    %dma_wait3A_386 = arith.constant 0 : i32
    %dma_wait3A_387 = tpu.memref_slice %arg7[%dma_wait3A_385, %dma_wait3A_386] : memref<200x64xf32, #tpu.memory_space<vmem>> -> memref<128x64xf32, #tpu.memory_space<vmem>>
    %dma_wait3A_388 = arith.constant 0 : i32
    %dma_wait3A_389 = tpu.memref_slice %arg5[%dma_wait3A_384, %dma_wait3A_388] : memref<128x208xi32, #tpu.memory_space<vmem>> -> memref<1x128xi32, #tpu.memory_space<vmem>>
    %dma_wait3A_390 = tpu.memref_squeeze %dma_wait3A_389 : memref<1x128xi32, #tpu.memory_space<vmem>> -> memref<128xi32, #tpu.memory_space<vmem>>
    %dma_wait3A_391 = arith.constant 0 : i32
    %dma_wait3A_392 = arith.constant 0 : i32
    %dma_wait3A_393 = tpu.memref_slice %arg3[%dma_wait3A_391, %dma_wait3A_392] : memref<1048576x64xf32, #tpu.memory_space<hbm>> -> memref<1048576x64xf32, #tpu.memory_space<hbm>>
    tpu.wait_indirect_dma semaphore(%arg14 : memref<!tpu.dma_semaphore, #tpu.memory_space<semaphore_mem>>) src(%dma_wait3A_393 : memref<1048576x64xf32, #tpu.memory_space<hbm>>) dst(%dma_wait3A_387 : memref<128x64xf32, #tpu.memory_space<vmem>>)
    %dma_wait3A_394 = arith.constant 0 : i32
    %dma_wait3A_395 = arith.constant 128 : i32
    %dma_wait3A_396 = arith.constant 0 : i32
    %dma_wait3A_397 = tpu.memref_slice %arg7[%dma_wait3A_395, %dma_wait3A_396] : memref<200x64xf32, #tpu.memory_space<vmem>> -> memref<72x64xf32, #tpu.memory_space<vmem>>
    %dma_wait3A_398 = arith.constant 128 : i32
    %dma_wait3A_399 = tpu.memref_slice %arg5[%dma_wait3A_394, %dma_wait3A_398] : memref<128x208xi32, #tpu.memory_space<vmem>> -> memref<1x72xi32, #tpu.memory_space<vmem>>
    %dma_wait3A_400 = tpu.memref_squeeze %dma_wait3A_399 : memref<1x72xi32, #tpu.memory_space<vmem>> -> memref<72xi32, #tpu.memory_space<vmem>>
    %dma_wait3A_401 = arith.constant 0 : i32
    %dma_wait3A_402 = arith.constant 0 : i32
    %dma_wait3A_403 = tpu.memref_slice %arg3[%dma_wait3A_401, %dma_wait3A_402] : memref<1048576x64xf32, #tpu.memory_space<hbm>> -> memref<1048576x64xf32, #tpu.memory_space<hbm>>
    tpu.wait_indirect_dma semaphore(%arg14 : memref<!tpu.dma_semaphore, #tpu.memory_space<semaphore_mem>>) src(%dma_wait3A_403 : memref<1048576x64xf32, #tpu.memory_space<hbm>>) dst(%dma_wait3A_397 : memref<72x64xf32, #tpu.memory_space<vmem>>)
    %get3A_404 = arith.constant 0 : i32
    %get3A_405 = arith.index_cast %get3A_404 : i32 to index
    %get3A_406 = arith.constant 0 : index
    %get3A_407 = tpu.vector_load %arg7[%get3A_405, %get3A_406] {strides = array<i32>} : memref<200x64xf32, #tpu.memory_space<vmem>>, vector<1x16xf32>,
    %get3A_408 = vector.shape_cast %get3A_407 : vector<1x16xf32> to vector<16xf32>
    %get3A_409 = arith.constant 0 : i32
    %get3A_410 = arith.index_cast %get3A_409 : i32 to index
    %get3A_411 = arith.constant 16 : index
    %get3A_412 = tpu.vector_load %arg7[%get3A_410, %get3A_411] {strides = array<i32>} : memref<200x64xf32, #tpu.memory_space<vmem>>, vector<1x16xf32>,
    %get3A_413 = vector.shape_cast %get3A_412 : vector<1x16xf32> to vector<16xf32>
    %get3A_414 = arith.constant 0 : i32
    %get3A_415 = arith.index_cast %get3A_414 : i32 to index
    %get3A_416 = arith.constant 32 : index
    %get3A_417 = tpu.vector_load %arg7[%get3A_415, %get3A_416] {strides = array<i32>} : memref<200x64xf32, #tpu.memory_space<vmem>>, vector<1x16xf32>,
    %get3A_418 = vector.shape_cast %get3A_417 : vector<1x16xf32> to vector<16xf32>
    %get3A_419 = arith.constant 0 : i32
    %get3A_420 = arith.index_cast %get3A_419 : i32 to index
    %get3A_421 = arith.constant 48 : index
    %get3A_422 = tpu.vector_load %arg7[%get3A_420, %get3A_421] {strides = array<i32>} : memref<200x64xf32, #tpu.memory_space<vmem>>, vector<1x16xf32>,
    %get3A_423 = vector.shape_cast %get3A_422 : vector<1x16xf32> to vector<16xf32>
    %scan3A_424 = arith.constant 1 : i32
    %scan3A_425 = arith.constant 192 : i32
    %scan3A_426 = arith.addi %scan3A_424, %scan3A_425 : i32
    %scan3A_427 = arith.constant 8 : i32
    %scan3A_428:8 = scf.for %scan3A_660 = %scan3A_424 to %scan3A_426 step %scan3A_427 iter_args(%scan3A_661 = %get3A_408, %scan3A_662 = %get3A_413, %scan3A_663 = %get3A_418, %scan3A_664 = %get3A_423, %scan3A_665 = %get3A_408, %scan3A_666 = %get3A_413, %scan3A_667 = %get3A_418, %scan3A_668 = %get3A_423) -> (vector<16xf32>, vector<16xf32>, vector<16xf32>, vector<16xf32>, vector<16xf32>, vector<16xf32>, vector<16xf32>, vector<16xf32>)  : i32 {
      %get3A_669 = arith.index_cast %scan3A_660 : i32 to index
      %get3A_670 = arith.constant 0 : index
      %get3A_671 = tpu.vector_load %arg7[%get3A_669, %get3A_670] {strides = array<i32>} : memref<200x64xf32, #tpu.memory_space<vmem>>, vector<1x16xf32>,
      %get3A_672 = vector.shape_cast %get3A_671 : vector<1x16xf32> to vector<16xf32>
      %min3A_673 = arith.minimumf %scan3A_661, %get3A_672 : vector<16xf32>
      %max3A_674 = arith.maximumf %scan3A_665, %get3A_672 : vector<16xf32>
      %get3A_675 = arith.index_cast %scan3A_660 : i32 to index
      %get3A_676 = arith.constant 16 : index
      %get3A_677 = tpu.vector_load %arg7[%get3A_675, %get3A_676] {strides = array<i32>} : memref<200x64xf32, #tpu.memory_space<vmem>>, vector<1x16xf32>,
      %get3A_678 = vector.shape_cast %get3A_677 : vector<1x16xf32> to vector<16xf32>
      %min3A_679 = arith.minimumf %scan3A_662, %get3A_678 : vector<16xf32>
      %max3A_680 = arith.maximumf %scan3A_666, %get3A_678 : vector<16xf32>
      %get3A_681 = arith.index_cast %scan3A_660 : i32 to index
      %get3A_682 = arith.constant 32 : index
      %get3A_683 = tpu.vector_load %arg7[%get3A_681, %get3A_682] {strides = array<i32>} : memref<200x64xf32, #tpu.memory_space<vmem>>, vector<1x16xf32>,
      %get3A_684 = vector.shape_cast %get3A_683 : vector<1x16xf32> to vector<16xf32>
      %min3A_685 = arith.minimumf %scan3A_663, %get3A_684 : vector<16xf32>
      %max3A_686 = arith.maximumf %scan3A_667, %get3A_684 : vector<16xf32>
      %get3A_687 = arith.index_cast %scan3A_660 : i32 to index
      %get3A_688 = arith.constant 48 : index
      %get3A_689 = tpu.vector_load %arg7[%get3A_687, %get3A_688] {strides = array<i32>} : memref<200x64xf32, #tpu.memory_space<vmem>>, vector<1x16xf32>,
      %get3A_690 = vector.shape_cast %get3A_689 : vector<1x16xf32> to vector<16xf32>
      %min3A_691 = arith.minimumf %scan3A_664, %get3A_690 : vector<16xf32>
      %max3A_692 = arith.maximumf %scan3A_668, %get3A_690 : vector<16xf32>
      %scan3A_693 = arith.constant 1 : i32
      %scan3A_694 = arith.addi %scan3A_660, %scan3A_693 : i32
      %get3A_695 = arith.index_cast %scan3A_694 : i32 to index
      %get3A_696 = arith.constant 0 : index
      %get3A_697 = tpu.vector_load %arg7[%get3A_695, %get3A_696] {strides = array<i32>} : memref<200x64xf32, #tpu.memory_space<vmem>>, vector<1x16xf32>,
      %get3A_698 = vector.shape_cast %get3A_697 : vector<1x16xf32> to vector<16xf32>
      %min3A_699 = arith.minimumf %min3A_673, %get3A_698 : vector<16xf32>
      %max3A_700 = arith.maximumf %max3A_674, %get3A_698 : vector<16xf32>
      %get3A_701 = arith.index_cast %scan3A_694 : i32 to index
      %get3A_702 = arith.constant 16 : index
      %get3A_703 = tpu.vector_load %arg7[%get3A_701, %get3A_702] {strides = array<i32>} : memref<200x64xf32, #tpu.memory_space<vmem>>, vector<1x16xf32>,
      %get3A_704 = vector.shape_cast %get3A_703 : vector<1x16xf32> to vector<16xf32>
      %min3A_705 = arith.minimumf %min3A_679, %get3A_704 : vector<16xf32>
      %max3A_706 = arith.maximumf %max3A_680, %get3A_704 : vector<16xf32>
      %get3A_707 = arith.index_cast %scan3A_694 : i32 to index
      %get3A_708 = arith.constant 32 : index
      %get3A_709 = tpu.vector_load %arg7[%get3A_707, %get3A_708] {strides = array<i32>} : memref<200x64xf32, #tpu.memory_space<vmem>>, vector<1x16xf32>,
      %get3A_710 = vector.shape_cast %get3A_709 : vector<1x16xf32> to vector<16xf32>
      %min3A_711 = arith.minimumf %min3A_685, %get3A_710 : vector<16xf32>
      %max3A_712 = arith.maximumf %max3A_686, %get3A_710 : vector<16xf32>
      %get3A_713 = arith.index_cast %scan3A_694 : i32 to index
      %get3A_714 = arith.constant 48 : index
      %get3A_715 = tpu.vector_load %arg7[%get3A_713, %get3A_714] {strides = array<i32>} : memref<200x64xf32, #tpu.memory_space<vmem>>, vector<1x16xf32>,
      %get3A_716 = vector.shape_cast %get3A_715 : vector<1x16xf32> to vector<16xf32>
      %min3A_717 = arith.minimumf %min3A_691, %get3A_716 : vector<16xf32>
      %max3A_718 = arith.maximumf %max3A_692, %get3A_716 : vector<16xf32>
      %scan3A_719 = arith.constant 2 : i32
      %scan3A_720 = arith.addi %scan3A_660, %scan3A_719 : i32
      %get3A_721 = arith.index_cast %scan3A_720 : i32 to index
      %get3A_722 = arith.constant 0 : index
      %get3A_723 = tpu.vector_load %arg7[%get3A_721, %get3A_722] {strides = array<i32>} : memref<200x64xf32, #tpu.memory_space<vmem>>, vector<1x16xf32>,
      %get3A_724 = vector.shape_cast %get3A_723 : vector<1x16xf32> to vector<16xf32>
      %min3A_725 = arith.minimumf %min3A_699, %get3A_724 : vector<16xf32>
      %max3A_726 = arith.maximumf %max3A_700, %get3A_724 : vector<16xf32>
      %get3A_727 = arith.index_cast %scan3A_720 : i32 to index
      %get3A_728 = arith.constant 16 : index
      %get3A_729 = tpu.vector_load %arg7[%get3A_727, %get3A_728] {strides = array<i32>} : memref<200x64xf32, #tpu.memory_space<vmem>>, vector<1x16xf32>,
      %get3A_730 = vector.shape_cast %get3A_729 : vector<1x16xf32> to vector<16xf32>
      %min3A_731 = arith.minimumf %min3A_705, %get3A_730 : vector<16xf32>
      %max3A_732 = arith.maximumf %max3A_706, %get3A_730 : vector<16xf32>
      %get3A_733 = arith.index_cast %scan3A_720 : i32 to index
      %get3A_734 = arith.constant 32 : index
      %get3A_735 = tpu.vector_load %arg7[%get3A_733, %get3A_734] {strides = array<i32>} : memref<200x64xf32, #tpu.memory_space<vmem>>, vector<1x16xf32>,
      %get3A_736 = vector.shape_cast %get3A_735 : vector<1x16xf32> to vector<16xf32>
      %min3A_737 = arith.minimumf %min3A_711, %get3A_736 : vector<16xf32>
      %max3A_738 = arith.maximumf %max3A_712, %get3A_736 : vector<16xf32>
      %get3A_739 = arith.index_cast %scan3A_720 : i32 to index
      %get3A_740 = arith.constant 48 : index
      %get3A_741 = tpu.vector_load %arg7[%get3A_739, %get3A_740] {strides = array<i32>} : memref<200x64xf32, #tpu.memory_space<vmem>>, vector<1x16xf32>,
      %get3A_742 = vector.shape_cast %get3A_741 : vector<1x16xf32> to vector<16xf32>
      %min3A_743 = arith.minimumf %min3A_717, %get3A_742 : vector<16xf32>
      %max3A_744 = arith.maximumf %max3A_718, %get3A_742 : vector<16xf32>
      %scan3A_745 = arith.constant 3 : i32
      %scan3A_746 = arith.addi %scan3A_660, %scan3A_745 : i32
      %get3A_747 = arith.index_cast %scan3A_746 : i32 to index
      %get3A_748 = arith.constant 0 : index
      %get3A_749 = tpu.vector_load %arg7[%get3A_747, %get3A_748] {strides = array<i32>} : memref<200x64xf32, #tpu.memory_space<vmem>>, vector<1x16xf32>,
      %get3A_750 = vector.shape_cast %get3A_749 : vector<1x16xf32> to vector<16xf32>
      %min3A_751 = arith.minimumf %min3A_725, %get3A_750 : vector<16xf32>
      %max3A_752 = arith.maximumf %max3A_726, %get3A_750 : vector<16xf32>
      %get3A_753 = arith.index_cast %scan3A_746 : i32 to index
      %get3A_754 = arith.constant 16 : index
      %get3A_755 = tpu.vector_load %arg7[%get3A_753, %get3A_754] {strides = array<i32>} : memref<200x64xf32, #tpu.memory_space<vmem>>, vector<1x16xf32>,
      %get3A_756 = vector.shape_cast %get3A_755 : vector<1x16xf32> to vector<16xf32>
      %min3A_757 = arith.minimumf %min3A_731, %get3A_756 : vector<16xf32>
      %max3A_758 = arith.maximumf %max3A_732, %get3A_756 : vector<16xf32>
      %get3A_759 = arith.index_cast %scan3A_746 : i32 to index
      %get3A_760 = arith.constant 32 : index
      %get3A_761 = tpu.vector_load %arg7[%get3A_759, %get3A_760] {strides = array<i32>} : memref<200x64xf32, #tpu.memory_space<vmem>>, vector<1x16xf32>,
      %get3A_762 = vector.shape_cast %get3A_761 : vector<1x16xf32> to vector<16xf32>
      %min3A_763 = arith.minimumf %min3A_737, %get3A_762 : vector<16xf32>
      %max3A_764 = arith.maximumf %max3A_738, %get3A_762 : vector<16xf32>
      %get3A_765 = arith.index_cast %scan3A_746 : i32 to index
      %get3A_766 = arith.constant 48 : index
      %get3A_767 = tpu.vector_load %arg7[%get3A_765, %get3A_766] {strides = array<i32>} : memref<200x64xf32, #tpu.memory_space<vmem>>, vector<1x16xf32>,
      %get3A_768 = vector.shape_cast %get3A_767 : vector<1x16xf32> to vector<16xf32>
      %min3A_769 = arith.minimumf %min3A_743, %get3A_768 : vector<16xf32>
      %max3A_770 = arith.maximumf %max3A_744, %get3A_768 : vector<16xf32>
      %scan3A_771 = arith.constant 4 : i32
      %scan3A_772 = arith.addi %scan3A_660, %scan3A_771 : i32
      %get3A_773 = arith.index_cast %scan3A_772 : i32 to index
      %get3A_774 = arith.constant 0 : index
      %get3A_775 = tpu.vector_load %arg7[%get3A_773, %get3A_774] {strides = array<i32>} : memref<200x64xf32, #tpu.memory_space<vmem>>, vector<1x16xf32>,
      %get3A_776 = vector.shape_cast %get3A_775 : vector<1x16xf32> to vector<16xf32>
      %min3A_777 = arith.minimumf %min3A_751, %get3A_776 : vector<16xf32>
      %max3A_778 = arith.maximumf %max3A_752, %get3A_776 : vector<16xf32>
      %get3A_779 = arith.index_cast %scan3A_772 : i32 to index
      %get3A_780 = arith.constant 16 : index
      %get3A_781 = tpu.vector_load %arg7[%get3A_779, %get3A_780] {strides = array<i32>} : memref<200x64xf32, #tpu.memory_space<vmem>>, vector<1x16xf32>,
      %get3A_782 = vector.shape_cast %get3A_781 : vector<1x16xf32> to vector<16xf32>
      %min3A_783 = arith.minimumf %min3A_757, %get3A_782 : vector<16xf32>
      %max3A_784 = arith.maximumf %max3A_758, %get3A_782 : vector<16xf32>
      %get3A_785 = arith.index_cast %scan3A_772 : i32 to index
      %get3A_786 = arith.constant 32 : index
      %get3A_787 = tpu.vector_load %arg7[%get3A_785, %get3A_786] {strides = array<i32>} : memref<200x64xf32, #tpu.memory_space<vmem>>, vector<1x16xf32>,
      %get3A_788 = vector.shape_cast %get3A_787 : vector<1x16xf32> to vector<16xf32>
      %min3A_789 = arith.minimumf %min3A_763, %get3A_788 : vector<16xf32>
      %max3A_790 = arith.maximumf %max3A_764, %get3A_788 : vector<16xf32>
      %get3A_791 = arith.index_cast %scan3A_772 : i32 to index
      %get3A_792 = arith.constant 48 : index
      %get3A_793 = tpu.vector_load %arg7[%get3A_791, %get3A_792] {strides = array<i32>} : memref<200x64xf32, #tpu.memory_space<vmem>>, vector<1x16xf32>,
      %get3A_794 = vector.shape_cast %get3A_793 : vector<1x16xf32> to vector<16xf32>
      %min3A_795 = arith.minimumf %min3A_769, %get3A_794 : vector<16xf32>
      %max3A_796 = arith.maximumf %max3A_770, %get3A_794 : vector<16xf32>
      %scan3A_797 = arith.constant 5 : i32
      %scan3A_798 = arith.addi %scan3A_660, %scan3A_797 : i32
      %get3A_799 = arith.index_cast %scan3A_798 : i32 to index
      %get3A_800 = arith.constant 0 : index
      %get3A_801 = tpu.vector_load %arg7[%get3A_799, %get3A_800] {strides = array<i32>} : memref<200x64xf32, #tpu.memory_space<vmem>>, vector<1x16xf32>,
      %get3A_802 = vector.shape_cast %get3A_801 : vector<1x16xf32> to vector<16xf32>
      %min3A_803 = arith.minimumf %min3A_777, %get3A_802 : vector<16xf32>
      %max3A_804 = arith.maximumf %max3A_778, %get3A_802 : vector<16xf32>
      %get3A_805 = arith.index_cast %scan3A_798 : i32 to index
      %get3A_806 = arith.constant 16 : index
      %get3A_807 = tpu.vector_load %arg7[%get3A_805, %get3A_806] {strides = array<i32>} : memref<200x64xf32, #tpu.memory_space<vmem>>, vector<1x16xf32>,
      %get3A_808 = vector.shape_cast %get3A_807 : vector<1x16xf32> to vector<16xf32>
      %min3A_809 = arith.minimumf %min3A_783, %get3A_808 : vector<16xf32>
      %max3A_810 = arith.maximumf %max3A_784, %get3A_808 : vector<16xf32>
      %get3A_811 = arith.index_cast %scan3A_798 : i32 to index
      %get3A_812 = arith.constant 32 : index
      %get3A_813 = tpu.vector_load %arg7[%get3A_811, %get3A_812] {strides = array<i32>} : memref<200x64xf32, #tpu.memory_space<vmem>>, vector<1x16xf32>,
      %get3A_814 = vector.shape_cast %get3A_813 : vector<1x16xf32> to vector<16xf32>
      %min3A_815 = arith.minimumf %min3A_789, %get3A_814 : vector<16xf32>
      %max3A_816 = arith.maximumf %max3A_790, %get3A_814 : vector<16xf32>
      %get3A_817 = arith.index_cast %scan3A_798 : i32 to index
      %get3A_818 = arith.constant 48 : index
      %get3A_819 = tpu.vector_load %arg7[%get3A_817, %get3A_818] {strides = array<i32>} : memref<200x64xf32, #tpu.memory_space<vmem>>, vector<1x16xf32>,
      %get3A_820 = vector.shape_cast %get3A_819 : vector<1x16xf32> to vector<16xf32>
      %min3A_821 = arith.minimumf %min3A_795, %get3A_820 : vector<16xf32>
      %max3A_822 = arith.maximumf %max3A_796, %get3A_820 : vector<16xf32>
      %scan3A_823 = arith.constant 6 : i32
      %scan3A_824 = arith.addi %scan3A_660, %scan3A_823 : i32
      %get3A_825 = arith.index_cast %scan3A_824 : i32 to index
      %get3A_826 = arith.constant 0 : index
      %get3A_827 = tpu.vector_load %arg7[%get3A_825, %get3A_826] {strides = array<i32>} : memref<200x64xf32, #tpu.memory_space<vmem>>, vector<1x16xf32>,
      %get3A_828 = vector.shape_cast %get3A_827 : vector<1x16xf32> to vector<16xf32>
      %min3A_829 = arith.minimumf %min3A_803, %get3A_828 : vector<16xf32>
      %max3A_830 = arith.maximumf %max3A_804, %get3A_828 : vector<16xf32>
      %get3A_831 = arith.index_cast %scan3A_824 : i32 to index
      %get3A_832 = arith.constant 16 : index
      %get3A_833 = tpu.vector_load %arg7[%get3A_831, %get3A_832] {strides = array<i32>} : memref<200x64xf32, #tpu.memory_space<vmem>>, vector<1x16xf32>,
      %get3A_834 = vector.shape_cast %get3A_833 : vector<1x16xf32> to vector<16xf32>
      %min3A_835 = arith.minimumf %min3A_809, %get3A_834 : vector<16xf32>
      %max3A_836 = arith.maximumf %max3A_810, %get3A_834 : vector<16xf32>
      %get3A_837 = arith.index_cast %scan3A_824 : i32 to index
      %get3A_838 = arith.constant 32 : index
      %get3A_839 = tpu.vector_load %arg7[%get3A_837, %get3A_838] {strides = array<i32>} : memref<200x64xf32, #tpu.memory_space<vmem>>, vector<1x16xf32>,
      %get3A_840 = vector.shape_cast %get3A_839 : vector<1x16xf32> to vector<16xf32>
      %min3A_841 = arith.minimumf %min3A_815, %get3A_840 : vector<16xf32>
      %max3A_842 = arith.maximumf %max3A_816, %get3A_840 : vector<16xf32>
      %get3A_843 = arith.index_cast %scan3A_824 : i32 to index
      %get3A_844 = arith.constant 48 : index
      %get3A_845 = tpu.vector_load %arg7[%get3A_843, %get3A_844] {strides = array<i32>} : memref<200x64xf32, #tpu.memory_space<vmem>>, vector<1x16xf32>,
      %get3A_846 = vector.shape_cast %get3A_845 : vector<1x16xf32> to vector<16xf32>
      %min3A_847 = arith.minimumf %min3A_821, %get3A_846 : vector<16xf32>
      %max3A_848 = arith.maximumf %max3A_822, %get3A_846 : vector<16xf32>
      %scan3A_849 = arith.constant 7 : i32
      %scan3A_850 = arith.addi %scan3A_660, %scan3A_849 : i32
      %get3A_851 = arith.index_cast %scan3A_850 : i32 to index
      %get3A_852 = arith.constant 0 : index
      %get3A_853 = tpu.vector_load %arg7[%get3A_851, %get3A_852] {strides = array<i32>} : memref<200x64xf32, #tpu.memory_space<vmem>>, vector<1x16xf32>,
      %get3A_854 = vector.shape_cast %get3A_853 : vector<1x16xf32> to vector<16xf32>
      %min3A_855 = arith.minimumf %min3A_829, %get3A_854 : vector<16xf32>
      %max3A_856 = arith.maximumf %max3A_830, %get3A_854 : vector<16xf32>
      %get3A_857 = arith.index_cast %scan3A_850 : i32 to index
      %get3A_858 = arith.constant 16 : index
      %get3A_859 = tpu.vector_load %arg7[%get3A_857, %get3A_858] {strides = array<i32>} : memref<200x64xf32, #tpu.memory_space<vmem>>, vector<1x16xf32>,
      %get3A_860 = vector.shape_cast %get3A_859 : vector<1x16xf32> to vector<16xf32>
      %min3A_861 = arith.minimumf %min3A_835, %get3A_860 : vector<16xf32>
      %max3A_862 = arith.maximumf %max3A_836, %get3A_860 : vector<16xf32>
      %get3A_863 = arith.index_cast %scan3A_850 : i32 to index
      %get3A_864 = arith.constant 32 : index
      %get3A_865 = tpu.vector_load %arg7[%get3A_863, %get3A_864] {strides = array<i32>} : memref<200x64xf32, #tpu.memory_space<vmem>>, vector<1x16xf32>,
      %get3A_866 = vector.shape_cast %get3A_865 : vector<1x16xf32> to vector<16xf32>
      %min3A_867 = arith.minimumf %min3A_841, %get3A_866 : vector<16xf32>
      %max3A_868 = arith.maximumf %max3A_842, %get3A_866 : vector<16xf32>
      %get3A_869 = arith.index_cast %scan3A_850 : i32 to index
      %get3A_870 = arith.constant 48 : index
      %get3A_871 = tpu.vector_load %arg7[%get3A_869, %get3A_870] {strides = array<i32>} : memref<200x64xf32, #tpu.memory_space<vmem>>, vector<1x16xf32>,
      %get3A_872 = vector.shape_cast %get3A_871 : vector<1x16xf32> to vector<16xf32>
      %min3A_873 = arith.minimumf %min3A_847, %get3A_872 : vector<16xf32>
      %max3A_874 = arith.maximumf %max3A_848, %get3A_872 : vector<16xf32>
      scf.yield %min3A_855, %min3A_861, %min3A_867, %min3A_873, %max3A_856, %max3A_862, %max3A_868, %max3A_874 : vector<16xf32>, vector<16xf32>, vector<16xf32>, vector<16xf32>, vector<16xf32>, vector<16xf32>, vector<16xf32>, vector<16xf32>
    }
    %scan3A_429 = arith.constant 192 : i32
    %scan3A_430 = arith.addi %scan3A_424, %scan3A_429 : i32
    %get3A_431 = arith.index_cast %scan3A_430 : i32 to index
    %get3A_432 = arith.constant 0 : index
    %get3A_433 = tpu.vector_load %arg7[%get3A_431, %get3A_432] {strides = array<i32>} : memref<200x64xf32, #tpu.memory_space<vmem>>, vector<1x16xf32>,
    %get3A_434 = vector.shape_cast %get3A_433 : vector<1x16xf32> to vector<16xf32>
    %min3A_435 = arith.minimumf %scan3A_428#0, %get3A_434 : vector<16xf32>
    %max3A_436 = arith.maximumf %scan3A_428#4, %get3A_434 : vector<16xf32>
    %get3A_437 = arith.index_cast %scan3A_430 : i32 to index
    %get3A_438 = arith.constant 16 : index
    %get3A_439 = tpu.vector_load %arg7[%get3A_437, %get3A_438] {strides = array<i32>} : memref<200x64xf32, #tpu.memory_space<vmem>>, vector<1x16xf32>,
    %get3A_440 = vector.shape_cast %get3A_439 : vector<1x16xf32> to vector<16xf32>
    %min3A_441 = arith.minimumf %scan3A_428#1, %get3A_440 : vector<16xf32>
    %max3A_442 = arith.maximumf %scan3A_428#5, %get3A_440 : vector<16xf32>
    %get3A_443 = arith.index_cast %scan3A_430 : i32 to index
    %get3A_444 = arith.constant 32 : index
    %get3A_445 = tpu.vector_load %arg7[%get3A_443, %get3A_444] {strides = array<i32>} : memref<200x64xf32, #tpu.memory_space<vmem>>, vector<1x16xf32>,
    %get3A_446 = vector.shape_cast %get3A_445 : vector<1x16xf32> to vector<16xf32>
    %min3A_447 = arith.minimumf %scan3A_428#2, %get3A_446 : vector<16xf32>
    %max3A_448 = arith.maximumf %scan3A_428#6, %get3A_446 : vector<16xf32>
    %get3A_449 = arith.index_cast %scan3A_430 : i32 to index
    %get3A_450 = arith.constant 48 : index
    %get3A_451 = tpu.vector_load %arg7[%get3A_449, %get3A_450] {strides = array<i32>} : memref<200x64xf32, #tpu.memory_space<vmem>>, vector<1x16xf32>,
    %get3A_452 = vector.shape_cast %get3A_451 : vector<1x16xf32> to vector<16xf32>
    %min3A_453 = arith.minimumf %scan3A_428#3, %get3A_452 : vector<16xf32>
    %max3A_454 = arith.maximumf %scan3A_428#7, %get3A_452 : vector<16xf32>
    %scan3A_455 = arith.constant 193 : i32
    %scan3A_456 = arith.addi %scan3A_424, %scan3A_455 : i32
    %get3A_457 = arith.index_cast %scan3A_456 : i32 to index
    %get3A_458 = arith.constant 0 : index
    %get3A_459 = tpu.vector_load %arg7[%get3A_457, %get3A_458] {strides = array<i32>} : memref<200x64xf32, #tpu.memory_space<vmem>>, vector<1x16xf32>,
    %get3A_460 = vector.shape_cast %get3A_459 : vector<1x16xf32> to vector<16xf32>
    %min3A_461 = arith.minimumf %min3A_435, %get3A_460 : vector<16xf32>
    %max3A_462 = arith.maximumf %max3A_436, %get3A_460 : vector<16xf32>
    %get3A_463 = arith.index_cast %scan3A_456 : i32 to index
    %get3A_464 = arith.constant 16 : index
    %get3A_465 = tpu.vector_load %arg7[%get3A_463, %get3A_464] {strides = array<i32>} : memref<200x64xf32, #tpu.memory_space<vmem>>, vector<1x16xf32>,
    %get3A_466 = vector.shape_cast %get3A_465 : vector<1x16xf32> to vector<16xf32>
    %min3A_467 = arith.minimumf %min3A_441, %get3A_466 : vector<16xf32>
    %max3A_468 = arith.maximumf %max3A_442, %get3A_466 : vector<16xf32>
    %get3A_469 = arith.index_cast %scan3A_456 : i32 to index
    %get3A_470 = arith.constant 32 : index
    %get3A_471 = tpu.vector_load %arg7[%get3A_469, %get3A_470] {strides = array<i32>} : memref<200x64xf32, #tpu.memory_space<vmem>>, vector<1x16xf32>,
    %get3A_472 = vector.shape_cast %get3A_471 : vector<1x16xf32> to vector<16xf32>
    %min3A_473 = arith.minimumf %min3A_447, %get3A_472 : vector<16xf32>
    %max3A_474 = arith.maximumf %max3A_448, %get3A_472 : vector<16xf32>
    %get3A_475 = arith.index_cast %scan3A_456 : i32 to index
    %get3A_476 = arith.constant 48 : index
    %get3A_477 = tpu.vector_load %arg7[%get3A_475, %get3A_476] {strides = array<i32>} : memref<200x64xf32, #tpu.memory_space<vmem>>, vector<1x16xf32>,
    %get3A_478 = vector.shape_cast %get3A_477 : vector<1x16xf32> to vector<16xf32>
    %min3A_479 = arith.minimumf %min3A_453, %get3A_478 : vector<16xf32>
    %max3A_480 = arith.maximumf %max3A_454, %get3A_478 : vector<16xf32>
    %scan3A_481 = arith.constant 194 : i32
    %scan3A_482 = arith.addi %scan3A_424, %scan3A_481 : i32
    %get3A_483 = arith.index_cast %scan3A_482 : i32 to index
    %get3A_484 = arith.constant 0 : index
    %get3A_485 = tpu.vector_load %arg7[%get3A_483, %get3A_484] {strides = array<i32>} : memref<200x64xf32, #tpu.memory_space<vmem>>, vector<1x16xf32>,
    %get3A_486 = vector.shape_cast %get3A_485 : vector<1x16xf32> to vector<16xf32>
    %min3A_487 = arith.minimumf %min3A_461, %get3A_486 : vector<16xf32>
    %max3A_488 = arith.maximumf %max3A_462, %get3A_486 : vector<16xf32>
    %get3A_489 = arith.index_cast %scan3A_482 : i32 to index
    %get3A_490 = arith.constant 16 : index
    %get3A_491 = tpu.vector_load %arg7[%get3A_489, %get3A_490] {strides = array<i32>} : memref<200x64xf32, #tpu.memory_space<vmem>>, vector<1x16xf32>,
    %get3A_492 = vector.shape_cast %get3A_491 : vector<1x16xf32> to vector<16xf32>
    %min3A_493 = arith.minimumf %min3A_467, %get3A_492 : vector<16xf32>
    %max3A_494 = arith.maximumf %max3A_468, %get3A_492 : vector<16xf32>
    %get3A_495 = arith.index_cast %scan3A_482 : i32 to index
    %get3A_496 = arith.constant 32 : index
    %get3A_497 = tpu.vector_load %arg7[%get3A_495, %get3A_496] {strides = array<i32>} : memref<200x64xf32, #tpu.memory_space<vmem>>, vector<1x16xf32>,
    %get3A_498 = vector.shape_cast %get3A_497 : vector<1x16xf32> to vector<16xf32>
    %min3A_499 = arith.minimumf %min3A_473, %get3A_498 : vector<16xf32>
    %max3A_500 = arith.maximumf %max3A_474, %get3A_498 : vector<16xf32>
    %get3A_501 = arith.index_cast %scan3A_482 : i32 to index
    %get3A_502 = arith.constant 48 : index
    %get3A_503 = tpu.vector_load %arg7[%get3A_501, %get3A_502] {strides = array<i32>} : memref<200x64xf32, #tpu.memory_space<vmem>>, vector<1x16xf32>,
    %get3A_504 = vector.shape_cast %get3A_503 : vector<1x16xf32> to vector<16xf32>
    %min3A_505 = arith.minimumf %min3A_479, %get3A_504 : vector<16xf32>
    %max3A_506 = arith.maximumf %max3A_480, %get3A_504 : vector<16xf32>
    %scan3A_507 = arith.constant 195 : i32
    %scan3A_508 = arith.addi %scan3A_424, %scan3A_507 : i32
    %get3A_509 = arith.index_cast %scan3A_508 : i32 to index
    %get3A_510 = arith.constant 0 : index
    %get3A_511 = tpu.vector_load %arg7[%get3A_509, %get3A_510] {strides = array<i32>} : memref<200x64xf32, #tpu.memory_space<vmem>>, vector<1x16xf32>,
    %get3A_512 = vector.shape_cast %get3A_511 : vector<1x16xf32> to vector<16xf32>
    %min3A_513 = arith.minimumf %min3A_487, %get3A_512 : vector<16xf32>
    %max3A_514 = arith.maximumf %max3A_488, %get3A_512 : vector<16xf32>
    %get3A_515 = arith.index_cast %scan3A_508 : i32 to index
    %get3A_516 = arith.constant 16 : index
    %get3A_517 = tpu.vector_load %arg7[%get3A_515, %get3A_516] {strides = array<i32>} : memref<200x64xf32, #tpu.memory_space<vmem>>, vector<1x16xf32>,
    %get3A_518 = vector.shape_cast %get3A_517 : vector<1x16xf32> to vector<16xf32>
    %min3A_519 = arith.minimumf %min3A_493, %get3A_518 : vector<16xf32>
    %max3A_520 = arith.maximumf %max3A_494, %get3A_518 : vector<16xf32>
    %get3A_521 = arith.index_cast %scan3A_508 : i32 to index
    %get3A_522 = arith.constant 32 : index
    %get3A_523 = tpu.vector_load %arg7[%get3A_521, %get3A_522] {strides = array<i32>} : memref<200x64xf32, #tpu.memory_space<vmem>>, vector<1x16xf32>,
    %get3A_524 = vector.shape_cast %get3A_523 : vector<1x16xf32> to vector<16xf32>
    %min3A_525 = arith.minimumf %min3A_499, %get3A_524 : vector<16xf32>
    %max3A_526 = arith.maximumf %max3A_500, %get3A_524 : vector<16xf32>
    %get3A_527 = arith.index_cast %scan3A_508 : i32 to index
    %get3A_528 = arith.constant 48 : index
    %get3A_529 = tpu.vector_load %arg7[%get3A_527, %get3A_528] {strides = array<i32>} : memref<200x64xf32, #tpu.memory_space<vmem>>, vector<1x16xf32>,
    %get3A_530 = vector.shape_cast %get3A_529 : vector<1x16xf32> to vector<16xf32>
    %min3A_531 = arith.minimumf %min3A_505, %get3A_530 : vector<16xf32>
    %max3A_532 = arith.maximumf %max3A_506, %get3A_530 : vector<16xf32>
    %scan3A_533 = arith.constant 196 : i32
    %scan3A_534 = arith.addi %scan3A_424, %scan3A_533 : i32
    %get3A_535 = arith.index_cast %scan3A_534 : i32 to index
    %get3A_536 = arith.constant 0 : index
    %get3A_537 = tpu.vector_load %arg7[%get3A_535, %get3A_536] {strides = array<i32>} : memref<200x64xf32, #tpu.memory_space<vmem>>, vector<1x16xf32>,
    %get3A_538 = vector.shape_cast %get3A_537 : vector<1x16xf32> to vector<16xf32>
    %min3A_539 = arith.minimumf %min3A_513, %get3A_538 : vector<16xf32>
    %max3A_540 = arith.maximumf %max3A_514, %get3A_538 : vector<16xf32>
    %get3A_541 = arith.index_cast %scan3A_534 : i32 to index
    %get3A_542 = arith.constant 16 : index
    %get3A_543 = tpu.vector_load %arg7[%get3A_541, %get3A_542] {strides = array<i32>} : memref<200x64xf32, #tpu.memory_space<vmem>>, vector<1x16xf32>,
    %get3A_544 = vector.shape_cast %get3A_543 : vector<1x16xf32> to vector<16xf32>
    %min3A_545 = arith.minimumf %min3A_519, %get3A_544 : vector<16xf32>
    %max3A_546 = arith.maximumf %max3A_520, %get3A_544 : vector<16xf32>
    %get3A_547 = arith.index_cast %scan3A_534 : i32 to index
    %get3A_548 = arith.constant 32 : index
    %get3A_549 = tpu.vector_load %arg7[%get3A_547, %get3A_548] {strides = array<i32>} : memref<200x64xf32, #tpu.memory_space<vmem>>, vector<1x16xf32>,
    %get3A_550 = vector.shape_cast %get3A_549 : vector<1x16xf32> to vector<16xf32>
    %min3A_551 = arith.minimumf %min3A_525, %get3A_550 : vector<16xf32>
    %max3A_552 = arith.maximumf %max3A_526, %get3A_550 : vector<16xf32>
    %get3A_553 = arith.index_cast %scan3A_534 : i32 to index
    %get3A_554 = arith.constant 48 : index
    %get3A_555 = tpu.vector_load %arg7[%get3A_553, %get3A_554] {strides = array<i32>} : memref<200x64xf32, #tpu.memory_space<vmem>>, vector<1x16xf32>,
    %get3A_556 = vector.shape_cast %get3A_555 : vector<1x16xf32> to vector<16xf32>
    %min3A_557 = arith.minimumf %min3A_531, %get3A_556 : vector<16xf32>
    %max3A_558 = arith.maximumf %max3A_532, %get3A_556 : vector<16xf32>
    %scan3A_559 = arith.constant 197 : i32
    %scan3A_560 = arith.addi %scan3A_424, %scan3A_559 : i32
    %get3A_561 = arith.index_cast %scan3A_560 : i32 to index
    %get3A_562 = arith.constant 0 : index
    %get3A_563 = tpu.vector_load %arg7[%get3A_561, %get3A_562] {strides = array<i32>} : memref<200x64xf32, #tpu.memory_space<vmem>>, vector<1x16xf32>,
    %get3A_564 = vector.shape_cast %get3A_563 : vector<1x16xf32> to vector<16xf32>
    %min3A_565 = arith.minimumf %min3A_539, %get3A_564 : vector<16xf32>
    %max3A_566 = arith.maximumf %max3A_540, %get3A_564 : vector<16xf32>
    %get3A_567 = arith.index_cast %scan3A_560 : i32 to index
    %get3A_568 = arith.constant 16 : index
    %get3A_569 = tpu.vector_load %arg7[%get3A_567, %get3A_568] {strides = array<i32>} : memref<200x64xf32, #tpu.memory_space<vmem>>, vector<1x16xf32>,
    %get3A_570 = vector.shape_cast %get3A_569 : vector<1x16xf32> to vector<16xf32>
    %min3A_571 = arith.minimumf %min3A_545, %get3A_570 : vector<16xf32>
    %max3A_572 = arith.maximumf %max3A_546, %get3A_570 : vector<16xf32>
    %get3A_573 = arith.index_cast %scan3A_560 : i32 to index
    %get3A_574 = arith.constant 32 : index
    %get3A_575 = tpu.vector_load %arg7[%get3A_573, %get3A_574] {strides = array<i32>} : memref<200x64xf32, #tpu.memory_space<vmem>>, vector<1x16xf32>,
    %get3A_576 = vector.shape_cast %get3A_575 : vector<1x16xf32> to vector<16xf32>
    %min3A_577 = arith.minimumf %min3A_551, %get3A_576 : vector<16xf32>
    %max3A_578 = arith.maximumf %max3A_552, %get3A_576 : vector<16xf32>
    %get3A_579 = arith.index_cast %scan3A_560 : i32 to index
    %get3A_580 = arith.constant 48 : index
    %get3A_581 = tpu.vector_load %arg7[%get3A_579, %get3A_580] {strides = array<i32>} : memref<200x64xf32, #tpu.memory_space<vmem>>, vector<1x16xf32>,
    %get3A_582 = vector.shape_cast %get3A_581 : vector<1x16xf32> to vector<16xf32>
    %min3A_583 = arith.minimumf %min3A_557, %get3A_582 : vector<16xf32>
    %max3A_584 = arith.maximumf %max3A_558, %get3A_582 : vector<16xf32>
    %scan3A_585 = arith.constant 198 : i32
    %scan3A_586 = arith.addi %scan3A_424, %scan3A_585 : i32
    %get3A_587 = arith.index_cast %scan3A_586 : i32 to index
    %get3A_588 = arith.constant 0 : index
    %get3A_589 = tpu.vector_load %arg7[%get3A_587, %get3A_588] {strides = array<i32>} : memref<200x64xf32, #tpu.memory_space<vmem>>, vector<1x16xf32>,
    %get3A_590 = vector.shape_cast %get3A_589 : vector<1x16xf32> to vector<16xf32>
    %min3A_591 = arith.minimumf %min3A_565, %get3A_590 : vector<16xf32>
    %max3A_592 = arith.maximumf %max3A_566, %get3A_590 : vector<16xf32>
    %get3A_593 = arith.index_cast %scan3A_586 : i32 to index
    %get3A_594 = arith.constant 16 : index
    %get3A_595 = tpu.vector_load %arg7[%get3A_593, %get3A_594] {strides = array<i32>} : memref<200x64xf32, #tpu.memory_space<vmem>>, vector<1x16xf32>,
    %get3A_596 = vector.shape_cast %get3A_595 : vector<1x16xf32> to vector<16xf32>
    %min3A_597 = arith.minimumf %min3A_571, %get3A_596 : vector<16xf32>
    %max3A_598 = arith.maximumf %max3A_572, %get3A_596 : vector<16xf32>
    %get3A_599 = arith.index_cast %scan3A_586 : i32 to index
    %get3A_600 = arith.constant 32 : index
    %get3A_601 = tpu.vector_load %arg7[%get3A_599, %get3A_600] {strides = array<i32>} : memref<200x64xf32, #tpu.memory_space<vmem>>, vector<1x16xf32>,
    %get3A_602 = vector.shape_cast %get3A_601 : vector<1x16xf32> to vector<16xf32>
    %min3A_603 = arith.minimumf %min3A_577, %get3A_602 : vector<16xf32>
    %max3A_604 = arith.maximumf %max3A_578, %get3A_602 : vector<16xf32>
    %get3A_605 = arith.index_cast %scan3A_586 : i32 to index
    %get3A_606 = arith.constant 48 : index
    %get3A_607 = tpu.vector_load %arg7[%get3A_605, %get3A_606] {strides = array<i32>} : memref<200x64xf32, #tpu.memory_space<vmem>>, vector<1x16xf32>,
    %get3A_608 = vector.shape_cast %get3A_607 : vector<1x16xf32> to vector<16xf32>
    %min3A_609 = arith.minimumf %min3A_583, %get3A_608 : vector<16xf32>
    %max3A_610 = arith.maximumf %max3A_584, %get3A_608 : vector<16xf32>
    %scan3A_611 = arith.constant 199 : i32
    %swap3A_612 = arith.constant 127 : i32
    %swap3A_613 = arith.index_cast %swap3A_612 : i32 to index
    %swap3A_614 = arith.constant 0 : index
    %swap3A_615 = tpu.vector_load %arg12[%swap3A_613, %swap3A_614] {strides = array<i32>} : memref<128x128xf32, #tpu.memory_space<vmem>>, vector<1x16xf32>,
    %swap3A_616 = vector.shape_cast %swap3A_615 : vector<1x16xf32> to vector<16xf32>
    %swap3A_617 = vector.shape_cast %min3A_591 : vector<16xf32> to vector<1x16xf32>
    tpu.vector_store %arg12[%swap3A_613, %swap3A_614], %swap3A_617 {strides = array<i32>} : memref<128x128xf32, #tpu.memory_space<vmem>>, vector<1x16xf32>,
    %swap3A_618 = arith.constant 127 : i32
    %swap3A_619 = arith.index_cast %swap3A_618 : i32 to index
    %swap3A_620 = arith.constant 64 : index
    %swap3A_621 = tpu.vector_load %arg12[%swap3A_619, %swap3A_620] {strides = array<i32>} : memref<128x128xf32, #tpu.memory_space<vmem>>, vector<1x16xf32>,
    %swap3A_622 = vector.shape_cast %swap3A_621 : vector<1x16xf32> to vector<16xf32>
    %swap3A_623 = vector.shape_cast %max3A_592 : vector<16xf32> to vector<1x16xf32>
    tpu.vector_store %arg12[%swap3A_619, %swap3A_620], %swap3A_623 {strides = array<i32>} : memref<128x128xf32, #tpu.memory_space<vmem>>, vector<1x16xf32>,
    %swap3A_624 = arith.constant 127 : i32
    %swap3A_625 = arith.index_cast %swap3A_624 : i32 to index
    %swap3A_626 = arith.constant 16 : index
    %swap3A_627 = tpu.vector_load %arg12[%swap3A_625, %swap3A_626] {strides = array<i32>} : memref<128x128xf32, #tpu.memory_space<vmem>>, vector<1x16xf32>,
    %swap3A_628 = vector.shape_cast %swap3A_627 : vector<1x16xf32> to vector<16xf32>
    %swap3A_629 = vector.shape_cast %min3A_597 : vector<16xf32> to vector<1x16xf32>
    tpu.vector_store %arg12[%swap3A_625, %swap3A_626], %swap3A_629 {strides = array<i32>} : memref<128x128xf32, #tpu.memory_space<vmem>>, vector<1x16xf32>,
    %swap3A_630 = arith.constant 127 : i32
    %swap3A_631 = arith.index_cast %swap3A_630 : i32 to index
    %swap3A_632 = arith.constant 80 : index
    %swap3A_633 = tpu.vector_load %arg12[%swap3A_631, %swap3A_632] {strides = array<i32>} : memref<128x128xf32, #tpu.memory_space<vmem>>, vector<1x16xf32>,
    %swap3A_634 = vector.shape_cast %swap3A_633 : vector<1x16xf32> to vector<16xf32>
    %swap3A_635 = vector.shape_cast %max3A_598 : vector<16xf32> to vector<1x16xf32>
    tpu.vector_store %arg12[%swap3A_631, %swap3A_632], %swap3A_635 {strides = array<i32>} : memref<128x128xf32, #tpu.memory_space<vmem>>, vector<1x16xf32>,
    %swap3A_636 = arith.constant 127 : i32
    %swap3A_637 = arith.index_cast %swap3A_636 : i32 to index
    %swap3A_638 = arith.constant 32 : index
    %swap3A_639 = tpu.vector_load %arg12[%swap3A_637, %swap3A_638] {strides = array<i32>} : memref<128x128xf32, #tpu.memory_space<vmem>>, vector<1x16xf32>,
    %swap3A_640 = vector.shape_cast %swap3A_639 : vector<1x16xf32> to vector<16xf32>
    %swap3A_641 = vector.shape_cast %min3A_603 : vector<16xf32> to vector<1x16xf32>
    tpu.vector_store %arg12[%swap3A_637, %swap3A_638], %swap3A_641 {strides = array<i32>} : memref<128x128xf32, #tpu.memory_space<vmem>>, vector<1x16xf32>,
    %swap3A_642 = arith.constant 127 : i32
    %swap3A_643 = arith.index_cast %swap3A_642 : i32 to index
    %swap3A_644 = arith.constant 96 : index
    %swap3A_645 = tpu.vector_load %arg12[%swap3A_643, %swap3A_644] {strides = array<i32>} : memref<128x128xf32, #tpu.memory_space<vmem>>, vector<1x16xf32>,
    %swap3A_646 = vector.shape_cast %swap3A_645 : vector<1x16xf32> to vector<16xf32>
    %swap3A_647 = vector.shape_cast %max3A_604 : vector<16xf32> to vector<1x16xf32>
    tpu.vector_store %arg12[%swap3A_643, %swap3A_644], %swap3A_647 {strides = array<i32>} : memref<128x128xf32, #tpu.memory_space<vmem>>, vector<1x16xf32>,
    %swap3A_648 = arith.constant 127 : i32
    %swap3A_649 = arith.index_cast %swap3A_648 : i32 to index
    %swap3A_650 = arith.constant 48 : index
    %swap3A_651 = tpu.vector_load %arg12[%swap3A_649, %swap3A_650] {strides = array<i32>} : memref<128x128xf32, #tpu.memory_space<vmem>>, vector<1x16xf32>,
    %swap3A_652 = vector.shape_cast %swap3A_651 : vector<1x16xf32> to vector<16xf32>
    %swap3A_653 = vector.shape_cast %min3A_609 : vector<16xf32> to vector<1x16xf32>
    tpu.vector_store %arg12[%swap3A_649, %swap3A_650], %swap3A_653 {strides = array<i32>} : memref<128x128xf32, #tpu.memory_space<vmem>>, vector<1x16xf32>,
    %swap3A_654 = arith.constant 127 : i32
    %swap3A_655 = arith.index_cast %swap3A_654 : i32 to index
    %swap3A_656 = arith.constant 112 : index
    %swap3A_657 = tpu.vector_load %arg12[%swap3A_655, %swap3A_656] {strides = array<i32>} : memref<128x128xf32, #tpu.memory_space<vmem>>, vector<1x16xf32>,
    %swap3A_658 = vector.shape_cast %swap3A_657 : vector<1x16xf32> to vector<16xf32>
    %swap3A_659 = vector.shape_cast %max3A_610 : vector<16xf32> to vector<1x16xf32>
    tpu.vector_store %arg12[%swap3A_655, %swap3A_656], %swap3A_659 {strides = array<i32>} : memref<128x128xf32, #tpu.memory_space<vmem>>, vector<1x16xf32>,
    "tpu.region"() ({
      %run_scoped3A = tpu.sem_alloc : memref<!tpu.dma_semaphore, #tpu.memory_space<semaphore_mem>>
      %dma_start3A_660 = arith.constant 0 : i32
      %dma_start3A_661 = tpu.memref_slice %arg4[%mul3A_2, %dma_start3A_660] : memref<4096x128xf32, #tpu.memory_space<hbm>> -> memref<128x128xf32, #tpu.memory_space<hbm>>
      %dma_start3A_662 = arith.constant 0 : i32
      %dma_start3A_663 = tpu.memref_slice %arg4[%mul3A_2, %dma_start3A_662] : memref<4096x128xf32, #tpu.memory_space<hbm>> -> memref<128x128xf32, #tpu.memory_space<hbm>>
      tpu.enqueue_dma source(%arg12 : memref<128x128xf32, #tpu.memory_space<vmem>>) target(%dma_start3A_663 : memref<128x128xf32, #tpu.memory_space<hbm>>) target_semaphore(%run_scoped3A : memref<!tpu.dma_semaphore, #tpu.memory_space<semaphore_mem>>)
      %dma_wait3A_664 = arith.constant 0 : i32
      %dma_wait3A_665 = tpu.memref_slice %arg4[%mul3A_2, %dma_wait3A_664] : memref<4096x128xf32, #tpu.memory_space<hbm>> -> memref<128x128xf32, #tpu.memory_space<hbm>>
      %dma_wait3A_666 = arith.constant 0 : i32
      %dma_wait3A_667 = tpu.memref_slice %arg4[%mul3A_2, %dma_wait3A_666] : memref<4096x128xf32, #tpu.memory_space<hbm>> -> memref<128x128xf32, #tpu.memory_space<hbm>>
      tpu.wait_dma2 semaphore(%run_scoped3A : memref<!tpu.dma_semaphore, #tpu.memory_space<semaphore_mem>>) src(%arg12 : memref<128x128xf32, #tpu.memory_space<vmem>>) dst(%dma_wait3A_667 : memref<128x128xf32, #tpu.memory_space<hbm>>)
      tpu.yield
    }) : () -> ()
    return
  }
}

module attributes {stable_mosaic.version = 14 : i64} {
  func.func @body(%arg0: i32, %arg1: memref<64x32768xf32, #tpu.memory_space<vmem>>, %arg2: memref<16384x128xf32, #tpu.memory_space<vmem>>) attributes {dimension_semantics = [#tpu.dimension_semantics<parallel>], iteration_bounds = array<i64: 31>, scalar_prefetch = 0 : i64, scratch_operands = 0 : i64, tpu.core_type = #tpu.core_type<tc>, window_params = [{transform_indices = @transform_0, window_bounds = array<i64: 64, 32768>}, {transform_indices = @transform_1, window_bounds = array<i64: 16384, 128>}]} {
    %get3A = arith.constant 0 : index
    %get3A_0 = arith.constant 0 : index
    %get3A_1 = vector.load %arg1[%get3A, %get3A_0] : memref<64x32768xf32, #tpu.memory_space<vmem>>, vector<64x16384xf32>
    %get3A_2 = arith.constant 0 : index
    %get3A_3 = arith.constant 16384 : index
    %get3A_4 = vector.load %arg1[%get3A_2, %get3A_3] : memref<64x32768xf32, #tpu.memory_space<vmem>>, vector<64x16384xf32>
    %concatenate3A = tpu.concatenate %get3A_1, %get3A_4 in 0 : vector<64x16384xf32>, vector<64x16384xf32> -> vector<128x16384xf32>
    %transpose3A = tpu.transpose %concatenate3A, [1, 0] : vector<128x16384xf32> -> vector<16384x128xf32>
    %swap3A = arith.constant 0 : index
    %swap3A_5 = arith.constant 0 : index
    %swap3A_6 = vector.load %arg2[%swap3A, %swap3A_5] : memref<16384x128xf32, #tpu.memory_space<vmem>>, vector<16384x128xf32>
    tpu.vector_store %arg2[%swap3A, %swap3A_5], %transpose3A {strides = array<i32>} : memref<16384x128xf32, #tpu.memory_space<vmem>>, vector<16384x128xf32>,
    return
  }
  func.func @transform_0(%arg0: i32) -> (i32, i32) {
    %c0_i32 = arith.constant 0 : i32
    %c0_i32_0 = arith.constant 0 : i32
    return %c0_i32, %arg0 : i32, i32
  }
  func.func @transform_1(%arg0: i32) -> (i32, i32) {
    %c0_i32 = arith.constant 0 : i32
    %c0_i32_0 = arith.constant 0 : i32
    return %arg0, %c0_i32 : i32, i32
  }
}

module attributes {stable_mosaic.version = 14 : i64} {
  func.func @body(%arg0: memref<4096x128xf32, #tpu.memory_space<vmem>>, %arg1: memref<100x128xf32, #tpu.memory_space<vmem>>, %arg2: memref<1x100xf32, #tpu.memory_space<vmem>>, %arg3: memref<4096x100xf32, #tpu.memory_space<vmem>>) attributes {dimension_semantics = [], scalar_prefetch = 0 : i64, scratch_operands = 0 : i64, tpu.core_type = #tpu.core_type<tc>} {
    %get3A = arith.constant 0 : index
    %get3A_0 = arith.constant 0 : index
    %get3A_1 = vector.load %arg0[%get3A, %get3A_0] : memref<4096x128xf32, #tpu.memory_space<vmem>>, vector<4096x128xf32>
    %get3A_2 = arith.constant 0 : index
    %get3A_3 = arith.constant 0 : index
    %get3A_4 = vector.load %arg1[%get3A_2, %get3A_3] : memref<100x128xf32, #tpu.memory_space<vmem>>, vector<100x128xf32>
    %dot_general3A = arith.constant dense<0.000000e+00> : vector<4096x100xf32>
    %dot_general3A_5 = tpu.matmul %get3A_1, %get3A_4, %dot_general3A {dimension_numbers = #tpu.dot_dimension_numbers<[1], [1], [0], [0], [0, 0, 1, 0], [], []>, transpose_lhs_hint = false} : vector<4096x128xf32>, vector<100x128xf32>, vector<4096x100xf32> -> vector<4096x100xf32>
    %get3A_6 = arith.constant 0 : index
    %get3A_7 = arith.constant 0 : index
    %get3A_8 = vector.load %arg2[%get3A_6, %get3A_7] : memref<1x100xf32, #tpu.memory_space<vmem>>, vector<1x100xf32>
    %add3A = vector.broadcast %get3A_8 : vector<1x100xf32> to vector<4096x100xf32>
    %add3A_9 = arith.addf %dot_general3A_5, %add3A : vector<4096x100xf32>
    %reduce_max3A = arith.constant dense<0xFF800000> : vector<4096xf32>
    %reduce_max3A_10 = vector.multi_reduction <maximumf>, %add3A_9, %reduce_max3A [1] : vector<4096x100xf32> to vector<4096xf32>
    %broadcast_in_dim3A = vector.shape_cast %reduce_max3A_10 : vector<4096xf32> to vector<4096x1xf32>
    %sub3A = vector.broadcast %broadcast_in_dim3A : vector<4096x1xf32> to vector<4096x100xf32>
    %sub3A_11 = arith.subf %add3A_9, %sub3A : vector<4096x100xf32>
    %exp3A = math.exp %sub3A_11 : vector<4096x100xf32>
    %reduce_sum3A = arith.constant dense<0.000000e+00> : vector<4096xf32>
    %reduce_sum3A_12 = vector.multi_reduction <add>, %exp3A, %reduce_sum3A [1] : vector<4096x100xf32> to vector<4096xf32>
    %broadcast_in_dim3A_13 = vector.shape_cast %reduce_sum3A_12 : vector<4096xf32> to vector<4096x1xf32>
    %log3A = math.log %broadcast_in_dim3A_13 : vector<4096x1xf32>
    %sub3A_14 = vector.broadcast %log3A : vector<4096x1xf32> to vector<4096x100xf32>
    %sub3A_15 = arith.subf %sub3A_11, %sub3A_14 : vector<4096x100xf32>
    %swap3A = arith.constant 0 : index
    %swap3A_16 = arith.constant 0 : index
    %swap3A_17 = vector.load %arg3[%swap3A, %swap3A_16] : memref<4096x100xf32, #tpu.memory_space<vmem>>, vector<4096x100xf32>
    tpu.vector_store %arg3[%swap3A, %swap3A_16], %sub3A_15 {strides = array<i32>} : memref<4096x100xf32, #tpu.memory_space<vmem>>, vector<4096x100xf32>,
    return
  }
}

</mosaic_0001>

<sc_bundles>
// kernel: kernel.5.cloned.1.call-start
scs
__scs_entry_jumppad:
0x0: {  	(pc) =	sbr.rel $0x88, $3  }
0x1: {  	(tag) =	ssettag $0x0;
	lr =	simm.s32 $0x1  }
0x2: {  	[smem:$0x3F9D] =	sst lr;
	_ =	strace $0xD0000000  }
0x3: {  	_ = 	snop  }
0x4: {  	_ = 	snop  }
0x5: {  	_ = 	snop  }
0x6: {  	_ = 	snop  }
0x7: {  	_ = 	snop  }
__scs_overlays_trampoline_lowered:
0x8: {  	[smem:$0x3FAC] =	sst s0  }
0x9: {  	[smem:$0x3FAD] =	sst s1  }
0xa: {  	[smem:$0x3FAE] =	sst s2  }
0xb: {  	[smem:$0x3FAF] =	sst s3  }
0xc: {  	[smem:$0x3FB0] =	sst s4  }
0xd: {  	[smem:$0x3FB1] =	sst s5  }
0xe: {  	[smem:$0x3FB2] =	sst s6  }
0xf: {  	[smem:$0x3FB3] =	sst s7  }
0x10: {  	[smem:$0x3FB4] =	sst s8  }
0x11: {  	[smem:$0x3FB5] =	sst s9;
	s0 =	simm.s32 @!p0 $0x0  }
0x12: {  	s1 =	sld [smem:$0x3F9B];
	s0 =	simm.s32 @p0 $0x1  }
0x13: {  	[smem:$0x3FB6] =	sst s0;
	s0 =	simm.s32 @!p1 $0x0  }
0x14: {  	s2 =	sld [smem:$0x3F9A];
	s0 =	simm.s32 @p1 $0x1  }
0x15: {  	[smem:$0x3FB7] =	sst s0;
	s0 =	simm.s32 @!p2 $0x0  }
0x16: {  	s3 =	sld [smem:$0x3FDB];
	s0 =	simm.s32 @p2 $0x1  }
0x17: {  	s4 =	simm.s32 $0x1BF5;
	[smem:$0x3FB9] =	sst s0  }
0x18: {  	s0 =	sld [smem:$0x3F9C];
	_ =	swait.ge [sflag:s4], $0x0  }
0x19: {  	s7 =	sld [smem:$0x3F9D]  }
0x1a: {  	s8 =	sadd.s32 $0xFFFFE003, lr  }
0x1b: {  	s9 =	sadd.s32 $0xFFFFFEF7, lr;
	s5 =	simm.s32 $0xFFFFFFFF;
	p2 =	slt.u32 s8, $0xFFFFF086  }
0x1c: {  	p1 =	slt.u32 s9, $0xF7A;
	s5 =	simm.s32 @!p2 $0x0  }
0x1d: {  	s5 =	simm.s32 @p1 $0x1;
	p0 =	seq.s32 s7, s2  }
0x1e: {  	s7 =	smul.u32 @!p0 $0xF7A, s2;
	p2 =	seq.s32 @!p0 s5, $0x0  }
0x1f: {  	s9 =	smul.u32 $0xF7A, s1;
	s8 =	simm.s32 @!p0 $0x1BF5;
	p2 =	por !p2, p0  }
0x20: {  	[sflag:s8] =	ssyncset.s32 @!p0 $0xFFFFF086;
	s6 =	sadd.s32 @!p0 s3, s7;
	s7 =	simm.s32 @!p0 $0x108  }
0x21: {  	s3 =	sadd.s32 s3, s9;
	s6 =	sadd.s32 @!p0 $0x88, s6;
	s7 =	simm.s32 @p2 $0x1082  }
0x22: {  	[simem:s7], [sflag:s8] =	dma.local @!p0 [hbm:s6], $0xF7A  }
0x23: {  	s9 =	sor.u32 $0xD0000000, s2;
	s6 =	simm.s32 $0x108;
	_ =	swait.ge @!p0 [sflag:s8], $0x0  }
0x24: {  	s3 =	sadd.s32 $0x88, s3;
	s6 =	simm.s32 @!p1 $0x1082;
	[sflag:s4] =	ssyncset.s32 $0xFFFFF086  }
0x25: {  	[simem:s6], [sflag:s4] =	dma.local [hbm:s3], $0xF7A  }
0x26: {  	[smem:$0x3F9D] =	sst s1;
	(tag) =	ssettag s2;
	_ =	strace s9  }
0x27: {  	s1 =	sld [smem:$0x3FAD]  }
0x28: {  	s2 =	sld [smem:$0x3FAE]  }
0x29: {  	s4 =	sld [smem:$0x3FB0]  }
0x2a: {  	p0 =	seq.s32 s5, $0x0;
	s5 =	sld [smem:$0x3FB1]  }
0x2b: {  	s6 =	sld [smem:$0x3FB2]  }
0x2c: {  	s7 =	sld [smem:$0x3FB3]  }
0x2d: {  	s3 =	simm.s32 $0x108;
	s8 =	sld [smem:$0x3FB4]  }
0x2e: {  	s3 =	simm.s32 @!p0 $0x1082;
	s9 =	sld [smem:$0x3FB5]  }
0x2f: {  	lr =	sadd.s32 s0, s3;
	s0 =	sld [smem:$0x3FAC]  }
0x30: {  	s3 =	sld [smem:$0x3FAF]  }
0x31: {  	[smem:$0x3FB8] =	sst s10  }
0x32: {  	s10 =	sld [smem:$0x3FB6];
	_ =	sdelay $0x3  }
0x33: {  	p0 =	seq.s32 s10, $0x1;
	s10 =	sld [smem:$0x3FB8];
	_ =	sdelay $0x3  }
0x34: {  	[smem:$0x3FB8] =	sst s10  }
0x35: {  	s10 =	sld [smem:$0x3FB7];
	_ =	sdelay $0x3  }
0x36: {  	p1 =	seq.s32 s10, $0x1;
	s10 =	sld [smem:$0x3FB8];
	_ =	sdelay $0x3  }
0x37: {  	[smem:$0x3FB8] =	sst s10  }
0x38: {  	s10 =	sld [smem:$0x3FB9]  }
0x39: {  	_ = 	snop;
	(pc) =	sbr.ind lr, $3  }
0x3a: {  	_ = 	snop  }
0x3b: {  	_ = 	snop  }
0x3c: {  	p2 =	seq.s32 s10, $0x1;
	s10 =	sld [smem:$0x3FB8]  }
0x3d: {  	_ =	shalt  }
0x3e: {  	_ =	shalt  }
0x3f: {  	_ =	shalt  }
0x40: {  	_ =	shalt  }
0x41: {  	_ =	shalt  }
0x42: {  	_ =	shalt  }
0x43: {  	_ =	shalt  }
0x44: {  	_ =	shalt  }
0x45: {  	_ =	shalt  }
0x46: {  	_ =	shalt  }
0x47: {  	_ =	shalt  }
0x48: {  	_ =	shalt  }
0x49: {  	_ =	shalt  }
0x4a: {  	_ =	shalt  }
0x4b: {  	_ =	shalt  }
0x4c: {  	_ =	shalt  }
0x4d: {  	_ =	shalt  }
0x4e: {  	_ =	shalt  }
0x4f: {  	_ =	shalt  }
0x50: {  	_ =	shalt  }
0x51: {  	_ =	shalt  }
0x52: {  	_ =	shalt  }
0x53: {  	_ =	shalt  }
0x54: {  	_ =	shalt  }
0x55: {  	_ =	shalt  }
0x56: {  	_ =	shalt  }
0x57: {  	_ =	shalt  }
0x58: {  	_ =	shalt  }
0x59: {  	_ =	shalt  }
0x5a: {  	_ =	shalt  }
0x5b: {  	_ =	shalt  }
0x5c: {  	_ =	shalt  }
0x5d: {  	_ =	shalt  }
0x5e: {  	_ =	shalt  }
0x5f: {  	_ =	shalt  }
0x60: {  	_ =	shalt  }
0x61: {  	_ =	shalt  }
0x62: {  	_ =	shalt  }
0x63: {  	_ =	shalt  }
0x64: {  	_ =	shalt  }
0x65: {  	_ =	shalt  }
0x66: {  	_ =	shalt  }
0x67: {  	_ =	shalt  }
0x68: {  	_ =	shalt  }
0x69: {  	_ =	shalt  }
0x6a: {  	_ =	shalt  }
0x6b: {  	_ =	shalt  }
0x6c: {  	_ =	shalt  }
0x6d: {  	_ =	shalt  }
0x6e: {  	_ =	shalt  }
0x6f: {  	_ =	shalt  }
0x70: {  	_ =	shalt  }
0x71: {  	_ =	shalt  }
0x72: {  	_ =	shalt  }
0x73: {  	_ =	shalt  }
0x74: {  	_ =	shalt  }
0x75: {  	_ =	shalt  }
0x76: {  	_ =	shalt  }
0x77: {  	_ =	shalt  }
0x78: {  	_ =	shalt  }
0x79: {  	_ =	shalt  }
0x7a: {  	_ =	shalt  }
0x7b: {  	_ =	shalt  }
0x7c: {  	_ =	shalt  }
0x7d: {  	_ =	shalt  }
0x7e: {  	_ =	shalt  }
0x7f: {  	_ =	shalt  }
0x80: {  	_ =	shalt  }
0x81: {  	_ =	shalt  }
0x82: {  	_ =	shalt  }
0x83: {  	_ =	shalt  }
0x84: {  	_ =	shalt  }
0x85: {  	_ =	shalt  }
0x86: {  	_ =	shalt  }
0x87: {  	_ =	shalt  }
.Lfunc_end0:
.L_simem_size_0:
called_computation_lowered:
.L_overlay_start_0:
0x88: {  	s2 =	sld [smem:$0x3FD9]  }
0x89: {  	s3 =	sld [smem:$0x3FFE];
	_ =	sdelay $0x1  }
0x8a: {  	s1 =	srdreg.scid  }
0x8b: {  	s0 =	sand.u32 $0x1, s1  }
0x8c: {  	s16 =	sshll.u32 s0, $0xA;
	s2 =	sadd.s32 s3, s2  }
0x8d: {  	s2 =	sadd.s32 s2, s16  }
0x8e: {  	[smem:$0x3FC4] =	sst s2  }
0x8f: {  	_ = 	snop  }
0x90: {  	(tm) =	ssettm $0x1  }
0x91: {  	s17 =	sld [smem:$0x3FFB];
	_ =	sdelay $0x3  }
0x92: {  	_ =	strace s17  }
0x93: {  	s2 =	sld [smem:$0x3FFC];
	_ =	sdelay $0x3  }
0x94: {  	_ =	strace s2  }
0x95: {  	s2 =	sld [smem:$0x3FFD];
	_ =	sdelay $0x3  }
0x96: {  	_ =	strace s2  }
0x97: {  	_ =	strace $0x8FFFFFFF  }
0x98: {  	s18 =	sld [smem:$0x3FDB];
	_ =	sdelay $0x1  }
0x99: {  	s19 =	simm.s32 $_scs_section_size  }
0x9a: {  	s4 =	simm.s32 $_size__tile_overlayer_lowered;
	s5 =	simm.s32 $_tile_overlayer_lowered  }
0x9b: {  	s22 =	simm.s32 $0x1BFF;
	s21 =	sshll.u32 s5, $0x1;
	s2 =	sadd.s32 s19, s18  }
0x9c: {  	s6 =	simm.s32 $0x0;
	s20 =	sshll.u32 s4, $0x1;
	s4 =	sadd.s32 s21, s2  }
0x9d: {  	[timem:s6], [sflag:s22] =	dma.local [hbm:s4], s20  }
0x9e: {  	_ =	swait.ge [sflag:s22], s20  }
0x9f: {  	s3 =	ssub.s32 $0x0, s20;
	[sflag:s22] =	ssyncset.done $0x0  }
0xa0: {  	[sflag:s22] =	ssyncadd.s32 s3;
	_ =	sdelay $0x1  }
0xa1: {  	s23 =	simm.s32 $0x1B8B  }
0xa2: {  	_ =	swait.ge [sflag:s23], $0x1  }
0xa3: {  	[sflag:s23] =	ssyncset.done $0x0  }
0xa4: {  	s25 =	simm.s32 $0x1B8E;
	s24 =	sld [smem:$0x3FFE];
	[sflag:s23] =	ssyncadd.s32 $0xFFFFFFFF  }
0xa5: {  	s26 =	simm.s32 $execute0_lowered;
	[smem:$0x3FD2] =	sst s25  }
0xa6: {  	s4 =	sshll.u32 s26, $0x1;
	_ =	strace $0x80000046;
	[dreg:$0x1] =	wrdreg $0xFFFFFFFF  }
0xa7: {  	s28 =	simm.s32 $_size_execute0_lowered;
	s2 =	sadd.s32 s2, s4;
	[dreg:$0x0] =	wrdreg $0x0  }
0xa8: {  	s4 =	sshll.u32 s28, $0x1;
	[dreg:$0x2] =	wrdreg s2  }
0xa9: {  	[dreg:$0x3] =	wrdreg s4  }
0xaa: {  	[dreg:$0x4] =	wrdreg $0xC0  }
0xab: {  	_ =	task [dreg:s6], $0x5FFFF  }
0xac: {  	[dreg:$0x1] =	wrdreg $0xFFFFFFFF  }
0xad: {  	[dreg:$0x0] =	wrdreg $0x60  }
0xae: {  	[dreg:$0x2] =	wrdreg s24  }
0xaf: {  	[dreg:$0x3] =	wrdreg $0x9  }
0xb0: {  	_ =	task.clear_ibuf [dreg:s6], $0x4FFFF;
	_ =	strace $0x90000046  }
0xb1: {  	s29 =	simm.s32 $0x9;
	_ =	strace $0x80000048  }
0xb2: {  	_ =	swait.ge [sflag:s29], $0x1  }
0xb3: {  	[sflag:s29] =	ssyncadd.s32 $0xFFFFFFFF  }
0xb4: {  	_ =	strace $0x90000048  }
0xb5: {  	_ =	sfence  }
0xb6: {  	s30 =	sld [smem:$0x0];
	_ =	sdelay $0x2  }
0xb7: {  	s31 =	sshll.u32 s1, $0xD;
	s1 =	sshrl.u32 s1, $0x2  }
0xb8: {  	s3 =	sand.u32 $0x4000, s31;
	s1 =	sadd.s32 s1, s30  }
0xb9: {  	s0 =	sor.u32 s3, s0;
	s1 =	sshll.u32 s1, $0x11  }
0xba: {  	s0 =	sor.u32 s1, s0  }
0xbb: {  	s0 =	sadd.s32 $0x8F2B, s0  }
0xbc: {  	[sflag:s0] =	ssyncadd.remote.s32 $0x1  }
0xbd: {  	_ =	sfence.sel $0xFFFF  }
0xbe: {  	[dreg:$0x0] =	wrdreg $0xFFFFFFFF;
	(pc) =	sbr.abs _section_cstart, $3  }
0xbf: {  	[dreg:$0x1] =	wrdreg $0xFFFFFFFF  }
0xc0: {  	_ =	task.clear_ibuf [dreg:s6], $0x2FFFF;
	_ =	strace $0x9FFFFFFF  }
0xc1: {  	(tm) =	ssettm $0x7FFFFFFF  }
tec
execute0_lowered:
.L_overlay_start_1:
0x0: {  	(tag) =	ssettag $0x1  }
0x1: {  	s0 =	srdreg.scid  }
0x2: {  	s1 =	stileid.u32;
	s4 =	rddreg [dreg:$0x0];
	s7 =	simm.s32 $0x7  }
0x3: {  	s8 =	simm.s32 $0x80;
	s9 =	simm.s32 $0x6800;
	s10 =	simm.s32 $0x48  }
0x4: {  	s11 =	simm.s32 $0x8800;
	s13 =	simm.s32 $0x9A00;
	s15 =	simm.s32 $0xBA00  }
0x5: {  	s26 =	simm.s32 $0x3C0;
	s28 =	simm.s32 $0x15000;
	s29 =	simm.s32 $0x1  }
0x6: {  	s30 =	simm.s32 $0x16200;
	s31 =	simm.s32 $0x18200;
	s12 =	simm.s32 $0x4  }
0x7: {  	s14 =	simm.s32 $0x5;
	s16 =	simm.s32 $0x6;
	s0 =	sand.u32 $0x1, s0  }
0x8: {  	s17 =	simm.s32 $0x19400;
	s1 =	sshll.u32 s1, $0x8;
	s2 =	sshll.u32 s0, $0x7  }
0x9: {  	s18 =	simm.s32 $0x0;
	s0 =	ssub.s32 $0x2, s0;
	s1 =	sor.u32 s2, s1  }
0xa: {  	s2 =	simm.s32 $0x0;
	s6 =	sshrl.u32 s0, $0x1;
	s3 =	smul.u32 $0x19, s1  }
0xb: {  	[smem:$0x7FF] =	sst s2;
	s1 =	sshll.u32 s1, $0x4;
	s0 =	ssub.s32 s0, s6  }
0xc: {  	_ =	strace $0x80000047;
	s1 =	sadd.s32 s1, s4;
	s6 =	smax.u32 s0, $0x1  }
0xd: {  	s0 =	simm.s32 $0x3;
	s5 =	sadd.s32 s3, s4;
	s3 =	sadd.s32 $0x19A00, s4  }
0xe: {  	s4 =	sadd.s32 $0xA00, s5;
	s5 =	sadd.s32 $0x819A00, s1;
	s1 =	simm.s32 $0x2  }
.LBB2_1:
0xf: {  	s19 =	simm.s32 $0x19  }
0x10: {  	s22 =	sadd.s32 $0x0, s4;
	s20 =	simm.s32 $0xD0;
	s21 =	simm.s32 $0x0  }
.LBB2_2:
0x11: {  	[tilespmem:s21], [sflag:$0x7] =	stream.linear.gather [hbm4b:s22+s2], $0xC8, $0x38;
	[tilespmem:$0x1D400] =	vst v63  }
0x12: {  	s22 =	smov.u32 s19;
	s21 =	smov.u32 s20;
	p0 =	sne.s32 s19, $0xC67  }
.Ltmp0:
0x13: {  	s19 =	sadd.s32 $0x19, s19;
	(pc) =	sbr.rel @p0 .LBB2_2-.Ltmp0, $2  }
0x14: {  	_ =	sdelay $0x2  }
0x15: {  	s20 =	sadd.s32 $0xD0, s20;
	s22 =	sadd.s32 s22, s4  }
0x16: {  	[tilespmem:s21], [sflag:$0x7] =	stream.linear.gather [hbm4b:s22+s2], $0xC8, $0x38;
	[tilespmem:$0x1D400] =	vst v63  }
0x17: {  	_ =	swait.ge [sflag:s7], $0x6400  }
0x18: {  	[sflag:s7] =	ssyncset.done $0x0  }
0x19: {  	s19 =	simm.s32 $0xC0;
	[sflag:s7] =	ssyncadd.s32 $0xFFFF9C00  }
0x1a: {  	v0 =	vld [tilespmem:s19+$0xFFFFFF40]  }
0x1b: {  	v1 =	vld [tilespmem:s19+$0xFFFFFF50]  }
0x1c: {  	v7 =	vld [tilespmem:s19+$0xFFFFFF70]  }
0x1d: {  	v10 =	vld [tilespmem:s19+$0xFFFFFF90];
	_ =	sdelay $0x1  }
0x1e: {  	v4 =	vld [tilespmem:s19+$0xFFFFFF60];
	v2 =	vshll.u32 v0, $0x1;
	v5 =	vand.u32 $0xFFFF8000, v0;
	v0 =	vshrl.u32 v0, $0xE  }
0x1f: {  	v6 =	vshll.u32 v1, $0x1;
	v8 =	vand.u32 $0xFFFF8000, v1;
	v1 =	vshrl.u32 v1, $0xE  }
0x20: {  	v9 =	vshll.u32 v7, $0x1;
	v11 =	vand.u32 $0xFFFF8000, v7;
	v7 =	vshrl.u32 v7, $0xE  }
0x21: {  	v12 =	vand.u32 $0xFFFF8000, v10;
	v2 =	vand.u32 $0x7FFE, v2;
	v0 =	vand.u32 $0x1, v0  }
0x22: {  	v3 =	vld [tilespmem:s19+$0xFFFFFFF0];
	v6 =	vand.u32 $0x7FFE, v6;
	v9 =	vand.u32 $0x7FFE, v9;
	v2 =	vor.u32 v5, v2  }
0x23: {  	v5 =	vor.u32 v8, v6;
	v6 =	vshll.u32 v4, $0x1;
	v0 =	vor.u32 v0, v2;
	v2 =	vld [tilespmem:s19+$0xFFFFFF80]  }
0x24: {  	v13 =	vld [tilespmem:s19+$0xFFFFFFC0];
	v7 =	vand.u32 $0x1, v7;
	v8 =	vand.u32 $0xFFFF8000, v4;
	v6 =	vand.u32 $0x7FFE, v6  }
0x25: {  	v4 =	vshrl.u32 v4, $0xE;
	v6 =	vor.u32 v8, v6;
	v8 =	vor.u32 v11, v9;
	v11 =	vld [tilespmem:s19+$0xFFFFFFA0]  }
0x26: {  	v1 =	vand.u32 $0x1, v1;
	v4 =	vand.u32 $0x1, v4;
	v7 =	vor.u32 v7, v8;
	v8 =	vld [tilespmem:s19+$0xFFFFFFB0]  }
0x27: {  	v1 =	vor.u32 v1, v5;
	v5 =	vshll.u32 v3, $0x1;
	v4 =	vor.u32 v4, v6  }
0x28: {  	v9 =	vshll.u32 v2, $0x1;
	v6 =	vand.u32 $0xFFFF8000, v2;
	v2 =	vshrl.u32 v2, $0xE  }
0x29: {  	[tilespmem:s19+$0xFFFFFF70] =	vst v7;
	v7 =	vand.u32 $0xFFFF8000, v13;
	v9 =	vand.u32 $0x7FFE, v9;
	v2 =	vand.u32 $0x1, v2  }
0x2a: {  	[tilespmem:s19+$0xFFFFFF40] =	vst v0;
	v0 =	vand.u32 $0xFFFF8000, v11;
	v6 =	vor.u32 v6, v9;
	v9 =	vshll.u32 v10, $0x1  }
0x2b: {  	v10 =	vshrl.u32 v10, $0xE;
	v15 =	vshll.u32 v8, $0x1;
	v16 =	vand.u32 $0xFFFF8000, v8  }
0x2c: {  	[tilespmem:s19+$0xFFFFFF50] =	vst v1;
	v8 =	vshrl.u32 v8, $0xE;
	v9 =	vand.u32 $0x7FFE, v9;
	v2 =	vor.u32 v2, v6  }
0x2d: {  	v14 =	vld [tilespmem:s19+$0xFFFFFFE0];
	[tilespmem:s19+$0xFFFFFF60] =	vst v4;
	v10 =	vand.u32 $0x1, v10;
	v1 =	vand.u32 $0x7FFE, v15;
	v4 =	vand.u32 $0x1, v8  }
0x2e: {  	v6 =	vld [tilespmem:s19+$0xFFFFFFD0];
	v9 =	vor.u32 v12, v9;
	v12 =	vshll.u32 v11, $0x1;
	v11 =	vshrl.u32 v11, $0xE  }
0x2f: {  	v1 =	vor.u32 v16, v1;
	v12 =	vand.u32 $0x7FFE, v12;
	v11 =	vand.u32 $0x1, v11  }
0x30: {  	v8 =	vor.u32 v10, v9;
	v1 =	vor.u32 v4, v1;
	v4 =	vshll.u32 v13, $0x1  }
0x31: {  	v9 =	vld [tilespmem:s19+$0x0];
	v10 =	vshrl.u32 v13, $0xE;
	v0 =	vor.u32 v0, v12;
	v4 =	vand.u32 $0x7FFE, v4  }
0x32: {  	[tilespmem:s19+$0xFFFFFF80] =	vst v2;
	v2 =	vand.u32 $0x1, v10;
	v0 =	vor.u32 v11, v0;
	v4 =	vor.u32 v7, v4  }
0x33: {  	[tilespmem:s19+$0xFFFFFF90] =	vst v8;
	v7 =	vshll.u32 v14, $0x1;
	v10 =	vshll.u32 v6, $0x1;
	v11 =	vand.u32 $0xFFFF8000, v6  }
0x34: {  	[tilespmem:s19+$0xFFFFFFB0] =	vst v1;
	v6 =	vshrl.u32 v6, $0xE;
	v1 =	vor.u32 v2, v4;
	v2 =	vand.u32 $0xFFFF8000, v14  }
0x35: {  	s20 =	simm.s32 $0x190;
	[tilespmem:s19+$0xFFFFFFA0] =	vst v0;
	v4 =	vand.u32 $0x7FFE, v7;
	v8 =	vand.u32 $0x7FFE, v10;
	v6 =	vand.u32 $0x1, v6  }
0x36: {  	v7 =	vld [tilespmem:s20+$0xFFFFFF40];
	v2 =	vor.u32 v2, v4;
	v0 =	vor.u32 v11, v8;
	v4 =	vshll.u32 v9, $0x1  }
0x37: {  	[tilespmem:s19+$0xFFFFFFC0] =	vst v1;
	v0 =	vor.u32 v6, v0;
	v6 =	vshrl.u32 v14, $0xE;
	v4 =	vand.u32 $0x7FFE, v4  }
0x38: {  	v8 =	vld [tilespmem:s20+$0xFFFFFF50];
	v1 =	vand.u32 $0x1, v6;
	v6 =	vand.u32 $0xFFFF8000, v9;
	v9 =	vshrl.u32 v9, $0xE  }
0x39: {  	[tilespmem:s19+$0xFFFFFFD0] =	vst v0;
	v0 =	vor.u32 v1, v2;
	v1 =	vor.u32 v6, v4;
	v4 =	vand.u32 $0x1, v9  }
0x3a: {  	v2 =	vld [tilespmem:s20+$0xFFFFFFF0];
	v6 =	vand.u32 $0xFFFF8000, v3;
	v3 =	vshrl.u32 v3, $0xE;
	[tilespmem:s19+$0xFFFFFFE0] =	vst v0;
	v1 =	vor.u32 v4, v1  }
0x3b: {  	v0 =	vand.u32 $0x7FFE, v5;
	v4 =	vshll.u32 v7, $0x1;
	v5 =	vshrl.u32 v7, $0xE;
	[tilespmem:s19+$0x0] =	vst v1  }
0x3c: {  	v0 =	vor.u32 v6, v0;
	v1 =	vand.u32 $0x1, v3;
	v3 =	vand.u32 $0xFFFF8000, v7;
	v6 =	vld [tilespmem:s20+$0xFFFFFF60]  }
0x3d: {  	v4 =	vand.u32 $0x7FFE, v4;
	v5 =	vand.u32 $0x1, v5;
	v7 =	vshll.u32 v8, $0x1;
	v9 =	vld [tilespmem:s20+$0xFFFFFF70]  }
0x3e: {  	v10 =	vand.u32 $0xFFFF8000, v8;
	v8 =	vshrl.u32 v8, $0xE;
	v7 =	vand.u32 $0x7FFE, v7  }
0x3f: {  	v3 =	vor.u32 v3, v4;
	v4 =	vor.u32 v10, v7;
	v7 =	vand.u32 $0x1, v8  }
0x40: {  	v11 =	vld [tilespmem:s20+$0xFFFFFF90];
	v8 =	vor.u32 v5, v3;
	v12 =	vor.u32 v7, v4;
	v3 =	vshll.u32 v2, $0x1  }
0x41: {  	v7 =	vld [tilespmem:s20+$0xFFFFFF80];
	v4 =	vand.u32 $0xFFFF8000, v6;
	v5 =	vshll.u32 v6, $0x1;
	v6 =	vshrl.u32 v6, $0xE  }
0x42: {  	v15 =	vld [tilespmem:s20+$0xFFFFFFC0];
	v10 =	vshll.u32 v9, $0x1;
	v13 =	vand.u32 $0xFFFF8000, v9;
	v9 =	vshrl.u32 v9, $0xE  }
0x43: {  	v5 =	vand.u32 $0x7FFE, v5;
	v6 =	vand.u32 $0x1, v6;
	v10 =	vand.u32 $0x7FFE, v10  }
0x44: {  	v9 =	vand.u32 $0x1, v9;
	v4 =	vor.u32 v4, v5;
	v10 =	vor.u32 v13, v10;
	v13 =	vld [tilespmem:s20+$0xFFFFFFB0]  }
0x45: {  	v14 =	vand.u32 $0xFFFF8000, v11;
	v5 =	vor.u32 v6, v4;
	v4 =	vor.u32 v9, v10;
	v9 =	vld [tilespmem:s20+$0xFFFFFFA0]  }
0x46: {  	v6 =	vshll.u32 v7, $0x1;
	v10 =	vand.u32 $0xFFFF8000, v7;
	v7 =	vshrl.u32 v7, $0xE  }
0x47: {  	[tilespmem:s20+$0xFFFFFF50] =	vst v12;
	v12 =	vand.u32 $0xFFFF8000, v15;
	v6 =	vand.u32 $0x7FFE, v6;
	v7 =	vand.u32 $0x1, v7  }
0x48: {  	v6 =	vor.u32 v10, v6;
	v10 =	vshll.u32 v11, $0x1;
	v11 =	vshrl.u32 v11, $0xE  }
0x49: {  	v10 =	vand.u32 $0x7FFE, v10;
	v6 =	vor.u32 v7, v6;
	v11 =	vand.u32 $0x1, v11  }
0x4a: {  	v7 =	vor.u32 v14, v10;
	v17 =	vshll.u32 v13, $0x1;
	v10 =	vshll.u32 v9, $0x1  }
0x4b: {  	v18 =	vand.u32 $0xFFFF8000, v13;
	v13 =	vshrl.u32 v13, $0xE;
	v62 =	vand.u32 $0x7FFE, v10;
	v10 =	vld [tilespmem:s20+$0xFFFFFFD0]  }
0x4c: {  	v14 =	vand.u32 $0xFFFF8000, v9;
	v9 =	vshrl.u32 v9, $0xE;
	v17 =	vand.u32 $0x7FFE, v17  }
0x4d: {  	v13 =	vand.u32 $0x1, v13;
	v11 =	vor.u32 v11, v7;
	v63 =	vor.u32 v18, v17  }
0x4e: {  	[tilespmem:s20+$0xFFFFFF40] =	vst v8;
	v8 =	vld [tilespmem:s20+$0xFFFFFFE0];
	v9 =	vand.u32 $0x1, v9;
	v14 =	vor.u32 v14, v62;
	v7 =	vor.u32 v13, v63  }
0x4f: {  	s21 =	simm.s32 $0x980;
	v13 =	vshll.u32 v15, $0x1;
	v9 =	vor.u32 v9, v14;
	v14 =	vshrl.u32 v15, $0xE  }
.LBB2_4:
0x50: {  	p0 =	sne.s32 s21, $0x19FC0;
	[tilespmem:s20+$0xFFFFFF60] =	vst v5;
	v5 =	vand.u32 $0x7FFE, v13;
	v13 =	vand.u32 $0x1, v14;
	v14 =	vshll.u32 v10, $0x1;
	v15 =	vld [tilespmem:s20+$0x0]  }
0x51: {  	[tilespmem:s20+$0xFFFFFF70] =	vst v4;
	v4 =	vand.u32 $0xFFFF8000, v10;
	v14 =	vand.u32 $0x7FFE, v14;
	v10 =	vshrl.u32 v10, $0xE  }
0x52: {  	v5 =	vor.u32 v12, v5;
	[tilespmem:s20+$0xFFFFFF80] =	vst v6;
	v4 =	vor.u32 v4, v14;
	v6 =	vand.u32 $0x1, v10  }
0x53: {  	v5 =	vor.u32 v13, v5;
	[tilespmem:s20+$0xFFFFFF90] =	vst v11;
	v4 =	vor.u32 v6, v4;
	v6 =	vshll.u32 v8, $0x1  }
0x54: {  	[tilespmem:s20+$0xFFFFFFA0] =	vst v9;
	v9 =	vand.u32 $0xFFFF8000, v8;
	v6 =	vand.u32 $0x7FFE, v6;
	v8 =	vshrl.u32 v8, $0xE  }
0x55: {  	s22 =	sshra.s32 s21, $0x2;
	[tilespmem:s20+$0xFFFFFFB0] =	vst v7;
	v6 =	vor.u32 v9, v6;
	v7 =	vand.u32 $0x1, v8;
	v8 =	vshll.u32 v15, $0x1  }
0x56: {  	v10 =	vshrl.u32 v15, $0xE;
	v9 =	vld [tilespmem:s22+$0xFFFFFF40];
	[tilespmem:s20+$0xFFFFFFC0] =	vst v5;
	v5 =	vand.u32 $0xFFFF8000, v15;
	v8 =	vand.u32 $0x7FFE, v8  }
0x57: {  	v11 =	vld [tilespmem:s22+$0xFFFFFF50];
	[tilespmem:s20+$0xFFFFFFD0] =	vst v4;
	v4 =	vor.u32 v7, v6;
	v5 =	vor.u32 v5, v8;
	v6 =	vand.u32 $0x1, v10  }
0x58: {  	v3 =	vand.u32 $0x7FFE, v3;
	v7 =	vld [tilespmem:s22+$0xFFFFFFF0];
	[tilespmem:s20+$0xFFFFFFE0] =	vst v4;
	v4 =	vand.u32 $0xFFFF8000, v2;
	v5 =	vor.u32 v6, v5  }
0x59: {  	v2 =	vshrl.u32 v2, $0xE;
	[tilespmem:s20+$0x0] =	vst v5;
	v5 =	vor.u32 v1, v0;
	v0 =	vor.u32 v4, v3  }
0x5a: {  	v1 =	vand.u32 $0x1, v2;
	[tilespmem:s19+$0xFFFFFFF0] =	vst v5;
	s19 =	smov.u32 s20;
	s20 =	smov.u32 s22  }
0x5b: {  	v3 =	vand.u32 $0xFFFF8000, v9;
	v13 =	vshll.u32 v9, $0x1;
	v4 =	vshrl.u32 v9, $0xE;
	v5 =	vld [tilespmem:s20+$0xFFFFFF60]  }
0x5c: {  	v6 =	vand.u32 $0x7FFE, v13;
	v4 =	vand.u32 $0x1, v4;
	v12 =	vshll.u32 v11, $0x1;
	v8 =	vld [tilespmem:s20+$0xFFFFFF70]  }
0x5d: {  	v9 =	vand.u32 $0xFFFF8000, v11;
	v11 =	vshrl.u32 v11, $0xE;
	v10 =	vand.u32 $0x7FFE, v12;
	v2 =	vmovc v7  }
0x5e: {  	v3 =	vor.u32 v3, v6;
	v7 =	vand.u32 $0x1, v11;
	v6 =	vor.u32 v9, v10  }
0x5f: {  	v9 =	vor.u32 v4, v3;
	v3 =	vshll.u32 v2, $0x1;
	v12 =	vor.u32 v7, v6;
	v6 =	vld [tilespmem:s20+$0xFFFFFF80]  }
0x60: {  	v4 =	vand.u32 $0xFFFF8000, v5;
	v7 =	vshll.u32 v5, $0x1;
	v5 =	vshrl.u32 v5, $0xE  }
0x61: {  	v7 =	vand.u32 $0x7FFE, v7;
	v5 =	vand.u32 $0x1, v5;
	v10 =	vshll.u32 v8, $0x1;
	v11 =	vld [tilespmem:s20+$0xFFFFFF90]  }
0x62: {  	v13 =	vand.u32 $0xFFFF8000, v8;
	v8 =	vshrl.u32 v8, $0xE;
	v10 =	vand.u32 $0x7FFE, v10  }
0x63: {  	v4 =	vor.u32 v4, v7;
	v8 =	vand.u32 $0x1, v8;
	v7 =	vor.u32 v13, v10  }
0x64: {  	v5 =	vor.u32 v5, v4;
	v4 =	vor.u32 v8, v7;
	v7 =	vshll.u32 v6, $0x1;
	v8 =	vld [tilespmem:s20+$0xFFFFFFA0]  }
0x65: {  	v10 =	vand.u32 $0xFFFF8000, v6;
	v6 =	vshrl.u32 v6, $0xE;
	v7 =	vand.u32 $0x7FFE, v7;
	v13 =	vld [tilespmem:s20+$0xFFFFFFB0]  }
0x66: {  	v6 =	vand.u32 $0x1, v6;
	v7 =	vor.u32 v10, v7;
	v10 =	vshll.u32 v11, $0x1  }
0x67: {  	v14 =	vand.u32 $0xFFFF8000, v11;
	v11 =	vshrl.u32 v11, $0xE;
	v10 =	vand.u32 $0x7FFE, v10  }
0x68: {  	v6 =	vor.u32 v6, v7;
	v11 =	vand.u32 $0x1, v11;
	v7 =	vor.u32 v14, v10  }
0x69: {  	v14 =	vand.u32 $0xFFFF8000, v8;
	v10 =	vshll.u32 v8, $0x1;
	v8 =	vshrl.u32 v8, $0xE;
	v15 =	vld [tilespmem:s20+$0xFFFFFFC0]  }
.Ltmp1:
0x6a: {  	v16 =	vand.u32 $0x7FFE, v10;
	v8 =	vand.u32 $0x1, v8;
	v17 =	vshll.u32 v13, $0x1;
	v10 =	vld [tilespmem:s20+$0xFFFFFFD0];
	(pc) =	sbr.rel @p0 .LBB2_4-.Ltmp1, $4  }
0x6b: {  	v18 =	vand.u32 $0xFFFF8000, v13;
	v13 =	vshrl.u32 v13, $0xE;
	v17 =	vand.u32 $0x7FFE, v17  }
0x6c: {  	v14 =	vor.u32 v14, v16;
	v13 =	vand.u32 $0x1, v13;
	v16 =	vor.u32 v18, v17  }
0x6d: {  	v11 =	vor.u32 v11, v7;
	[tilespmem:s20+$0xFFFFFF40] =	vst v9;
	v9 =	vor.u32 v8, v14;
	v7 =	vor.u32 v13, v16;
	v8 =	vld [tilespmem:s20+$0xFFFFFFE0]  }
0x6e: {  	s21 =	sadd.s32 $0x340, s21;
	[tilespmem:s20+$0xFFFFFF50] =	vst v12;
	v12 =	vand.u32 $0xFFFF8000, v15;
	v13 =	vshll.u32 v15, $0x1;
	v14 =	vshrl.u32 v15, $0xE  }
0x6f: {  	v44 =	vand.u32 $0x7FFE, v13  }
0x70: {  	[tilespmem:s20+$0xFFFFFF60] =	vst v5;
	v45 =	vand.u32 $0x1, v14;
	v46 =	vshll.u32 v10, $0x1;
	v15 =	vld [tilespmem:s20+$0x0];
	v16 =	vand.u32 $0xFFFF8000, v10  }
0x71: {  	[tilespmem:s20+$0xFFFFFF70] =	vst v4;
	v48 =	vshrl.u32 v10, $0xE;
	v60 =	vand.u32 $0xFFFF8000, v2;
	v47 =	vand.u32 $0x7FFE, v46  }
0x72: {  	[tilespmem:s20+$0xFFFFFF80] =	vst v6;
	v5 =	vor.u32 v12, v44;
	v49 =	vand.u32 $0x1, v48;
	v4 =	vor.u32 v16, v47  }
0x73: {  	[tilespmem:s20+$0xFFFFFF90] =	vst v11;
	v5 =	vor.u32 v45, v5;
	v50 =	vshll.u32 v8, $0x1;
	v51 =	vand.u32 $0xFFFF8000, v8  }
0x74: {  	[tilespmem:s20+$0xFFFFFFA0] =	vst v9;
	v4 =	vor.u32 v49, v4;
	v52 =	vshrl.u32 v8, $0xE;
	v10 =	vand.u32 $0x7FFE, v50  }
0x75: {  	[tilespmem:s20+$0xFFFFFFB0] =	vst v7;
	v6 =	vand.u32 $0x1, v52;
	v53 =	vor.u32 v51, v10;
	v54 =	vshll.u32 v15, $0x1  }
0x76: {  	[tilespmem:s20+$0xFFFFFFC0] =	vst v5;
	v55 =	vand.u32 $0xFFFF8000, v15;
	v57 =	vshrl.u32 v15, $0xE;
	v56 =	vand.u32 $0x7FFE, v54  }
0x77: {  	[tilespmem:s20+$0xFFFFFFD0] =	vst v4;
	v6 =	vor.u32 v6, v53;
	v59 =	vand.u32 $0x1, v57;
	v58 =	vor.u32 v55, v56  }
0x78: {  	v3 =	vand.u32 $0x7FFE, v3;
	v61 =	vshrl.u32 v2, $0xE;
	[tilespmem:s20+$0xFFFFFFE0] =	vst v6;
	v4 =	vor.u32 v59, v58  }
0x79: {  	v0 =	vor.u32 v1, v0;
	v3 =	vor.u32 v60, v3;
	v62 =	vand.u32 $0x1, v61;
	[tilespmem:s20+$0x0] =	vst v4  }
0x7a: {  	v63 =	vor.u32 v62, v3;
	[tilespmem:s19+$0xFFFFFFF0] =	vst v0  }
0x7b: {  	s19 =	simm.s32 $0x0;
	[tilespmem:s20+$0xFFFFFFF0] =	vst v63  }
0x7c: {  	[tilespmem:s9], [sflag:$0x1] =	stream.indirect.gather [hbm4b:s3+s8], $0x40, s19, s8, $0xb8;
	[tilespmem:$0x1D400] =	vst v63  }
0x7d: {  	_ = 	snop  }
0x7e: {  	[tilespmem:s11], [sflag:$0x1] =	stream.indirect.gather [hbm4b:s3+s10], $0x40, s8, s10, $0xb8;
	[tilespmem:$0x1D400] =	vst v63  }
0x7f: {  	s23 =	simm.s32 $0xD0  }
0x80: {  	[tilespmem:s13], [sflag:$0x2] =	stream.indirect.gather [hbm4b:s3+s8], $0x40, s23, s8, $0xb8;
	[tilespmem:$0x1D400] =	vst v63  }
0x81: {  	s24 =	simm.s32 $0x150  }
0x82: {  	[tilespmem:s15], [sflag:$0x2] =	stream.indirect.gather [hbm4b:s3+s10], $0x40, s24, s10, $0xb8;
	[tilespmem:$0x1D400] =	vst v63  }
0x83: {  	s25 =	simm.s32 $0x1A0;
	s21 =	simm.s32 $0xCC00  }
0x84: {  	[tilespmem:s21], [sflag:$0x3] =	stream.indirect.gather [hbm4b:s3+s8], $0x40, s25, s8, $0xb8;
	[tilespmem:$0x1D400] =	vst v63  }
0x85: {  	s22 =	simm.s32 $0x220;
	s23 =	simm.s32 $0xEC00  }
0x86: {  	[tilespmem:s23], [sflag:$0x3] =	stream.indirect.gather [hbm4b:s3+s10], $0x40, s22, s10, $0xb8;
	[tilespmem:$0x1D400] =	vst v63  }
0x87: {  	s24 =	simm.s32 $0x270;
	s25 =	simm.s32 $0xFE00  }
0x88: {  	[tilespmem:s25], [sflag:$0x4] =	stream.indirect.gather [hbm4b:s3+s8], $0x40, s24, s8, $0xb8;
	[tilespmem:$0x1D400] =	vst v63  }
0x89: {  	s22 =	simm.s32 $0x2F0;
	s23 =	simm.s32 $0x11E00  }
0x8a: {  	[tilespmem:s23], [sflag:$0x4] =	stream.indirect.gather [hbm4b:s3+s10], $0x40, s22, s10, $0xb8;
	[tilespmem:$0x1D400] =	vst v63  }
0x8b: {  	s24 =	simm.s32 $0x340;
	s25 =	simm.s32 $0x13000  }
0x8c: {  	[tilespmem:s25], [sflag:$0x5] =	stream.indirect.gather [hbm4b:s3+s8], $0x40, s24, s8, $0xb8;
	[tilespmem:$0x1D400] =	vst v63  }
0x8d: {  	_ = 	snop  }
0x8e: {  	[tilespmem:s28], [sflag:$0x5] =	stream.indirect.gather [hbm4b:s3+s10], $0x40, s26, s10, $0xb8;
	[tilespmem:$0x1D400] =	vst v63  }
.LBB2_6:
0x8f: {  	s20 =	smul.u32 $0x6, s19;
	_ =	swait.ge [sflag:s29], $0x2000  }
0x90: {  	[sflag:s29] =	ssyncset.done $0x0  }
0x91: {  	[sflag:s29] =	ssyncadd.s32 $0xFFFFE000;
	s20 =	sadd.s32 $0x5, s20  }
0x92: {  	_ =	swait.ge [sflag:s29], $0x1200;
	s21 =	smul.u32 $0x340, s20  }
0x93: {  	[sflag:s29] =	ssyncset.done $0x0  }
0x94: {  	[sflag:s29] =	ssyncadd.s32 $0xFFFFEE00;
	s21 =	sshra.s32 s21, $0x2  }
0x95: {  	[tilespmem:s30], [sflag:$0x6] =	stream.indirect.gather [hbm4b:s3+s8], $0x40, s21, s8, $0xb8;
	[tilespmem:$0x1D400] =	vst v63  }
0x96: {  	s21 =	sadd.s32 $0x80, s21  }
0x97: {  	[tilespmem:s31], [sflag:$0x6] =	stream.indirect.gather [hbm4b:s3+s10], $0x40, s21, s10, $0xb8;
	[tilespmem:$0x1D400] =	vst v63  }
0x98: {  	v0 =	vld [tilespmem:$0x6800]  }
0x99: {  	v2 =	vld [tilespmem:$0x6810]  }
0x9a: {  	v12 =	vld [tilespmem:$0x6820]  }
0x9b: {  	s22 =	simm.s32 $0x6920;
	v13 =	vld [tilespmem:$0x6830]  }
0x9c: {  	v1 =	vld [tilespmem:s22+$0xE0]  }
0x9d: {  	v3 =	vld [tilespmem:s22+$0xF0]  }
0x9e: {  	v4 =	vld [tilespmem:s22+$0xA0]  }
0x9f: {  	v11 =	vld [tilespmem:s22+$0xB0]  }
0xa0: {  	v5 =	vld [tilespmem:s22+$0x60]  }
0xa1: {  	v10 =	vld [tilespmem:s22+$0x70]  }
0xa2: {  	v6 =	vld [tilespmem:s22+$0x20]  }
0xa3: {  	v14 =	vld [tilespmem:s22+$0x30]  }
0xa4: {  	v7 =	vld [tilespmem:s22+$0xFFFFFF20]  }
0xa5: {  	v8 =	vld [tilespmem:s22+$0xFFFFFF60]  }
0xa6: {  	v9 =	vld [tilespmem:s22+$0xFFFFFFA0]  }
0xa7: {  	v15 =	vld [tilespmem:s22+$0xFFFFFFE0]  }
0xa8: {  	v16 =	vld [tilespmem:s22+$0xFFFFFFF0]  }
0xa9: {  	v18 =	vld [tilespmem:s22+$0xFFFFFFB0];
	v17 =	vmin.f32 v0, v7  }
0xaa: {  	v19 =	vld [tilespmem:s22+$0xFFFFFF40];
	v0 =	vmax.f32 v0, v7;
	v7 =	vmin.f32 v17, v8  }
0xab: {  	v0 =	vmax.f32 v0, v8;
	v8 =	vld [tilespmem:s22+$0xFFFFFF70];
	v7 =	vmin.f32 v7, v9  }
0xac: {  	v17 =	vld [tilespmem:s22+$0xFFFFFF30];
	v0 =	vmax.f32 v0, v9;
	v7 =	vmin.f32 v7, v15  }
0xad: {  	v0 =	vmax.f32 v0, v15;
	v15 =	vld [tilespmem:s22+$0xFFFFFF80];
	v7 =	vmin.f32 v7, v6  }
0xae: {  	v20 =	vld [tilespmem:s22+$0xFFFFFFC0];
	v0 =	vmax.f32 v0, v6;
	v7 =	vmin.f32 v7, v5  }
0xaf: {  	v6 =	vld [tilespmem:s22+$0x0];
	v0 =	vmax.f32 v0, v5;
	v7 =	vmin.f32 v7, v4  }
0xb0: {  	v9 =	vmin.f32 v12, v19;
	v5 =	vld [tilespmem:s22+$0x40];
	v4 =	vmax.f32 v0, v4;
	v0 =	vmin.f32 v7, v1  }
0xb1: {  	v1 =	vmax.f32 v4, v1;
	v4 =	vmin.f32 v2, v17;
	v2 =	vmax.f32 v2, v17;
	v7 =	vld [tilespmem:s22+$0x80]  }
0xb2: {  	v4 =	vmin.f32 v4, v8;
	v2 =	vmax.f32 v2, v8;
	v9 =	vmin.f32 v9, v15;
	v8 =	vld [tilespmem:s22+$0xC0]  }
0xb3: {  	v4 =	vmin.f32 v4, v18;
	v2 =	vmax.f32 v2, v18;
	v17 =	vmin.f32 v9, v20;
	v9 =	vld [tilespmem:s22+$0x100]  }
0xb4: {  	v18 =	vld [tilespmem:s22+$0xFFFFFF50];
	v4 =	vmin.f32 v4, v16;
	v2 =	vmax.f32 v2, v16;
	v16 =	vmin.f32 v17, v6  }
0xb5: {  	v17 =	vld [tilespmem:s22+$0xFFFFFF90];
	v4 =	vmin.f32 v4, v14;
	v2 =	vmax.f32 v2, v14;
	v14 =	vmin.f32 v16, v5  }
0xb6: {  	v21 =	vld [tilespmem:s22+$0xFFFFFFD0];
	v4 =	vmin.f32 v4, v10;
	v2 =	vmax.f32 v2, v10;
	v14 =	vmin.f32 v14, v7  }
0xb7: {  	v10 =	vld [tilespmem:s22+$0x10];
	v4 =	vmin.f32 v4, v11;
	v16 =	vmax.f32 v2, v11;
	v14 =	vmin.f32 v14, v8  }
0xb8: {  	v11 =	vld [tilespmem:s22+$0x50];
	v2 =	vmin.f32 v4, v3;
	v3 =	vmax.f32 v16, v3;
	v4 =	vmin.f32 v14, v9  }
0xb9: {  	v14 =	vmax.f32 v12, v19;
	v16 =	vmin.f32 v13, v18;
	v13 =	vmax.f32 v13, v18;
	v12 =	vld [tilespmem:s22+$0x90]  }
0xba: {  	v14 =	vmax.f32 v14, v15;
	v15 =	vmin.f32 v16, v17;
	v18 =	vmax.f32 v13, v17;
	v13 =	vld [tilespmem:s22+$0xD0]  }
0xbb: {  	s21 =	simm.s32 $0x1;
	v16 =	vmax.f32 v14, v20;
	v17 =	vmin.f32 v15, v21;
	v15 =	vmax.f32 v18, v21;
	v14 =	vld [tilespmem:s22+$0x110];
	s22 =	simm.s32 $0x6B20  }
.LBB2_7:
0xbc: {  	v18 =	vld [tilespmem:s22+$0xE0];
	v6 =	vmax.f32 v16, v6;
	v16 =	vmin.f32 v17, v10;
	v10 =	vmax.f32 v15, v10  }
0xbd: {  	v15 =	vld [tilespmem:s22+$0xF0];
	v5 =	vmax.f32 v6, v5;
	v6 =	vmin.f32 v16, v11;
	v10 =	vmax.f32 v10, v11  }
0xbe: {  	v11 =	vld [tilespmem:s22+$0xA0];
	v5 =	vmax.f32 v5, v7;
	v6 =	vmin.f32 v6, v12;
	v7 =	vmax.f32 v10, v12  }
0xbf: {  	v12 =	vld [tilespmem:s22+$0xB0];
	v5 =	vmax.f32 v5, v8;
	v6 =	vmin.f32 v6, v13;
	v7 =	vmax.f32 v7, v13  }
0xc0: {  	v8 =	vld [tilespmem:s22+$0x60];
	v13 =	vmax.f32 v5, v9;
	v16 =	vmin.f32 v6, v14;
	v14 =	vmax.f32 v7, v14  }
0xc1: {  	v10 =	vld [tilespmem:s22+$0x70]  }
0xc2: {  	v5 =	vld [tilespmem:s22+$0x20]  }
0xc3: {  	v17 =	vld [tilespmem:s22+$0x30]  }
0xc4: {  	v6 =	vld [tilespmem:s22+$0xFFFFFF20]  }
0xc5: {  	v7 =	vld [tilespmem:s22+$0xFFFFFF60]  }
0xc6: {  	v9 =	vld [tilespmem:s22+$0xFFFFFFA0]  }
0xc7: {  	v19 =	vld [tilespmem:s22+$0xFFFFFFE0]  }
0xc8: {  	v20 =	vld [tilespmem:s22+$0xFFFFFFF0]  }
0xc9: {  	v0 =	vmin.f32 v0, v6;
	v1 =	vmax.f32 v1, v6;
	v21 =	vld [tilespmem:s22+$0xFFFFFFB0]  }
0xca: {  	v0 =	vmin.f32 v0, v7;
	v1 =	vmax.f32 v1, v7;
	v22 =	vld [tilespmem:s22+$0xFFFFFF70]  }
0xcb: {  	v7 =	vld [tilespmem:s22+$0xFFFFFF30];
	v0 =	vmin.f32 v0, v9;
	v1 =	vmax.f32 v1, v9  }
0xcc: {  	v23 =	vld [tilespmem:s22+$0xFFFFFF40];
	v0 =	vmin.f32 v0, v19;
	v1 =	vmax.f32 v1, v19  }
0xcd: {  	v19 =	vld [tilespmem:s22+$0xFFFFFF80];
	v0 =	vmin.f32 v0, v5;
	v1 =	vmax.f32 v1, v5  }
0xce: {  	v24 =	vld [tilespmem:s22+$0xFFFFFFC0];
	v0 =	vmin.f32 v0, v8;
	v1 =	vmax.f32 v1, v8  }
0xcf: {  	v6 =	vld [tilespmem:s22+$0x0];
	v0 =	vmin.f32 v0, v11;
	v1 =	vmax.f32 v1, v11  }
0xd0: {  	v5 =	vld [tilespmem:s22+$0x40];
	v0 =	vmin.f32 v0, v18;
	v1 =	vmax.f32 v1, v18  }
0xd1: {  	v2 =	vmin.f32 v2, v7;
	v3 =	vmax.f32 v3, v7;
	v4 =	vmin.f32 v4, v23;
	v7 =	vld [tilespmem:s22+$0x80]  }
0xd2: {  	v2 =	vmin.f32 v2, v22;
	v3 =	vmax.f32 v3, v22;
	v4 =	vmin.f32 v4, v19;
	v8 =	vld [tilespmem:s22+$0xC0]  }
0xd3: {  	v2 =	vmin.f32 v2, v21;
	v3 =	vmax.f32 v3, v21;
	v4 =	vmin.f32 v4, v24;
	v9 =	vld [tilespmem:s22+$0x100]  }
0xd4: {  	s21 =	sadd.s32 $0x8, s21;
	v2 =	vmin.f32 v2, v20;
	v3 =	vmax.f32 v3, v20;
	v18 =	vld [tilespmem:s22+$0xFFFFFF50];
	v4 =	vmin.f32 v4, v6  }
0xd5: {  	p0 =	slt.u32 s21, $0xB9;
	v2 =	vmin.f32 v2, v17;
	v3 =	vmax.f32 v3, v17;
	v20 =	vld [tilespmem:s22+$0xFFFFFF90];
	v4 =	vmin.f32 v4, v5  }
0xd6: {  	v2 =	vmin.f32 v2, v10;
	v3 =	vmax.f32 v3, v10;
	v21 =	vld [tilespmem:s22+$0xFFFFFFD0];
	v4 =	vmin.f32 v4, v7  }
.Ltmp2:
0xd7: {  	v2 =	vmin.f32 v2, v12;
	v3 =	vmax.f32 v3, v12;
	v10 =	vld [tilespmem:s22+$0x10];
	v4 =	vmin.f32 v4, v8;
	(pc) =	sbr.rel @p0 .LBB2_7-.Ltmp2, $4  }
0xd8: {  	v2 =	vmin.f32 v2, v15;
	v3 =	vmax.f32 v3, v15;
	v11 =	vld [tilespmem:s22+$0x50];
	v4 =	vmin.f32 v4, v9  }
0xd9: {  	v13 =	vmax.f32 v13, v23;
	v15 =	vmin.f32 v16, v18;
	v14 =	vmax.f32 v14, v18;
	v12 =	vld [tilespmem:s22+$0x90]  }
0xda: {  	v16 =	vmax.f32 v13, v19;
	v15 =	vmin.f32 v15, v20;
	v14 =	vmax.f32 v14, v20;
	v13 =	vld [tilespmem:s22+$0xD0]  }
0xdb: {  	v16 =	vmax.f32 v16, v24;
	v17 =	vmin.f32 v15, v21;
	v15 =	vmax.f32 v14, v21;
	v14 =	vld [tilespmem:s22+$0x110];
	s22 =	sadd.s32 $0x200, s22  }
0xdc: {  	v18 =	vld [tilespmem:$0x9840]  }
0xdd: {  	v19 =	vld [tilespmem:$0x9850]  }
0xde: {  	v20 =	vld [tilespmem:$0x9860]  }
0xdf: {  	v21 =	vld [tilespmem:$0x9870]  }
0xe0: {  	v22 =	vld [tilespmem:$0x9880]  }
0xe1: {  	v23 =	vld [tilespmem:$0x9890]  }
0xe2: {  	v24 =	vld [tilespmem:$0x98A0]  }
0xe3: {  	v25 =	vld [tilespmem:$0x98B0]  }
0xe4: {  	v26 =	vld [tilespmem:$0x98C0]  }
0xe5: {  	v27 =	vld [tilespmem:$0x98D0];
	v6 =	vmax.f32 v16, v6;
	v16 =	vmin.f32 v17, v10  }
0xe6: {  	v17 =	vld [tilespmem:$0x98E0];
	v10 =	vmax.f32 v15, v10;
	v5 =	vmax.f32 v6, v5;
	v6 =	vmin.f32 v16, v11  }
0xe7: {  	v15 =	vld [tilespmem:$0x98F0];
	v10 =	vmax.f32 v10, v11;
	v5 =	vmax.f32 v5, v7;
	v6 =	vmin.f32 v6, v12  }
0xe8: {  	v11 =	vld [tilespmem:$0x9930];
	v10 =	vmax.f32 v10, v12;
	v5 =	vmax.f32 v5, v8;
	v6 =	vmin.f32 v6, v13  }
0xe9: {  	v16 =	vld [tilespmem:$0x9970];
	v10 =	vmax.f32 v10, v13;
	v5 =	vmax.f32 v5, v9;
	v6 =	vmin.f32 v6, v14  }
0xea: {  	v7 =	vld [tilespmem:$0x9900];
	v10 =	vmax.f32 v10, v14;
	v0 =	vmin.f32 v0, v18;
	v1 =	vmax.f32 v1, v18  }
0xeb: {  	v12 =	vld [tilespmem:$0x9940];
	v2 =	vmin.f32 v2, v19;
	v3 =	vmax.f32 v3, v19;
	v4 =	vmin.f32 v4, v20  }
0xec: {  	v8 =	vld [tilespmem:$0x9910];
	v5 =	vmax.f32 v5, v20;
	v6 =	vmin.f32 v6, v21;
	v10 =	vmax.f32 v10, v21  }
0xed: {  	v13 =	vld [tilespmem:$0x9950];
	v0 =	vmin.f32 v0, v22;
	v1 =	vmax.f32 v1, v22;
	v2 =	vmin.f32 v2, v23  }
0xee: {  	v9 =	vld [tilespmem:$0x9920];
	v3 =	vmax.f32 v3, v23;
	v4 =	vmin.f32 v4, v24;
	v5 =	vmax.f32 v5, v24  }
0xef: {  	v14 =	vld [tilespmem:$0x9960];
	v6 =	vmin.f32 v6, v25;
	v10 =	vmax.f32 v10, v25;
	v0 =	vmin.f32 v0, v26  }
0xf0: {  	v18 =	vld [tilespmem:$0x9980];
	v1 =	vmax.f32 v1, v26;
	v2 =	vmin.f32 v2, v27;
	v3 =	vmax.f32 v3, v27  }
0xf1: {  	v4 =	vmin.f32 v4, v17;
	v5 =	vmax.f32 v5, v17;
	v6 =	vmin.f32 v6, v15;
	v17 =	vld [tilespmem:$0x99C0]  }
0xf2: {  	v19 =	vld [tilespmem:$0x9990];
	v10 =	vmax.f32 v10, v15;
	v0 =	vmin.f32 v0, v7;
	v1 =	vmax.f32 v1, v7  }
0xf3: {  	v2 =	vmin.f32 v2, v8;
	v3 =	vmax.f32 v3, v8;
	v8 =	vld [tilespmem:$0x99D0];
	v6 =	vmin.f32 v6, v11  }
0xf4: {  	s21 =	smul.u32 $0xC00, s19;
	v7 =	vld [tilespmem:$0x99A0];
	v10 =	vmax.f32 v10, v11;
	v4 =	vmin.f32 v4, v9;
	v0 =	vmin.f32 v0, v12  }
0xf5: {  	v11 =	vld [tilespmem:$0x99E0];
	v5 =	vmax.f32 v5, v9;
	v1 =	vmax.f32 v1, v12;
	v0 =	vmin.f32 v0, v18  }
0xf6: {  	s21 =	sshra.s32 s21, $0x2;
	v9 =	vld [tilespmem:$0x99B0];
	v2 =	vmin.f32 v2, v13;
	v1 =	vmax.f32 v1, v18;
	v0 =	vmin.f32 v0, v17  }
0xf7: {  	v12 =	vld [tilespmem:$0x99F0];
	v3 =	vmax.f32 v3, v13;
	v2 =	vmin.f32 v2, v19;
	v1 =	vmax.f32 v1, v17;
	[tilespmem:s21+$0x19400] =	vst v0  }
0xf8: {  	v3 =	vmax.f32 v3, v19;
	v0 =	vmin.f32 v4, v14;
	v2 =	vmin.f32 v2, v8;
	[tilespmem:s21+$0x19440] =	vst v1  }
0xf9: {  	v1 =	vmax.f32 v5, v14;
	v3 =	vmax.f32 v3, v8;
	v0 =	vmin.f32 v0, v7;
	[tilespmem:s21+$0x19410] =	vst v2  }
0xfa: {  	v2 =	vmin.f32 v6, v16;
	v1 =	vmax.f32 v1, v7;
	[tilespmem:s21+$0x19450] =	vst v3;
	v0 =	vmin.f32 v0, v11  }
0xfb: {  	v3 =	vmax.f32 v10, v16;
	v2 =	vmin.f32 v2, v9;
	v1 =	vmax.f32 v1, v11;
	[tilespmem:s21+$0x19420] =	vst v0  }
0xfc: {  	v0 =	vmax.f32 v3, v9;
	v2 =	vmin.f32 v2, v12;
	[tilespmem:s21+$0x19460] =	vst v1  }
0xfd: {  	v0 =	vmax.f32 v0, v12;
	[tilespmem:s21+$0x19430] =	vst v2  }
0xfe: {  	[tilespmem:s21+$0x19470] =	vst v0  }
0xff: {  	_ =	swait.ge [sflag:s1], $0x2000  }
0x100: {  	[sflag:s1] =	ssyncset.done $0x0  }
0x101: {  	s22 =	smul.u32 $0x1380, s19;
	[sflag:s1] =	ssyncadd.s32 $0xFFFFE000  }
0x102: {  	_ =	swait.ge [sflag:s1], $0x1200  }
0x103: {  	s22 =	sshra.s32 s22, $0x2;
	[sflag:s1] =	ssyncset.done $0x0  }
0x104: {  	s23 =	sadd.s32 $0x4E0, s22;
	[sflag:s1] =	ssyncadd.s32 $0xFFFFEE00  }
0x105: {  	[tilespmem:s9], [sflag:$0x1] =	stream.indirect.gather [hbm4b:s3+s8], $0x40, s23, s8, $0xb8;
	[tilespmem:$0x1D400] =	vst v63  }
0x106: {  	s25 =	sadd.s32 $0x560, s22  }
0x107: {  	[tilespmem:s11], [sflag:$0x1] =	stream.indirect.gather [hbm4b:s3+s10], $0x40, s25, s10, $0xb8;
	[tilespmem:$0x1D400] =	vst v63  }
0x108: {  	v0 =	vld [tilespmem:$0x9A00]  }
0x109: {  	v2 =	vld [tilespmem:$0x9A10]  }
0x10a: {  	v12 =	vld [tilespmem:$0x9A20]  }
0x10b: {  	s24 =	simm.s32 $0x9B20;
	v13 =	vld [tilespmem:$0x9A30]  }
0x10c: {  	v1 =	vld [tilespmem:s24+$0xE0]  }
0x10d: {  	v3 =	vld [tilespmem:s24+$0xF0]  }
0x10e: {  	v4 =	vld [tilespmem:s24+$0xA0]  }
0x10f: {  	v11 =	vld [tilespmem:s24+$0xB0]  }
0x110: {  	v5 =	vld [tilespmem:s24+$0x60]  }
0x111: {  	v10 =	vld [tilespmem:s24+$0x70]  }
0x112: {  	v6 =	vld [tilespmem:s24+$0x20]  }
0x113: {  	v14 =	vld [tilespmem:s24+$0x30]  }
0x114: {  	v7 =	vld [tilespmem:s24+$0xFFFFFF20]  }
0x115: {  	v8 =	vld [tilespmem:s24+$0xFFFFFF60]  }
0x116: {  	v9 =	vld [tilespmem:s24+$0xFFFFFFA0]  }
0x117: {  	v15 =	vld [tilespmem:s24+$0xFFFFFFE0]  }
0x118: {  	v16 =	vld [tilespmem:s24+$0xFFFFFFF0]  }
0x119: {  	v18 =	vld [tilespmem:s24+$0xFFFFFFB0];
	v17 =	vmin.f32 v0, v7  }
0x11a: {  	v19 =	vld [tilespmem:s24+$0xFFFFFF40];
	v0 =	vmax.f32 v0, v7;
	v7 =	vmin.f32 v17, v8  }
0x11b: {  	v0 =	vmax.f32 v0, v8;
	v8 =	vld [tilespmem:s24+$0xFFFFFF70];
	v7 =	vmin.f32 v7, v9  }
0x11c: {  	v17 =	vld [tilespmem:s24+$0xFFFFFF30];
	v0 =	vmax.f32 v0, v9;
	v7 =	vmin.f32 v7, v15  }
0x11d: {  	v0 =	vmax.f32 v0, v15;
	v15 =	vld [tilespmem:s24+$0xFFFFFF80];
	v7 =	vmin.f32 v7, v6  }
0x11e: {  	v62 =	vld [tilespmem:s24+$0xFFFFFFC0];
	v0 =	vmax.f32 v0, v6;
	v7 =	vmin.f32 v7, v5  }
0x11f: {  	v6 =	vld [tilespmem:s24+$0x0];
	v0 =	vmax.f32 v0, v5;
	v7 =	vmin.f32 v7, v4  }
0x120: {  	v9 =	vmin.f32 v12, v19;
	v5 =	vld [tilespmem:s24+$0x40];
	v4 =	vmax.f32 v0, v4;
	v0 =	vmin.f32 v7, v1  }
0x121: {  	v1 =	vmax.f32 v4, v1;
	v4 =	vmin.f32 v2, v17;
	v2 =	vmax.f32 v2, v17;
	v7 =	vld [tilespmem:s24+$0x80]  }
0x122: {  	v4 =	vmin.f32 v4, v8;
	v2 =	vmax.f32 v2, v8;
	v9 =	vmin.f32 v9, v15;
	v8 =	vld [tilespmem:s24+$0xC0]  }
0x123: {  	v4 =	vmin.f32 v4, v18;
	v2 =	vmax.f32 v2, v18;
	v17 =	vmin.f32 v9, v62;
	v9 =	vld [tilespmem:s24+$0x100]  }
0x124: {  	v18 =	vld [tilespmem:s24+$0xFFFFFF50];
	v4 =	vmin.f32 v4, v16;
	v2 =	vmax.f32 v2, v16;
	v16 =	vmin.f32 v17, v6  }
0x125: {  	v17 =	vld [tilespmem:s24+$0xFFFFFF90];
	v4 =	vmin.f32 v4, v14;
	v2 =	vmax.f32 v2, v14;
	v14 =	vmin.f32 v16, v5  }
0x126: {  	v63 =	vld [tilespmem:s24+$0xFFFFFFD0];
	v4 =	vmin.f32 v4, v10;
	v2 =	vmax.f32 v2, v10;
	v14 =	vmin.f32 v14, v7  }
0x127: {  	v10 =	vld [tilespmem:s24+$0x10];
	v4 =	vmin.f32 v4, v11;
	v16 =	vmax.f32 v2, v11;
	v14 =	vmin.f32 v14, v8  }
0x128: {  	v11 =	vld [tilespmem:s24+$0x50];
	v2 =	vmin.f32 v4, v3;
	v3 =	vmax.f32 v16, v3;
	v4 =	vmin.f32 v14, v9  }
0x129: {  	v14 =	vmax.f32 v12, v19;
	v16 =	vmin.f32 v13, v18;
	v13 =	vmax.f32 v13, v18;
	v12 =	vld [tilespmem:s24+$0x90]  }
0x12a: {  	v14 =	vmax.f32 v14, v15;
	v15 =	vmin.f32 v16, v17;
	v18 =	vmax.f32 v13, v17;
	v13 =	vld [tilespmem:s24+$0xD0]  }
0x12b: {  	s23 =	simm.s32 $0x1;
	v16 =	vmax.f32 v14, v62;
	v17 =	vmin.f32 v15, v63;
	v15 =	vmax.f32 v18, v63;
	v14 =	vld [tilespmem:s24+$0x110];
	s24 =	simm.s32 $0x9D20  }
.LBB2_9:
0x12c: {  	v18 =	vld [tilespmem:s24+$0xE0];
	v6 =	vmax.f32 v16, v6;
	v16 =	vmin.f32 v17, v10;
	v10 =	vmax.f32 v15, v10  }
0x12d: {  	v15 =	vld [tilespmem:s24+$0xF0];
	v5 =	vmax.f32 v6, v5;
	v6 =	vmin.f32 v16, v11;
	v10 =	vmax.f32 v10, v11  }
0x12e: {  	v11 =	vld [tilespmem:s24+$0xA0];
	v5 =	vmax.f32 v5, v7;
	v6 =	vmin.f32 v6, v12;
	v7 =	vmax.f32 v10, v12  }
0x12f: {  	v12 =	vld [tilespmem:s24+$0xB0];
	v5 =	vmax.f32 v5, v8;
	v6 =	vmin.f32 v6, v13;
	v7 =	vmax.f32 v7, v13  }
0x130: {  	v8 =	vld [tilespmem:s24+$0x60];
	v13 =	vmax.f32 v5, v9;
	v16 =	vmin.f32 v6, v14;
	v14 =	vmax.f32 v7, v14  }
0x131: {  	v10 =	vld [tilespmem:s24+$0x70]  }
0x132: {  	v5 =	vld [tilespmem:s24+$0x20]  }
0x133: {  	v17 =	vld [tilespmem:s24+$0x30]  }
0x134: {  	v6 =	vld [tilespmem:s24+$0xFFFFFF20]  }
0x135: {  	v7 =	vld [tilespmem:s24+$0xFFFFFF60]  }
0x136: {  	v9 =	vld [tilespmem:s24+$0xFFFFFFA0]  }
0x137: {  	v19 =	vld [tilespmem:s24+$0xFFFFFFE0]  }
0x138: {  	v20 =	vld [tilespmem:s24+$0xFFFFFFF0]  }
0x139: {  	v0 =	vmin.f32 v0, v6;
	v1 =	vmax.f32 v1, v6;
	v21 =	vld [tilespmem:s24+$0xFFFFFFB0]  }
0x13a: {  	v0 =	vmin.f32 v0, v7;
	v1 =	vmax.f32 v1, v7;
	v22 =	vld [tilespmem:s24+$0xFFFFFF70]  }
0x13b: {  	v7 =	vld [tilespmem:s24+$0xFFFFFF30];
	v0 =	vmin.f32 v0, v9;
	v1 =	vmax.f32 v1, v9  }
0x13c: {  	v23 =	vld [tilespmem:s24+$0xFFFFFF40];
	v0 =	vmin.f32 v0, v19;
	v1 =	vmax.f32 v1, v19  }
0x13d: {  	v19 =	vld [tilespmem:s24+$0xFFFFFF80];
	v0 =	vmin.f32 v0, v5;
	v1 =	vmax.f32 v1, v5  }
0x13e: {  	v24 =	vld [tilespmem:s24+$0xFFFFFFC0];
	v0 =	vmin.f32 v0, v8;
	v1 =	vmax.f32 v1, v8  }
0x13f: {  	v6 =	vld [tilespmem:s24+$0x0];
	v0 =	vmin.f32 v0, v11;
	v1 =	vmax.f32 v1, v11  }
0x140: {  	v5 =	vld [tilespmem:s24+$0x40];
	v0 =	vmin.f32 v0, v18;
	v1 =	vmax.f32 v1, v18  }
0x141: {  	v2 =	vmin.f32 v2, v7;
	v3 =	vmax.f32 v3, v7;
	v4 =	vmin.f32 v4, v23;
	v7 =	vld [tilespmem:s24+$0x80]  }
0x142: {  	v2 =	vmin.f32 v2, v22;
	v3 =	vmax.f32 v3, v22;
	v4 =	vmin.f32 v4, v19;
	v8 =	vld [tilespmem:s24+$0xC0]  }
0x143: {  	v2 =	vmin.f32 v2, v21;
	v3 =	vmax.f32 v3, v21;
	v4 =	vmin.f32 v4, v24;
	v9 =	vld [tilespmem:s24+$0x100]  }
0x144: {  	s23 =	sadd.s32 $0x8, s23;
	v2 =	vmin.f32 v2, v20;
	v3 =	vmax.f32 v3, v20;
	v18 =	vld [tilespmem:s24+$0xFFFFFF50];
	v4 =	vmin.f32 v4, v6  }
0x145: {  	p0 =	slt.u32 s23, $0xB9;
	v2 =	vmin.f32 v2, v17;
	v3 =	vmax.f32 v3, v17;
	v20 =	vld [tilespmem:s24+$0xFFFFFF90];
	v4 =	vmin.f32 v4, v5  }
0x146: {  	v2 =	vmin.f32 v2, v10;
	v3 =	vmax.f32 v3, v10;
	v21 =	vld [tilespmem:s24+$0xFFFFFFD0];
	v4 =	vmin.f32 v4, v7  }
.Ltmp3:
0x147: {  	v2 =	vmin.f32 v2, v12;
	v3 =	vmax.f32 v3, v12;
	v10 =	vld [tilespmem:s24+$0x10];
	v4 =	vmin.f32 v4, v8;
	(pc) =	sbr.rel @p0 .LBB2_9-.Ltmp3, $4  }
0x148: {  	v2 =	vmin.f32 v2, v15;
	v3 =	vmax.f32 v3, v15;
	v11 =	vld [tilespmem:s24+$0x50];
	v4 =	vmin.f32 v4, v9  }
0x149: {  	v13 =	vmax.f32 v13, v23;
	v15 =	vmin.f32 v16, v18;
	v14 =	vmax.f32 v14, v18;
	v12 =	vld [tilespmem:s24+$0x90]  }
0x14a: {  	v16 =	vmax.f32 v13, v19;
	v15 =	vmin.f32 v15, v20;
	v14 =	vmax.f32 v14, v20;
	v13 =	vld [tilespmem:s24+$0xD0]  }
0x14b: {  	v16 =	vmax.f32 v16, v24;
	v17 =	vmin.f32 v15, v21;
	v15 =	vmax.f32 v14, v21;
	v14 =	vld [tilespmem:s24+$0x110];
	s24 =	sadd.s32 $0x200, s24  }
0x14c: {  	v18 =	vld [tilespmem:$0xCA40]  }
0x14d: {  	v19 =	vld [tilespmem:$0xCA50]  }
0x14e: {  	v20 =	vld [tilespmem:$0xCA60]  }
0x14f: {  	v21 =	vld [tilespmem:$0xCA70]  }
0x150: {  	v22 =	vld [tilespmem:$0xCA80]  }
0x151: {  	v23 =	vld [tilespmem:$0xCA90]  }
0x152: {  	v24 =	vld [tilespmem:$0xCAA0]  }
0x153: {  	v25 =	vld [tilespmem:$0xCAB0]  }
0x154: {  	v26 =	vld [tilespmem:$0xCAC0]  }
0x155: {  	v27 =	vld [tilespmem:$0xCAD0];
	v6 =	vmax.f32 v16, v6;
	v16 =	vmin.f32 v17, v10  }
0x156: {  	v17 =	vld [tilespmem:$0xCAE0];
	v10 =	vmax.f32 v15, v10;
	v5 =	vmax.f32 v6, v5;
	v6 =	vmin.f32 v16, v11  }
0x157: {  	v15 =	vld [tilespmem:$0xCAF0];
	v10 =	vmax.f32 v10, v11;
	v5 =	vmax.f32 v5, v7;
	v6 =	vmin.f32 v6, v12  }
0x158: {  	v11 =	vld [tilespmem:$0xCB30];
	v10 =	vmax.f32 v10, v12;
	v5 =	vmax.f32 v5, v8;
	v6 =	vmin.f32 v6, v13  }
0x159: {  	v16 =	vld [tilespmem:$0xCB70];
	v10 =	vmax.f32 v10, v13;
	v5 =	vmax.f32 v5, v9;
	v6 =	vmin.f32 v6, v14  }
0x15a: {  	v7 =	vld [tilespmem:$0xCB00];
	v10 =	vmax.f32 v10, v14;
	v0 =	vmin.f32 v0, v18;
	v1 =	vmax.f32 v1, v18  }
0x15b: {  	v12 =	vld [tilespmem:$0xCB40];
	v2 =	vmin.f32 v2, v19;
	v3 =	vmax.f32 v3, v19;
	v4 =	vmin.f32 v4, v20  }
0x15c: {  	v8 =	vld [tilespmem:$0xCB10];
	v5 =	vmax.f32 v5, v20;
	v6 =	vmin.f32 v6, v21;
	v10 =	vmax.f32 v10, v21  }
0x15d: {  	v13 =	vld [tilespmem:$0xCB50];
	v0 =	vmin.f32 v0, v22;
	v1 =	vmax.f32 v1, v22;
	v2 =	vmin.f32 v2, v23  }
0x15e: {  	v9 =	vld [tilespmem:$0xCB20];
	v3 =	vmax.f32 v3, v23;
	v4 =	vmin.f32 v4, v24;
	v5 =	vmax.f32 v5, v24  }
0x15f: {  	v14 =	vld [tilespmem:$0xCB60];
	v6 =	vmin.f32 v6, v25;
	v10 =	vmax.f32 v10, v25;
	v0 =	vmin.f32 v0, v26  }
0x160: {  	v18 =	vld [tilespmem:$0xCB80];
	v1 =	vmax.f32 v1, v26;
	v2 =	vmin.f32 v2, v27;
	v3 =	vmax.f32 v3, v27  }
0x161: {  	v4 =	vmin.f32 v4, v17;
	v5 =	vmax.f32 v5, v17;
	v6 =	vmin.f32 v6, v15;
	v17 =	vld [tilespmem:$0xCBC0]  }
0x162: {  	v19 =	vld [tilespmem:$0xCB90];
	v10 =	vmax.f32 v10, v15;
	v0 =	vmin.f32 v0, v7;
	v1 =	vmax.f32 v1, v7  }
0x163: {  	v2 =	vmin.f32 v2, v8;
	v3 =	vmax.f32 v3, v8;
	v8 =	vld [tilespmem:$0xCBD0];
	v6 =	vmin.f32 v6, v11  }
0x164: {  	v7 =	vld [tilespmem:$0xCBA0];
	v10 =	vmax.f32 v10, v11;
	v4 =	vmin.f32 v4, v9;
	v0 =	vmin.f32 v0, v12  }
0x165: {  	v11 =	vld [tilespmem:$0xCBE0];
	v5 =	vmax.f32 v5, v9;
	v1 =	vmax.f32 v1, v12;
	v0 =	vmin.f32 v0, v18  }
0x166: {  	v9 =	vld [tilespmem:$0xCBB0];
	v2 =	vmin.f32 v2, v13;
	v1 =	vmax.f32 v1, v18;
	v0 =	vmin.f32 v0, v17  }
0x167: {  	v12 =	vld [tilespmem:$0xCBF0];
	v3 =	vmax.f32 v3, v13;
	v2 =	vmin.f32 v2, v19;
	v1 =	vmax.f32 v1, v17;
	[tilespmem:s21+$0x19480] =	vst v0  }
0x168: {  	v3 =	vmax.f32 v3, v19;
	v0 =	vmin.f32 v4, v14;
	v2 =	vmin.f32 v2, v8;
	[tilespmem:s21+$0x194C0] =	vst v1  }
0x169: {  	v1 =	vmax.f32 v5, v14;
	v3 =	vmax.f32 v3, v8;
	v0 =	vmin.f32 v0, v7;
	[tilespmem:s21+$0x19490] =	vst v2  }
0x16a: {  	v2 =	vmin.f32 v6, v16;
	v1 =	vmax.f32 v1, v7;
	[tilespmem:s21+$0x194D0] =	vst v3;
	v0 =	vmin.f32 v0, v11  }
0x16b: {  	v3 =	vmax.f32 v10, v16;
	v2 =	vmin.f32 v2, v9;
	v1 =	vmax.f32 v1, v11;
	[tilespmem:s21+$0x194A0] =	vst v0  }
0x16c: {  	v0 =	vmax.f32 v3, v9;
	v2 =	vmin.f32 v2, v12;
	[tilespmem:s21+$0x194E0] =	vst v1  }
0x16d: {  	v0 =	vmax.f32 v0, v12;
	[tilespmem:s21+$0x194B0] =	vst v2  }
0x16e: {  	[tilespmem:s21+$0x194F0] =	vst v0  }
0x16f: {  	_ =	swait.ge [sflag:s0], $0x2000  }
0x170: {  	[sflag:s0] =	ssyncset.done $0x0  }
0x171: {  	[sflag:s0] =	ssyncadd.s32 $0xFFFFE000  }
0x172: {  	_ =	swait.ge [sflag:s0], $0x1200  }
0x173: {  	[sflag:s0] =	ssyncset.done $0x0  }
0x174: {  	s23 =	sadd.s32 $0x5B0, s22;
	[sflag:s0] =	ssyncadd.s32 $0xFFFFEE00  }
0x175: {  	[tilespmem:s13], [sflag:$0x2] =	stream.indirect.gather [hbm4b:s3+s8], $0x40, s23, s8, $0xb8;
	[tilespmem:$0x1D400] =	vst v63  }
0x176: {  	s25 =	sadd.s32 $0x630, s22  }
0x177: {  	[tilespmem:s15], [sflag:$0x2] =	stream.indirect.gather [hbm4b:s3+s10], $0x40, s25, s10, $0xb8;
	[tilespmem:$0x1D400] =	vst v63  }
0x178: {  	v0 =	vld [tilespmem:$0xCC00]  }
0x179: {  	v2 =	vld [tilespmem:$0xCC10]  }
0x17a: {  	v12 =	vld [tilespmem:$0xCC20]  }
0x17b: {  	s24 =	simm.s32 $0xCD20;
	v13 =	vld [tilespmem:$0xCC30]  }
0x17c: {  	v1 =	vld [tilespmem:s24+$0xE0]  }
0x17d: {  	v3 =	vld [tilespmem:s24+$0xF0]  }
0x17e: {  	v4 =	vld [tilespmem:s24+$0xA0]  }
0x17f: {  	v11 =	vld [tilespmem:s24+$0xB0]  }
0x180: {  	v5 =	vld [tilespmem:s24+$0x60]  }
0x181: {  	v10 =	vld [tilespmem:s24+$0x70]  }
0x182: {  	v6 =	vld [tilespmem:s24+$0x20]  }
0x183: {  	v14 =	vld [tilespmem:s24+$0x30]  }
0x184: {  	v7 =	vld [tilespmem:s24+$0xFFFFFF20]  }
0x185: {  	v8 =	vld [tilespmem:s24+$0xFFFFFF60]  }
0x186: {  	v9 =	vld [tilespmem:s24+$0xFFFFFFA0]  }
0x187: {  	v15 =	vld [tilespmem:s24+$0xFFFFFFE0]  }
0x188: {  	v16 =	vld [tilespmem:s24+$0xFFFFFFF0]  }
0x189: {  	v18 =	vld [tilespmem:s24+$0xFFFFFFB0];
	v17 =	vmin.f32 v0, v7  }
0x18a: {  	v19 =	vld [tilespmem:s24+$0xFFFFFF40];
	v0 =	vmax.f32 v0, v7;
	v7 =	vmin.f32 v17, v8  }
0x18b: {  	v0 =	vmax.f32 v0, v8;
	v8 =	vld [tilespmem:s24+$0xFFFFFF70];
	v7 =	vmin.f32 v7, v9  }
0x18c: {  	v17 =	vld [tilespmem:s24+$0xFFFFFF30];
	v0 =	vmax.f32 v0, v9;
	v7 =	vmin.f32 v7, v15  }
0x18d: {  	v0 =	vmax.f32 v0, v15;
	v15 =	vld [tilespmem:s24+$0xFFFFFF80];
	v7 =	vmin.f32 v7, v6  }
0x18e: {  	v62 =	vld [tilespmem:s24+$0xFFFFFFC0];
	v0 =	vmax.f32 v0, v6;
	v7 =	vmin.f32 v7, v5  }
0x18f: {  	v6 =	vld [tilespmem:s24+$0x0];
	v0 =	vmax.f32 v0, v5;
	v7 =	vmin.f32 v7, v4  }
0x190: {  	v9 =	vmin.f32 v12, v19;
	v5 =	vld [tilespmem:s24+$0x40];
	v4 =	vmax.f32 v0, v4;
	v0 =	vmin.f32 v7, v1  }
0x191: {  	v1 =	vmax.f32 v4, v1;
	v4 =	vmin.f32 v2, v17;
	v2 =	vmax.f32 v2, v17;
	v7 =	vld [tilespmem:s24+$0x80]  }
0x192: {  	v4 =	vmin.f32 v4, v8;
	v2 =	vmax.f32 v2, v8;
	v9 =	vmin.f32 v9, v15;
	v8 =	vld [tilespmem:s24+$0xC0]  }
0x193: {  	v4 =	vmin.f32 v4, v18;
	v2 =	vmax.f32 v2, v18;
	v17 =	vmin.f32 v9, v62;
	v9 =	vld [tilespmem:s24+$0x100]  }
0x194: {  	v18 =	vld [tilespmem:s24+$0xFFFFFF50];
	v4 =	vmin.f32 v4, v16;
	v2 =	vmax.f32 v2, v16;
	v16 =	vmin.f32 v17, v6  }
0x195: {  	v17 =	vld [tilespmem:s24+$0xFFFFFF90];
	v4 =	vmin.f32 v4, v14;
	v2 =	vmax.f32 v2, v14;
	v14 =	vmin.f32 v16, v5  }
0x196: {  	v63 =	vld [tilespmem:s24+$0xFFFFFFD0];
	v4 =	vmin.f32 v4, v10;
	v2 =	vmax.f32 v2, v10;
	v14 =	vmin.f32 v14, v7  }
0x197: {  	v10 =	vld [tilespmem:s24+$0x10];
	v4 =	vmin.f32 v4, v11;
	v16 =	vmax.f32 v2, v11;
	v14 =	vmin.f32 v14, v8  }
0x198: {  	v11 =	vld [tilespmem:s24+$0x50];
	v2 =	vmin.f32 v4, v3;
	v3 =	vmax.f32 v16, v3;
	v4 =	vmin.f32 v14, v9  }
0x199: {  	v14 =	vmax.f32 v12, v19;
	v16 =	vmin.f32 v13, v18;
	v13 =	vmax.f32 v13, v18;
	v12 =	vld [tilespmem:s24+$0x90]  }
0x19a: {  	v14 =	vmax.f32 v14, v15;
	v15 =	vmin.f32 v16, v17;
	v18 =	vmax.f32 v13, v17;
	v13 =	vld [tilespmem:s24+$0xD0]  }
0x19b: {  	s23 =	simm.s32 $0x1;
	v16 =	vmax.f32 v14, v62;
	v17 =	vmin.f32 v15, v63;
	v15 =	vmax.f32 v18, v63;
	v14 =	vld [tilespmem:s24+$0x110];
	s24 =	simm.s32 $0xCF20  }
.LBB2_11:
0x19c: {  	v18 =	vld [tilespmem:s24+$0xE0];
	v6 =	vmax.f32 v16, v6;
	v16 =	vmin.f32 v17, v10;
	v10 =	vmax.f32 v15, v10  }
0x19d: {  	v15 =	vld [tilespmem:s24+$0xF0];
	v5 =	vmax.f32 v6, v5;
	v6 =	vmin.f32 v16, v11;
	v10 =	vmax.f32 v10, v11  }
0x19e: {  	v11 =	vld [tilespmem:s24+$0xA0];
	v5 =	vmax.f32 v5, v7;
	v6 =	vmin.f32 v6, v12;
	v7 =	vmax.f32 v10, v12  }
0x19f: {  	v12 =	vld [tilespmem:s24+$0xB0];
	v5 =	vmax.f32 v5, v8;
	v6 =	vmin.f32 v6, v13;
	v7 =	vmax.f32 v7, v13  }
0x1a0: {  	v8 =	vld [tilespmem:s24+$0x60];
	v13 =	vmax.f32 v5, v9;
	v16 =	vmin.f32 v6, v14;
	v14 =	vmax.f32 v7, v14  }
0x1a1: {  	v10 =	vld [tilespmem:s24+$0x70]  }
0x1a2: {  	v5 =	vld [tilespmem:s24+$0x20]  }
0x1a3: {  	v17 =	vld [tilespmem:s24+$0x30]  }
0x1a4: {  	v6 =	vld [tilespmem:s24+$0xFFFFFF20]  }
0x1a5: {  	v7 =	vld [tilespmem:s24+$0xFFFFFF60]  }
0x1a6: {  	v9 =	vld [tilespmem:s24+$0xFFFFFFA0]  }
0x1a7: {  	v19 =	vld [tilespmem:s24+$0xFFFFFFE0]  }
0x1a8: {  	v20 =	vld [tilespmem:s24+$0xFFFFFFF0]  }
0x1a9: {  	v0 =	vmin.f32 v0, v6;
	v1 =	vmax.f32 v1, v6;
	v21 =	vld [tilespmem:s24+$0xFFFFFFB0]  }
0x1aa: {  	v0 =	vmin.f32 v0, v7;
	v1 =	vmax.f32 v1, v7;
	v22 =	vld [tilespmem:s24+$0xFFFFFF70]  }
0x1ab: {  	v7 =	vld [tilespmem:s24+$0xFFFFFF30];
	v0 =	vmin.f32 v0, v9;
	v1 =	vmax.f32 v1, v9  }
0x1ac: {  	v23 =	vld [tilespmem:s24+$0xFFFFFF40];
	v0 =	vmin.f32 v0, v19;
	v1 =	vmax.f32 v1, v19  }
0x1ad: {  	v19 =	vld [tilespmem:s24+$0xFFFFFF80];
	v0 =	vmin.f32 v0, v5;
	v1 =	vmax.f32 v1, v5  }
0x1ae: {  	v24 =	vld [tilespmem:s24+$0xFFFFFFC0];
	v0 =	vmin.f32 v0, v8;
	v1 =	vmax.f32 v1, v8  }
0x1af: {  	v6 =	vld [tilespmem:s24+$0x0];
	v0 =	vmin.f32 v0, v11;
	v1 =	vmax.f32 v1, v11  }
0x1b0: {  	v5 =	vld [tilespmem:s24+$0x40];
	v0 =	vmin.f32 v0, v18;
	v1 =	vmax.f32 v1, v18  }
0x1b1: {  	v2 =	vmin.f32 v2, v7;
	v3 =	vmax.f32 v3, v7;
	v4 =	vmin.f32 v4, v23;
	v7 =	vld [tilespmem:s24+$0x80]  }
0x1b2: {  	v2 =	vmin.f32 v2, v22;
	v3 =	vmax.f32 v3, v22;
	v4 =	vmin.f32 v4, v19;
	v8 =	vld [tilespmem:s24+$0xC0]  }
0x1b3: {  	v2 =	vmin.f32 v2, v21;
	v3 =	vmax.f32 v3, v21;
	v4 =	vmin.f32 v4, v24;
	v9 =	vld [tilespmem:s24+$0x100]  }
0x1b4: {  	s23 =	sadd.s32 $0x8, s23;
	v2 =	vmin.f32 v2, v20;
	v3 =	vmax.f32 v3, v20;
	v18 =	vld [tilespmem:s24+$0xFFFFFF50];
	v4 =	vmin.f32 v4, v6  }
0x1b5: {  	p0 =	slt.u32 s23, $0xB9;
	v2 =	vmin.f32 v2, v17;
	v3 =	vmax.f32 v3, v17;
	v20 =	vld [tilespmem:s24+$0xFFFFFF90];
	v4 =	vmin.f32 v4, v5  }
0x1b6: {  	v2 =	vmin.f32 v2, v10;
	v3 =	vmax.f32 v3, v10;
	v21 =	vld [tilespmem:s24+$0xFFFFFFD0];
	v4 =	vmin.f32 v4, v7  }
.Ltmp4:
0x1b7: {  	v2 =	vmin.f32 v2, v12;
	v3 =	vmax.f32 v3, v12;
	v10 =	vld [tilespmem:s24+$0x10];
	v4 =	vmin.f32 v4, v8;
	(pc) =	sbr.rel @p0 .LBB2_11-.Ltmp4, $4  }
0x1b8: {  	v2 =	vmin.f32 v2, v15;
	v3 =	vmax.f32 v3, v15;
	v11 =	vld [tilespmem:s24+$0x50];
	v4 =	vmin.f32 v4, v9  }
0x1b9: {  	v13 =	vmax.f32 v13, v23;
	v15 =	vmin.f32 v16, v18;
	v14 =	vmax.f32 v14, v18;
	v12 =	vld [tilespmem:s24+$0x90]  }
0x1ba: {  	v16 =	vmax.f32 v13, v19;
	v15 =	vmin.f32 v15, v20;
	v14 =	vmax.f32 v14, v20;
	v13 =	vld [tilespmem:s24+$0xD0]  }
0x1bb: {  	v16 =	vmax.f32 v16, v24;
	v17 =	vmin.f32 v15, v21;
	v15 =	vmax.f32 v14, v21;
	v14 =	vld [tilespmem:s24+$0x110];
	s24 =	sadd.s32 $0x200, s24  }
0x1bc: {  	v18 =	vld [tilespmem:$0xFC40]  }
0x1bd: {  	v19 =	vld [tilespmem:$0xFC50]  }
0x1be: {  	v20 =	vld [tilespmem:$0xFC60]  }
0x1bf: {  	v21 =	vld [tilespmem:$0xFC70]  }
0x1c0: {  	v22 =	vld [tilespmem:$0xFC80]  }
0x1c1: {  	v23 =	vld [tilespmem:$0xFC90]  }
0x1c2: {  	v24 =	vld [tilespmem:$0xFCA0]  }
0x1c3: {  	v25 =	vld [tilespmem:$0xFCB0]  }
0x1c4: {  	v26 =	vld [tilespmem:$0xFCC0]  }
0x1c5: {  	v27 =	vld [tilespmem:$0xFCD0];
	v6 =	vmax.f32 v16, v6;
	v16 =	vmin.f32 v17, v10  }
0x1c6: {  	v17 =	vld [tilespmem:$0xFCE0];
	v10 =	vmax.f32 v15, v10;
	v5 =	vmax.f32 v6, v5;
	v6 =	vmin.f32 v16, v11  }
0x1c7: {  	v15 =	vld [tilespmem:$0xFCF0];
	v10 =	vmax.f32 v10, v11;
	v5 =	vmax.f32 v5, v7;
	v6 =	vmin.f32 v6, v12  }
0x1c8: {  	v11 =	vld [tilespmem:$0xFD30];
	v10 =	vmax.f32 v10, v12;
	v5 =	vmax.f32 v5, v8;
	v6 =	vmin.f32 v6, v13  }
0x1c9: {  	v16 =	vld [tilespmem:$0xFD70];
	v10 =	vmax.f32 v10, v13;
	v5 =	vmax.f32 v5, v9;
	v6 =	vmin.f32 v6, v14  }
0x1ca: {  	v7 =	vld [tilespmem:$0xFD00];
	v10 =	vmax.f32 v10, v14;
	v0 =	vmin.f32 v0, v18;
	v1 =	vmax.f32 v1, v18  }
0x1cb: {  	v12 =	vld [tilespmem:$0xFD40];
	v2 =	vmin.f32 v2, v19;
	v3 =	vmax.f32 v3, v19;
	v4 =	vmin.f32 v4, v20  }
0x1cc: {  	v8 =	vld [tilespmem:$0xFD10];
	v5 =	vmax.f32 v5, v20;
	v6 =	vmin.f32 v6, v21;
	v10 =	vmax.f32 v10, v21  }
0x1cd: {  	v13 =	vld [tilespmem:$0xFD50];
	v0 =	vmin.f32 v0, v22;
	v1 =	vmax.f32 v1, v22;
	v2 =	vmin.f32 v2, v23  }
0x1ce: {  	v9 =	vld [tilespmem:$0xFD20];
	v3 =	vmax.f32 v3, v23;
	v4 =	vmin.f32 v4, v24;
	v5 =	vmax.f32 v5, v24  }
0x1cf: {  	v14 =	vld [tilespmem:$0xFD60];
	v6 =	vmin.f32 v6, v25;
	v10 =	vmax.f32 v10, v25;
	v0 =	vmin.f32 v0, v26  }
0x1d0: {  	v18 =	vld [tilespmem:$0xFD80];
	v1 =	vmax.f32 v1, v26;
	v2 =	vmin.f32 v2, v27;
	v3 =	vmax.f32 v3, v27  }
0x1d1: {  	v4 =	vmin.f32 v4, v17;
	v5 =	vmax.f32 v5, v17;
	v6 =	vmin.f32 v6, v15;
	v17 =	vld [tilespmem:$0xFDC0]  }
0x1d2: {  	v19 =	vld [tilespmem:$0xFD90];
	v10 =	vmax.f32 v10, v15;
	v0 =	vmin.f32 v0, v7;
	v1 =	vmax.f32 v1, v7  }
0x1d3: {  	v2 =	vmin.f32 v2, v8;
	v3 =	vmax.f32 v3, v8;
	v8 =	vld [tilespmem:$0xFDD0];
	v6 =	vmin.f32 v6, v11  }
0x1d4: {  	v7 =	vld [tilespmem:$0xFDA0];
	v10 =	vmax.f32 v10, v11;
	v4 =	vmin.f32 v4, v9;
	v0 =	vmin.f32 v0, v12  }
0x1d5: {  	v11 =	vld [tilespmem:$0xFDE0];
	v5 =	vmax.f32 v5, v9;
	v1 =	vmax.f32 v1, v12;
	v0 =	vmin.f32 v0, v18  }
0x1d6: {  	v9 =	vld [tilespmem:$0xFDB0];
	v2 =	vmin.f32 v2, v13;
	v1 =	vmax.f32 v1, v18;
	v0 =	vmin.f32 v0, v17  }
0x1d7: {  	v12 =	vld [tilespmem:$0xFDF0];
	v3 =	vmax.f32 v3, v13;
	v2 =	vmin.f32 v2, v19;
	v1 =	vmax.f32 v1, v17;
	[tilespmem:s21+$0x19500] =	vst v0  }
0x1d8: {  	v3 =	vmax.f32 v3, v19;
	v0 =	vmin.f32 v4, v14;
	v2 =	vmin.f32 v2, v8;
	[tilespmem:s21+$0x19540] =	vst v1  }
0x1d9: {  	v1 =	vmax.f32 v5, v14;
	v3 =	vmax.f32 v3, v8;
	v0 =	vmin.f32 v0, v7;
	[tilespmem:s21+$0x19510] =	vst v2  }
0x1da: {  	v2 =	vmin.f32 v6, v16;
	v1 =	vmax.f32 v1, v7;
	[tilespmem:s21+$0x19550] =	vst v3;
	v0 =	vmin.f32 v0, v11  }
0x1db: {  	v3 =	vmax.f32 v10, v16;
	v2 =	vmin.f32 v2, v9;
	v1 =	vmax.f32 v1, v11;
	[tilespmem:s21+$0x19520] =	vst v0  }
0x1dc: {  	v0 =	vmax.f32 v3, v9;
	v2 =	vmin.f32 v2, v12;
	[tilespmem:s21+$0x19560] =	vst v1  }
0x1dd: {  	v0 =	vmax.f32 v0, v12;
	[tilespmem:s21+$0x19530] =	vst v2  }
0x1de: {  	[tilespmem:s21+$0x19570] =	vst v0  }
0x1df: {  	_ =	swait.ge [sflag:s12], $0x2000  }
0x1e0: {  	[sflag:s12] =	ssyncset.done $0x0  }
0x1e1: {  	[sflag:s12] =	ssyncadd.s32 $0xFFFFE000  }
0x1e2: {  	p0 =	seq.s32 s19, $0x14;
	_ =	swait.ge [sflag:s12], $0x1200  }
0x1e3: {  	s23 =	sadd.s32 @!p0 $0x680, s22;
	[sflag:s12] =	ssyncset.done $0x0  }
0x1e4: {  	s24 =	simm.s32 @!p0 $0x80;
	s25 =	simm.s32 @!p0 $0xCC00;
	[sflag:s12] =	ssyncadd.s32 $0xFFFFEE00  }
0x1e5: {  	[tilespmem:s25], [sflag:$0x3] =	stream.indirect.gather @!p0 [hbm4b:s3+s24], $0x40, s23, s24, $0xb8;
	[tilespmem:$0x1D400] =	vst v63  }
0x1e6: {  	s23 =	sadd.s32 @!p0 $0x700, s22;
	s24 =	simm.s32 @!p0 $0x48;
	s25 =	simm.s32 @!p0 $0xEC00  }
0x1e7: {  	[tilespmem:s25], [sflag:$0x3] =	stream.indirect.gather @!p0 [hbm4b:s3+s24], $0x40, s23, s24, $0xb8;
	[tilespmem:$0x1D400] =	vst v63  }
0x1e8: {  	v0 =	vld [tilespmem:$0xFE00]  }
0x1e9: {  	v2 =	vld [tilespmem:$0xFE10]  }
0x1ea: {  	v12 =	vld [tilespmem:$0xFE20]  }
0x1eb: {  	s25 =	simm.s32 $0xFF20;
	v13 =	vld [tilespmem:$0xFE30]  }
0x1ec: {  	v1 =	vld [tilespmem:s25+$0xE0]  }
0x1ed: {  	v3 =	vld [tilespmem:s25+$0xF0]  }
0x1ee: {  	v4 =	vld [tilespmem:s25+$0xA0]  }
0x1ef: {  	v11 =	vld [tilespmem:s25+$0xB0]  }
0x1f0: {  	v5 =	vld [tilespmem:s25+$0x60]  }
0x1f1: {  	v10 =	vld [tilespmem:s25+$0x70]  }
0x1f2: {  	v6 =	vld [tilespmem:s25+$0x20]  }
0x1f3: {  	v14 =	vld [tilespmem:s25+$0x30]  }
0x1f4: {  	v7 =	vld [tilespmem:s25+$0xFFFFFF20]  }
0x1f5: {  	v8 =	vld [tilespmem:s25+$0xFFFFFF60]  }
0x1f6: {  	v9 =	vld [tilespmem:s25+$0xFFFFFFA0]  }
0x1f7: {  	v15 =	vld [tilespmem:s25+$0xFFFFFFE0]  }
0x1f8: {  	v16 =	vld [tilespmem:s25+$0xFFFFFFF0]  }
0x1f9: {  	v18 =	vld [tilespmem:s25+$0xFFFFFFB0];
	v17 =	vmin.f32 v0, v7  }
0x1fa: {  	v19 =	vld [tilespmem:s25+$0xFFFFFF40];
	v0 =	vmax.f32 v0, v7;
	v7 =	vmin.f32 v17, v8  }
0x1fb: {  	v0 =	vmax.f32 v0, v8;
	v8 =	vld [tilespmem:s25+$0xFFFFFF70];
	v7 =	vmin.f32 v7, v9  }
0x1fc: {  	v17 =	vld [tilespmem:s25+$0xFFFFFF30];
	v0 =	vmax.f32 v0, v9;
	v7 =	vmin.f32 v7, v15  }
0x1fd: {  	v0 =	vmax.f32 v0, v15;
	v15 =	vld [tilespmem:s25+$0xFFFFFF80];
	v7 =	vmin.f32 v7, v6  }
0x1fe: {  	v62 =	vld [tilespmem:s25+$0xFFFFFFC0];
	v0 =	vmax.f32 v0, v6;
	v7 =	vmin.f32 v7, v5  }
0x1ff: {  	v6 =	vld [tilespmem:s25+$0x0];
	v0 =	vmax.f32 v0, v5;
	v7 =	vmin.f32 v7, v4  }
0x200: {  	v9 =	vmin.f32 v12, v19;
	v5 =	vld [tilespmem:s25+$0x40];
	v4 =	vmax.f32 v0, v4;
	v0 =	vmin.f32 v7, v1  }
0x201: {  	v1 =	vmax.f32 v4, v1;
	v4 =	vmin.f32 v2, v17;
	v2 =	vmax.f32 v2, v17;
	v7 =	vld [tilespmem:s25+$0x80]  }
0x202: {  	v4 =	vmin.f32 v4, v8;
	v2 =	vmax.f32 v2, v8;
	v9 =	vmin.f32 v9, v15;
	v8 =	vld [tilespmem:s25+$0xC0]  }
0x203: {  	v4 =	vmin.f32 v4, v18;
	v2 =	vmax.f32 v2, v18;
	v17 =	vmin.f32 v9, v62;
	v9 =	vld [tilespmem:s25+$0x100]  }
0x204: {  	v18 =	vld [tilespmem:s25+$0xFFFFFF50];
	v4 =	vmin.f32 v4, v16;
	v2 =	vmax.f32 v2, v16;
	v16 =	vmin.f32 v17, v6  }
0x205: {  	v17 =	vld [tilespmem:s25+$0xFFFFFF90];
	v4 =	vmin.f32 v4, v14;
	v2 =	vmax.f32 v2, v14;
	v14 =	vmin.f32 v16, v5  }
0x206: {  	v63 =	vld [tilespmem:s25+$0xFFFFFFD0];
	v4 =	vmin.f32 v4, v10;
	v2 =	vmax.f32 v2, v10;
	v14 =	vmin.f32 v14, v7  }
0x207: {  	v10 =	vld [tilespmem:s25+$0x10];
	v4 =	vmin.f32 v4, v11;
	v16 =	vmax.f32 v2, v11;
	v14 =	vmin.f32 v14, v8  }
0x208: {  	v11 =	vld [tilespmem:s25+$0x50];
	v2 =	vmin.f32 v4, v3;
	v3 =	vmax.f32 v16, v3;
	v4 =	vmin.f32 v14, v9  }
0x209: {  	v14 =	vmax.f32 v12, v19;
	v16 =	vmin.f32 v13, v18;
	v13 =	vmax.f32 v13, v18;
	v12 =	vld [tilespmem:s25+$0x90]  }
0x20a: {  	v14 =	vmax.f32 v14, v15;
	v15 =	vmin.f32 v16, v17;
	v18 =	vmax.f32 v13, v17;
	v13 =	vld [tilespmem:s25+$0xD0]  }
0x20b: {  	s23 =	simm.s32 $0x1;
	s24 =	simm.s32 $0x10120;
	v16 =	vmax.f32 v14, v62;
	v17 =	vmin.f32 v15, v63;
	v15 =	vmax.f32 v18, v63;
	v14 =	vld [tilespmem:s25+$0x110]  }
.LBB2_13:
0x20c: {  	v18 =	vld [tilespmem:s24+$0xE0];
	v6 =	vmax.f32 v16, v6;
	v16 =	vmin.f32 v17, v10;
	v10 =	vmax.f32 v15, v10  }
0x20d: {  	v15 =	vld [tilespmem:s24+$0xF0];
	v5 =	vmax.f32 v6, v5;
	v6 =	vmin.f32 v16, v11;
	v10 =	vmax.f32 v10, v11  }
0x20e: {  	v11 =	vld [tilespmem:s24+$0xA0];
	v5 =	vmax.f32 v5, v7;
	v6 =	vmin.f32 v6, v12;
	v7 =	vmax.f32 v10, v12  }
0x20f: {  	v12 =	vld [tilespmem:s24+$0xB0];
	v5 =	vmax.f32 v5, v8;
	v6 =	vmin.f32 v6, v13;
	v7 =	vmax.f32 v7, v13  }
0x210: {  	v8 =	vld [tilespmem:s24+$0x60];
	v13 =	vmax.f32 v5, v9;
	v16 =	vmin.f32 v6, v14;
	v14 =	vmax.f32 v7, v14  }
0x211: {  	v10 =	vld [tilespmem:s24+$0x70]  }
0x212: {  	v5 =	vld [tilespmem:s24+$0x20]  }
0x213: {  	v17 =	vld [tilespmem:s24+$0x30]  }
0x214: {  	v6 =	vld [tilespmem:s24+$0xFFFFFF20]  }
0x215: {  	v7 =	vld [tilespmem:s24+$0xFFFFFF60]  }
0x216: {  	v9 =	vld [tilespmem:s24+$0xFFFFFFA0]  }
0x217: {  	v19 =	vld [tilespmem:s24+$0xFFFFFFE0]  }
0x218: {  	v20 =	vld [tilespmem:s24+$0xFFFFFFF0]  }
0x219: {  	v0 =	vmin.f32 v0, v6;
	v1 =	vmax.f32 v1, v6;
	v21 =	vld [tilespmem:s24+$0xFFFFFFB0]  }
0x21a: {  	v0 =	vmin.f32 v0, v7;
	v1 =	vmax.f32 v1, v7;
	v22 =	vld [tilespmem:s24+$0xFFFFFF70]  }
0x21b: {  	v7 =	vld [tilespmem:s24+$0xFFFFFF30];
	v0 =	vmin.f32 v0, v9;
	v1 =	vmax.f32 v1, v9  }
0x21c: {  	v23 =	vld [tilespmem:s24+$0xFFFFFF40];
	v0 =	vmin.f32 v0, v19;
	v1 =	vmax.f32 v1, v19  }
0x21d: {  	v19 =	vld [tilespmem:s24+$0xFFFFFF80];
	v0 =	vmin.f32 v0, v5;
	v1 =	vmax.f32 v1, v5  }
0x21e: {  	v24 =	vld [tilespmem:s24+$0xFFFFFFC0];
	v0 =	vmin.f32 v0, v8;
	v1 =	vmax.f32 v1, v8  }
0x21f: {  	v6 =	vld [tilespmem:s24+$0x0];
	v0 =	vmin.f32 v0, v11;
	v1 =	vmax.f32 v1, v11  }
0x220: {  	v5 =	vld [tilespmem:s24+$0x40];
	v0 =	vmin.f32 v0, v18;
	v1 =	vmax.f32 v1, v18  }
0x221: {  	v2 =	vmin.f32 v2, v7;
	v3 =	vmax.f32 v3, v7;
	v4 =	vmin.f32 v4, v23;
	v7 =	vld [tilespmem:s24+$0x80]  }
0x222: {  	v2 =	vmin.f32 v2, v22;
	v3 =	vmax.f32 v3, v22;
	v4 =	vmin.f32 v4, v19;
	v8 =	vld [tilespmem:s24+$0xC0]  }
0x223: {  	v2 =	vmin.f32 v2, v21;
	v3 =	vmax.f32 v3, v21;
	v4 =	vmin.f32 v4, v24;
	v9 =	vld [tilespmem:s24+$0x100]  }
0x224: {  	s23 =	sadd.s32 $0x8, s23;
	v2 =	vmin.f32 v2, v20;
	v3 =	vmax.f32 v3, v20;
	v18 =	vld [tilespmem:s24+$0xFFFFFF50];
	v4 =	vmin.f32 v4, v6  }
0x225: {  	p1 =	slt.u32 s23, $0xB9;
	v2 =	vmin.f32 v2, v17;
	v3 =	vmax.f32 v3, v17;
	v20 =	vld [tilespmem:s24+$0xFFFFFF90];
	v4 =	vmin.f32 v4, v5  }
0x226: {  	v2 =	vmin.f32 v2, v10;
	v3 =	vmax.f32 v3, v10;
	v21 =	vld [tilespmem:s24+$0xFFFFFFD0];
	v4 =	vmin.f32 v4, v7  }
.Ltmp5:
0x227: {  	v2 =	vmin.f32 v2, v12;
	v3 =	vmax.f32 v3, v12;
	v10 =	vld [tilespmem:s24+$0x10];
	v4 =	vmin.f32 v4, v8;
	(pc) =	sbr.rel @p1 .LBB2_13-.Ltmp5, $4  }
0x228: {  	v2 =	vmin.f32 v2, v15;
	v3 =	vmax.f32 v3, v15;
	v11 =	vld [tilespmem:s24+$0x50];
	v4 =	vmin.f32 v4, v9  }
0x229: {  	v13 =	vmax.f32 v13, v23;
	v15 =	vmin.f32 v16, v18;
	v14 =	vmax.f32 v14, v18;
	v12 =	vld [tilespmem:s24+$0x90]  }
0x22a: {  	v16 =	vmax.f32 v13, v19;
	v15 =	vmin.f32 v15, v20;
	v14 =	vmax.f32 v14, v20;
	v13 =	vld [tilespmem:s24+$0xD0]  }
0x22b: {  	v16 =	vmax.f32 v16, v24;
	v17 =	vmin.f32 v15, v21;
	v15 =	vmax.f32 v14, v21;
	v14 =	vld [tilespmem:s24+$0x110];
	s24 =	sadd.s32 $0x200, s24  }
0x22c: {  	v18 =	vld [tilespmem:$0x12E40]  }
0x22d: {  	v19 =	vld [tilespmem:$0x12E50]  }
0x22e: {  	v20 =	vld [tilespmem:$0x12E60]  }
0x22f: {  	v21 =	vld [tilespmem:$0x12E70]  }
0x230: {  	v22 =	vld [tilespmem:$0x12E80]  }
0x231: {  	v23 =	vld [tilespmem:$0x12E90]  }
0x232: {  	v24 =	vld [tilespmem:$0x12EA0]  }
0x233: {  	v25 =	vld [tilespmem:$0x12EB0]  }
0x234: {  	v26 =	vld [tilespmem:$0x12EC0]  }
0x235: {  	v27 =	vld [tilespmem:$0x12ED0];
	v6 =	vmax.f32 v16, v6;
	v16 =	vmin.f32 v17, v10  }
0x236: {  	v17 =	vld [tilespmem:$0x12EE0];
	v10 =	vmax.f32 v15, v10;
	v5 =	vmax.f32 v6, v5;
	v6 =	vmin.f32 v16, v11  }
0x237: {  	v15 =	vld [tilespmem:$0x12EF0];
	v10 =	vmax.f32 v10, v11;
	v5 =	vmax.f32 v5, v7;
	v6 =	vmin.f32 v6, v12  }
0x238: {  	v11 =	vld [tilespmem:$0x12F30];
	v10 =	vmax.f32 v10, v12;
	v5 =	vmax.f32 v5, v8;
	v6 =	vmin.f32 v6, v13  }
0x239: {  	v16 =	vld [tilespmem:$0x12F70];
	v10 =	vmax.f32 v10, v13;
	v5 =	vmax.f32 v5, v9;
	v6 =	vmin.f32 v6, v14  }
0x23a: {  	v7 =	vld [tilespmem:$0x12F00];
	v10 =	vmax.f32 v10, v14;
	v0 =	vmin.f32 v0, v18;
	v1 =	vmax.f32 v1, v18  }
0x23b: {  	v12 =	vld [tilespmem:$0x12F40];
	v2 =	vmin.f32 v2, v19;
	v3 =	vmax.f32 v3, v19;
	v4 =	vmin.f32 v4, v20  }
0x23c: {  	v8 =	vld [tilespmem:$0x12F10];
	v5 =	vmax.f32 v5, v20;
	v6 =	vmin.f32 v6, v21;
	v10 =	vmax.f32 v10, v21  }
0x23d: {  	v13 =	vld [tilespmem:$0x12F50];
	v0 =	vmin.f32 v0, v22;
	v1 =	vmax.f32 v1, v22;
	v2 =	vmin.f32 v2, v23  }
0x23e: {  	v9 =	vld [tilespmem:$0x12F20];
	v3 =	vmax.f32 v3, v23;
	v4 =	vmin.f32 v4, v24;
	v5 =	vmax.f32 v5, v24  }
0x23f: {  	v14 =	vld [tilespmem:$0x12F60];
	v6 =	vmin.f32 v6, v25;
	v10 =	vmax.f32 v10, v25;
	v0 =	vmin.f32 v0, v26  }
0x240: {  	v18 =	vld [tilespmem:$0x12F80];
	v1 =	vmax.f32 v1, v26;
	v2 =	vmin.f32 v2, v27;
	v3 =	vmax.f32 v3, v27  }
0x241: {  	v4 =	vmin.f32 v4, v17;
	v5 =	vmax.f32 v5, v17;
	v6 =	vmin.f32 v6, v15;
	v17 =	vld [tilespmem:$0x12FC0]  }
0x242: {  	v19 =	vld [tilespmem:$0x12F90];
	v10 =	vmax.f32 v10, v15;
	v0 =	vmin.f32 v0, v7;
	v1 =	vmax.f32 v1, v7  }
0x243: {  	v2 =	vmin.f32 v2, v8;
	v3 =	vmax.f32 v3, v8;
	v8 =	vld [tilespmem:$0x12FD0];
	v6 =	vmin.f32 v6, v11  }
0x244: {  	v7 =	vld [tilespmem:$0x12FA0];
	v10 =	vmax.f32 v10, v11;
	v4 =	vmin.f32 v4, v9;
	v0 =	vmin.f32 v0, v12  }
0x245: {  	v11 =	vld [tilespmem:$0x12FE0];
	v5 =	vmax.f32 v5, v9;
	v1 =	vmax.f32 v1, v12;
	v0 =	vmin.f32 v0, v18  }
0x246: {  	v9 =	vld [tilespmem:$0x12FB0];
	v2 =	vmin.f32 v2, v13;
	v1 =	vmax.f32 v1, v18;
	v0 =	vmin.f32 v0, v17  }
0x247: {  	v12 =	vld [tilespmem:$0x12FF0];
	v3 =	vmax.f32 v3, v13;
	v2 =	vmin.f32 v2, v19;
	v1 =	vmax.f32 v1, v17;
	[tilespmem:s21+$0x19580] =	vst v0  }
0x248: {  	v3 =	vmax.f32 v3, v19;
	v0 =	vmin.f32 v4, v14;
	v2 =	vmin.f32 v2, v8;
	[tilespmem:s21+$0x195C0] =	vst v1  }
0x249: {  	v1 =	vmax.f32 v5, v14;
	v3 =	vmax.f32 v3, v8;
	v0 =	vmin.f32 v0, v7;
	[tilespmem:s21+$0x19590] =	vst v2  }
0x24a: {  	v2 =	vmin.f32 v6, v16;
	v1 =	vmax.f32 v1, v7;
	[tilespmem:s21+$0x195D0] =	vst v3;
	v0 =	vmin.f32 v0, v11  }
0x24b: {  	v3 =	vmax.f32 v10, v16;
	v2 =	vmin.f32 v2, v9;
	v1 =	vmax.f32 v1, v11;
	[tilespmem:s21+$0x195A0] =	vst v0  }
0x24c: {  	v0 =	vmax.f32 v3, v9;
	v2 =	vmin.f32 v2, v12;
	[tilespmem:s21+$0x195E0] =	vst v1  }
0x24d: {  	v0 =	vmax.f32 v0, v12;
	[tilespmem:s21+$0x195B0] =	vst v2  }
0x24e: {  	[tilespmem:s21+$0x195F0] =	vst v0  }
0x24f: {  	_ =	swait.ge [sflag:s14], $0x2000  }
0x250: {  	[sflag:s14] =	ssyncset.done $0x0  }
0x251: {  	[sflag:s14] =	ssyncadd.s32 $0xFFFFE000  }
0x252: {  	_ =	swait.ge [sflag:s14], $0x1200  }
0x253: {  	s23 =	sadd.s32 @!p0 $0x750, s22;
	[sflag:s14] =	ssyncset.done $0x0  }
0x254: {  	s24 =	simm.s32 @!p0 $0x80;
	s25 =	simm.s32 @!p0 $0xFE00;
	[sflag:s14] =	ssyncadd.s32 $0xFFFFEE00  }
0x255: {  	[tilespmem:s25], [sflag:$0x4] =	stream.indirect.gather @!p0 [hbm4b:s3+s24], $0x40, s23, s24, $0xb8;
	[tilespmem:$0x1D400] =	vst v63  }
0x256: {  	s23 =	sadd.s32 @!p0 $0x7D0, s22;
	s24 =	simm.s32 @!p0 $0x48;
	s25 =	simm.s32 @!p0 $0x11E00  }
0x257: {  	[tilespmem:s25], [sflag:$0x4] =	stream.indirect.gather @!p0 [hbm4b:s3+s24], $0x40, s23, s24, $0xb8;
	[tilespmem:$0x1D400] =	vst v63  }
0x258: {  	v0 =	vld [tilespmem:$0x13000]  }
0x259: {  	v2 =	vld [tilespmem:$0x13010]  }
0x25a: {  	v12 =	vld [tilespmem:$0x13020]  }
0x25b: {  	s25 =	simm.s32 $0x13120;
	v13 =	vld [tilespmem:$0x13030]  }
0x25c: {  	v1 =	vld [tilespmem:s25+$0xE0]  }
0x25d: {  	v3 =	vld [tilespmem:s25+$0xF0]  }
0x25e: {  	v4 =	vld [tilespmem:s25+$0xA0]  }
0x25f: {  	v11 =	vld [tilespmem:s25+$0xB0]  }
0x260: {  	v5 =	vld [tilespmem:s25+$0x60]  }
0x261: {  	v10 =	vld [tilespmem:s25+$0x70]  }
0x262: {  	v6 =	vld [tilespmem:s25+$0x20]  }
0x263: {  	v14 =	vld [tilespmem:s25+$0x30]  }
0x264: {  	v7 =	vld [tilespmem:s25+$0xFFFFFF20]  }
0x265: {  	v8 =	vld [tilespmem:s25+$0xFFFFFF60]  }
0x266: {  	v9 =	vld [tilespmem:s25+$0xFFFFFFA0]  }
0x267: {  	v15 =	vld [tilespmem:s25+$0xFFFFFFE0]  }
0x268: {  	v16 =	vld [tilespmem:s25+$0xFFFFFFF0]  }
0x269: {  	v18 =	vld [tilespmem:s25+$0xFFFFFFB0];
	v17 =	vmin.f32 v0, v7  }
0x26a: {  	v19 =	vld [tilespmem:s25+$0xFFFFFF40];
	v0 =	vmax.f32 v0, v7;
	v7 =	vmin.f32 v17, v8  }
0x26b: {  	v0 =	vmax.f32 v0, v8;
	v8 =	vld [tilespmem:s25+$0xFFFFFF70];
	v7 =	vmin.f32 v7, v9  }
0x26c: {  	v17 =	vld [tilespmem:s25+$0xFFFFFF30];
	v0 =	vmax.f32 v0, v9;
	v7 =	vmin.f32 v7, v15  }
0x26d: {  	v0 =	vmax.f32 v0, v15;
	v15 =	vld [tilespmem:s25+$0xFFFFFF80];
	v7 =	vmin.f32 v7, v6  }
0x26e: {  	v62 =	vld [tilespmem:s25+$0xFFFFFFC0];
	v0 =	vmax.f32 v0, v6;
	v7 =	vmin.f32 v7, v5  }
0x26f: {  	v6 =	vld [tilespmem:s25+$0x0];
	v0 =	vmax.f32 v0, v5;
	v7 =	vmin.f32 v7, v4  }
0x270: {  	v9 =	vmin.f32 v12, v19;
	v5 =	vld [tilespmem:s25+$0x40];
	v4 =	vmax.f32 v0, v4;
	v0 =	vmin.f32 v7, v1  }
0x271: {  	v1 =	vmax.f32 v4, v1;
	v4 =	vmin.f32 v2, v17;
	v2 =	vmax.f32 v2, v17;
	v7 =	vld [tilespmem:s25+$0x80]  }
0x272: {  	v4 =	vmin.f32 v4, v8;
	v2 =	vmax.f32 v2, v8;
	v9 =	vmin.f32 v9, v15;
	v8 =	vld [tilespmem:s25+$0xC0]  }
0x273: {  	v4 =	vmin.f32 v4, v18;
	v2 =	vmax.f32 v2, v18;
	v17 =	vmin.f32 v9, v62;
	v9 =	vld [tilespmem:s25+$0x100]  }
0x274: {  	v18 =	vld [tilespmem:s25+$0xFFFFFF50];
	v4 =	vmin.f32 v4, v16;
	v2 =	vmax.f32 v2, v16;
	v16 =	vmin.f32 v17, v6  }
0x275: {  	v17 =	vld [tilespmem:s25+$0xFFFFFF90];
	v4 =	vmin.f32 v4, v14;
	v2 =	vmax.f32 v2, v14;
	v14 =	vmin.f32 v16, v5  }
0x276: {  	v63 =	vld [tilespmem:s25+$0xFFFFFFD0];
	v4 =	vmin.f32 v4, v10;
	v2 =	vmax.f32 v2, v10;
	v14 =	vmin.f32 v14, v7  }
0x277: {  	v10 =	vld [tilespmem:s25+$0x10];
	v4 =	vmin.f32 v4, v11;
	v16 =	vmax.f32 v2, v11;
	v14 =	vmin.f32 v14, v8  }
0x278: {  	v11 =	vld [tilespmem:s25+$0x50];
	v2 =	vmin.f32 v4, v3;
	v3 =	vmax.f32 v16, v3;
	v4 =	vmin.f32 v14, v9  }
0x279: {  	v14 =	vmax.f32 v12, v19;
	v16 =	vmin.f32 v13, v18;
	v13 =	vmax.f32 v13, v18;
	v12 =	vld [tilespmem:s25+$0x90]  }
0x27a: {  	v14 =	vmax.f32 v14, v15;
	v15 =	vmin.f32 v16, v17;
	v18 =	vmax.f32 v13, v17;
	v13 =	vld [tilespmem:s25+$0xD0]  }
0x27b: {  	s23 =	simm.s32 $0x1;
	s24 =	simm.s32 $0x13320;
	v16 =	vmax.f32 v14, v62;
	v17 =	vmin.f32 v15, v63;
	v15 =	vmax.f32 v18, v63;
	v14 =	vld [tilespmem:s25+$0x110]  }
.LBB2_15:
0x27c: {  	v18 =	vld [tilespmem:s24+$0xE0];
	v6 =	vmax.f32 v16, v6;
	v16 =	vmin.f32 v17, v10;
	v10 =	vmax.f32 v15, v10  }
0x27d: {  	v15 =	vld [tilespmem:s24+$0xF0];
	v5 =	vmax.f32 v6, v5;
	v6 =	vmin.f32 v16, v11;
	v10 =	vmax.f32 v10, v11  }
0x27e: {  	v11 =	vld [tilespmem:s24+$0xA0];
	v5 =	vmax.f32 v5, v7;
	v6 =	vmin.f32 v6, v12;
	v7 =	vmax.f32 v10, v12  }
0x27f: {  	v12 =	vld [tilespmem:s24+$0xB0];
	v5 =	vmax.f32 v5, v8;
	v6 =	vmin.f32 v6, v13;
	v7 =	vmax.f32 v7, v13  }
0x280: {  	v8 =	vld [tilespmem:s24+$0x60];
	v13 =	vmax.f32 v5, v9;
	v16 =	vmin.f32 v6, v14;
	v14 =	vmax.f32 v7, v14  }
0x281: {  	v10 =	vld [tilespmem:s24+$0x70]  }
0x282: {  	v5 =	vld [tilespmem:s24+$0x20]  }
0x283: {  	v17 =	vld [tilespmem:s24+$0x30]  }
0x284: {  	v6 =	vld [tilespmem:s24+$0xFFFFFF20]  }
0x285: {  	v7 =	vld [tilespmem:s24+$0xFFFFFF60]  }
0x286: {  	v9 =	vld [tilespmem:s24+$0xFFFFFFA0]  }
0x287: {  	v19 =	vld [tilespmem:s24+$0xFFFFFFE0]  }
0x288: {  	v20 =	vld [tilespmem:s24+$0xFFFFFFF0]  }
0x289: {  	v0 =	vmin.f32 v0, v6;
	v1 =	vmax.f32 v1, v6;
	v21 =	vld [tilespmem:s24+$0xFFFFFFB0]  }
0x28a: {  	v0 =	vmin.f32 v0, v7;
	v1 =	vmax.f32 v1, v7;
	v22 =	vld [tilespmem:s24+$0xFFFFFF70]  }
0x28b: {  	v7 =	vld [tilespmem:s24+$0xFFFFFF30];
	v0 =	vmin.f32 v0, v9;
	v1 =	vmax.f32 v1, v9  }
0x28c: {  	v23 =	vld [tilespmem:s24+$0xFFFFFF40];
	v0 =	vmin.f32 v0, v19;
	v1 =	vmax.f32 v1, v19  }
0x28d: {  	v19 =	vld [tilespmem:s24+$0xFFFFFF80];
	v0 =	vmin.f32 v0, v5;
	v1 =	vmax.f32 v1, v5  }
0x28e: {  	v24 =	vld [tilespmem:s24+$0xFFFFFFC0];
	v0 =	vmin.f32 v0, v8;
	v1 =	vmax.f32 v1, v8  }
0x28f: {  	v6 =	vld [tilespmem:s24+$0x0];
	v0 =	vmin.f32 v0, v11;
	v1 =	vmax.f32 v1, v11  }
0x290: {  	v5 =	vld [tilespmem:s24+$0x40];
	v0 =	vmin.f32 v0, v18;
	v1 =	vmax.f32 v1, v18  }
0x291: {  	v2 =	vmin.f32 v2, v7;
	v3 =	vmax.f32 v3, v7;
	v4 =	vmin.f32 v4, v23;
	v7 =	vld [tilespmem:s24+$0x80]  }
0x292: {  	v2 =	vmin.f32 v2, v22;
	v3 =	vmax.f32 v3, v22;
	v4 =	vmin.f32 v4, v19;
	v8 =	vld [tilespmem:s24+$0xC0]  }
0x293: {  	v2 =	vmin.f32 v2, v21;
	v3 =	vmax.f32 v3, v21;
	v4 =	vmin.f32 v4, v24;
	v9 =	vld [tilespmem:s24+$0x100]  }
0x294: {  	s23 =	sadd.s32 $0x8, s23;
	v2 =	vmin.f32 v2, v20;
	v3 =	vmax.f32 v3, v20;
	v18 =	vld [tilespmem:s24+$0xFFFFFF50];
	v4 =	vmin.f32 v4, v6  }
0x295: {  	p1 =	slt.u32 s23, $0xB9;
	v2 =	vmin.f32 v2, v17;
	v3 =	vmax.f32 v3, v17;
	v20 =	vld [tilespmem:s24+$0xFFFFFF90];
	v4 =	vmin.f32 v4, v5  }
0x296: {  	v2 =	vmin.f32 v2, v10;
	v3 =	vmax.f32 v3, v10;
	v21 =	vld [tilespmem:s24+$0xFFFFFFD0];
	v4 =	vmin.f32 v4, v7  }
.Ltmp6:
0x297: {  	v2 =	vmin.f32 v2, v12;
	v3 =	vmax.f32 v3, v12;
	v10 =	vld [tilespmem:s24+$0x10];
	v4 =	vmin.f32 v4, v8;
	(pc) =	sbr.rel @p1 .LBB2_15-.Ltmp6, $4  }
0x298: {  	v2 =	vmin.f32 v2, v15;
	v3 =	vmax.f32 v3, v15;
	v11 =	vld [tilespmem:s24+$0x50];
	v4 =	vmin.f32 v4, v9  }
0x299: {  	v13 =	vmax.f32 v13, v23;
	v15 =	vmin.f32 v16, v18;
	v14 =	vmax.f32 v14, v18;
	v12 =	vld [tilespmem:s24+$0x90]  }
0x29a: {  	v16 =	vmax.f32 v13, v19;
	v15 =	vmin.f32 v15, v20;
	v14 =	vmax.f32 v14, v20;
	v13 =	vld [tilespmem:s24+$0xD0]  }
0x29b: {  	v16 =	vmax.f32 v16, v24;
	v17 =	vmin.f32 v15, v21;
	v15 =	vmax.f32 v14, v21;
	v14 =	vld [tilespmem:s24+$0x110];
	s24 =	sadd.s32 $0x200, s24  }
0x29c: {  	v18 =	vld [tilespmem:$0x16040]  }
0x29d: {  	v19 =	vld [tilespmem:$0x16050]  }
0x29e: {  	v20 =	vld [tilespmem:$0x16060]  }
0x29f: {  	v21 =	vld [tilespmem:$0x16070]  }
0x2a0: {  	v22 =	vld [tilespmem:$0x16080]  }
0x2a1: {  	v23 =	vld [tilespmem:$0x16090]  }
0x2a2: {  	v24 =	vld [tilespmem:$0x160A0]  }
0x2a3: {  	v25 =	vld [tilespmem:$0x160B0]  }
0x2a4: {  	v26 =	vld [tilespmem:$0x160C0]  }
0x2a5: {  	v27 =	vld [tilespmem:$0x160D0];
	v6 =	vmax.f32 v16, v6;
	v16 =	vmin.f32 v17, v10  }
0x2a6: {  	v17 =	vld [tilespmem:$0x160E0];
	v10 =	vmax.f32 v15, v10;
	v5 =	vmax.f32 v6, v5;
	v6 =	vmin.f32 v16, v11  }
0x2a7: {  	v15 =	vld [tilespmem:$0x160F0];
	v10 =	vmax.f32 v10, v11;
	v5 =	vmax.f32 v5, v7;
	v6 =	vmin.f32 v6, v12  }
0x2a8: {  	v11 =	vld [tilespmem:$0x16130];
	v10 =	vmax.f32 v10, v12;
	v5 =	vmax.f32 v5, v8;
	v6 =	vmin.f32 v6, v13  }
0x2a9: {  	v16 =	vld [tilespmem:$0x16170];
	v10 =	vmax.f32 v10, v13;
	v5 =	vmax.f32 v5, v9;
	v6 =	vmin.f32 v6, v14  }
0x2aa: {  	v7 =	vld [tilespmem:$0x16100];
	v10 =	vmax.f32 v10, v14;
	v0 =	vmin.f32 v0, v18;
	v1 =	vmax.f32 v1, v18  }
0x2ab: {  	v12 =	vld [tilespmem:$0x16140];
	v2 =	vmin.f32 v2, v19;
	v3 =	vmax.f32 v3, v19;
	v4 =	vmin.f32 v4, v20  }
0x2ac: {  	v8 =	vld [tilespmem:$0x16110];
	v5 =	vmax.f32 v5, v20;
	v6 =	vmin.f32 v6, v21;
	v10 =	vmax.f32 v10, v21  }
0x2ad: {  	v13 =	vld [tilespmem:$0x16150];
	v0 =	vmin.f32 v0, v22;
	v1 =	vmax.f32 v1, v22;
	v2 =	vmin.f32 v2, v23  }
0x2ae: {  	v9 =	vld [tilespmem:$0x16120];
	v3 =	vmax.f32 v3, v23;
	v4 =	vmin.f32 v4, v24;
	v5 =	vmax.f32 v5, v24  }
0x2af: {  	v14 =	vld [tilespmem:$0x16160];
	v6 =	vmin.f32 v6, v25;
	v10 =	vmax.f32 v10, v25;
	v0 =	vmin.f32 v0, v26  }
0x2b0: {  	v18 =	vld [tilespmem:$0x16180];
	v1 =	vmax.f32 v1, v26;
	v2 =	vmin.f32 v2, v27;
	v3 =	vmax.f32 v3, v27  }
0x2b1: {  	v4 =	vmin.f32 v4, v17;
	v5 =	vmax.f32 v5, v17;
	v6 =	vmin.f32 v6, v15;
	v17 =	vld [tilespmem:$0x161C0]  }
0x2b2: {  	v19 =	vld [tilespmem:$0x16190];
	v10 =	vmax.f32 v10, v15;
	v0 =	vmin.f32 v0, v7;
	v1 =	vmax.f32 v1, v7  }
0x2b3: {  	v2 =	vmin.f32 v2, v8;
	v3 =	vmax.f32 v3, v8;
	v8 =	vld [tilespmem:$0x161D0];
	v6 =	vmin.f32 v6, v11  }
0x2b4: {  	v7 =	vld [tilespmem:$0x161A0];
	v10 =	vmax.f32 v10, v11;
	v4 =	vmin.f32 v4, v9;
	v0 =	vmin.f32 v0, v12  }
0x2b5: {  	v11 =	vld [tilespmem:$0x161E0];
	v5 =	vmax.f32 v5, v9;
	v1 =	vmax.f32 v1, v12;
	v0 =	vmin.f32 v0, v18  }
0x2b6: {  	v9 =	vld [tilespmem:$0x161B0];
	v2 =	vmin.f32 v2, v13;
	v1 =	vmax.f32 v1, v18;
	v0 =	vmin.f32 v0, v17  }
0x2b7: {  	v12 =	vld [tilespmem:$0x161F0];
	v3 =	vmax.f32 v3, v13;
	v2 =	vmin.f32 v2, v19;
	v1 =	vmax.f32 v1, v17;
	[tilespmem:s21+$0x19600] =	vst v0  }
0x2b8: {  	v3 =	vmax.f32 v3, v19;
	v0 =	vmin.f32 v4, v14;
	v2 =	vmin.f32 v2, v8;
	[tilespmem:s21+$0x19640] =	vst v1  }
0x2b9: {  	v1 =	vmax.f32 v5, v14;
	v3 =	vmax.f32 v3, v8;
	v0 =	vmin.f32 v0, v7;
	[tilespmem:s21+$0x19610] =	vst v2  }
0x2ba: {  	v2 =	vmin.f32 v6, v16;
	v1 =	vmax.f32 v1, v7;
	[tilespmem:s21+$0x19650] =	vst v3;
	v0 =	vmin.f32 v0, v11  }
0x2bb: {  	v3 =	vmax.f32 v10, v16;
	v2 =	vmin.f32 v2, v9;
	v1 =	vmax.f32 v1, v11;
	[tilespmem:s21+$0x19620] =	vst v0  }
0x2bc: {  	v0 =	vmax.f32 v3, v9;
	v2 =	vmin.f32 v2, v12;
	[tilespmem:s21+$0x19660] =	vst v1  }
0x2bd: {  	v0 =	vmax.f32 v0, v12;
	[tilespmem:s21+$0x19630] =	vst v2  }
0x2be: {  	[tilespmem:s21+$0x19670] =	vst v0  }
0x2bf: {  	_ =	swait.ge [sflag:s16], $0x2000  }
0x2c0: {  	[sflag:s16] =	ssyncset.done $0x0  }
0x2c1: {  	[sflag:s16] =	ssyncadd.s32 $0xFFFFE000  }
0x2c2: {  	_ =	swait.ge [sflag:s16], $0x1200  }
0x2c3: {  	s23 =	simm.s32 @!p0 $0x80;
	[sflag:s16] =	ssyncset.done $0x0  }
0x2c4: {  	s24 =	simm.s32 @!p0 $0x13000;
	s21 =	sadd.s32 @!p0 $0x820, s22;
	[sflag:s16] =	ssyncadd.s32 $0xFFFFEE00  }
0x2c5: {  	[tilespmem:s24], [sflag:$0x5] =	stream.indirect.gather @!p0 [hbm4b:s3+s23], $0x40, s21, s23, $0xb8;
	[tilespmem:$0x1D400] =	vst v63  }
0x2c6: {  	s21 =	sadd.s32 @!p0 $0x8A0, s22;
	s22 =	simm.s32 @!p0 $0x48;
	s23 =	simm.s32 @!p0 $0x15000  }
0x2c7: {  	[tilespmem:s23], [sflag:$0x5] =	stream.indirect.gather @!p0 [hbm4b:s3+s22], $0x40, s21, s22, $0xb8;
	[tilespmem:$0x1D400] =	vst v63  }
0x2c8: {  	v0 =	vld [tilespmem:$0x16200]  }
0x2c9: {  	v2 =	vld [tilespmem:$0x16210]  }
0x2ca: {  	v12 =	vld [tilespmem:$0x16220]  }
0x2cb: {  	s25 =	simm.s32 $0x16320;
	v13 =	vld [tilespmem:$0x16230]  }
0x2cc: {  	v1 =	vld [tilespmem:s25+$0xE0]  }
0x2cd: {  	v3 =	vld [tilespmem:s25+$0xF0]  }
0x2ce: {  	v4 =	vld [tilespmem:s25+$0xA0]  }
0x2cf: {  	v11 =	vld [tilespmem:s25+$0xB0]  }
0x2d0: {  	v5 =	vld [tilespmem:s25+$0x60]  }
0x2d1: {  	v10 =	vld [tilespmem:s25+$0x70]  }
0x2d2: {  	v6 =	vld [tilespmem:s25+$0x20]  }
0x2d3: {  	v14 =	vld [tilespmem:s25+$0x30]  }
0x2d4: {  	v7 =	vld [tilespmem:s25+$0xFFFFFF20]  }
0x2d5: {  	v8 =	vld [tilespmem:s25+$0xFFFFFF60]  }
0x2d6: {  	v9 =	vld [tilespmem:s25+$0xFFFFFFA0]  }
0x2d7: {  	v15 =	vld [tilespmem:s25+$0xFFFFFFE0]  }
0x2d8: {  	v16 =	vld [tilespmem:s25+$0xFFFFFFF0]  }
0x2d9: {  	v18 =	vld [tilespmem:s25+$0xFFFFFFB0];
	v17 =	vmin.f32 v0, v7  }
0x2da: {  	v19 =	vld [tilespmem:s25+$0xFFFFFF40];
	v0 =	vmax.f32 v0, v7;
	v7 =	vmin.f32 v17, v8  }
0x2db: {  	v0 =	vmax.f32 v0, v8;
	v8 =	vld [tilespmem:s25+$0xFFFFFF70];
	v7 =	vmin.f32 v7, v9  }
0x2dc: {  	v17 =	vld [tilespmem:s25+$0xFFFFFF30];
	v0 =	vmax.f32 v0, v9;
	v7 =	vmin.f32 v7, v15  }
0x2dd: {  	v0 =	vmax.f32 v0, v15;
	v15 =	vld [tilespmem:s25+$0xFFFFFF80];
	v7 =	vmin.f32 v7, v6  }
0x2de: {  	v62 =	vld [tilespmem:s25+$0xFFFFFFC0];
	v0 =	vmax.f32 v0, v6;
	v7 =	vmin.f32 v7, v5  }
0x2df: {  	v6 =	vld [tilespmem:s25+$0x0];
	v0 =	vmax.f32 v0, v5;
	v7 =	vmin.f32 v7, v4  }
0x2e0: {  	v9 =	vmin.f32 v12, v19;
	v5 =	vld [tilespmem:s25+$0x40];
	v4 =	vmax.f32 v0, v4;
	v0 =	vmin.f32 v7, v1  }
0x2e1: {  	v1 =	vmax.f32 v4, v1;
	v4 =	vmin.f32 v2, v17;
	v2 =	vmax.f32 v2, v17;
	v7 =	vld [tilespmem:s25+$0x80]  }
0x2e2: {  	v4 =	vmin.f32 v4, v8;
	v2 =	vmax.f32 v2, v8;
	v9 =	vmin.f32 v9, v15;
	v8 =	vld [tilespmem:s25+$0xC0]  }
0x2e3: {  	v4 =	vmin.f32 v4, v18;
	v2 =	vmax.f32 v2, v18;
	v17 =	vmin.f32 v9, v62;
	v9 =	vld [tilespmem:s25+$0x100]  }
0x2e4: {  	v18 =	vld [tilespmem:s25+$0xFFFFFF50];
	v4 =	vmin.f32 v4, v16;
	v2 =	vmax.f32 v2, v16;
	v16 =	vmin.f32 v17, v6  }
0x2e5: {  	v17 =	vld [tilespmem:s25+$0xFFFFFF90];
	v4 =	vmin.f32 v4, v14;
	v2 =	vmax.f32 v2, v14;
	v14 =	vmin.f32 v16, v5  }
0x2e6: {  	v63 =	vld [tilespmem:s25+$0xFFFFFFD0];
	v4 =	vmin.f32 v4, v10;
	v2 =	vmax.f32 v2, v10;
	v14 =	vmin.f32 v14, v7  }
0x2e7: {  	v10 =	vld [tilespmem:s25+$0x10];
	v4 =	vmin.f32 v4, v11;
	v16 =	vmax.f32 v2, v11;
	v14 =	vmin.f32 v14, v8  }
0x2e8: {  	v11 =	vld [tilespmem:s25+$0x50];
	v2 =	vmin.f32 v4, v3;
	v3 =	vmax.f32 v16, v3;
	v4 =	vmin.f32 v14, v9  }
0x2e9: {  	v14 =	vmax.f32 v12, v19;
	v16 =	vmin.f32 v13, v18;
	v13 =	vmax.f32 v13, v18;
	v12 =	vld [tilespmem:s25+$0x90]  }
0x2ea: {  	v14 =	vmax.f32 v14, v15;
	v15 =	vmin.f32 v16, v17;
	v18 =	vmax.f32 v13, v17;
	v13 =	vld [tilespmem:s25+$0xD0]  }
0x2eb: {  	s21 =	simm.s32 $0x1;
	s22 =	simm.s32 $0x16520;
	v16 =	vmax.f32 v14, v62;
	v17 =	vmin.f32 v15, v63;
	v15 =	vmax.f32 v18, v63;
	v14 =	vld [tilespmem:s25+$0x110]  }
.LBB2_17:
0x2ec: {  	v18 =	vld [tilespmem:s22+$0xE0];
	v6 =	vmax.f32 v16, v6;
	v16 =	vmin.f32 v17, v10;
	v10 =	vmax.f32 v15, v10  }
0x2ed: {  	v15 =	vld [tilespmem:s22+$0xF0];
	v5 =	vmax.f32 v6, v5;
	v6 =	vmin.f32 v16, v11;
	v10 =	vmax.f32 v10, v11  }
0x2ee: {  	v11 =	vld [tilespmem:s22+$0xA0];
	v5 =	vmax.f32 v5, v7;
	v6 =	vmin.f32 v6, v12;
	v7 =	vmax.f32 v10, v12  }
0x2ef: {  	v12 =	vld [tilespmem:s22+$0xB0];
	v5 =	vmax.f32 v5, v8;
	v6 =	vmin.f32 v6, v13;
	v7 =	vmax.f32 v7, v13  }
0x2f0: {  	v8 =	vld [tilespmem:s22+$0x60];
	v13 =	vmax.f32 v5, v9;
	v16 =	vmin.f32 v6, v14;
	v14 =	vmax.f32 v7, v14  }
0x2f1: {  	v10 =	vld [tilespmem:s22+$0x70]  }
0x2f2: {  	v5 =	vld [tilespmem:s22+$0x20]  }
0x2f3: {  	v17 =	vld [tilespmem:s22+$0x30]  }
0x2f4: {  	v6 =	vld [tilespmem:s22+$0xFFFFFF20]  }
0x2f5: {  	v7 =	vld [tilespmem:s22+$0xFFFFFF60]  }
0x2f6: {  	v9 =	vld [tilespmem:s22+$0xFFFFFFA0]  }
0x2f7: {  	v19 =	vld [tilespmem:s22+$0xFFFFFFE0]  }
0x2f8: {  	v20 =	vld [tilespmem:s22+$0xFFFFFFF0]  }
0x2f9: {  	v0 =	vmin.f32 v0, v6;
	v1 =	vmax.f32 v1, v6;
	v21 =	vld [tilespmem:s22+$0xFFFFFFB0]  }
0x2fa: {  	v0 =	vmin.f32 v0, v7;
	v1 =	vmax.f32 v1, v7;
	v22 =	vld [tilespmem:s22+$0xFFFFFF70]  }
0x2fb: {  	v7 =	vld [tilespmem:s22+$0xFFFFFF30];
	v0 =	vmin.f32 v0, v9;
	v1 =	vmax.f32 v1, v9  }
0x2fc: {  	v23 =	vld [tilespmem:s22+$0xFFFFFF40];
	v0 =	vmin.f32 v0, v19;
	v1 =	vmax.f32 v1, v19  }
0x2fd: {  	v19 =	vld [tilespmem:s22+$0xFFFFFF80];
	v0 =	vmin.f32 v0, v5;
	v1 =	vmax.f32 v1, v5  }
0x2fe: {  	v24 =	vld [tilespmem:s22+$0xFFFFFFC0];
	v0 =	vmin.f32 v0, v8;
	v1 =	vmax.f32 v1, v8  }
0x2ff: {  	v6 =	vld [tilespmem:s22+$0x0];
	v0 =	vmin.f32 v0, v11;
	v1 =	vmax.f32 v1, v11  }
0x300: {  	v5 =	vld [tilespmem:s22+$0x40];
	v0 =	vmin.f32 v0, v18;
	v1 =	vmax.f32 v1, v18  }
0x301: {  	v2 =	vmin.f32 v2, v7;
	v3 =	vmax.f32 v3, v7;
	v4 =	vmin.f32 v4, v23;
	v7 =	vld [tilespmem:s22+$0x80]  }
0x302: {  	v2 =	vmin.f32 v2, v22;
	v3 =	vmax.f32 v3, v22;
	v4 =	vmin.f32 v4, v19;
	v8 =	vld [tilespmem:s22+$0xC0]  }
0x303: {  	v2 =	vmin.f32 v2, v21;
	v3 =	vmax.f32 v3, v21;
	v4 =	vmin.f32 v4, v24;
	v9 =	vld [tilespmem:s22+$0x100]  }
0x304: {  	s21 =	sadd.s32 $0x8, s21;
	v2 =	vmin.f32 v2, v20;
	v3 =	vmax.f32 v3, v20;
	v18 =	vld [tilespmem:s22+$0xFFFFFF50];
	v4 =	vmin.f32 v4, v6  }
0x305: {  	p0 =	slt.u32 s21, $0xB9;
	v2 =	vmin.f32 v2, v17;
	v3 =	vmax.f32 v3, v17;
	v20 =	vld [tilespmem:s22+$0xFFFFFF90];
	v4 =	vmin.f32 v4, v5  }
0x306: {  	v2 =	vmin.f32 v2, v10;
	v3 =	vmax.f32 v3, v10;
	v21 =	vld [tilespmem:s22+$0xFFFFFFD0];
	v4 =	vmin.f32 v4, v7  }
.Ltmp7:
0x307: {  	v2 =	vmin.f32 v2, v12;
	v3 =	vmax.f32 v3, v12;
	v10 =	vld [tilespmem:s22+$0x10];
	v4 =	vmin.f32 v4, v8;
	(pc) =	sbr.rel @p0 .LBB2_17-.Ltmp7, $4  }
0x308: {  	v2 =	vmin.f32 v2, v15;
	v3 =	vmax.f32 v3, v15;
	v11 =	vld [tilespmem:s22+$0x50];
	v4 =	vmin.f32 v4, v9  }
0x309: {  	v13 =	vmax.f32 v13, v23;
	v15 =	vmin.f32 v16, v18;
	v14 =	vmax.f32 v14, v18;
	v12 =	vld [tilespmem:s22+$0x90]  }
0x30a: {  	v16 =	vmax.f32 v13, v19;
	v15 =	vmin.f32 v15, v20;
	v14 =	vmax.f32 v14, v20;
	v13 =	vld [tilespmem:s22+$0xD0]  }
0x30b: {  	v16 =	vmax.f32 v16, v24;
	v17 =	vmin.f32 v15, v21;
	v15 =	vmax.f32 v14, v21;
	v14 =	vld [tilespmem:s22+$0x110];
	s22 =	sadd.s32 $0x200, s22  }
0x30c: {  	v18 =	vld [tilespmem:$0x19240]  }
0x30d: {  	v19 =	vld [tilespmem:$0x19250]  }
0x30e: {  	v20 =	vld [tilespmem:$0x19260]  }
0x30f: {  	v21 =	vld [tilespmem:$0x19270]  }
0x310: {  	v22 =	vld [tilespmem:$0x19280]  }
0x311: {  	v23 =	vld [tilespmem:$0x19290]  }
0x312: {  	v24 =	vld [tilespmem:$0x192A0]  }
0x313: {  	v25 =	vld [tilespmem:$0x192B0]  }
0x314: {  	v26 =	vld [tilespmem:$0x192C0]  }
0x315: {  	v27 =	vld [tilespmem:$0x192D0];
	v6 =	vmax.f32 v16, v6;
	v38 =	vmin.f32 v17, v10  }
0x316: {  	v39 =	vld [tilespmem:$0x192E0];
	v40 =	vmax.f32 v15, v10;
	v5 =	vmax.f32 v6, v5;
	v41 =	vmin.f32 v38, v11  }
0x317: {  	v42 =	vld [tilespmem:$0x192F0];
	v10 =	vmax.f32 v40, v11;
	v5 =	vmax.f32 v5, v7;
	v6 =	vmin.f32 v41, v12  }
0x318: {  	v43 =	vld [tilespmem:$0x19300];
	v10 =	vmax.f32 v10, v12;
	v5 =	vmax.f32 v5, v8;
	v6 =	vmin.f32 v6, v13  }
0x319: {  	v44 =	vld [tilespmem:$0x19310];
	v10 =	vmax.f32 v10, v13;
	v5 =	vmax.f32 v5, v9;
	v6 =	vmin.f32 v6, v14  }
0x31a: {  	v45 =	vld [tilespmem:$0x19320];
	v10 =	vmax.f32 v10, v14;
	v0 =	vmin.f32 v0, v18;
	v1 =	vmax.f32 v1, v18  }
0x31b: {  	v46 =	vld [tilespmem:$0x19330];
	v2 =	vmin.f32 v2, v19;
	v3 =	vmax.f32 v3, v19;
	v4 =	vmin.f32 v4, v20  }
0x31c: {  	v47 =	vld [tilespmem:$0x19340];
	v5 =	vmax.f32 v5, v20;
	v6 =	vmin.f32 v6, v21;
	v10 =	vmax.f32 v10, v21  }
0x31d: {  	v48 =	vld [tilespmem:$0x19350];
	v0 =	vmin.f32 v0, v22;
	v1 =	vmax.f32 v1, v22;
	v2 =	vmin.f32 v2, v23  }
0x31e: {  	v49 =	vld [tilespmem:$0x19360];
	v3 =	vmax.f32 v3, v23;
	v4 =	vmin.f32 v4, v24;
	v5 =	vmax.f32 v5, v24  }
0x31f: {  	v50 =	vld [tilespmem:$0x19370];
	v6 =	vmin.f32 v6, v25;
	v10 =	vmax.f32 v10, v25;
	v0 =	vmin.f32 v0, v26  }
0x320: {  	v51 =	vld [tilespmem:$0x19380];
	v1 =	vmax.f32 v1, v26;
	v2 =	vmin.f32 v2, v27;
	v3 =	vmax.f32 v3, v27  }
0x321: {  	v53 =	vld [tilespmem:$0x193C0];
	v4 =	vmin.f32 v4, v39;
	v5 =	vmax.f32 v5, v39;
	v6 =	vmin.f32 v6, v42  }
0x322: {  	v52 =	vld [tilespmem:$0x19390];
	v10 =	vmax.f32 v10, v42;
	v0 =	vmin.f32 v0, v43;
	v1 =	vmax.f32 v1, v43  }
0x323: {  	v55 =	vld [tilespmem:$0x193D0];
	v2 =	vmin.f32 v2, v44;
	v3 =	vmax.f32 v3, v44;
	v4 =	vmin.f32 v4, v45  }
0x324: {  	v54 =	vld [tilespmem:$0x193A0];
	v5 =	vmax.f32 v5, v45;
	v6 =	vmin.f32 v6, v46;
	v0 =	vmin.f32 v0, v47  }
0x325: {  	v57 =	vld [tilespmem:$0x193E0];
	s20 =	sshll.u32 s20, $0x7;
	v10 =	vmax.f32 v10, v46;
	v1 =	vmax.f32 v1, v47;
	v0 =	vmin.f32 v0, v51  }
0x326: {  	v56 =	vld [tilespmem:$0x193B0];
	s20 =	sand.u32 $0x3FFFFF80, s20;
	v2 =	vmin.f32 v2, v48;
	v1 =	vmax.f32 v1, v51;
	v0 =	vmin.f32 v0, v53  }
0x327: {  	v58 =	vld [tilespmem:$0x193F0];
	v3 =	vmax.f32 v3, v48;
	v2 =	vmin.f32 v2, v52;
	v1 =	vmax.f32 v1, v53;
	[tilespmem:s20+$0x19400] =	vst v0  }
0x328: {  	s19 =	sadd.s32 $0x1, s19;
	v59 =	vmin.f32 v4, v49;
	v3 =	vmax.f32 v3, v52;
	v2 =	vmin.f32 v2, v55;
	[tilespmem:s20+$0x19440] =	vst v1  }
0x329: {  	p0 =	sne.s32 s19, $0x15;
	v60 =	vmax.f32 v5, v49;
	v3 =	vmax.f32 v3, v55;
	v0 =	vmin.f32 v59, v54;
	[tilespmem:s20+$0x19410] =	vst v2  }
.Ltmp8:
0x32a: {  	v61 =	vmin.f32 v6, v50;
	v1 =	vmax.f32 v60, v54;
	[tilespmem:s20+$0x19450] =	vst v3;
	v0 =	vmin.f32 v0, v57;
	(pc) =	sbr.rel @p0 .LBB2_6-.Ltmp8, $4  }
0x32b: {  	v62 =	vmax.f32 v10, v50;
	v2 =	vmin.f32 v61, v56;
	v1 =	vmax.f32 v1, v57;
	[tilespmem:s20+$0x19420] =	vst v0  }
0x32c: {  	v63 =	vmax.f32 v62, v56;
	v2 =	vmin.f32 v2, v58;
	[tilespmem:s20+$0x19460] =	vst v1  }
0x32d: {  	v0 =	vmax.f32 v63, v58;
	[tilespmem:s20+$0x19430] =	vst v2  }
0x32e: {  	[tilespmem:s20+$0x19470] =	vst v0  }
0x32f: {  	_ =	swait.ge [sflag:s29], $0x2000  }
0x330: {  	[sflag:s29] =	ssyncset.done $0x0  }
0x331: {  	[sflag:s29] =	ssyncadd.s32 $0xFFFFE000  }
0x332: {  	_ =	swait.ge [sflag:s29], $0x1200  }
0x333: {  	[sflag:s29] =	ssyncset.done $0x0  }
0x334: {  	[sflag:s29] =	ssyncadd.s32 $0xFFFFEE00  }
0x335: {  	v0 =	vld [tilespmem:$0x6800]  }
0x336: {  	v2 =	vld [tilespmem:$0x6810]  }
0x337: {  	v12 =	vld [tilespmem:$0x6820]  }
0x338: {  	s20 =	simm.s32 $0x6920;
	v13 =	vld [tilespmem:$0x6830]  }
0x339: {  	v1 =	vld [tilespmem:s20+$0xE0]  }
0x33a: {  	v3 =	vld [tilespmem:s20+$0xF0]  }
0x33b: {  	v4 =	vld [tilespmem:s20+$0xA0]  }
0x33c: {  	v11 =	vld [tilespmem:s20+$0xB0]  }
0x33d: {  	v5 =	vld [tilespmem:s20+$0x60]  }
0x33e: {  	v10 =	vld [tilespmem:s20+$0x70]  }
0x33f: {  	v6 =	vld [tilespmem:s20+$0x20]  }
0x340: {  	v14 =	vld [tilespmem:s20+$0x30]  }
0x341: {  	v7 =	vld [tilespmem:s20+$0xFFFFFF20]  }
0x342: {  	v8 =	vld [tilespmem:s20+$0xFFFFFF60]  }
0x343: {  	v9 =	vld [tilespmem:s20+$0xFFFFFFA0]  }
0x344: {  	v15 =	vld [tilespmem:s20+$0xFFFFFFE0]  }
0x345: {  	v16 =	vld [tilespmem:s20+$0xFFFFFFF0]  }
0x346: {  	v18 =	vld [tilespmem:s20+$0xFFFFFFB0];
	v17 =	vmin.f32 v0, v7  }
0x347: {  	v19 =	vld [tilespmem:s20+$0xFFFFFF40];
	v0 =	vmax.f32 v0, v7;
	v7 =	vmin.f32 v17, v8  }
0x348: {  	v0 =	vmax.f32 v0, v8;
	v8 =	vld [tilespmem:s20+$0xFFFFFF70];
	v7 =	vmin.f32 v7, v9  }
0x349: {  	v17 =	vld [tilespmem:s20+$0xFFFFFF30];
	v0 =	vmax.f32 v0, v9;
	v7 =	vmin.f32 v7, v15  }
0x34a: {  	v0 =	vmax.f32 v0, v15;
	v15 =	vld [tilespmem:s20+$0xFFFFFF80];
	v7 =	vmin.f32 v7, v6  }
0x34b: {  	v20 =	vld [tilespmem:s20+$0xFFFFFFC0];
	v0 =	vmax.f32 v0, v6;
	v7 =	vmin.f32 v7, v5  }
0x34c: {  	v6 =	vld [tilespmem:s20+$0x0];
	v0 =	vmax.f32 v0, v5;
	v7 =	vmin.f32 v7, v4  }
0x34d: {  	v9 =	vmin.f32 v12, v19;
	v5 =	vld [tilespmem:s20+$0x40];
	v4 =	vmax.f32 v0, v4;
	v0 =	vmin.f32 v7, v1  }
0x34e: {  	v1 =	vmax.f32 v4, v1;
	v4 =	vmin.f32 v2, v17;
	v2 =	vmax.f32 v2, v17;
	v7 =	vld [tilespmem:s20+$0x80]  }
0x34f: {  	v4 =	vmin.f32 v4, v8;
	v2 =	vmax.f32 v2, v8;
	v9 =	vmin.f32 v9, v15;
	v8 =	vld [tilespmem:s20+$0xC0]  }
0x350: {  	v4 =	vmin.f32 v4, v18;
	v2 =	vmax.f32 v2, v18;
	v17 =	vmin.f32 v9, v20;
	v9 =	vld [tilespmem:s20+$0x100]  }
0x351: {  	v18 =	vld [tilespmem:s20+$0xFFFFFF50];
	v4 =	vmin.f32 v4, v16;
	v2 =	vmax.f32 v2, v16;
	v16 =	vmin.f32 v17, v6  }
0x352: {  	v17 =	vld [tilespmem:s20+$0xFFFFFF90];
	v4 =	vmin.f32 v4, v14;
	v2 =	vmax.f32 v2, v14;
	v14 =	vmin.f32 v16, v5  }
0x353: {  	v21 =	vld [tilespmem:s20+$0xFFFFFFD0];
	v4 =	vmin.f32 v4, v10;
	v2 =	vmax.f32 v2, v10;
	v14 =	vmin.f32 v14, v7  }
0x354: {  	v10 =	vld [tilespmem:s20+$0x10];
	v4 =	vmin.f32 v4, v11;
	v16 =	vmax.f32 v2, v11;
	v14 =	vmin.f32 v14, v8  }
0x355: {  	v11 =	vld [tilespmem:s20+$0x50];
	v2 =	vmin.f32 v4, v3;
	v3 =	vmax.f32 v16, v3;
	v4 =	vmin.f32 v14, v9  }
0x356: {  	v14 =	vmax.f32 v12, v19;
	v16 =	vmin.f32 v13, v18;
	v13 =	vmax.f32 v13, v18;
	v12 =	vld [tilespmem:s20+$0x90]  }
0x357: {  	v14 =	vmax.f32 v14, v15;
	v15 =	vmin.f32 v16, v17;
	v18 =	vmax.f32 v13, v17;
	v13 =	vld [tilespmem:s20+$0xD0]  }
0x358: {  	s19 =	simm.s32 $0x1;
	v16 =	vmax.f32 v14, v20;
	v17 =	vmin.f32 v15, v21;
	v15 =	vmax.f32 v18, v21;
	v14 =	vld [tilespmem:s20+$0x110];
	s20 =	simm.s32 $0x6B20  }
.LBB2_20:
0x359: {  	v18 =	vld [tilespmem:s20+$0xE0];
	v6 =	vmax.f32 v16, v6;
	v16 =	vmin.f32 v17, v10;
	v10 =	vmax.f32 v15, v10  }
0x35a: {  	v15 =	vld [tilespmem:s20+$0xF0];
	v5 =	vmax.f32 v6, v5;
	v6 =	vmin.f32 v16, v11;
	v10 =	vmax.f32 v10, v11  }
0x35b: {  	v11 =	vld [tilespmem:s20+$0xA0];
	v5 =	vmax.f32 v5, v7;
	v6 =	vmin.f32 v6, v12;
	v7 =	vmax.f32 v10, v12  }
0x35c: {  	v12 =	vld [tilespmem:s20+$0xB0];
	v5 =	vmax.f32 v5, v8;
	v6 =	vmin.f32 v6, v13;
	v7 =	vmax.f32 v7, v13  }
0x35d: {  	v8 =	vld [tilespmem:s20+$0x60];
	v13 =	vmax.f32 v5, v9;
	v16 =	vmin.f32 v6, v14;
	v14 =	vmax.f32 v7, v14  }
0x35e: {  	v10 =	vld [tilespmem:s20+$0x70]  }
0x35f: {  	v5 =	vld [tilespmem:s20+$0x20]  }
0x360: {  	v17 =	vld [tilespmem:s20+$0x30]  }
0x361: {  	v6 =	vld [tilespmem:s20+$0xFFFFFF20]  }
0x362: {  	v7 =	vld [tilespmem:s20+$0xFFFFFF60]  }
0x363: {  	v9 =	vld [tilespmem:s20+$0xFFFFFFA0]  }
0x364: {  	v19 =	vld [tilespmem:s20+$0xFFFFFFE0]  }
0x365: {  	v20 =	vld [tilespmem:s20+$0xFFFFFFF0]  }
0x366: {  	v0 =	vmin.f32 v0, v6;
	v1 =	vmax.f32 v1, v6;
	v21 =	vld [tilespmem:s20+$0xFFFFFFB0]  }
0x367: {  	v0 =	vmin.f32 v0, v7;
	v1 =	vmax.f32 v1, v7;
	v22 =	vld [tilespmem:s20+$0xFFFFFF70]  }
0x368: {  	v7 =	vld [tilespmem:s20+$0xFFFFFF30];
	v0 =	vmin.f32 v0, v9;
	v1 =	vmax.f32 v1, v9  }
0x369: {  	v23 =	vld [tilespmem:s20+$0xFFFFFF40];
	v0 =	vmin.f32 v0, v19;
	v1 =	vmax.f32 v1, v19  }
0x36a: {  	v19 =	vld [tilespmem:s20+$0xFFFFFF80];
	v0 =	vmin.f32 v0, v5;
	v1 =	vmax.f32 v1, v5  }
0x36b: {  	v24 =	vld [tilespmem:s20+$0xFFFFFFC0];
	v0 =	vmin.f32 v0, v8;
	v1 =	vmax.f32 v1, v8  }
0x36c: {  	v6 =	vld [tilespmem:s20+$0x0];
	v0 =	vmin.f32 v0, v11;
	v1 =	vmax.f32 v1, v11  }
0x36d: {  	v5 =	vld [tilespmem:s20+$0x40];
	v0 =	vmin.f32 v0, v18;
	v1 =	vmax.f32 v1, v18  }
0x36e: {  	v2 =	vmin.f32 v2, v7;
	v3 =	vmax.f32 v3, v7;
	v4 =	vmin.f32 v4, v23;
	v7 =	vld [tilespmem:s20+$0x80]  }
0x36f: {  	v2 =	vmin.f32 v2, v22;
	v3 =	vmax.f32 v3, v22;
	v4 =	vmin.f32 v4, v19;
	v8 =	vld [tilespmem:s20+$0xC0]  }
0x370: {  	v2 =	vmin.f32 v2, v21;
	v3 =	vmax.f32 v3, v21;
	v4 =	vmin.f32 v4, v24;
	v9 =	vld [tilespmem:s20+$0x100]  }
0x371: {  	s19 =	sadd.s32 $0x8, s19;
	v2 =	vmin.f32 v2, v20;
	v3 =	vmax.f32 v3, v20;
	v18 =	vld [tilespmem:s20+$0xFFFFFF50];
	v4 =	vmin.f32 v4, v6  }
0x372: {  	p0 =	slt.u32 s19, $0xB9;
	v2 =	vmin.f32 v2, v17;
	v3 =	vmax.f32 v3, v17;
	v20 =	vld [tilespmem:s20+$0xFFFFFF90];
	v4 =	vmin.f32 v4, v5  }
0x373: {  	v2 =	vmin.f32 v2, v10;
	v3 =	vmax.f32 v3, v10;
	v21 =	vld [tilespmem:s20+$0xFFFFFFD0];
	v4 =	vmin.f32 v4, v7  }
.Ltmp9:
0x374: {  	v2 =	vmin.f32 v2, v12;
	v3 =	vmax.f32 v3, v12;
	v10 =	vld [tilespmem:s20+$0x10];
	v4 =	vmin.f32 v4, v8;
	(pc) =	sbr.rel @p0 .LBB2_20-.Ltmp9, $4  }
0x375: {  	v2 =	vmin.f32 v2, v15;
	v3 =	vmax.f32 v3, v15;
	v11 =	vld [tilespmem:s20+$0x50];
	v4 =	vmin.f32 v4, v9  }
0x376: {  	v13 =	vmax.f32 v13, v23;
	v15 =	vmin.f32 v16, v18;
	v14 =	vmax.f32 v14, v18;
	v12 =	vld [tilespmem:s20+$0x90]  }
0x377: {  	v16 =	vmax.f32 v13, v19;
	v15 =	vmin.f32 v15, v20;
	v14 =	vmax.f32 v14, v20;
	v13 =	vld [tilespmem:s20+$0xD0]  }
0x378: {  	v16 =	vmax.f32 v16, v24;
	v17 =	vmin.f32 v15, v21;
	v15 =	vmax.f32 v14, v21;
	v14 =	vld [tilespmem:s20+$0x110];
	s20 =	sadd.s32 $0x200, s20  }
0x379: {  	v18 =	vld [tilespmem:$0x9840]  }
0x37a: {  	v19 =	vld [tilespmem:$0x9850]  }
0x37b: {  	v20 =	vld [tilespmem:$0x9860]  }
0x37c: {  	v21 =	vld [tilespmem:$0x9870]  }
0x37d: {  	v22 =	vld [tilespmem:$0x9880]  }
0x37e: {  	v23 =	vld [tilespmem:$0x9890]  }
0x37f: {  	v24 =	vld [tilespmem:$0x98A0]  }
0x380: {  	v25 =	vld [tilespmem:$0x98B0]  }
0x381: {  	v26 =	vld [tilespmem:$0x98C0]  }
0x382: {  	v6 =	vmax.f32 v16, v6;
	v16 =	vmin.f32 v17, v10;
	v17 =	vld [tilespmem:$0x98D0]  }
0x383: {  	v10 =	vmax.f32 v15, v10;
	v15 =	vld [tilespmem:$0x98E0];
	v5 =	vmax.f32 v6, v5;
	v6 =	vmin.f32 v16, v11  }
0x384: {  	v10 =	vmax.f32 v10, v11;
	v11 =	vld [tilespmem:$0x9920];
	v5 =	vmax.f32 v5, v7;
	v6 =	vmin.f32 v6, v12  }
0x385: {  	v16 =	vld [tilespmem:$0x9960];
	v10 =	vmax.f32 v10, v12;
	v5 =	vmax.f32 v5, v8;
	v6 =	vmin.f32 v6, v13  }
0x386: {  	v7 =	vld [tilespmem:$0x98F0];
	v10 =	vmax.f32 v10, v13;
	v5 =	vmax.f32 v5, v9;
	v6 =	vmin.f32 v6, v14  }
0x387: {  	v12 =	vld [tilespmem:$0x9930];
	v10 =	vmax.f32 v10, v14;
	v0 =	vmin.f32 v0, v18;
	v1 =	vmax.f32 v1, v18  }
0x388: {  	v8 =	vld [tilespmem:$0x9900];
	v2 =	vmin.f32 v2, v19;
	v3 =	vmax.f32 v3, v19;
	v4 =	vmin.f32 v4, v20  }
0x389: {  	v13 =	vld [tilespmem:$0x9940];
	v5 =	vmax.f32 v5, v20;
	v6 =	vmin.f32 v6, v21;
	v10 =	vmax.f32 v10, v21  }
0x38a: {  	v9 =	vld [tilespmem:$0x9910];
	v0 =	vmin.f32 v0, v22;
	v1 =	vmax.f32 v1, v22;
	v2 =	vmin.f32 v2, v23  }
0x38b: {  	v14 =	vld [tilespmem:$0x9950];
	v3 =	vmax.f32 v3, v23;
	v4 =	vmin.f32 v4, v24;
	v5 =	vmax.f32 v5, v24  }
0x38c: {  	v18 =	vld [tilespmem:$0x9970];
	v6 =	vmin.f32 v6, v25;
	v10 =	vmax.f32 v10, v25;
	v0 =	vmin.f32 v0, v26  }
0x38d: {  	v1 =	vmax.f32 v1, v26;
	v2 =	vmin.f32 v2, v17;
	v3 =	vmax.f32 v3, v17;
	v17 =	vld [tilespmem:$0x9980]  }
0x38e: {  	v4 =	vmin.f32 v4, v15;
	v5 =	vmax.f32 v5, v15;
	v6 =	vmin.f32 v6, v7;
	v15 =	vld [tilespmem:$0x99C0]  }
0x38f: {  	v7 =	vmax.f32 v10, v7;
	v0 =	vmin.f32 v0, v8;
	v1 =	vmax.f32 v1, v8;
	v8 =	vld [tilespmem:$0x9990]  }
0x390: {  	v4 =	vmin.f32 v4, v11;
	v2 =	vmin.f32 v2, v9;
	v3 =	vmax.f32 v3, v9;
	v9 =	vld [tilespmem:$0x99D0]  }
0x391: {  	v10 =	vld [tilespmem:$0x99A0];
	v5 =	vmax.f32 v5, v11;
	v6 =	vmin.f32 v6, v12;
	v0 =	vmin.f32 v0, v13  }
0x392: {  	v7 =	vmax.f32 v7, v12;
	v11 =	vld [tilespmem:$0x99E0];
	v1 =	vmax.f32 v1, v13;
	v0 =	vmin.f32 v0, v17  }
0x393: {  	v12 =	vld [tilespmem:$0x99B0];
	v2 =	vmin.f32 v2, v14;
	v1 =	vmax.f32 v1, v17;
	v0 =	vmin.f32 v0, v15  }
0x394: {  	v13 =	vld [tilespmem:$0x99F0];
	v3 =	vmax.f32 v3, v14;
	v2 =	vmin.f32 v2, v8;
	v1 =	vmax.f32 v1, v15;
	[tilespmem:$0x1D300] =	vst v0  }
0x395: {  	v3 =	vmax.f32 v3, v8;
	v0 =	vmin.f32 v4, v16;
	v2 =	vmin.f32 v2, v9;
	[tilespmem:$0x1D340] =	vst v1  }
0x396: {  	v1 =	vmax.f32 v5, v16;
	v3 =	vmax.f32 v3, v9;
	v0 =	vmin.f32 v0, v10;
	[tilespmem:$0x1D310] =	vst v2  }
0x397: {  	v2 =	vmin.f32 v6, v18;
	v1 =	vmax.f32 v1, v10;
	[tilespmem:$0x1D350] =	vst v3;
	v0 =	vmin.f32 v0, v11  }
0x398: {  	v3 =	vmax.f32 v7, v18;
	v2 =	vmin.f32 v2, v12;
	v1 =	vmax.f32 v1, v11;
	[tilespmem:$0x1D320] =	vst v0  }
0x399: {  	v0 =	vmax.f32 v3, v12;
	v2 =	vmin.f32 v2, v13;
	[tilespmem:$0x1D360] =	vst v1  }
0x39a: {  	v0 =	vmax.f32 v0, v13;
	[tilespmem:$0x1D330] =	vst v2  }
0x39b: {  	[tilespmem:$0x1D370] =	vst v0  }
0x39c: {  	_ =	swait.ge [sflag:s1], $0x2000  }
0x39d: {  	[sflag:s1] =	ssyncset.done $0x0  }
0x39e: {  	[sflag:s1] =	ssyncadd.s32 $0xFFFFE000  }
0x39f: {  	_ =	swait.ge [sflag:s1], $0x1200  }
0x3a0: {  	[sflag:s1] =	ssyncset.done $0x0  }
0x3a1: {  	[sflag:s1] =	ssyncadd.s32 $0xFFFFEE00  }
0x3a2: {  	v0 =	vld [tilespmem:$0x9A00]  }
0x3a3: {  	v2 =	vld [tilespmem:$0x9A10]  }
0x3a4: {  	v12 =	vld [tilespmem:$0x9A20]  }
0x3a5: {  	s20 =	simm.s32 $0x9B20;
	v13 =	vld [tilespmem:$0x9A30]  }
0x3a6: {  	v1 =	vld [tilespmem:s20+$0xE0]  }
0x3a7: {  	v3 =	vld [tilespmem:s20+$0xF0]  }
0x3a8: {  	v4 =	vld [tilespmem:s20+$0xA0]  }
0x3a9: {  	v11 =	vld [tilespmem:s20+$0xB0]  }
0x3aa: {  	v5 =	vld [tilespmem:s20+$0x60]  }
0x3ab: {  	v10 =	vld [tilespmem:s20+$0x70]  }
0x3ac: {  	v6 =	vld [tilespmem:s20+$0x20]  }
0x3ad: {  	v14 =	vld [tilespmem:s20+$0x30]  }
0x3ae: {  	v7 =	vld [tilespmem:s20+$0xFFFFFF20]  }
0x3af: {  	v8 =	vld [tilespmem:s20+$0xFFFFFF60]  }
0x3b0: {  	v9 =	vld [tilespmem:s20+$0xFFFFFFA0]  }
0x3b1: {  	v15 =	vld [tilespmem:s20+$0xFFFFFFE0]  }
0x3b2: {  	v16 =	vld [tilespmem:s20+$0xFFFFFFF0]  }
0x3b3: {  	v18 =	vld [tilespmem:s20+$0xFFFFFFB0];
	v17 =	vmin.f32 v0, v7  }
0x3b4: {  	v19 =	vld [tilespmem:s20+$0xFFFFFF40];
	v0 =	vmax.f32 v0, v7;
	v7 =	vmin.f32 v17, v8  }
0x3b5: {  	v0 =	vmax.f32 v0, v8;
	v8 =	vld [tilespmem:s20+$0xFFFFFF70];
	v7 =	vmin.f32 v7, v9  }
0x3b6: {  	v17 =	vld [tilespmem:s20+$0xFFFFFF30];
	v0 =	vmax.f32 v0, v9;
	v7 =	vmin.f32 v7, v15  }
0x3b7: {  	v0 =	vmax.f32 v0, v15;
	v15 =	vld [tilespmem:s20+$0xFFFFFF80];
	v7 =	vmin.f32 v7, v6  }
0x3b8: {  	v62 =	vld [tilespmem:s20+$0xFFFFFFC0];
	v0 =	vmax.f32 v0, v6;
	v7 =	vmin.f32 v7, v5  }
0x3b9: {  	v6 =	vld [tilespmem:s20+$0x0];
	v0 =	vmax.f32 v0, v5;
	v7 =	vmin.f32 v7, v4  }
0x3ba: {  	v9 =	vmin.f32 v12, v19;
	v5 =	vld [tilespmem:s20+$0x40];
	v4 =	vmax.f32 v0, v4;
	v0 =	vmin.f32 v7, v1  }
0x3bb: {  	v1 =	vmax.f32 v4, v1;
	v4 =	vmin.f32 v2, v17;
	v2 =	vmax.f32 v2, v17;
	v7 =	vld [tilespmem:s20+$0x80]  }
0x3bc: {  	v4 =	vmin.f32 v4, v8;
	v2 =	vmax.f32 v2, v8;
	v9 =	vmin.f32 v9, v15;
	v8 =	vld [tilespmem:s20+$0xC0]  }
0x3bd: {  	v4 =	vmin.f32 v4, v18;
	v2 =	vmax.f32 v2, v18;
	v17 =	vmin.f32 v9, v62;
	v9 =	vld [tilespmem:s20+$0x100]  }
0x3be: {  	v18 =	vld [tilespmem:s20+$0xFFFFFF50];
	v4 =	vmin.f32 v4, v16;
	v2 =	vmax.f32 v2, v16;
	v16 =	vmin.f32 v17, v6  }
0x3bf: {  	v17 =	vld [tilespmem:s20+$0xFFFFFF90];
	v4 =	vmin.f32 v4, v14;
	v2 =	vmax.f32 v2, v14;
	v14 =	vmin.f32 v16, v5  }
0x3c0: {  	v63 =	vld [tilespmem:s20+$0xFFFFFFD0];
	v4 =	vmin.f32 v4, v10;
	v2 =	vmax.f32 v2, v10;
	v14 =	vmin.f32 v14, v7  }
0x3c1: {  	v10 =	vld [tilespmem:s20+$0x10];
	v4 =	vmin.f32 v4, v11;
	v16 =	vmax.f32 v2, v11;
	v14 =	vmin.f32 v14, v8  }
0x3c2: {  	v11 =	vld [tilespmem:s20+$0x50];
	v2 =	vmin.f32 v4, v3;
	v3 =	vmax.f32 v16, v3;
	v4 =	vmin.f32 v14, v9  }
0x3c3: {  	v14 =	vmax.f32 v12, v19;
	v16 =	vmin.f32 v13, v18;
	v13 =	vmax.f32 v13, v18;
	v12 =	vld [tilespmem:s20+$0x90]  }
0x3c4: {  	v14 =	vmax.f32 v14, v15;
	v15 =	vmin.f32 v16, v17;
	v18 =	vmax.f32 v13, v17;
	v13 =	vld [tilespmem:s20+$0xD0]  }
0x3c5: {  	s19 =	simm.s32 $0x1;
	v16 =	vmax.f32 v14, v62;
	v17 =	vmin.f32 v15, v63;
	v15 =	vmax.f32 v18, v63;
	v14 =	vld [tilespmem:s20+$0x110];
	s20 =	simm.s32 $0x9D20  }
.LBB2_22:
0x3c6: {  	v18 =	vld [tilespmem:s20+$0xE0];
	v6 =	vmax.f32 v16, v6;
	v16 =	vmin.f32 v17, v10;
	v10 =	vmax.f32 v15, v10  }
0x3c7: {  	v15 =	vld [tilespmem:s20+$0xF0];
	v5 =	vmax.f32 v6, v5;
	v6 =	vmin.f32 v16, v11;
	v10 =	vmax.f32 v10, v11  }
0x3c8: {  	v11 =	vld [tilespmem:s20+$0xA0];
	v5 =	vmax.f32 v5, v7;
	v6 =	vmin.f32 v6, v12;
	v7 =	vmax.f32 v10, v12  }
0x3c9: {  	v12 =	vld [tilespmem:s20+$0xB0];
	v5 =	vmax.f32 v5, v8;
	v6 =	vmin.f32 v6, v13;
	v7 =	vmax.f32 v7, v13  }
0x3ca: {  	v8 =	vld [tilespmem:s20+$0x60];
	v13 =	vmax.f32 v5, v9;
	v16 =	vmin.f32 v6, v14;
	v14 =	vmax.f32 v7, v14  }
0x3cb: {  	v10 =	vld [tilespmem:s20+$0x70]  }
0x3cc: {  	v5 =	vld [tilespmem:s20+$0x20]  }
0x3cd: {  	v17 =	vld [tilespmem:s20+$0x30]  }
0x3ce: {  	v6 =	vld [tilespmem:s20+$0xFFFFFF20]  }
0x3cf: {  	v7 =	vld [tilespmem:s20+$0xFFFFFF60]  }
0x3d0: {  	v9 =	vld [tilespmem:s20+$0xFFFFFFA0]  }
0x3d1: {  	v19 =	vld [tilespmem:s20+$0xFFFFFFE0]  }
0x3d2: {  	v20 =	vld [tilespmem:s20+$0xFFFFFFF0]  }
0x3d3: {  	v0 =	vmin.f32 v0, v6;
	v1 =	vmax.f32 v1, v6;
	v21 =	vld [tilespmem:s20+$0xFFFFFFB0]  }
0x3d4: {  	v0 =	vmin.f32 v0, v7;
	v1 =	vmax.f32 v1, v7;
	v22 =	vld [tilespmem:s20+$0xFFFFFF70]  }
0x3d5: {  	v7 =	vld [tilespmem:s20+$0xFFFFFF30];
	v0 =	vmin.f32 v0, v9;
	v1 =	vmax.f32 v1, v9  }
0x3d6: {  	v23 =	vld [tilespmem:s20+$0xFFFFFF40];
	v0 =	vmin.f32 v0, v19;
	v1 =	vmax.f32 v1, v19  }
0x3d7: {  	v19 =	vld [tilespmem:s20+$0xFFFFFF80];
	v0 =	vmin.f32 v0, v5;
	v1 =	vmax.f32 v1, v5  }
0x3d8: {  	v24 =	vld [tilespmem:s20+$0xFFFFFFC0];
	v0 =	vmin.f32 v0, v8;
	v1 =	vmax.f32 v1, v8  }
0x3d9: {  	v6 =	vld [tilespmem:s20+$0x0];
	v0 =	vmin.f32 v0, v11;
	v1 =	vmax.f32 v1, v11  }
0x3da: {  	v5 =	vld [tilespmem:s20+$0x40];
	v0 =	vmin.f32 v0, v18;
	v1 =	vmax.f32 v1, v18  }
0x3db: {  	v2 =	vmin.f32 v2, v7;
	v3 =	vmax.f32 v3, v7;
	v4 =	vmin.f32 v4, v23;
	v7 =	vld [tilespmem:s20+$0x80]  }
0x3dc: {  	v2 =	vmin.f32 v2, v22;
	v3 =	vmax.f32 v3, v22;
	v4 =	vmin.f32 v4, v19;
	v8 =	vld [tilespmem:s20+$0xC0]  }
0x3dd: {  	v2 =	vmin.f32 v2, v21;
	v3 =	vmax.f32 v3, v21;
	v4 =	vmin.f32 v4, v24;
	v9 =	vld [tilespmem:s20+$0x100]  }
0x3de: {  	s19 =	sadd.s32 $0x8, s19;
	v2 =	vmin.f32 v2, v20;
	v3 =	vmax.f32 v3, v20;
	v18 =	vld [tilespmem:s20+$0xFFFFFF50];
	v4 =	vmin.f32 v4, v6  }
0x3df: {  	p0 =	slt.u32 s19, $0xB9;
	v2 =	vmin.f32 v2, v17;
	v3 =	vmax.f32 v3, v17;
	v20 =	vld [tilespmem:s20+$0xFFFFFF90];
	v4 =	vmin.f32 v4, v5  }
0x3e0: {  	v2 =	vmin.f32 v2, v10;
	v3 =	vmax.f32 v3, v10;
	v21 =	vld [tilespmem:s20+$0xFFFFFFD0];
	v4 =	vmin.f32 v4, v7  }
.Ltmp10:
0x3e1: {  	v2 =	vmin.f32 v2, v12;
	v3 =	vmax.f32 v3, v12;
	v10 =	vld [tilespmem:s20+$0x10];
	v4 =	vmin.f32 v4, v8;
	(pc) =	sbr.rel @p0 .LBB2_22-.Ltmp10, $4  }
0x3e2: {  	v2 =	vmin.f32 v2, v15;
	v3 =	vmax.f32 v3, v15;
	v11 =	vld [tilespmem:s20+$0x50];
	v4 =	vmin.f32 v4, v9  }
0x3e3: {  	v13 =	vmax.f32 v13, v23;
	v15 =	vmin.f32 v16, v18;
	v14 =	vmax.f32 v14, v18;
	v12 =	vld [tilespmem:s20+$0x90]  }
0x3e4: {  	v16 =	vmax.f32 v13, v19;
	v15 =	vmin.f32 v15, v20;
	v14 =	vmax.f32 v14, v20;
	v13 =	vld [tilespmem:s20+$0xD0]  }
0x3e5: {  	v16 =	vmax.f32 v16, v24;
	v17 =	vmin.f32 v15, v21;
	v15 =	vmax.f32 v14, v21;
	v14 =	vld [tilespmem:s20+$0x110];
	s20 =	sadd.s32 $0x200, s20  }
0x3e6: {  	v18 =	vld [tilespmem:$0xCA40]  }
0x3e7: {  	v19 =	vld [tilespmem:$0xCA50]  }
0x3e8: {  	v20 =	vld [tilespmem:$0xCA60]  }
0x3e9: {  	v21 =	vld [tilespmem:$0xCA70]  }
0x3ea: {  	v22 =	vld [tilespmem:$0xCA80]  }
0x3eb: {  	v23 =	vld [tilespmem:$0xCA90]  }
0x3ec: {  	v24 =	vld [tilespmem:$0xCAA0]  }
0x3ed: {  	v25 =	vld [tilespmem:$0xCAB0]  }
0x3ee: {  	v26 =	vld [tilespmem:$0xCAC0]  }
0x3ef: {  	v6 =	vmax.f32 v16, v6;
	v37 =	vmin.f32 v17, v10;
	v38 =	vld [tilespmem:$0xCAD0]  }
0x3f0: {  	v39 =	vmax.f32 v15, v10;
	v41 =	vld [tilespmem:$0xCAE0];
	v5 =	vmax.f32 v6, v5;
	v40 =	vmin.f32 v37, v11  }
0x3f1: {  	v42 =	vld [tilespmem:$0xCAF0];
	v10 =	vmax.f32 v39, v11;
	v5 =	vmax.f32 v5, v7;
	v6 =	vmin.f32 v40, v12  }
0x3f2: {  	v43 =	vld [tilespmem:$0xCB00];
	v10 =	vmax.f32 v10, v12;
	v5 =	vmax.f32 v5, v8;
	v6 =	vmin.f32 v6, v13  }
0x3f3: {  	v44 =	vld [tilespmem:$0xCB10];
	v10 =	vmax.f32 v10, v13;
	v5 =	vmax.f32 v5, v9;
	v6 =	vmin.f32 v6, v14  }
0x3f4: {  	v45 =	vld [tilespmem:$0xCB20];
	v10 =	vmax.f32 v10, v14;
	v0 =	vmin.f32 v0, v18;
	v1 =	vmax.f32 v1, v18  }
0x3f5: {  	v46 =	vld [tilespmem:$0xCB30];
	v2 =	vmin.f32 v2, v19;
	v3 =	vmax.f32 v3, v19;
	v4 =	vmin.f32 v4, v20  }
0x3f6: {  	v47 =	vld [tilespmem:$0xCB40];
	v5 =	vmax.f32 v5, v20;
	v6 =	vmin.f32 v6, v21;
	v10 =	vmax.f32 v10, v21  }
0x3f7: {  	v48 =	vld [tilespmem:$0xCB50];
	v0 =	vmin.f32 v0, v22;
	v1 =	vmax.f32 v1, v22;
	v2 =	vmin.f32 v2, v23  }
0x3f8: {  	v49 =	vld [tilespmem:$0xCB60];
	v3 =	vmax.f32 v3, v23;
	v4 =	vmin.f32 v4, v24;
	v5 =	vmax.f32 v5, v24  }
0x3f9: {  	v50 =	vld [tilespmem:$0xCB70];
	v6 =	vmin.f32 v6, v25;
	v10 =	vmax.f32 v10, v25;
	v0 =	vmin.f32 v0, v26  }
0x3fa: {  	v51 =	vld [tilespmem:$0xCB80];
	v1 =	vmax.f32 v1, v26;
	v2 =	vmin.f32 v2, v38;
	v3 =	vmax.f32 v3, v38  }
0x3fb: {  	v52 =	vld [tilespmem:$0xCBC0];
	v4 =	vmin.f32 v4, v41;
	v5 =	vmax.f32 v5, v41;
	v6 =	vmin.f32 v6, v42  }
0x3fc: {  	v53 =	vld [tilespmem:$0xCB90];
	v7 =	vmax.f32 v10, v42;
	v0 =	vmin.f32 v0, v43;
	v1 =	vmax.f32 v1, v43  }
0x3fd: {  	v54 =	vld [tilespmem:$0xCBD0];
	v2 =	vmin.f32 v2, v44;
	v3 =	vmax.f32 v3, v44;
	v4 =	vmin.f32 v4, v45  }
0x3fe: {  	v55 =	vld [tilespmem:$0xCBA0];
	v5 =	vmax.f32 v5, v45;
	v6 =	vmin.f32 v6, v46;
	v0 =	vmin.f32 v0, v47  }
0x3ff: {  	v56 =	vld [tilespmem:$0xCBE0];
	v7 =	vmax.f32 v7, v46;
	v1 =	vmax.f32 v1, v47;
	v0 =	vmin.f32 v0, v51  }
0x400: {  	v57 =	vld [tilespmem:$0xCBB0];
	v2 =	vmin.f32 v2, v48;
	v1 =	vmax.f32 v1, v51;
	v0 =	vmin.f32 v0, v52  }
0x401: {  	v58 =	vld [tilespmem:$0xCBF0];
	v3 =	vmax.f32 v3, v48;
	v2 =	vmin.f32 v2, v53;
	v1 =	vmax.f32 v1, v52;
	[tilespmem:$0x1D380] =	vst v0  }
0x402: {  	v59 =	vmin.f32 v4, v49;
	v3 =	vmax.f32 v3, v53;
	v2 =	vmin.f32 v2, v54;
	[tilespmem:$0x1D3C0] =	vst v1  }
0x403: {  	v60 =	vmax.f32 v5, v49;
	v3 =	vmax.f32 v3, v54;
	v0 =	vmin.f32 v59, v55;
	[tilespmem:$0x1D390] =	vst v2  }
0x404: {  	v61 =	vmin.f32 v6, v50;
	v1 =	vmax.f32 v60, v55;
	[tilespmem:$0x1D3D0] =	vst v3;
	v0 =	vmin.f32 v0, v56  }
0x405: {  	v62 =	vmax.f32 v7, v50;
	v2 =	vmin.f32 v61, v57;
	v1 =	vmax.f32 v1, v56;
	[tilespmem:$0x1D3A0] =	vst v0  }
0x406: {  	s18 =	sadd.s32 $0x1, s18;
	v63 =	vmax.f32 v62, v57;
	v2 =	vmin.f32 v2, v58;
	[tilespmem:$0x1D3E0] =	vst v1  }
0x407: {  	p0 =	sne.s32 s18, s6;
	v0 =	vmax.f32 v63, v58;
	[tilespmem:$0x1D3B0] =	vst v2  }
.Ltmp11:
0x408: {  	[tilespmem:$0x1D3F0] =	vst v0;
	(pc) =	sbr.rel @p0 .LBB2_1-.Ltmp11, $4  }
0x409: {  	[hbm4b:s5+s2] =	stream.linear.scatter [tilespmem:s17], [sflag:$0x7], $0x4000, $0x38;
	[tilespmem:$0x1D400] =	vst v63  }
0x40a: {  	_ =	swait.ge [sflag:s7], $0x4000  }
0x40b: {  	[sflag:s7] =	ssyncset.done $0x0  }
0x40c: {  	[sflag:s7] =	ssyncadd.s32 $0xFFFFC000  }
0x40d: {  	_ =	sfence.sel $0x180000  }
0x40e: {  	[bflag:$0x0] =	sbarrier.arrive $0xFFFF  }
0x40f: {  	_ =	strace $0x90000047  }
0x410: {  	s0 =	stileid.u32;
	[bflag:$0x2] =	sbarrier.arrive $0xFFFF  }
0x411: {  	p0 =	sne.s32 s0, $0x0;
	s0 =	rddreg [dreg:$0x1]  }
0x412: {  	s0 =	sadd.s32 @!p0 $0x100000, s0  }
0x413: {  	[sflag:s0] =	ssyncadd.tile.s32 @!p0 $0x1;
	_ =	shalt  }
.Lfunc_end2:
_tile_overlayer_lowered:
.L_overlay_start_2:
0x414: {  	(tag) =	ssettag $0x2  }
0x415: {  	s0 =	rddreg [dreg:$0x0];
	s2 =	stileid.u32  }
0x416: {  	s1 =	rddreg [dreg:$0x1];
	p0 =	sne.s32 s2, $0x0  }
0x417: {  	s3 =	rddreg [dreg:$0x2];
	[bflag:$0x3] =	sbarrier.arrive $0xFFFF;
	s2 =	simm.s32 @!p0 $0x1C07  }
0x418: {  	[timem:s3], [sflag:s2] =	dma.local @!p0 [hbm:s0], s1  }
0x419: {  	s0 =	simm.s32 @!p0 $0x7  }
0x41a: {  	_ =	swait.ge @!p0 [sflag:s0], s1  }
0x41b: {  	s1 =	ssub.s32 @!p0 $0x0, s1;
	[sflag:s0] =	ssyncset.done @!p0 $0x0  }
0x41c: {  	[sflag:s0] =	ssyncadd.s32 @!p0 s1  }
0x41d: {  	[bflag:$0x3] =	sbarrier.arrive $0xFFFF  }
0x41e: {  	_ =	shalt  }

</sc_bundles>
